<compile_context>
chip_gen: v7x
topology: tpu7x:2x2x1
jax: 0.10.2.dev20260603
libtpu: 0.0.44.dev20260713+nightly
codegen_flags: <defaults>
</compile_context>

<pallas_src>
import functools

import jax
import jax.numpy as jnp
from jax import lax
from jax.experimental import pallas as pl
from jax.experimental.pallas import tpu as pltpu
from jax.experimental.pallas import tpu_sc as plsc

_D = 32
_B = 16384
_NC = 2
_NS = 16
_NW = _NC * _NS
_BPW = _B // _NW
_NBUF = 16
_NG = _BPW // 16


def _gather_body(tt_hbm, idx_hbm, out_hbm, idx_v,
                 b0, b1, b2, b3, b4, b5, b6, b7,
                 b8, b9, b10, b11, b12, b13, b14, b15, slab_v, isem, gsem):
    bufs = [b0, b1, b2, b3, b4, b5, b6, b7,
            b8, b9, b10, b11, b12, b13, b14, b15]
    wid = lax.axis_index("s") * _NC + lax.axis_index("c")
    base = wid * _BPW
    pltpu.async_copy(idx_hbm.at[pl.ds(base, _BPW)], idx_v, isem).wait()

    row_lo = lax.iota(jnp.int32, 16)
    row_hi = row_lo + 16

    def fetch(buf, v):
        lb = pl.multiple_of((v >> 7) << 7, 128)
        for sb in range(4):
            pltpu.async_copy(
                tt_hbm.at[pl.ds(8 * sb, 8), pl.ds(lb, 128)],
                buf.at[pl.ds(8 * sb, 8), :],
                gsem,
            )

    def drain(buf):
        for sb in range(4):
            pltpu.make_async_copy(
                tt_hbm.at[pl.ds(8 * sb, 8), pl.ds(0, 128)],
                buf.at[pl.ds(8 * sb, 8), :],
                gsem,
            ).wait()

    def extract(buf, v, col):
        l = lax.broadcast(v & 127, (16,))
        lo = plsc.load_gather(buf, [row_lo, l])
        hi = plsc.load_gather(buf, [row_hi, l])
        c16 = lax.broadcast(col, (16,))
        plsc.store_scatter(slab_v, [row_lo, c16], lo)
        plsc.store_scatter(slab_v, [row_hi, c16], hi)

    vs0 = idx_v[pl.ds(0, 16)]
    for j in range(16):
        fetch(bufs[j], vs0[j])

    def group(g):
        off = g * 16
        vs = idx_v[pl.ds(off, 16)]
        gn = jnp.minimum(g + 1, _NG - 1)
        vs1 = idx_v[pl.ds(gn * 16, 16)]
        for j in range(16):
            buf = bufs[j]
            drain(buf)
            extract(buf, vs[j], off + j)

            @pl.when(g + 1 < _NG)
            def _(buf=buf, vnext=vs1[j]):
                fetch(buf, vnext)

    pl.loop(0, _NG)(group)
    pltpu.sync_copy(slab_v, out_hbm.at[:, pl.ds(base, _BPW)])


@jax.jit
def kernel(indices, table):
    mesh = plsc.VectorSubcoreMesh(
        core_axis_name="c", subcore_axis_name="s",
        num_cores=_NC, num_subcores=_NS,
    )
    run = pl.kernel(
        _gather_body,
        out_type=jax.ShapeDtypeStruct((_D, _B), jnp.float32),
        mesh=mesh,
        scratch_types=(
            [pltpu.VMEM((_BPW,), jnp.int32)]
            + [pltpu.VMEM((_D, 128), jnp.float32) for _ in range(_NBUF)]
            + [
                pltpu.VMEM((_D, _BPW), jnp.float32),
                pltpu.SemaphoreType.DMA,
                pltpu.SemaphoreType.DMA,
            ]
        ),
        compiler_params=pltpu.CompilerParams(needs_layout_passes=False),
    )
    out_t = run(table.T, indices)
    return out_t.T

# --- scband reference (transcript-rebuilt; emitter-appended) ---
"""Pipeline reference for scband-embedding-20409684591165 (READ-ONLY COPY).

The authoritative reference and input builder live on the scoring server;
editing this copy changes nothing except your own understanding.
"""

import jax, jax.numpy as jnp
import numpy as np

VOCAB = 1000000
EMBED_DIM = 32
BATCH = 16384

def setup_inputs(seed: int = 0) -> dict:
    key = jax.random.key(seed)
    k_idx, k_tab = jax.random.split(key)
    indices = jax.random.randint(k_idx, (BATCH,), 0, VOCAB, dtype=jnp.int64 if jax.config.jax_enable_x64 else jnp.int32)
    table = jax.random.normal(k_tab, (VOCAB, EMBED_DIM), dtype=jnp.float32) * 0.05
    return {"indices": indices, "table": table}

def reference(indices, table):
    # Embedding lookup: features[id_type] -> embeddings(features[id_type])
    return jnp.take(table, indices, axis=0)

if __name__ == "__main__":
    import jax
    _d = setup_inputs()
    print(jax.jit(kernel)(*tuple(_d.values())))

</pallas_src>

<mosaic_0001>
#map = affine_map<(d0, d1) -> (0, 0)>
#map1 = affine_map<(d0, d1) -> (0)>
module attributes {stable_mosaic.version = 14 : i64} {
  func.func @_gather_body(%arg0: i32, %arg1: i32, %arg2: memref<32x1000000xf32, #tpu.memory_space<hbm>>, %arg3: memref<16384xi32, #tpu.memory_space<hbm>>, %arg4: memref<32x16384xf32, #tpu.memory_space<hbm>>, %arg5: memref<512xi32, #tpu.memory_space<vmem>>, %arg6: memref<32x128xf32, #tpu.memory_space<vmem>>, %arg7: memref<32x128xf32, #tpu.memory_space<vmem>>, %arg8: memref<32x128xf32, #tpu.memory_space<vmem>>, %arg9: memref<32x128xf32, #tpu.memory_space<vmem>>, %arg10: memref<32x128xf32, #tpu.memory_space<vmem>>, %arg11: memref<32x128xf32, #tpu.memory_space<vmem>>, %arg12: memref<32x128xf32, #tpu.memory_space<vmem>>, %arg13: memref<32x128xf32, #tpu.memory_space<vmem>>, %arg14: memref<32x128xf32, #tpu.memory_space<vmem>>, %arg15: memref<32x128xf32, #tpu.memory_space<vmem>>, %arg16: memref<32x128xf32, #tpu.memory_space<vmem>>, %arg17: memref<32x128xf32, #tpu.memory_space<vmem>>, %arg18: memref<32x128xf32, #tpu.memory_space<vmem>>, %arg19: memref<32x128xf32, #tpu.memory_space<vmem>>, %arg20: memref<32x128xf32, #tpu.memory_space<vmem>>, %arg21: memref<32x128xf32, #tpu.memory_space<vmem>>, %arg22: memref<32x512xf32, #tpu.memory_space<vmem>>, %arg23: memref<!tpu.dma_semaphore, #tpu.memory_space<semaphore_mem>>, %arg24: memref<!tpu.dma_semaphore, #tpu.memory_space<semaphore_mem>>) attributes {dimension_semantics = [#tpu.dimension_semantics<core_parallel>, #tpu.dimension_semantics<subcore_parallel>], iteration_bounds = array<i64: 2, 16>, scalar_prefetch = 0 : i64, scratch_operands = 20 : i64, tpu.core_type = #tpu.core_type<sc_vector_subcore>, window_params = [{transform_indices = #map}, {transform_indices = #map1}, {transform_indices = #map}]} {
    %mul3A = arith.constant 2 : i32
    %mul3A_0 = arith.muli %arg1, %mul3A : i32
    %add3A = arith.addi %mul3A_0, %arg0 : i32
    %mul3A_1 = arith.constant 512 : i32
    %mul3A_2 = arith.muli %add3A, %mul3A_1 : i32
    %dma_start3A = tpu.memref_slice %arg3[%mul3A_2] : memref<16384xi32, #tpu.memory_space<hbm>> -> memref<512xi32, #tpu.memory_space<hbm>>
    %dma_start3A_3 = tpu.memref_slice %arg3[%mul3A_2] : memref<16384xi32, #tpu.memory_space<hbm>> -> memref<512xi32, #tpu.memory_space<hbm>>
    tpu.enqueue_dma source(%dma_start3A_3 : memref<512xi32, #tpu.memory_space<hbm>>) target(%arg5 : memref<512xi32, #tpu.memory_space<vmem>>) target_semaphore(%arg23 : memref<!tpu.dma_semaphore, #tpu.memory_space<semaphore_mem>>)
    %dma_wait3A = tpu.memref_slice %arg3[%mul3A_2] : memref<16384xi32, #tpu.memory_space<hbm>> -> memref<512xi32, #tpu.memory_space<hbm>>
    %dma_wait3A_4 = tpu.memref_slice %arg3[%mul3A_2] : memref<16384xi32, #tpu.memory_space<hbm>> -> memref<512xi32, #tpu.memory_space<hbm>>
    tpu.wait_dma2 semaphore(%arg23 : memref<!tpu.dma_semaphore, #tpu.memory_space<semaphore_mem>>) src(%dma_wait3A_4 : memref<512xi32, #tpu.memory_space<hbm>>) dst(%arg5 : memref<512xi32, #tpu.memory_space<vmem>>)
    %iota3A = tpu.iota {dimensions = array<i32: 0>} : vector<16xi32>
    %add3A_5 = arith.constant 16 : i32
    %add3A_6 = vector.broadcast %add3A_5 : i32 to vector<16xi32>
    %add3A_7 = arith.addi %iota3A, %add3A_6 : vector<16xi32>
    %get3A = arith.constant 0 : index
    %get3A_8 = tpu.vector_load %arg5[%get3A] {strides = array<i32>} : memref<512xi32, #tpu.memory_space<vmem>>, vector<16xi32>,
    %slice3A = vector.extract_strided_slice %get3A_8 {offsets = [0], sizes = [1], strides = [1]} : vector<16xi32> to vector<1xi32>
    %squeeze3A = vector.extract %slice3A[0] : i32 from vector<1xi32>
    %shift_right_arithmetic3A = arith.constant 7 : i32
    %shift_right_arithmetic3A_9 = arith.shrsi %squeeze3A, %shift_right_arithmetic3A : i32
    %shift_left3A = arith.constant 7 : i32
    %shift_left3A_10 = arith.shli %shift_right_arithmetic3A_9, %shift_left3A : i32
    %multiple_of3A = tpu.assume_multiple %shift_left3A_10, 128 : i32
    %dma_start3A_11 = arith.constant 0 : i32
    %dma_start3A_12 = arith.constant 0 : i32
    %dma_start3A_13 = tpu.memref_slice %arg6[%dma_start3A_11, %dma_start3A_12] : memref<32x128xf32, #tpu.memory_space<vmem>> -> memref<8x128xf32, #tpu.memory_space<vmem>>
    %dma_start3A_14 = arith.constant 0 : i32
    %dma_start3A_15 = tpu.memref_slice %arg2[%dma_start3A_14, %multiple_of3A] : memref<32x1000000xf32, #tpu.memory_space<hbm>> -> memref<8x128xf32, #tpu.memory_space<hbm>>
    %dma_start3A_16 = arith.constant 0 : i32
    %dma_start3A_17 = arith.constant 0 : i32
    %dma_start3A_18 = tpu.memref_slice %arg6[%dma_start3A_16, %dma_start3A_17] : memref<32x128xf32, #tpu.memory_space<vmem>> -> memref<8x128xf32, #tpu.memory_space<vmem>>
    %dma_start3A_19 = arith.constant 0 : i32
    %dma_start3A_20 = tpu.memref_slice %arg2[%dma_start3A_19, %multiple_of3A] : memref<32x1000000xf32, #tpu.memory_space<hbm>> -> memref<8x128xf32, #tpu.memory_space<hbm>>
    tpu.enqueue_dma source(%dma_start3A_20 : memref<8x128xf32, #tpu.memory_space<hbm>>) target(%dma_start3A_18 : memref<8x128xf32, #tpu.memory_space<vmem>>) target_semaphore(%arg24 : memref<!tpu.dma_semaphore, #tpu.memory_space<semaphore_mem>>)
    %dma_start3A_21 = arith.constant 8 : i32
    %dma_start3A_22 = arith.constant 0 : i32
    %dma_start3A_23 = tpu.memref_slice %arg6[%dma_start3A_21, %dma_start3A_22] : memref<32x128xf32, #tpu.memory_space<vmem>> -> memref<8x128xf32, #tpu.memory_space<vmem>>
    %dma_start3A_24 = arith.constant 8 : i32
    %dma_start3A_25 = tpu.memref_slice %arg2[%dma_start3A_24, %multiple_of3A] : memref<32x1000000xf32, #tpu.memory_space<hbm>> -> memref<8x128xf32, #tpu.memory_space<hbm>>
    %dma_start3A_26 = arith.constant 8 : i32
    %dma_start3A_27 = arith.constant 0 : i32
    %dma_start3A_28 = tpu.memref_slice %arg6[%dma_start3A_26, %dma_start3A_27] : memref<32x128xf32, #tpu.memory_space<vmem>> -> memref<8x128xf32, #tpu.memory_space<vmem>>
    %dma_start3A_29 = arith.constant 8 : i32
    %dma_start3A_30 = tpu.memref_slice %arg2[%dma_start3A_29, %multiple_of3A] : memref<32x1000000xf32, #tpu.memory_space<hbm>> -> memref<8x128xf32, #tpu.memory_space<hbm>>
    tpu.enqueue_dma source(%dma_start3A_30 : memref<8x128xf32, #tpu.memory_space<hbm>>) target(%dma_start3A_28 : memref<8x128xf32, #tpu.memory_space<vmem>>) target_semaphore(%arg24 : memref<!tpu.dma_semaphore, #tpu.memory_space<semaphore_mem>>)
    %dma_start3A_31 = arith.constant 16 : i32
    %dma_start3A_32 = arith.constant 0 : i32
    %dma_start3A_33 = tpu.memref_slice %arg6[%dma_start3A_31, %dma_start3A_32] : memref<32x128xf32, #tpu.memory_space<vmem>> -> memref<8x128xf32, #tpu.memory_space<vmem>>
    %dma_start3A_34 = arith.constant 16 : i32
    %dma_start3A_35 = tpu.memref_slice %arg2[%dma_start3A_34, %multiple_of3A] : memref<32x1000000xf32, #tpu.memory_space<hbm>> -> memref<8x128xf32, #tpu.memory_space<hbm>>
    %dma_start3A_36 = arith.constant 16 : i32
    %dma_start3A_37 = arith.constant 0 : i32
    %dma_start3A_38 = tpu.memref_slice %arg6[%dma_start3A_36, %dma_start3A_37] : memref<32x128xf32, #tpu.memory_space<vmem>> -> memref<8x128xf32, #tpu.memory_space<vmem>>
    %dma_start3A_39 = arith.constant 16 : i32
    %dma_start3A_40 = tpu.memref_slice %arg2[%dma_start3A_39, %multiple_of3A] : memref<32x1000000xf32, #tpu.memory_space<hbm>> -> memref<8x128xf32, #tpu.memory_space<hbm>>
    tpu.enqueue_dma source(%dma_start3A_40 : memref<8x128xf32, #tpu.memory_space<hbm>>) target(%dma_start3A_38 : memref<8x128xf32, #tpu.memory_space<vmem>>) target_semaphore(%arg24 : memref<!tpu.dma_semaphore, #tpu.memory_space<semaphore_mem>>)
    %dma_start3A_41 = arith.constant 24 : i32
    %dma_start3A_42 = arith.constant 0 : i32
    %dma_start3A_43 = tpu.memref_slice %arg6[%dma_start3A_41, %dma_start3A_42] : memref<32x128xf32, #tpu.memory_space<vmem>> -> memref<8x128xf32, #tpu.memory_space<vmem>>
    %dma_start3A_44 = arith.constant 24 : i32
    %dma_start3A_45 = tpu.memref_slice %arg2[%dma_start3A_44, %multiple_of3A] : memref<32x1000000xf32, #tpu.memory_space<hbm>> -> memref<8x128xf32, #tpu.memory_space<hbm>>
    %dma_start3A_46 = arith.constant 24 : i32
    %dma_start3A_47 = arith.constant 0 : i32
    %dma_start3A_48 = tpu.memref_slice %arg6[%dma_start3A_46, %dma_start3A_47] : memref<32x128xf32, #tpu.memory_space<vmem>> -> memref<8x128xf32, #tpu.memory_space<vmem>>
    %dma_start3A_49 = arith.constant 24 : i32
    %dma_start3A_50 = tpu.memref_slice %arg2[%dma_start3A_49, %multiple_of3A] : memref<32x1000000xf32, #tpu.memory_space<hbm>> -> memref<8x128xf32, #tpu.memory_space<hbm>>
    tpu.enqueue_dma source(%dma_start3A_50 : memref<8x128xf32, #tpu.memory_space<hbm>>) target(%dma_start3A_48 : memref<8x128xf32, #tpu.memory_space<vmem>>) target_semaphore(%arg24 : memref<!tpu.dma_semaphore, #tpu.memory_space<semaphore_mem>>)
    %slice3A_51 = vector.extract_strided_slice %get3A_8 {offsets = [1], sizes = [1], strides = [1]} : vector<16xi32> to vector<1xi32>
    %squeeze3A_52 = vector.extract %slice3A_51[0] : i32 from vector<1xi32>
    %shift_right_arithmetic3A_53 = arith.constant 7 : i32
    %shift_right_arithmetic3A_54 = arith.shrsi %squeeze3A_52, %shift_right_arithmetic3A_53 : i32
    %shift_left3A_55 = arith.constant 7 : i32
    %shift_left3A_56 = arith.shli %shift_right_arithmetic3A_54, %shift_left3A_55 : i32
    %multiple_of3A_57 = tpu.assume_multiple %shift_left3A_56, 128 : i32
    %dma_start3A_58 = arith.constant 0 : i32
    %dma_start3A_59 = arith.constant 0 : i32
    %dma_start3A_60 = tpu.memref_slice %arg7[%dma_start3A_58, %dma_start3A_59] : memref<32x128xf32, #tpu.memory_space<vmem>> -> memref<8x128xf32, #tpu.memory_space<vmem>>
    %dma_start3A_61 = arith.constant 0 : i32
    %dma_start3A_62 = tpu.memref_slice %arg2[%dma_start3A_61, %multiple_of3A_57] : memref<32x1000000xf32, #tpu.memory_space<hbm>> -> memref<8x128xf32, #tpu.memory_space<hbm>>
    %dma_start3A_63 = arith.constant 0 : i32
    %dma_start3A_64 = arith.constant 0 : i32
    %dma_start3A_65 = tpu.memref_slice %arg7[%dma_start3A_63, %dma_start3A_64] : memref<32x128xf32, #tpu.memory_space<vmem>> -> memref<8x128xf32, #tpu.memory_space<vmem>>
    %dma_start3A_66 = arith.constant 0 : i32
    %dma_start3A_67 = tpu.memref_slice %arg2[%dma_start3A_66, %multiple_of3A_57] : memref<32x1000000xf32, #tpu.memory_space<hbm>> -> memref<8x128xf32, #tpu.memory_space<hbm>>
    tpu.enqueue_dma source(%dma_start3A_67 : memref<8x128xf32, #tpu.memory_space<hbm>>) target(%dma_start3A_65 : memref<8x128xf32, #tpu.memory_space<vmem>>) target_semaphore(%arg24 : memref<!tpu.dma_semaphore, #tpu.memory_space<semaphore_mem>>)
    %dma_start3A_68 = arith.constant 8 : i32
    %dma_start3A_69 = arith.constant 0 : i32
    %dma_start3A_70 = tpu.memref_slice %arg7[%dma_start3A_68, %dma_start3A_69] : memref<32x128xf32, #tpu.memory_space<vmem>> -> memref<8x128xf32, #tpu.memory_space<vmem>>
    %dma_start3A_71 = arith.constant 8 : i32
    %dma_start3A_72 = tpu.memref_slice %arg2[%dma_start3A_71, %multiple_of3A_57] : memref<32x1000000xf32, #tpu.memory_space<hbm>> -> memref<8x128xf32, #tpu.memory_space<hbm>>
    %dma_start3A_73 = arith.constant 8 : i32
    %dma_start3A_74 = arith.constant 0 : i32
    %dma_start3A_75 = tpu.memref_slice %arg7[%dma_start3A_73, %dma_start3A_74] : memref<32x128xf32, #tpu.memory_space<vmem>> -> memref<8x128xf32, #tpu.memory_space<vmem>>
    %dma_start3A_76 = arith.constant 8 : i32
    %dma_start3A_77 = tpu.memref_slice %arg2[%dma_start3A_76, %multiple_of3A_57] : memref<32x1000000xf32, #tpu.memory_space<hbm>> -> memref<8x128xf32, #tpu.memory_space<hbm>>
    tpu.enqueue_dma source(%dma_start3A_77 : memref<8x128xf32, #tpu.memory_space<hbm>>) target(%dma_start3A_75 : memref<8x128xf32, #tpu.memory_space<vmem>>) target_semaphore(%arg24 : memref<!tpu.dma_semaphore, #tpu.memory_space<semaphore_mem>>)
    %dma_start3A_78 = arith.constant 16 : i32
    %dma_start3A_79 = arith.constant 0 : i32
    %dma_start3A_80 = tpu.memref_slice %arg7[%dma_start3A_78, %dma_start3A_79] : memref<32x128xf32, #tpu.memory_space<vmem>> -> memref<8x128xf32, #tpu.memory_space<vmem>>
    %dma_start3A_81 = arith.constant 16 : i32
    %dma_start3A_82 = tpu.memref_slice %arg2[%dma_start3A_81, %multiple_of3A_57] : memref<32x1000000xf32, #tpu.memory_space<hbm>> -> memref<8x128xf32, #tpu.memory_space<hbm>>
    %dma_start3A_83 = arith.constant 16 : i32
    %dma_start3A_84 = arith.constant 0 : i32
    %dma_start3A_85 = tpu.memref_slice %arg7[%dma_start3A_83, %dma_start3A_84] : memref<32x128xf32, #tpu.memory_space<vmem>> -> memref<8x128xf32, #tpu.memory_space<vmem>>
    %dma_start3A_86 = arith.constant 16 : i32
    %dma_start3A_87 = tpu.memref_slice %arg2[%dma_start3A_86, %multiple_of3A_57] : memref<32x1000000xf32, #tpu.memory_space<hbm>> -> memref<8x128xf32, #tpu.memory_space<hbm>>
    tpu.enqueue_dma source(%dma_start3A_87 : memref<8x128xf32, #tpu.memory_space<hbm>>) target(%dma_start3A_85 : memref<8x128xf32, #tpu.memory_space<vmem>>) target_semaphore(%arg24 : memref<!tpu.dma_semaphore, #tpu.memory_space<semaphore_mem>>)
    %dma_start3A_88 = arith.constant 24 : i32
    %dma_start3A_89 = arith.constant 0 : i32
    %dma_start3A_90 = tpu.memref_slice %arg7[%dma_start3A_88, %dma_start3A_89] : memref<32x128xf32, #tpu.memory_space<vmem>> -> memref<8x128xf32, #tpu.memory_space<vmem>>
    %dma_start3A_91 = arith.constant 24 : i32
    %dma_start3A_92 = tpu.memref_slice %arg2[%dma_start3A_91, %multiple_of3A_57] : memref<32x1000000xf32, #tpu.memory_space<hbm>> -> memref<8x128xf32, #tpu.memory_space<hbm>>
    %dma_start3A_93 = arith.constant 24 : i32
    %dma_start3A_94 = arith.constant 0 : i32
    %dma_start3A_95 = tpu.memref_slice %arg7[%dma_start3A_93, %dma_start3A_94] : memref<32x128xf32, #tpu.memory_space<vmem>> -> memref<8x128xf32, #tpu.memory_space<vmem>>
    %dma_start3A_96 = arith.constant 24 : i32
    %dma_start3A_97 = tpu.memref_slice %arg2[%dma_start3A_96, %multiple_of3A_57] : memref<32x1000000xf32, #tpu.memory_space<hbm>> -> memref<8x128xf32, #tpu.memory_space<hbm>>
    tpu.enqueue_dma source(%dma_start3A_97 : memref<8x128xf32, #tpu.memory_space<hbm>>) target(%dma_start3A_95 : memref<8x128xf32, #tpu.memory_space<vmem>>) target_semaphore(%arg24 : memref<!tpu.dma_semaphore, #tpu.memory_space<semaphore_mem>>)
    %slice3A_98 = vector.extract_strided_slice %get3A_8 {offsets = [2], sizes = [1], strides = [1]} : vector<16xi32> to vector<1xi32>
    %squeeze3A_99 = vector.extract %slice3A_98[0] : i32 from vector<1xi32>
    %shift_right_arithmetic3A_100 = arith.constant 7 : i32
    %shift_right_arithmetic3A_101 = arith.shrsi %squeeze3A_99, %shift_right_arithmetic3A_100 : i32
    %shift_left3A_102 = arith.constant 7 : i32
    %shift_left3A_103 = arith.shli %shift_right_arithmetic3A_101, %shift_left3A_102 : i32
    %multiple_of3A_104 = tpu.assume_multiple %shift_left3A_103, 128 : i32
    %dma_start3A_105 = arith.constant 0 : i32
    %dma_start3A_106 = arith.constant 0 : i32
    %dma_start3A_107 = tpu.memref_slice %arg8[%dma_start3A_105, %dma_start3A_106] : memref<32x128xf32, #tpu.memory_space<vmem>> -> memref<8x128xf32, #tpu.memory_space<vmem>>
    %dma_start3A_108 = arith.constant 0 : i32
    %dma_start3A_109 = tpu.memref_slice %arg2[%dma_start3A_108, %multiple_of3A_104] : memref<32x1000000xf32, #tpu.memory_space<hbm>> -> memref<8x128xf32, #tpu.memory_space<hbm>>
    %dma_start3A_110 = arith.constant 0 : i32
    %dma_start3A_111 = arith.constant 0 : i32
    %dma_start3A_112 = tpu.memref_slice %arg8[%dma_start3A_110, %dma_start3A_111] : memref<32x128xf32, #tpu.memory_space<vmem>> -> memref<8x128xf32, #tpu.memory_space<vmem>>
    %dma_start3A_113 = arith.constant 0 : i32
    %dma_start3A_114 = tpu.memref_slice %arg2[%dma_start3A_113, %multiple_of3A_104] : memref<32x1000000xf32, #tpu.memory_space<hbm>> -> memref<8x128xf32, #tpu.memory_space<hbm>>
    tpu.enqueue_dma source(%dma_start3A_114 : memref<8x128xf32, #tpu.memory_space<hbm>>) target(%dma_start3A_112 : memref<8x128xf32, #tpu.memory_space<vmem>>) target_semaphore(%arg24 : memref<!tpu.dma_semaphore, #tpu.memory_space<semaphore_mem>>)
    %dma_start3A_115 = arith.constant 8 : i32
    %dma_start3A_116 = arith.constant 0 : i32
    %dma_start3A_117 = tpu.memref_slice %arg8[%dma_start3A_115, %dma_start3A_116] : memref<32x128xf32, #tpu.memory_space<vmem>> -> memref<8x128xf32, #tpu.memory_space<vmem>>
    %dma_start3A_118 = arith.constant 8 : i32
    %dma_start3A_119 = tpu.memref_slice %arg2[%dma_start3A_118, %multiple_of3A_104] : memref<32x1000000xf32, #tpu.memory_space<hbm>> -> memref<8x128xf32, #tpu.memory_space<hbm>>
    %dma_start3A_120 = arith.constant 8 : i32
    %dma_start3A_121 = arith.constant 0 : i32
    %dma_start3A_122 = tpu.memref_slice %arg8[%dma_start3A_120, %dma_start3A_121] : memref<32x128xf32, #tpu.memory_space<vmem>> -> memref<8x128xf32, #tpu.memory_space<vmem>>
    %dma_start3A_123 = arith.constant 8 : i32
    %dma_start3A_124 = tpu.memref_slice %arg2[%dma_start3A_123, %multiple_of3A_104] : memref<32x1000000xf32, #tpu.memory_space<hbm>> -> memref<8x128xf32, #tpu.memory_space<hbm>>
    tpu.enqueue_dma source(%dma_start3A_124 : memref<8x128xf32, #tpu.memory_space<hbm>>) target(%dma_start3A_122 : memref<8x128xf32, #tpu.memory_space<vmem>>) target_semaphore(%arg24 : memref<!tpu.dma_semaphore, #tpu.memory_space<semaphore_mem>>)
    %dma_start3A_125 = arith.constant 16 : i32
    %dma_start3A_126 = arith.constant 0 : i32
    %dma_start3A_127 = tpu.memref_slice %arg8[%dma_start3A_125, %dma_start3A_126] : memref<32x128xf32, #tpu.memory_space<vmem>> -> memref<8x128xf32, #tpu.memory_space<vmem>>
    %dma_start3A_128 = arith.constant 16 : i32
    %dma_start3A_129 = tpu.memref_slice %arg2[%dma_start3A_128, %multiple_of3A_104] : memref<32x1000000xf32, #tpu.memory_space<hbm>> -> memref<8x128xf32, #tpu.memory_space<hbm>>
    %dma_start3A_130 = arith.constant 16 : i32
    %dma_start3A_131 = arith.constant 0 : i32
    %dma_start3A_132 = tpu.memref_slice %arg8[%dma_start3A_130, %dma_start3A_131] : memref<32x128xf32, #tpu.memory_space<vmem>> -> memref<8x128xf32, #tpu.memory_space<vmem>>
    %dma_start3A_133 = arith.constant 16 : i32
    %dma_start3A_134 = tpu.memref_slice %arg2[%dma_start3A_133, %multiple_of3A_104] : memref<32x1000000xf32, #tpu.memory_space<hbm>> -> memref<8x128xf32, #tpu.memory_space<hbm>>
    tpu.enqueue_dma source(%dma_start3A_134 : memref<8x128xf32, #tpu.memory_space<hbm>>) target(%dma_start3A_132 : memref<8x128xf32, #tpu.memory_space<vmem>>) target_semaphore(%arg24 : memref<!tpu.dma_semaphore, #tpu.memory_space<semaphore_mem>>)
    %dma_start3A_135 = arith.constant 24 : i32
    %dma_start3A_136 = arith.constant 0 : i32
    %dma_start3A_137 = tpu.memref_slice %arg8[%dma_start3A_135, %dma_start3A_136] : memref<32x128xf32, #tpu.memory_space<vmem>> -> memref<8x128xf32, #tpu.memory_space<vmem>>
    %dma_start3A_138 = arith.constant 24 : i32
    %dma_start3A_139 = tpu.memref_slice %arg2[%dma_start3A_138, %multiple_of3A_104] : memref<32x1000000xf32, #tpu.memory_space<hbm>> -> memref<8x128xf32, #tpu.memory_space<hbm>>
    %dma_start3A_140 = arith.constant 24 : i32
    %dma_start3A_141 = arith.constant 0 : i32
    %dma_start3A_142 = tpu.memref_slice %arg8[%dma_start3A_140, %dma_start3A_141] : memref<32x128xf32, #tpu.memory_space<vmem>> -> memref<8x128xf32, #tpu.memory_space<vmem>>
    %dma_start3A_143 = arith.constant 24 : i32
    %dma_start3A_144 = tpu.memref_slice %arg2[%dma_start3A_143, %multiple_of3A_104] : memref<32x1000000xf32, #tpu.memory_space<hbm>> -> memref<8x128xf32, #tpu.memory_space<hbm>>
    tpu.enqueue_dma source(%dma_start3A_144 : memref<8x128xf32, #tpu.memory_space<hbm>>) target(%dma_start3A_142 : memref<8x128xf32, #tpu.memory_space<vmem>>) target_semaphore(%arg24 : memref<!tpu.dma_semaphore, #tpu.memory_space<semaphore_mem>>)
    %slice3A_145 = vector.extract_strided_slice %get3A_8 {offsets = [3], sizes = [1], strides = [1]} : vector<16xi32> to vector<1xi32>
    %squeeze3A_146 = vector.extract %slice3A_145[0] : i32 from vector<1xi32>
    %shift_right_arithmetic3A_147 = arith.constant 7 : i32
    %shift_right_arithmetic3A_148 = arith.shrsi %squeeze3A_146, %shift_right_arithmetic3A_147 : i32
    %shift_left3A_149 = arith.constant 7 : i32
    %shift_left3A_150 = arith.shli %shift_right_arithmetic3A_148, %shift_left3A_149 : i32
    %multiple_of3A_151 = tpu.assume_multiple %shift_left3A_150, 128 : i32
    %dma_start3A_152 = arith.constant 0 : i32
    %dma_start3A_153 = arith.constant 0 : i32
    %dma_start3A_154 = tpu.memref_slice %arg9[%dma_start3A_152, %dma_start3A_153] : memref<32x128xf32, #tpu.memory_space<vmem>> -> memref<8x128xf32, #tpu.memory_space<vmem>>
    %dma_start3A_155 = arith.constant 0 : i32
    %dma_start3A_156 = tpu.memref_slice %arg2[%dma_start3A_155, %multiple_of3A_151] : memref<32x1000000xf32, #tpu.memory_space<hbm>> -> memref<8x128xf32, #tpu.memory_space<hbm>>
    %dma_start3A_157 = arith.constant 0 : i32
    %dma_start3A_158 = arith.constant 0 : i32
    %dma_start3A_159 = tpu.memref_slice %arg9[%dma_start3A_157, %dma_start3A_158] : memref<32x128xf32, #tpu.memory_space<vmem>> -> memref<8x128xf32, #tpu.memory_space<vmem>>
    %dma_start3A_160 = arith.constant 0 : i32
    %dma_start3A_161 = tpu.memref_slice %arg2[%dma_start3A_160, %multiple_of3A_151] : memref<32x1000000xf32, #tpu.memory_space<hbm>> -> memref<8x128xf32, #tpu.memory_space<hbm>>
    tpu.enqueue_dma source(%dma_start3A_161 : memref<8x128xf32, #tpu.memory_space<hbm>>) target(%dma_start3A_159 : memref<8x128xf32, #tpu.memory_space<vmem>>) target_semaphore(%arg24 : memref<!tpu.dma_semaphore, #tpu.memory_space<semaphore_mem>>)
    %dma_start3A_162 = arith.constant 8 : i32
    %dma_start3A_163 = arith.constant 0 : i32
    %dma_start3A_164 = tpu.memref_slice %arg9[%dma_start3A_162, %dma_start3A_163] : memref<32x128xf32, #tpu.memory_space<vmem>> -> memref<8x128xf32, #tpu.memory_space<vmem>>
    %dma_start3A_165 = arith.constant 8 : i32
    %dma_start3A_166 = tpu.memref_slice %arg2[%dma_start3A_165, %multiple_of3A_151] : memref<32x1000000xf32, #tpu.memory_space<hbm>> -> memref<8x128xf32, #tpu.memory_space<hbm>>
    %dma_start3A_167 = arith.constant 8 : i32
    %dma_start3A_168 = arith.constant 0 : i32
    %dma_start3A_169 = tpu.memref_slice %arg9[%dma_start3A_167, %dma_start3A_168] : memref<32x128xf32, #tpu.memory_space<vmem>> -> memref<8x128xf32, #tpu.memory_space<vmem>>
    %dma_start3A_170 = arith.constant 8 : i32
    %dma_start3A_171 = tpu.memref_slice %arg2[%dma_start3A_170, %multiple_of3A_151] : memref<32x1000000xf32, #tpu.memory_space<hbm>> -> memref<8x128xf32, #tpu.memory_space<hbm>>
    tpu.enqueue_dma source(%dma_start3A_171 : memref<8x128xf32, #tpu.memory_space<hbm>>) target(%dma_start3A_169 : memref<8x128xf32, #tpu.memory_space<vmem>>) target_semaphore(%arg24 : memref<!tpu.dma_semaphore, #tpu.memory_space<semaphore_mem>>)
    %dma_start3A_172 = arith.constant 16 : i32
    %dma_start3A_173 = arith.constant 0 : i32
    %dma_start3A_174 = tpu.memref_slice %arg9[%dma_start3A_172, %dma_start3A_173] : memref<32x128xf32, #tpu.memory_space<vmem>> -> memref<8x128xf32, #tpu.memory_space<vmem>>
    %dma_start3A_175 = arith.constant 16 : i32
    %dma_start3A_176 = tpu.memref_slice %arg2[%dma_start3A_175, %multiple_of3A_151] : memref<32x1000000xf32, #tpu.memory_space<hbm>> -> memref<8x128xf32, #tpu.memory_space<hbm>>
    %dma_start3A_177 = arith.constant 16 : i32
    %dma_start3A_178 = arith.constant 0 : i32
    %dma_start3A_179 = tpu.memref_slice %arg9[%dma_start3A_177, %dma_start3A_178] : memref<32x128xf32, #tpu.memory_space<vmem>> -> memref<8x128xf32, #tpu.memory_space<vmem>>
    %dma_start3A_180 = arith.constant 16 : i32
    %dma_start3A_181 = tpu.memref_slice %arg2[%dma_start3A_180, %multiple_of3A_151] : memref<32x1000000xf32, #tpu.memory_space<hbm>> -> memref<8x128xf32, #tpu.memory_space<hbm>>
    tpu.enqueue_dma source(%dma_start3A_181 : memref<8x128xf32, #tpu.memory_space<hbm>>) target(%dma_start3A_179 : memref<8x128xf32, #tpu.memory_space<vmem>>) target_semaphore(%arg24 : memref<!tpu.dma_semaphore, #tpu.memory_space<semaphore_mem>>)
    %dma_start3A_182 = arith.constant 24 : i32
    %dma_start3A_183 = arith.constant 0 : i32
    %dma_start3A_184 = tpu.memref_slice %arg9[%dma_start3A_182, %dma_start3A_183] : memref<32x128xf32, #tpu.memory_space<vmem>> -> memref<8x128xf32, #tpu.memory_space<vmem>>
    %dma_start3A_185 = arith.constant 24 : i32
    %dma_start3A_186 = tpu.memref_slice %arg2[%dma_start3A_185, %multiple_of3A_151] : memref<32x1000000xf32, #tpu.memory_space<hbm>> -> memref<8x128xf32, #tpu.memory_space<hbm>>
    %dma_start3A_187 = arith.constant 24 : i32
    %dma_start3A_188 = arith.constant 0 : i32
    %dma_start3A_189 = tpu.memref_slice %arg9[%dma_start3A_187, %dma_start3A_188] : memref<32x128xf32, #tpu.memory_space<vmem>> -> memref<8x128xf32, #tpu.memory_space<vmem>>
    %dma_start3A_190 = arith.constant 24 : i32
    %dma_start3A_191 = tpu.memref_slice %arg2[%dma_start3A_190, %multiple_of3A_151] : memref<32x1000000xf32, #tpu.memory_space<hbm>> -> memref<8x128xf32, #tpu.memory_space<hbm>>
    tpu.enqueue_dma source(%dma_start3A_191 : memref<8x128xf32, #tpu.memory_space<hbm>>) target(%dma_start3A_189 : memref<8x128xf32, #tpu.memory_space<vmem>>) target_semaphore(%arg24 : memref<!tpu.dma_semaphore, #tpu.memory_space<semaphore_mem>>)
    %slice3A_192 = vector.extract_strided_slice %get3A_8 {offsets = [4], sizes = [1], strides = [1]} : vector<16xi32> to vector<1xi32>
    %squeeze3A_193 = vector.extract %slice3A_192[0] : i32 from vector<1xi32>
    %shift_right_arithmetic3A_194 = arith.constant 7 : i32
    %shift_right_arithmetic3A_195 = arith.shrsi %squeeze3A_193, %shift_right_arithmetic3A_194 : i32
    %shift_left3A_196 = arith.constant 7 : i32
    %shift_left3A_197 = arith.shli %shift_right_arithmetic3A_195, %shift_left3A_196 : i32
    %multiple_of3A_198 = tpu.assume_multiple %shift_left3A_197, 128 : i32
    %dma_start3A_199 = arith.constant 0 : i32
    %dma_start3A_200 = arith.constant 0 : i32
    %dma_start3A_201 = tpu.memref_slice %arg10[%dma_start3A_199, %dma_start3A_200] : memref<32x128xf32, #tpu.memory_space<vmem>> -> memref<8x128xf32, #tpu.memory_space<vmem>>
    %dma_start3A_202 = arith.constant 0 : i32
    %dma_start3A_203 = tpu.memref_slice %arg2[%dma_start3A_202, %multiple_of3A_198] : memref<32x1000000xf32, #tpu.memory_space<hbm>> -> memref<8x128xf32, #tpu.memory_space<hbm>>
    %dma_start3A_204 = arith.constant 0 : i32
    %dma_start3A_205 = arith.constant 0 : i32
    %dma_start3A_206 = tpu.memref_slice %arg10[%dma_start3A_204, %dma_start3A_205] : memref<32x128xf32, #tpu.memory_space<vmem>> -> memref<8x128xf32, #tpu.memory_space<vmem>>
    %dma_start3A_207 = arith.constant 0 : i32
    %dma_start3A_208 = tpu.memref_slice %arg2[%dma_start3A_207, %multiple_of3A_198] : memref<32x1000000xf32, #tpu.memory_space<hbm>> -> memref<8x128xf32, #tpu.memory_space<hbm>>
    tpu.enqueue_dma source(%dma_start3A_208 : memref<8x128xf32, #tpu.memory_space<hbm>>) target(%dma_start3A_206 : memref<8x128xf32, #tpu.memory_space<vmem>>) target_semaphore(%arg24 : memref<!tpu.dma_semaphore, #tpu.memory_space<semaphore_mem>>)
    %dma_start3A_209 = arith.constant 8 : i32
    %dma_start3A_210 = arith.constant 0 : i32
    %dma_start3A_211 = tpu.memref_slice %arg10[%dma_start3A_209, %dma_start3A_210] : memref<32x128xf32, #tpu.memory_space<vmem>> -> memref<8x128xf32, #tpu.memory_space<vmem>>
    %dma_start3A_212 = arith.constant 8 : i32
    %dma_start3A_213 = tpu.memref_slice %arg2[%dma_start3A_212, %multiple_of3A_198] : memref<32x1000000xf32, #tpu.memory_space<hbm>> -> memref<8x128xf32, #tpu.memory_space<hbm>>
    %dma_start3A_214 = arith.constant 8 : i32
    %dma_start3A_215 = arith.constant 0 : i32
    %dma_start3A_216 = tpu.memref_slice %arg10[%dma_start3A_214, %dma_start3A_215] : memref<32x128xf32, #tpu.memory_space<vmem>> -> memref<8x128xf32, #tpu.memory_space<vmem>>
    %dma_start3A_217 = arith.constant 8 : i32
    %dma_start3A_218 = tpu.memref_slice %arg2[%dma_start3A_217, %multiple_of3A_198] : memref<32x1000000xf32, #tpu.memory_space<hbm>> -> memref<8x128xf32, #tpu.memory_space<hbm>>
    tpu.enqueue_dma source(%dma_start3A_218 : memref<8x128xf32, #tpu.memory_space<hbm>>) target(%dma_start3A_216 : memref<8x128xf32, #tpu.memory_space<vmem>>) target_semaphore(%arg24 : memref<!tpu.dma_semaphore, #tpu.memory_space<semaphore_mem>>)
    %dma_start3A_219 = arith.constant 16 : i32
    %dma_start3A_220 = arith.constant 0 : i32
    %dma_start3A_221 = tpu.memref_slice %arg10[%dma_start3A_219, %dma_start3A_220] : memref<32x128xf32, #tpu.memory_space<vmem>> -> memref<8x128xf32, #tpu.memory_space<vmem>>
    %dma_start3A_222 = arith.constant 16 : i32
    %dma_start3A_223 = tpu.memref_slice %arg2[%dma_start3A_222, %multiple_of3A_198] : memref<32x1000000xf32, #tpu.memory_space<hbm>> -> memref<8x128xf32, #tpu.memory_space<hbm>>
    %dma_start3A_224 = arith.constant 16 : i32
    %dma_start3A_225 = arith.constant 0 : i32
    %dma_start3A_226 = tpu.memref_slice %arg10[%dma_start3A_224, %dma_start3A_225] : memref<32x128xf32, #tpu.memory_space<vmem>> -> memref<8x128xf32, #tpu.memory_space<vmem>>
    %dma_start3A_227 = arith.constant 16 : i32
    %dma_start3A_228 = tpu.memref_slice %arg2[%dma_start3A_227, %multiple_of3A_198] : memref<32x1000000xf32, #tpu.memory_space<hbm>> -> memref<8x128xf32, #tpu.memory_space<hbm>>
    tpu.enqueue_dma source(%dma_start3A_228 : memref<8x128xf32, #tpu.memory_space<hbm>>) target(%dma_start3A_226 : memref<8x128xf32, #tpu.memory_space<vmem>>) target_semaphore(%arg24 : memref<!tpu.dma_semaphore, #tpu.memory_space<semaphore_mem>>)
    %dma_start3A_229 = arith.constant 24 : i32
    %dma_start3A_230 = arith.constant 0 : i32
    %dma_start3A_231 = tpu.memref_slice %arg10[%dma_start3A_229, %dma_start3A_230] : memref<32x128xf32, #tpu.memory_space<vmem>> -> memref<8x128xf32, #tpu.memory_space<vmem>>
    %dma_start3A_232 = arith.constant 24 : i32
    %dma_start3A_233 = tpu.memref_slice %arg2[%dma_start3A_232, %multiple_of3A_198] : memref<32x1000000xf32, #tpu.memory_space<hbm>> -> memref<8x128xf32, #tpu.memory_space<hbm>>
    %dma_start3A_234 = arith.constant 24 : i32
    %dma_start3A_235 = arith.constant 0 : i32
    %dma_start3A_236 = tpu.memref_slice %arg10[%dma_start3A_234, %dma_start3A_235] : memref<32x128xf32, #tpu.memory_space<vmem>> -> memref<8x128xf32, #tpu.memory_space<vmem>>
    %dma_start3A_237 = arith.constant 24 : i32
    %dma_start3A_238 = tpu.memref_slice %arg2[%dma_start3A_237, %multiple_of3A_198] : memref<32x1000000xf32, #tpu.memory_space<hbm>> -> memref<8x128xf32, #tpu.memory_space<hbm>>
    tpu.enqueue_dma source(%dma_start3A_238 : memref<8x128xf32, #tpu.memory_space<hbm>>) target(%dma_start3A_236 : memref<8x128xf32, #tpu.memory_space<vmem>>) target_semaphore(%arg24 : memref<!tpu.dma_semaphore, #tpu.memory_space<semaphore_mem>>)
    %slice3A_239 = vector.extract_strided_slice %get3A_8 {offsets = [5], sizes = [1], strides = [1]} : vector<16xi32> to vector<1xi32>
    %squeeze3A_240 = vector.extract %slice3A_239[0] : i32 from vector<1xi32>
    %shift_right_arithmetic3A_241 = arith.constant 7 : i32
    %shift_right_arithmetic3A_242 = arith.shrsi %squeeze3A_240, %shift_right_arithmetic3A_241 : i32
    %shift_left3A_243 = arith.constant 7 : i32
    %shift_left3A_244 = arith.shli %shift_right_arithmetic3A_242, %shift_left3A_243 : i32
    %multiple_of3A_245 = tpu.assume_multiple %shift_left3A_244, 128 : i32
    %dma_start3A_246 = arith.constant 0 : i32
    %dma_start3A_247 = arith.constant 0 : i32
    %dma_start3A_248 = tpu.memref_slice %arg11[%dma_start3A_246, %dma_start3A_247] : memref<32x128xf32, #tpu.memory_space<vmem>> -> memref<8x128xf32, #tpu.memory_space<vmem>>
    %dma_start3A_249 = arith.constant 0 : i32
    %dma_start3A_250 = tpu.memref_slice %arg2[%dma_start3A_249, %multiple_of3A_245] : memref<32x1000000xf32, #tpu.memory_space<hbm>> -> memref<8x128xf32, #tpu.memory_space<hbm>>
    %dma_start3A_251 = arith.constant 0 : i32
    %dma_start3A_252 = arith.constant 0 : i32
    %dma_start3A_253 = tpu.memref_slice %arg11[%dma_start3A_251, %dma_start3A_252] : memref<32x128xf32, #tpu.memory_space<vmem>> -> memref<8x128xf32, #tpu.memory_space<vmem>>
    %dma_start3A_254 = arith.constant 0 : i32
    %dma_start3A_255 = tpu.memref_slice %arg2[%dma_start3A_254, %multiple_of3A_245] : memref<32x1000000xf32, #tpu.memory_space<hbm>> -> memref<8x128xf32, #tpu.memory_space<hbm>>
    tpu.enqueue_dma source(%dma_start3A_255 : memref<8x128xf32, #tpu.memory_space<hbm>>) target(%dma_start3A_253 : memref<8x128xf32, #tpu.memory_space<vmem>>) target_semaphore(%arg24 : memref<!tpu.dma_semaphore, #tpu.memory_space<semaphore_mem>>)
    %dma_start3A_256 = arith.constant 8 : i32
    %dma_start3A_257 = arith.constant 0 : i32
    %dma_start3A_258 = tpu.memref_slice %arg11[%dma_start3A_256, %dma_start3A_257] : memref<32x128xf32, #tpu.memory_space<vmem>> -> memref<8x128xf32, #tpu.memory_space<vmem>>
    %dma_start3A_259 = arith.constant 8 : i32
    %dma_start3A_260 = tpu.memref_slice %arg2[%dma_start3A_259, %multiple_of3A_245] : memref<32x1000000xf32, #tpu.memory_space<hbm>> -> memref<8x128xf32, #tpu.memory_space<hbm>>
    %dma_start3A_261 = arith.constant 8 : i32
    %dma_start3A_262 = arith.constant 0 : i32
    %dma_start3A_263 = tpu.memref_slice %arg11[%dma_start3A_261, %dma_start3A_262] : memref<32x128xf32, #tpu.memory_space<vmem>> -> memref<8x128xf32, #tpu.memory_space<vmem>>
    %dma_start3A_264 = arith.constant 8 : i32
    %dma_start3A_265 = tpu.memref_slice %arg2[%dma_start3A_264, %multiple_of3A_245] : memref<32x1000000xf32, #tpu.memory_space<hbm>> -> memref<8x128xf32, #tpu.memory_space<hbm>>
    tpu.enqueue_dma source(%dma_start3A_265 : memref<8x128xf32, #tpu.memory_space<hbm>>) target(%dma_start3A_263 : memref<8x128xf32, #tpu.memory_space<vmem>>) target_semaphore(%arg24 : memref<!tpu.dma_semaphore, #tpu.memory_space<semaphore_mem>>)
    %dma_start3A_266 = arith.constant 16 : i32
    %dma_start3A_267 = arith.constant 0 : i32
    %dma_start3A_268 = tpu.memref_slice %arg11[%dma_start3A_266, %dma_start3A_267] : memref<32x128xf32, #tpu.memory_space<vmem>> -> memref<8x128xf32, #tpu.memory_space<vmem>>
    %dma_start3A_269 = arith.constant 16 : i32
    %dma_start3A_270 = tpu.memref_slice %arg2[%dma_start3A_269, %multiple_of3A_245] : memref<32x1000000xf32, #tpu.memory_space<hbm>> -> memref<8x128xf32, #tpu.memory_space<hbm>>
    %dma_start3A_271 = arith.constant 16 : i32
    %dma_start3A_272 = arith.constant 0 : i32
    %dma_start3A_273 = tpu.memref_slice %arg11[%dma_start3A_271, %dma_start3A_272] : memref<32x128xf32, #tpu.memory_space<vmem>> -> memref<8x128xf32, #tpu.memory_space<vmem>>
    %dma_start3A_274 = arith.constant 16 : i32
    %dma_start3A_275 = tpu.memref_slice %arg2[%dma_start3A_274, %multiple_of3A_245] : memref<32x1000000xf32, #tpu.memory_space<hbm>> -> memref<8x128xf32, #tpu.memory_space<hbm>>
    tpu.enqueue_dma source(%dma_start3A_275 : memref<8x128xf32, #tpu.memory_space<hbm>>) target(%dma_start3A_273 : memref<8x128xf32, #tpu.memory_space<vmem>>) target_semaphore(%arg24 : memref<!tpu.dma_semaphore, #tpu.memory_space<semaphore_mem>>)
    %dma_start3A_276 = arith.constant 24 : i32
    %dma_start3A_277 = arith.constant 0 : i32
    %dma_start3A_278 = tpu.memref_slice %arg11[%dma_start3A_276, %dma_start3A_277] : memref<32x128xf32, #tpu.memory_space<vmem>> -> memref<8x128xf32, #tpu.memory_space<vmem>>
    %dma_start3A_279 = arith.constant 24 : i32
    %dma_start3A_280 = tpu.memref_slice %arg2[%dma_start3A_279, %multiple_of3A_245] : memref<32x1000000xf32, #tpu.memory_space<hbm>> -> memref<8x128xf32, #tpu.memory_space<hbm>>
    %dma_start3A_281 = arith.constant 24 : i32
    %dma_start3A_282 = arith.constant 0 : i32
    %dma_start3A_283 = tpu.memref_slice %arg11[%dma_start3A_281, %dma_start3A_282] : memref<32x128xf32, #tpu.memory_space<vmem>> -> memref<8x128xf32, #tpu.memory_space<vmem>>
    %dma_start3A_284 = arith.constant 24 : i32
    %dma_start3A_285 = tpu.memref_slice %arg2[%dma_start3A_284, %multiple_of3A_245] : memref<32x1000000xf32, #tpu.memory_space<hbm>> -> memref<8x128xf32, #tpu.memory_space<hbm>>
    tpu.enqueue_dma source(%dma_start3A_285 : memref<8x128xf32, #tpu.memory_space<hbm>>) target(%dma_start3A_283 : memref<8x128xf32, #tpu.memory_space<vmem>>) target_semaphore(%arg24 : memref<!tpu.dma_semaphore, #tpu.memory_space<semaphore_mem>>)
    %slice3A_286 = vector.extract_strided_slice %get3A_8 {offsets = [6], sizes = [1], strides = [1]} : vector<16xi32> to vector<1xi32>
    %squeeze3A_287 = vector.extract %slice3A_286[0] : i32 from vector<1xi32>
    %shift_right_arithmetic3A_288 = arith.constant 7 : i32
    %shift_right_arithmetic3A_289 = arith.shrsi %squeeze3A_287, %shift_right_arithmetic3A_288 : i32
    %shift_left3A_290 = arith.constant 7 : i32
    %shift_left3A_291 = arith.shli %shift_right_arithmetic3A_289, %shift_left3A_290 : i32
    %multiple_of3A_292 = tpu.assume_multiple %shift_left3A_291, 128 : i32
    %dma_start3A_293 = arith.constant 0 : i32
    %dma_start3A_294 = arith.constant 0 : i32
    %dma_start3A_295 = tpu.memref_slice %arg12[%dma_start3A_293, %dma_start3A_294] : memref<32x128xf32, #tpu.memory_space<vmem>> -> memref<8x128xf32, #tpu.memory_space<vmem>>
    %dma_start3A_296 = arith.constant 0 : i32
    %dma_start3A_297 = tpu.memref_slice %arg2[%dma_start3A_296, %multiple_of3A_292] : memref<32x1000000xf32, #tpu.memory_space<hbm>> -> memref<8x128xf32, #tpu.memory_space<hbm>>
    %dma_start3A_298 = arith.constant 0 : i32
    %dma_start3A_299 = arith.constant 0 : i32
    %dma_start3A_300 = tpu.memref_slice %arg12[%dma_start3A_298, %dma_start3A_299] : memref<32x128xf32, #tpu.memory_space<vmem>> -> memref<8x128xf32, #tpu.memory_space<vmem>>
    %dma_start3A_301 = arith.constant 0 : i32
    %dma_start3A_302 = tpu.memref_slice %arg2[%dma_start3A_301, %multiple_of3A_292] : memref<32x1000000xf32, #tpu.memory_space<hbm>> -> memref<8x128xf32, #tpu.memory_space<hbm>>
    tpu.enqueue_dma source(%dma_start3A_302 : memref<8x128xf32, #tpu.memory_space<hbm>>) target(%dma_start3A_300 : memref<8x128xf32, #tpu.memory_space<vmem>>) target_semaphore(%arg24 : memref<!tpu.dma_semaphore, #tpu.memory_space<semaphore_mem>>)
    %dma_start3A_303 = arith.constant 8 : i32
    %dma_start3A_304 = arith.constant 0 : i32
    %dma_start3A_305 = tpu.memref_slice %arg12[%dma_start3A_303, %dma_start3A_304] : memref<32x128xf32, #tpu.memory_space<vmem>> -> memref<8x128xf32, #tpu.memory_space<vmem>>
    %dma_start3A_306 = arith.constant 8 : i32
    %dma_start3A_307 = tpu.memref_slice %arg2[%dma_start3A_306, %multiple_of3A_292] : memref<32x1000000xf32, #tpu.memory_space<hbm>> -> memref<8x128xf32, #tpu.memory_space<hbm>>
    %dma_start3A_308 = arith.constant 8 : i32
    %dma_start3A_309 = arith.constant 0 : i32
    %dma_start3A_310 = tpu.memref_slice %arg12[%dma_start3A_308, %dma_start3A_309] : memref<32x128xf32, #tpu.memory_space<vmem>> -> memref<8x128xf32, #tpu.memory_space<vmem>>
    %dma_start3A_311 = arith.constant 8 : i32
    %dma_start3A_312 = tpu.memref_slice %arg2[%dma_start3A_311, %multiple_of3A_292] : memref<32x1000000xf32, #tpu.memory_space<hbm>> -> memref<8x128xf32, #tpu.memory_space<hbm>>
    tpu.enqueue_dma source(%dma_start3A_312 : memref<8x128xf32, #tpu.memory_space<hbm>>) target(%dma_start3A_310 : memref<8x128xf32, #tpu.memory_space<vmem>>) target_semaphore(%arg24 : memref<!tpu.dma_semaphore, #tpu.memory_space<semaphore_mem>>)
    %dma_start3A_313 = arith.constant 16 : i32
    %dma_start3A_314 = arith.constant 0 : i32
    %dma_start3A_315 = tpu.memref_slice %arg12[%dma_start3A_313, %dma_start3A_314] : memref<32x128xf32, #tpu.memory_space<vmem>> -> memref<8x128xf32, #tpu.memory_space<vmem>>
    %dma_start3A_316 = arith.constant 16 : i32
    %dma_start3A_317 = tpu.memref_slice %arg2[%dma_start3A_316, %multiple_of3A_292] : memref<32x1000000xf32, #tpu.memory_space<hbm>> -> memref<8x128xf32, #tpu.memory_space<hbm>>
    %dma_start3A_318 = arith.constant 16 : i32
    %dma_start3A_319 = arith.constant 0 : i32
    %dma_start3A_320 = tpu.memref_slice %arg12[%dma_start3A_318, %dma_start3A_319] : memref<32x128xf32, #tpu.memory_space<vmem>> -> memref<8x128xf32, #tpu.memory_space<vmem>>
    %dma_start3A_321 = arith.constant 16 : i32
    %dma_start3A_322 = tpu.memref_slice %arg2[%dma_start3A_321, %multiple_of3A_292] : memref<32x1000000xf32, #tpu.memory_space<hbm>> -> memref<8x128xf32, #tpu.memory_space<hbm>>
    tpu.enqueue_dma source(%dma_start3A_322 : memref<8x128xf32, #tpu.memory_space<hbm>>) target(%dma_start3A_320 : memref<8x128xf32, #tpu.memory_space<vmem>>) target_semaphore(%arg24 : memref<!tpu.dma_semaphore, #tpu.memory_space<semaphore_mem>>)
    %dma_start3A_323 = arith.constant 24 : i32
    %dma_start3A_324 = arith.constant 0 : i32
    %dma_start3A_325 = tpu.memref_slice %arg12[%dma_start3A_323, %dma_start3A_324] : memref<32x128xf32, #tpu.memory_space<vmem>> -> memref<8x128xf32, #tpu.memory_space<vmem>>
    %dma_start3A_326 = arith.constant 24 : i32
    %dma_start3A_327 = tpu.memref_slice %arg2[%dma_start3A_326, %multiple_of3A_292] : memref<32x1000000xf32, #tpu.memory_space<hbm>> -> memref<8x128xf32, #tpu.memory_space<hbm>>
    %dma_start3A_328 = arith.constant 24 : i32
    %dma_start3A_329 = arith.constant 0 : i32
    %dma_start3A_330 = tpu.memref_slice %arg12[%dma_start3A_328, %dma_start3A_329] : memref<32x128xf32, #tpu.memory_space<vmem>> -> memref<8x128xf32, #tpu.memory_space<vmem>>
    %dma_start3A_331 = arith.constant 24 : i32
    %dma_start3A_332 = tpu.memref_slice %arg2[%dma_start3A_331, %multiple_of3A_292] : memref<32x1000000xf32, #tpu.memory_space<hbm>> -> memref<8x128xf32, #tpu.memory_space<hbm>>
    tpu.enqueue_dma source(%dma_start3A_332 : memref<8x128xf32, #tpu.memory_space<hbm>>) target(%dma_start3A_330 : memref<8x128xf32, #tpu.memory_space<vmem>>) target_semaphore(%arg24 : memref<!tpu.dma_semaphore, #tpu.memory_space<semaphore_mem>>)
    %slice3A_333 = vector.extract_strided_slice %get3A_8 {offsets = [7], sizes = [1], strides = [1]} : vector<16xi32> to vector<1xi32>
    %squeeze3A_334 = vector.extract %slice3A_333[0] : i32 from vector<1xi32>
    %shift_right_arithmetic3A_335 = arith.constant 7 : i32
    %shift_right_arithmetic3A_336 = arith.shrsi %squeeze3A_334, %shift_right_arithmetic3A_335 : i32
    %shift_left3A_337 = arith.constant 7 : i32
    %shift_left3A_338 = arith.shli %shift_right_arithmetic3A_336, %shift_left3A_337 : i32
    %multiple_of3A_339 = tpu.assume_multiple %shift_left3A_338, 128 : i32
    %dma_start3A_340 = arith.constant 0 : i32
    %dma_start3A_341 = arith.constant 0 : i32
    %dma_start3A_342 = tpu.memref_slice %arg13[%dma_start3A_340, %dma_start3A_341] : memref<32x128xf32, #tpu.memory_space<vmem>> -> memref<8x128xf32, #tpu.memory_space<vmem>>
    %dma_start3A_343 = arith.constant 0 : i32
    %dma_start3A_344 = tpu.memref_slice %arg2[%dma_start3A_343, %multiple_of3A_339] : memref<32x1000000xf32, #tpu.memory_space<hbm>> -> memref<8x128xf32, #tpu.memory_space<hbm>>
    %dma_start3A_345 = arith.constant 0 : i32
    %dma_start3A_346 = arith.constant 0 : i32
    %dma_start3A_347 = tpu.memref_slice %arg13[%dma_start3A_345, %dma_start3A_346] : memref<32x128xf32, #tpu.memory_space<vmem>> -> memref<8x128xf32, #tpu.memory_space<vmem>>
    %dma_start3A_348 = arith.constant 0 : i32
    %dma_start3A_349 = tpu.memref_slice %arg2[%dma_start3A_348, %multiple_of3A_339] : memref<32x1000000xf32, #tpu.memory_space<hbm>> -> memref<8x128xf32, #tpu.memory_space<hbm>>
    tpu.enqueue_dma source(%dma_start3A_349 : memref<8x128xf32, #tpu.memory_space<hbm>>) target(%dma_start3A_347 : memref<8x128xf32, #tpu.memory_space<vmem>>) target_semaphore(%arg24 : memref<!tpu.dma_semaphore, #tpu.memory_space<semaphore_mem>>)
    %dma_start3A_350 = arith.constant 8 : i32
    %dma_start3A_351 = arith.constant 0 : i32
    %dma_start3A_352 = tpu.memref_slice %arg13[%dma_start3A_350, %dma_start3A_351] : memref<32x128xf32, #tpu.memory_space<vmem>> -> memref<8x128xf32, #tpu.memory_space<vmem>>
    %dma_start3A_353 = arith.constant 8 : i32
    %dma_start3A_354 = tpu.memref_slice %arg2[%dma_start3A_353, %multiple_of3A_339] : memref<32x1000000xf32, #tpu.memory_space<hbm>> -> memref<8x128xf32, #tpu.memory_space<hbm>>
    %dma_start3A_355 = arith.constant 8 : i32
    %dma_start3A_356 = arith.constant 0 : i32
    %dma_start3A_357 = tpu.memref_slice %arg13[%dma_start3A_355, %dma_start3A_356] : memref<32x128xf32, #tpu.memory_space<vmem>> -> memref<8x128xf32, #tpu.memory_space<vmem>>
    %dma_start3A_358 = arith.constant 8 : i32
    %dma_start3A_359 = tpu.memref_slice %arg2[%dma_start3A_358, %multiple_of3A_339] : memref<32x1000000xf32, #tpu.memory_space<hbm>> -> memref<8x128xf32, #tpu.memory_space<hbm>>
    tpu.enqueue_dma source(%dma_start3A_359 : memref<8x128xf32, #tpu.memory_space<hbm>>) target(%dma_start3A_357 : memref<8x128xf32, #tpu.memory_space<vmem>>) target_semaphore(%arg24 : memref<!tpu.dma_semaphore, #tpu.memory_space<semaphore_mem>>)
    %dma_start3A_360 = arith.constant 16 : i32
    %dma_start3A_361 = arith.constant 0 : i32
    %dma_start3A_362 = tpu.memref_slice %arg13[%dma_start3A_360, %dma_start3A_361] : memref<32x128xf32, #tpu.memory_space<vmem>> -> memref<8x128xf32, #tpu.memory_space<vmem>>
    %dma_start3A_363 = arith.constant 16 : i32
    %dma_start3A_364 = tpu.memref_slice %arg2[%dma_start3A_363, %multiple_of3A_339] : memref<32x1000000xf32, #tpu.memory_space<hbm>> -> memref<8x128xf32, #tpu.memory_space<hbm>>
    %dma_start3A_365 = arith.constant 16 : i32
    %dma_start3A_366 = arith.constant 0 : i32
    %dma_start3A_367 = tpu.memref_slice %arg13[%dma_start3A_365, %dma_start3A_366] : memref<32x128xf32, #tpu.memory_space<vmem>> -> memref<8x128xf32, #tpu.memory_space<vmem>>
    %dma_start3A_368 = arith.constant 16 : i32
    %dma_start3A_369 = tpu.memref_slice %arg2[%dma_start3A_368, %multiple_of3A_339] : memref<32x1000000xf32, #tpu.memory_space<hbm>> -> memref<8x128xf32, #tpu.memory_space<hbm>>
    tpu.enqueue_dma source(%dma_start3A_369 : memref<8x128xf32, #tpu.memory_space<hbm>>) target(%dma_start3A_367 : memref<8x128xf32, #tpu.memory_space<vmem>>) target_semaphore(%arg24 : memref<!tpu.dma_semaphore, #tpu.memory_space<semaphore_mem>>)
    %dma_start3A_370 = arith.constant 24 : i32
    %dma_start3A_371 = arith.constant 0 : i32
    %dma_start3A_372 = tpu.memref_slice %arg13[%dma_start3A_370, %dma_start3A_371] : memref<32x128xf32, #tpu.memory_space<vmem>> -> memref<8x128xf32, #tpu.memory_space<vmem>>
    %dma_start3A_373 = arith.constant 24 : i32
    %dma_start3A_374 = tpu.memref_slice %arg2[%dma_start3A_373, %multiple_of3A_339] : memref<32x1000000xf32, #tpu.memory_space<hbm>> -> memref<8x128xf32, #tpu.memory_space<hbm>>
    %dma_start3A_375 = arith.constant 24 : i32
    %dma_start3A_376 = arith.constant 0 : i32
    %dma_start3A_377 = tpu.memref_slice %arg13[%dma_start3A_375, %dma_start3A_376] : memref<32x128xf32, #tpu.memory_space<vmem>> -> memref<8x128xf32, #tpu.memory_space<vmem>>
    %dma_start3A_378 = arith.constant 24 : i32
    %dma_start3A_379 = tpu.memref_slice %arg2[%dma_start3A_378, %multiple_of3A_339] : memref<32x1000000xf32, #tpu.memory_space<hbm>> -> memref<8x128xf32, #tpu.memory_space<hbm>>
    tpu.enqueue_dma source(%dma_start3A_379 : memref<8x128xf32, #tpu.memory_space<hbm>>) target(%dma_start3A_377 : memref<8x128xf32, #tpu.memory_space<vmem>>) target_semaphore(%arg24 : memref<!tpu.dma_semaphore, #tpu.memory_space<semaphore_mem>>)
    %slice3A_380 = vector.extract_strided_slice %get3A_8 {offsets = [8], sizes = [1], strides = [1]} : vector<16xi32> to vector<1xi32>
    %squeeze3A_381 = vector.extract %slice3A_380[0] : i32 from vector<1xi32>
    %shift_right_arithmetic3A_382 = arith.constant 7 : i32
    %shift_right_arithmetic3A_383 = arith.shrsi %squeeze3A_381, %shift_right_arithmetic3A_382 : i32
    %shift_left3A_384 = arith.constant 7 : i32
    %shift_left3A_385 = arith.shli %shift_right_arithmetic3A_383, %shift_left3A_384 : i32
    %multiple_of3A_386 = tpu.assume_multiple %shift_left3A_385, 128 : i32
    %dma_start3A_387 = arith.constant 0 : i32
    %dma_start3A_388 = arith.constant 0 : i32
    %dma_start3A_389 = tpu.memref_slice %arg14[%dma_start3A_387, %dma_start3A_388] : memref<32x128xf32, #tpu.memory_space<vmem>> -> memref<8x128xf32, #tpu.memory_space<vmem>>
    %dma_start3A_390 = arith.constant 0 : i32
    %dma_start3A_391 = tpu.memref_slice %arg2[%dma_start3A_390, %multiple_of3A_386] : memref<32x1000000xf32, #tpu.memory_space<hbm>> -> memref<8x128xf32, #tpu.memory_space<hbm>>
    %dma_start3A_392 = arith.constant 0 : i32
    %dma_start3A_393 = arith.constant 0 : i32
    %dma_start3A_394 = tpu.memref_slice %arg14[%dma_start3A_392, %dma_start3A_393] : memref<32x128xf32, #tpu.memory_space<vmem>> -> memref<8x128xf32, #tpu.memory_space<vmem>>
    %dma_start3A_395 = arith.constant 0 : i32
    %dma_start3A_396 = tpu.memref_slice %arg2[%dma_start3A_395, %multiple_of3A_386] : memref<32x1000000xf32, #tpu.memory_space<hbm>> -> memref<8x128xf32, #tpu.memory_space<hbm>>
    tpu.enqueue_dma source(%dma_start3A_396 : memref<8x128xf32, #tpu.memory_space<hbm>>) target(%dma_start3A_394 : memref<8x128xf32, #tpu.memory_space<vmem>>) target_semaphore(%arg24 : memref<!tpu.dma_semaphore, #tpu.memory_space<semaphore_mem>>)
    %dma_start3A_397 = arith.constant 8 : i32
    %dma_start3A_398 = arith.constant 0 : i32
    %dma_start3A_399 = tpu.memref_slice %arg14[%dma_start3A_397, %dma_start3A_398] : memref<32x128xf32, #tpu.memory_space<vmem>> -> memref<8x128xf32, #tpu.memory_space<vmem>>
    %dma_start3A_400 = arith.constant 8 : i32
    %dma_start3A_401 = tpu.memref_slice %arg2[%dma_start3A_400, %multiple_of3A_386] : memref<32x1000000xf32, #tpu.memory_space<hbm>> -> memref<8x128xf32, #tpu.memory_space<hbm>>
    %dma_start3A_402 = arith.constant 8 : i32
    %dma_start3A_403 = arith.constant 0 : i32
    %dma_start3A_404 = tpu.memref_slice %arg14[%dma_start3A_402, %dma_start3A_403] : memref<32x128xf32, #tpu.memory_space<vmem>> -> memref<8x128xf32, #tpu.memory_space<vmem>>
    %dma_start3A_405 = arith.constant 8 : i32
    %dma_start3A_406 = tpu.memref_slice %arg2[%dma_start3A_405, %multiple_of3A_386] : memref<32x1000000xf32, #tpu.memory_space<hbm>> -> memref<8x128xf32, #tpu.memory_space<hbm>>
    tpu.enqueue_dma source(%dma_start3A_406 : memref<8x128xf32, #tpu.memory_space<hbm>>) target(%dma_start3A_404 : memref<8x128xf32, #tpu.memory_space<vmem>>) target_semaphore(%arg24 : memref<!tpu.dma_semaphore, #tpu.memory_space<semaphore_mem>>)
    %dma_start3A_407 = arith.constant 16 : i32
    %dma_start3A_408 = arith.constant 0 : i32
    %dma_start3A_409 = tpu.memref_slice %arg14[%dma_start3A_407, %dma_start3A_408] : memref<32x128xf32, #tpu.memory_space<vmem>> -> memref<8x128xf32, #tpu.memory_space<vmem>>
    %dma_start3A_410 = arith.constant 16 : i32
    %dma_start3A_411 = tpu.memref_slice %arg2[%dma_start3A_410, %multiple_of3A_386] : memref<32x1000000xf32, #tpu.memory_space<hbm>> -> memref<8x128xf32, #tpu.memory_space<hbm>>
    %dma_start3A_412 = arith.constant 16 : i32
    %dma_start3A_413 = arith.constant 0 : i32
    %dma_start3A_414 = tpu.memref_slice %arg14[%dma_start3A_412, %dma_start3A_413] : memref<32x128xf32, #tpu.memory_space<vmem>> -> memref<8x128xf32, #tpu.memory_space<vmem>>
    %dma_start3A_415 = arith.constant 16 : i32
    %dma_start3A_416 = tpu.memref_slice %arg2[%dma_start3A_415, %multiple_of3A_386] : memref<32x1000000xf32, #tpu.memory_space<hbm>> -> memref<8x128xf32, #tpu.memory_space<hbm>>
    tpu.enqueue_dma source(%dma_start3A_416 : memref<8x128xf32, #tpu.memory_space<hbm>>) target(%dma_start3A_414 : memref<8x128xf32, #tpu.memory_space<vmem>>) target_semaphore(%arg24 : memref<!tpu.dma_semaphore, #tpu.memory_space<semaphore_mem>>)
    %dma_start3A_417 = arith.constant 24 : i32
    %dma_start3A_418 = arith.constant 0 : i32
    %dma_start3A_419 = tpu.memref_slice %arg14[%dma_start3A_417, %dma_start3A_418] : memref<32x128xf32, #tpu.memory_space<vmem>> -> memref<8x128xf32, #tpu.memory_space<vmem>>
    %dma_start3A_420 = arith.constant 24 : i32
    %dma_start3A_421 = tpu.memref_slice %arg2[%dma_start3A_420, %multiple_of3A_386] : memref<32x1000000xf32, #tpu.memory_space<hbm>> -> memref<8x128xf32, #tpu.memory_space<hbm>>
    %dma_start3A_422 = arith.constant 24 : i32
    %dma_start3A_423 = arith.constant 0 : i32
    %dma_start3A_424 = tpu.memref_slice %arg14[%dma_start3A_422, %dma_start3A_423] : memref<32x128xf32, #tpu.memory_space<vmem>> -> memref<8x128xf32, #tpu.memory_space<vmem>>
    %dma_start3A_425 = arith.constant 24 : i32
    %dma_start3A_426 = tpu.memref_slice %arg2[%dma_start3A_425, %multiple_of3A_386] : memref<32x1000000xf32, #tpu.memory_space<hbm>> -> memref<8x128xf32, #tpu.memory_space<hbm>>
    tpu.enqueue_dma source(%dma_start3A_426 : memref<8x128xf32, #tpu.memory_space<hbm>>) target(%dma_start3A_424 : memref<8x128xf32, #tpu.memory_space<vmem>>) target_semaphore(%arg24 : memref<!tpu.dma_semaphore, #tpu.memory_space<semaphore_mem>>)
    %slice3A_427 = vector.extract_strided_slice %get3A_8 {offsets = [9], sizes = [1], strides = [1]} : vector<16xi32> to vector<1xi32>
    %squeeze3A_428 = vector.extract %slice3A_427[0] : i32 from vector<1xi32>
    %shift_right_arithmetic3A_429 = arith.constant 7 : i32
    %shift_right_arithmetic3A_430 = arith.shrsi %squeeze3A_428, %shift_right_arithmetic3A_429 : i32
    %shift_left3A_431 = arith.constant 7 : i32
    %shift_left3A_432 = arith.shli %shift_right_arithmetic3A_430, %shift_left3A_431 : i32
    %multiple_of3A_433 = tpu.assume_multiple %shift_left3A_432, 128 : i32
    %dma_start3A_434 = arith.constant 0 : i32
    %dma_start3A_435 = arith.constant 0 : i32
    %dma_start3A_436 = tpu.memref_slice %arg15[%dma_start3A_434, %dma_start3A_435] : memref<32x128xf32, #tpu.memory_space<vmem>> -> memref<8x128xf32, #tpu.memory_space<vmem>>
    %dma_start3A_437 = arith.constant 0 : i32
    %dma_start3A_438 = tpu.memref_slice %arg2[%dma_start3A_437, %multiple_of3A_433] : memref<32x1000000xf32, #tpu.memory_space<hbm>> -> memref<8x128xf32, #tpu.memory_space<hbm>>
    %dma_start3A_439 = arith.constant 0 : i32
    %dma_start3A_440 = arith.constant 0 : i32
    %dma_start3A_441 = tpu.memref_slice %arg15[%dma_start3A_439, %dma_start3A_440] : memref<32x128xf32, #tpu.memory_space<vmem>> -> memref<8x128xf32, #tpu.memory_space<vmem>>
    %dma_start3A_442 = arith.constant 0 : i32
    %dma_start3A_443 = tpu.memref_slice %arg2[%dma_start3A_442, %multiple_of3A_433] : memref<32x1000000xf32, #tpu.memory_space<hbm>> -> memref<8x128xf32, #tpu.memory_space<hbm>>
    tpu.enqueue_dma source(%dma_start3A_443 : memref<8x128xf32, #tpu.memory_space<hbm>>) target(%dma_start3A_441 : memref<8x128xf32, #tpu.memory_space<vmem>>) target_semaphore(%arg24 : memref<!tpu.dma_semaphore, #tpu.memory_space<semaphore_mem>>)
    %dma_start3A_444 = arith.constant 8 : i32
    %dma_start3A_445 = arith.constant 0 : i32
    %dma_start3A_446 = tpu.memref_slice %arg15[%dma_start3A_444, %dma_start3A_445] : memref<32x128xf32, #tpu.memory_space<vmem>> -> memref<8x128xf32, #tpu.memory_space<vmem>>
    %dma_start3A_447 = arith.constant 8 : i32
    %dma_start3A_448 = tpu.memref_slice %arg2[%dma_start3A_447, %multiple_of3A_433] : memref<32x1000000xf32, #tpu.memory_space<hbm>> -> memref<8x128xf32, #tpu.memory_space<hbm>>
    %dma_start3A_449 = arith.constant 8 : i32
    %dma_start3A_450 = arith.constant 0 : i32
    %dma_start3A_451 = tpu.memref_slice %arg15[%dma_start3A_449, %dma_start3A_450] : memref<32x128xf32, #tpu.memory_space<vmem>> -> memref<8x128xf32, #tpu.memory_space<vmem>>
    %dma_start3A_452 = arith.constant 8 : i32
    %dma_start3A_453 = tpu.memref_slice %arg2[%dma_start3A_452, %multiple_of3A_433] : memref<32x1000000xf32, #tpu.memory_space<hbm>> -> memref<8x128xf32, #tpu.memory_space<hbm>>
    tpu.enqueue_dma source(%dma_start3A_453 : memref<8x128xf32, #tpu.memory_space<hbm>>) target(%dma_start3A_451 : memref<8x128xf32, #tpu.memory_space<vmem>>) target_semaphore(%arg24 : memref<!tpu.dma_semaphore, #tpu.memory_space<semaphore_mem>>)
    %dma_start3A_454 = arith.constant 16 : i32
    %dma_start3A_455 = arith.constant 0 : i32
    %dma_start3A_456 = tpu.memref_slice %arg15[%dma_start3A_454, %dma_start3A_455] : memref<32x128xf32, #tpu.memory_space<vmem>> -> memref<8x128xf32, #tpu.memory_space<vmem>>
    %dma_start3A_457 = arith.constant 16 : i32
    %dma_start3A_458 = tpu.memref_slice %arg2[%dma_start3A_457, %multiple_of3A_433] : memref<32x1000000xf32, #tpu.memory_space<hbm>> -> memref<8x128xf32, #tpu.memory_space<hbm>>
    %dma_start3A_459 = arith.constant 16 : i32
    %dma_start3A_460 = arith.constant 0 : i32
    %dma_start3A_461 = tpu.memref_slice %arg15[%dma_start3A_459, %dma_start3A_460] : memref<32x128xf32, #tpu.memory_space<vmem>> -> memref<8x128xf32, #tpu.memory_space<vmem>>
    %dma_start3A_462 = arith.constant 16 : i32
    %dma_start3A_463 = tpu.memref_slice %arg2[%dma_start3A_462, %multiple_of3A_433] : memref<32x1000000xf32, #tpu.memory_space<hbm>> -> memref<8x128xf32, #tpu.memory_space<hbm>>
    tpu.enqueue_dma source(%dma_start3A_463 : memref<8x128xf32, #tpu.memory_space<hbm>>) target(%dma_start3A_461 : memref<8x128xf32, #tpu.memory_space<vmem>>) target_semaphore(%arg24 : memref<!tpu.dma_semaphore, #tpu.memory_space<semaphore_mem>>)
    %dma_start3A_464 = arith.constant 24 : i32
    %dma_start3A_465 = arith.constant 0 : i32
    %dma_start3A_466 = tpu.memref_slice %arg15[%dma_start3A_464, %dma_start3A_465] : memref<32x128xf32, #tpu.memory_space<vmem>> -> memref<8x128xf32, #tpu.memory_space<vmem>>
    %dma_start3A_467 = arith.constant 24 : i32
    %dma_start3A_468 = tpu.memref_slice %arg2[%dma_start3A_467, %multiple_of3A_433] : memref<32x1000000xf32, #tpu.memory_space<hbm>> -> memref<8x128xf32, #tpu.memory_space<hbm>>
    %dma_start3A_469 = arith.constant 24 : i32
    %dma_start3A_470 = arith.constant 0 : i32
    %dma_start3A_471 = tpu.memref_slice %arg15[%dma_start3A_469, %dma_start3A_470] : memref<32x128xf32, #tpu.memory_space<vmem>> -> memref<8x128xf32, #tpu.memory_space<vmem>>
    %dma_start3A_472 = arith.constant 24 : i32
    %dma_start3A_473 = tpu.memref_slice %arg2[%dma_start3A_472, %multiple_of3A_433] : memref<32x1000000xf32, #tpu.memory_space<hbm>> -> memref<8x128xf32, #tpu.memory_space<hbm>>
    tpu.enqueue_dma source(%dma_start3A_473 : memref<8x128xf32, #tpu.memory_space<hbm>>) target(%dma_start3A_471 : memref<8x128xf32, #tpu.memory_space<vmem>>) target_semaphore(%arg24 : memref<!tpu.dma_semaphore, #tpu.memory_space<semaphore_mem>>)
    %slice3A_474 = vector.extract_strided_slice %get3A_8 {offsets = [10], sizes = [1], strides = [1]} : vector<16xi32> to vector<1xi32>
    %squeeze3A_475 = vector.extract %slice3A_474[0] : i32 from vector<1xi32>
    %shift_right_arithmetic3A_476 = arith.constant 7 : i32
    %shift_right_arithmetic3A_477 = arith.shrsi %squeeze3A_475, %shift_right_arithmetic3A_476 : i32
    %shift_left3A_478 = arith.constant 7 : i32
    %shift_left3A_479 = arith.shli %shift_right_arithmetic3A_477, %shift_left3A_478 : i32
    %multiple_of3A_480 = tpu.assume_multiple %shift_left3A_479, 128 : i32
    %dma_start3A_481 = arith.constant 0 : i32
    %dma_start3A_482 = arith.constant 0 : i32
    %dma_start3A_483 = tpu.memref_slice %arg16[%dma_start3A_481, %dma_start3A_482] : memref<32x128xf32, #tpu.memory_space<vmem>> -> memref<8x128xf32, #tpu.memory_space<vmem>>
    %dma_start3A_484 = arith.constant 0 : i32
    %dma_start3A_485 = tpu.memref_slice %arg2[%dma_start3A_484, %multiple_of3A_480] : memref<32x1000000xf32, #tpu.memory_space<hbm>> -> memref<8x128xf32, #tpu.memory_space<hbm>>
    %dma_start3A_486 = arith.constant 0 : i32
    %dma_start3A_487 = arith.constant 0 : i32
    %dma_start3A_488 = tpu.memref_slice %arg16[%dma_start3A_486, %dma_start3A_487] : memref<32x128xf32, #tpu.memory_space<vmem>> -> memref<8x128xf32, #tpu.memory_space<vmem>>
    %dma_start3A_489 = arith.constant 0 : i32
    %dma_start3A_490 = tpu.memref_slice %arg2[%dma_start3A_489, %multiple_of3A_480] : memref<32x1000000xf32, #tpu.memory_space<hbm>> -> memref<8x128xf32, #tpu.memory_space<hbm>>
    tpu.enqueue_dma source(%dma_start3A_490 : memref<8x128xf32, #tpu.memory_space<hbm>>) target(%dma_start3A_488 : memref<8x128xf32, #tpu.memory_space<vmem>>) target_semaphore(%arg24 : memref<!tpu.dma_semaphore, #tpu.memory_space<semaphore_mem>>)
    %dma_start3A_491 = arith.constant 8 : i32
    %dma_start3A_492 = arith.constant 0 : i32
    %dma_start3A_493 = tpu.memref_slice %arg16[%dma_start3A_491, %dma_start3A_492] : memref<32x128xf32, #tpu.memory_space<vmem>> -> memref<8x128xf32, #tpu.memory_space<vmem>>
    %dma_start3A_494 = arith.constant 8 : i32
    %dma_start3A_495 = tpu.memref_slice %arg2[%dma_start3A_494, %multiple_of3A_480] : memref<32x1000000xf32, #tpu.memory_space<hbm>> -> memref<8x128xf32, #tpu.memory_space<hbm>>
    %dma_start3A_496 = arith.constant 8 : i32
    %dma_start3A_497 = arith.constant 0 : i32
    %dma_start3A_498 = tpu.memref_slice %arg16[%dma_start3A_496, %dma_start3A_497] : memref<32x128xf32, #tpu.memory_space<vmem>> -> memref<8x128xf32, #tpu.memory_space<vmem>>
    %dma_start3A_499 = arith.constant 8 : i32
    %dma_start3A_500 = tpu.memref_slice %arg2[%dma_start3A_499, %multiple_of3A_480] : memref<32x1000000xf32, #tpu.memory_space<hbm>> -> memref<8x128xf32, #tpu.memory_space<hbm>>
    tpu.enqueue_dma source(%dma_start3A_500 : memref<8x128xf32, #tpu.memory_space<hbm>>) target(%dma_start3A_498 : memref<8x128xf32, #tpu.memory_space<vmem>>) target_semaphore(%arg24 : memref<!tpu.dma_semaphore, #tpu.memory_space<semaphore_mem>>)
    %dma_start3A_501 = arith.constant 16 : i32
    %dma_start3A_502 = arith.constant 0 : i32
    %dma_start3A_503 = tpu.memref_slice %arg16[%dma_start3A_501, %dma_start3A_502] : memref<32x128xf32, #tpu.memory_space<vmem>> -> memref<8x128xf32, #tpu.memory_space<vmem>>
    %dma_start3A_504 = arith.constant 16 : i32
    %dma_start3A_505 = tpu.memref_slice %arg2[%dma_start3A_504, %multiple_of3A_480] : memref<32x1000000xf32, #tpu.memory_space<hbm>> -> memref<8x128xf32, #tpu.memory_space<hbm>>
    %dma_start3A_506 = arith.constant 16 : i32
    %dma_start3A_507 = arith.constant 0 : i32
    %dma_start3A_508 = tpu.memref_slice %arg16[%dma_start3A_506, %dma_start3A_507] : memref<32x128xf32, #tpu.memory_space<vmem>> -> memref<8x128xf32, #tpu.memory_space<vmem>>
    %dma_start3A_509 = arith.constant 16 : i32
    %dma_start3A_510 = tpu.memref_slice %arg2[%dma_start3A_509, %multiple_of3A_480] : memref<32x1000000xf32, #tpu.memory_space<hbm>> -> memref<8x128xf32, #tpu.memory_space<hbm>>
    tpu.enqueue_dma source(%dma_start3A_510 : memref<8x128xf32, #tpu.memory_space<hbm>>) target(%dma_start3A_508 : memref<8x128xf32, #tpu.memory_space<vmem>>) target_semaphore(%arg24 : memref<!tpu.dma_semaphore, #tpu.memory_space<semaphore_mem>>)
    %dma_start3A_511 = arith.constant 24 : i32
    %dma_start3A_512 = arith.constant 0 : i32
    %dma_start3A_513 = tpu.memref_slice %arg16[%dma_start3A_511, %dma_start3A_512] : memref<32x128xf32, #tpu.memory_space<vmem>> -> memref<8x128xf32, #tpu.memory_space<vmem>>
    %dma_start3A_514 = arith.constant 24 : i32
    %dma_start3A_515 = tpu.memref_slice %arg2[%dma_start3A_514, %multiple_of3A_480] : memref<32x1000000xf32, #tpu.memory_space<hbm>> -> memref<8x128xf32, #tpu.memory_space<hbm>>
    %dma_start3A_516 = arith.constant 24 : i32
    %dma_start3A_517 = arith.constant 0 : i32
    %dma_start3A_518 = tpu.memref_slice %arg16[%dma_start3A_516, %dma_start3A_517] : memref<32x128xf32, #tpu.memory_space<vmem>> -> memref<8x128xf32, #tpu.memory_space<vmem>>
    %dma_start3A_519 = arith.constant 24 : i32
    %dma_start3A_520 = tpu.memref_slice %arg2[%dma_start3A_519, %multiple_of3A_480] : memref<32x1000000xf32, #tpu.memory_space<hbm>> -> memref<8x128xf32, #tpu.memory_space<hbm>>
    tpu.enqueue_dma source(%dma_start3A_520 : memref<8x128xf32, #tpu.memory_space<hbm>>) target(%dma_start3A_518 : memref<8x128xf32, #tpu.memory_space<vmem>>) target_semaphore(%arg24 : memref<!tpu.dma_semaphore, #tpu.memory_space<semaphore_mem>>)
    %slice3A_521 = vector.extract_strided_slice %get3A_8 {offsets = [11], sizes = [1], strides = [1]} : vector<16xi32> to vector<1xi32>
    %squeeze3A_522 = vector.extract %slice3A_521[0] : i32 from vector<1xi32>
    %shift_right_arithmetic3A_523 = arith.constant 7 : i32
    %shift_right_arithmetic3A_524 = arith.shrsi %squeeze3A_522, %shift_right_arithmetic3A_523 : i32
    %shift_left3A_525 = arith.constant 7 : i32
    %shift_left3A_526 = arith.shli %shift_right_arithmetic3A_524, %shift_left3A_525 : i32
    %multiple_of3A_527 = tpu.assume_multiple %shift_left3A_526, 128 : i32
    %dma_start3A_528 = arith.constant 0 : i32
    %dma_start3A_529 = arith.constant 0 : i32
    %dma_start3A_530 = tpu.memref_slice %arg17[%dma_start3A_528, %dma_start3A_529] : memref<32x128xf32, #tpu.memory_space<vmem>> -> memref<8x128xf32, #tpu.memory_space<vmem>>
    %dma_start3A_531 = arith.constant 0 : i32
    %dma_start3A_532 = tpu.memref_slice %arg2[%dma_start3A_531, %multiple_of3A_527] : memref<32x1000000xf32, #tpu.memory_space<hbm>> -> memref<8x128xf32, #tpu.memory_space<hbm>>
    %dma_start3A_533 = arith.constant 0 : i32
    %dma_start3A_534 = arith.constant 0 : i32
    %dma_start3A_535 = tpu.memref_slice %arg17[%dma_start3A_533, %dma_start3A_534] : memref<32x128xf32, #tpu.memory_space<vmem>> -> memref<8x128xf32, #tpu.memory_space<vmem>>
    %dma_start3A_536 = arith.constant 0 : i32
    %dma_start3A_537 = tpu.memref_slice %arg2[%dma_start3A_536, %multiple_of3A_527] : memref<32x1000000xf32, #tpu.memory_space<hbm>> -> memref<8x128xf32, #tpu.memory_space<hbm>>
    tpu.enqueue_dma source(%dma_start3A_537 : memref<8x128xf32, #tpu.memory_space<hbm>>) target(%dma_start3A_535 : memref<8x128xf32, #tpu.memory_space<vmem>>) target_semaphore(%arg24 : memref<!tpu.dma_semaphore, #tpu.memory_space<semaphore_mem>>)
    %dma_start3A_538 = arith.constant 8 : i32
    %dma_start3A_539 = arith.constant 0 : i32
    %dma_start3A_540 = tpu.memref_slice %arg17[%dma_start3A_538, %dma_start3A_539] : memref<32x128xf32, #tpu.memory_space<vmem>> -> memref<8x128xf32, #tpu.memory_space<vmem>>
    %dma_start3A_541 = arith.constant 8 : i32
    %dma_start3A_542 = tpu.memref_slice %arg2[%dma_start3A_541, %multiple_of3A_527] : memref<32x1000000xf32, #tpu.memory_space<hbm>> -> memref<8x128xf32, #tpu.memory_space<hbm>>
    %dma_start3A_543 = arith.constant 8 : i32
    %dma_start3A_544 = arith.constant 0 : i32
    %dma_start3A_545 = tpu.memref_slice %arg17[%dma_start3A_543, %dma_start3A_544] : memref<32x128xf32, #tpu.memory_space<vmem>> -> memref<8x128xf32, #tpu.memory_space<vmem>>
    %dma_start3A_546 = arith.constant 8 : i32
    %dma_start3A_547 = tpu.memref_slice %arg2[%dma_start3A_546, %multiple_of3A_527] : memref<32x1000000xf32, #tpu.memory_space<hbm>> -> memref<8x128xf32, #tpu.memory_space<hbm>>
    tpu.enqueue_dma source(%dma_start3A_547 : memref<8x128xf32, #tpu.memory_space<hbm>>) target(%dma_start3A_545 : memref<8x128xf32, #tpu.memory_space<vmem>>) target_semaphore(%arg24 : memref<!tpu.dma_semaphore, #tpu.memory_space<semaphore_mem>>)
    %dma_start3A_548 = arith.constant 16 : i32
    %dma_start3A_549 = arith.constant 0 : i32
    %dma_start3A_550 = tpu.memref_slice %arg17[%dma_start3A_548, %dma_start3A_549] : memref<32x128xf32, #tpu.memory_space<vmem>> -> memref<8x128xf32, #tpu.memory_space<vmem>>
    %dma_start3A_551 = arith.constant 16 : i32
    %dma_start3A_552 = tpu.memref_slice %arg2[%dma_start3A_551, %multiple_of3A_527] : memref<32x1000000xf32, #tpu.memory_space<hbm>> -> memref<8x128xf32, #tpu.memory_space<hbm>>
    %dma_start3A_553 = arith.constant 16 : i32
    %dma_start3A_554 = arith.constant 0 : i32
    %dma_start3A_555 = tpu.memref_slice %arg17[%dma_start3A_553, %dma_start3A_554] : memref<32x128xf32, #tpu.memory_space<vmem>> -> memref<8x128xf32, #tpu.memory_space<vmem>>
    %dma_start3A_556 = arith.constant 16 : i32
    %dma_start3A_557 = tpu.memref_slice %arg2[%dma_start3A_556, %multiple_of3A_527] : memref<32x1000000xf32, #tpu.memory_space<hbm>> -> memref<8x128xf32, #tpu.memory_space<hbm>>
    tpu.enqueue_dma source(%dma_start3A_557 : memref<8x128xf32, #tpu.memory_space<hbm>>) target(%dma_start3A_555 : memref<8x128xf32, #tpu.memory_space<vmem>>) target_semaphore(%arg24 : memref<!tpu.dma_semaphore, #tpu.memory_space<semaphore_mem>>)
    %dma_start3A_558 = arith.constant 24 : i32
    %dma_start3A_559 = arith.constant 0 : i32
    %dma_start3A_560 = tpu.memref_slice %arg17[%dma_start3A_558, %dma_start3A_559] : memref<32x128xf32, #tpu.memory_space<vmem>> -> memref<8x128xf32, #tpu.memory_space<vmem>>
    %dma_start3A_561 = arith.constant 24 : i32
    %dma_start3A_562 = tpu.memref_slice %arg2[%dma_start3A_561, %multiple_of3A_527] : memref<32x1000000xf32, #tpu.memory_space<hbm>> -> memref<8x128xf32, #tpu.memory_space<hbm>>
    %dma_start3A_563 = arith.constant 24 : i32
    %dma_start3A_564 = arith.constant 0 : i32
    %dma_start3A_565 = tpu.memref_slice %arg17[%dma_start3A_563, %dma_start3A_564] : memref<32x128xf32, #tpu.memory_space<vmem>> -> memref<8x128xf32, #tpu.memory_space<vmem>>
    %dma_start3A_566 = arith.constant 24 : i32
    %dma_start3A_567 = tpu.memref_slice %arg2[%dma_start3A_566, %multiple_of3A_527] : memref<32x1000000xf32, #tpu.memory_space<hbm>> -> memref<8x128xf32, #tpu.memory_space<hbm>>
    tpu.enqueue_dma source(%dma_start3A_567 : memref<8x128xf32, #tpu.memory_space<hbm>>) target(%dma_start3A_565 : memref<8x128xf32, #tpu.memory_space<vmem>>) target_semaphore(%arg24 : memref<!tpu.dma_semaphore, #tpu.memory_space<semaphore_mem>>)
    %slice3A_568 = vector.extract_strided_slice %get3A_8 {offsets = [12], sizes = [1], strides = [1]} : vector<16xi32> to vector<1xi32>
    %squeeze3A_569 = vector.extract %slice3A_568[0] : i32 from vector<1xi32>
    %shift_right_arithmetic3A_570 = arith.constant 7 : i32
    %shift_right_arithmetic3A_571 = arith.shrsi %squeeze3A_569, %shift_right_arithmetic3A_570 : i32
    %shift_left3A_572 = arith.constant 7 : i32
    %shift_left3A_573 = arith.shli %shift_right_arithmetic3A_571, %shift_left3A_572 : i32
    %multiple_of3A_574 = tpu.assume_multiple %shift_left3A_573, 128 : i32
    %dma_start3A_575 = arith.constant 0 : i32
    %dma_start3A_576 = arith.constant 0 : i32
    %dma_start3A_577 = tpu.memref_slice %arg18[%dma_start3A_575, %dma_start3A_576] : memref<32x128xf32, #tpu.memory_space<vmem>> -> memref<8x128xf32, #tpu.memory_space<vmem>>
    %dma_start3A_578 = arith.constant 0 : i32
    %dma_start3A_579 = tpu.memref_slice %arg2[%dma_start3A_578, %multiple_of3A_574] : memref<32x1000000xf32, #tpu.memory_space<hbm>> -> memref<8x128xf32, #tpu.memory_space<hbm>>
    %dma_start3A_580 = arith.constant 0 : i32
    %dma_start3A_581 = arith.constant 0 : i32
    %dma_start3A_582 = tpu.memref_slice %arg18[%dma_start3A_580, %dma_start3A_581] : memref<32x128xf32, #tpu.memory_space<vmem>> -> memref<8x128xf32, #tpu.memory_space<vmem>>
    %dma_start3A_583 = arith.constant 0 : i32
    %dma_start3A_584 = tpu.memref_slice %arg2[%dma_start3A_583, %multiple_of3A_574] : memref<32x1000000xf32, #tpu.memory_space<hbm>> -> memref<8x128xf32, #tpu.memory_space<hbm>>
    tpu.enqueue_dma source(%dma_start3A_584 : memref<8x128xf32, #tpu.memory_space<hbm>>) target(%dma_start3A_582 : memref<8x128xf32, #tpu.memory_space<vmem>>) target_semaphore(%arg24 : memref<!tpu.dma_semaphore, #tpu.memory_space<semaphore_mem>>)
    %dma_start3A_585 = arith.constant 8 : i32
    %dma_start3A_586 = arith.constant 0 : i32
    %dma_start3A_587 = tpu.memref_slice %arg18[%dma_start3A_585, %dma_start3A_586] : memref<32x128xf32, #tpu.memory_space<vmem>> -> memref<8x128xf32, #tpu.memory_space<vmem>>
    %dma_start3A_588 = arith.constant 8 : i32
    %dma_start3A_589 = tpu.memref_slice %arg2[%dma_start3A_588, %multiple_of3A_574] : memref<32x1000000xf32, #tpu.memory_space<hbm>> -> memref<8x128xf32, #tpu.memory_space<hbm>>
    %dma_start3A_590 = arith.constant 8 : i32
    %dma_start3A_591 = arith.constant 0 : i32
    %dma_start3A_592 = tpu.memref_slice %arg18[%dma_start3A_590, %dma_start3A_591] : memref<32x128xf32, #tpu.memory_space<vmem>> -> memref<8x128xf32, #tpu.memory_space<vmem>>
    %dma_start3A_593 = arith.constant 8 : i32
    %dma_start3A_594 = tpu.memref_slice %arg2[%dma_start3A_593, %multiple_of3A_574] : memref<32x1000000xf32, #tpu.memory_space<hbm>> -> memref<8x128xf32, #tpu.memory_space<hbm>>
    tpu.enqueue_dma source(%dma_start3A_594 : memref<8x128xf32, #tpu.memory_space<hbm>>) target(%dma_start3A_592 : memref<8x128xf32, #tpu.memory_space<vmem>>) target_semaphore(%arg24 : memref<!tpu.dma_semaphore, #tpu.memory_space<semaphore_mem>>)
    %dma_start3A_595 = arith.constant 16 : i32
    %dma_start3A_596 = arith.constant 0 : i32
    %dma_start3A_597 = tpu.memref_slice %arg18[%dma_start3A_595, %dma_start3A_596] : memref<32x128xf32, #tpu.memory_space<vmem>> -> memref<8x128xf32, #tpu.memory_space<vmem>>
    %dma_start3A_598 = arith.constant 16 : i32
    %dma_start3A_599 = tpu.memref_slice %arg2[%dma_start3A_598, %multiple_of3A_574] : memref<32x1000000xf32, #tpu.memory_space<hbm>> -> memref<8x128xf32, #tpu.memory_space<hbm>>
    %dma_start3A_600 = arith.constant 16 : i32
    %dma_start3A_601 = arith.constant 0 : i32
    %dma_start3A_602 = tpu.memref_slice %arg18[%dma_start3A_600, %dma_start3A_601] : memref<32x128xf32, #tpu.memory_space<vmem>> -> memref<8x128xf32, #tpu.memory_space<vmem>>
    %dma_start3A_603 = arith.constant 16 : i32
    %dma_start3A_604 = tpu.memref_slice %arg2[%dma_start3A_603, %multiple_of3A_574] : memref<32x1000000xf32, #tpu.memory_space<hbm>> -> memref<8x128xf32, #tpu.memory_space<hbm>>
    tpu.enqueue_dma source(%dma_start3A_604 : memref<8x128xf32, #tpu.memory_space<hbm>>) target(%dma_start3A_602 : memref<8x128xf32, #tpu.memory_space<vmem>>) target_semaphore(%arg24 : memref<!tpu.dma_semaphore, #tpu.memory_space<semaphore_mem>>)
    %dma_start3A_605 = arith.constant 24 : i32
    %dma_start3A_606 = arith.constant 0 : i32
    %dma_start3A_607 = tpu.memref_slice %arg18[%dma_start3A_605, %dma_start3A_606] : memref<32x128xf32, #tpu.memory_space<vmem>> -> memref<8x128xf32, #tpu.memory_space<vmem>>
    %dma_start3A_608 = arith.constant 24 : i32
    %dma_start3A_609 = tpu.memref_slice %arg2[%dma_start3A_608, %multiple_of3A_574] : memref<32x1000000xf32, #tpu.memory_space<hbm>> -> memref<8x128xf32, #tpu.memory_space<hbm>>
    %dma_start3A_610 = arith.constant 24 : i32
    %dma_start3A_611 = arith.constant 0 : i32
    %dma_start3A_612 = tpu.memref_slice %arg18[%dma_start3A_610, %dma_start3A_611] : memref<32x128xf32, #tpu.memory_space<vmem>> -> memref<8x128xf32, #tpu.memory_space<vmem>>
    %dma_start3A_613 = arith.constant 24 : i32
    %dma_start3A_614 = tpu.memref_slice %arg2[%dma_start3A_613, %multiple_of3A_574] : memref<32x1000000xf32, #tpu.memory_space<hbm>> -> memref<8x128xf32, #tpu.memory_space<hbm>>
    tpu.enqueue_dma source(%dma_start3A_614 : memref<8x128xf32, #tpu.memory_space<hbm>>) target(%dma_start3A_612 : memref<8x128xf32, #tpu.memory_space<vmem>>) target_semaphore(%arg24 : memref<!tpu.dma_semaphore, #tpu.memory_space<semaphore_mem>>)
    %slice3A_615 = vector.extract_strided_slice %get3A_8 {offsets = [13], sizes = [1], strides = [1]} : vector<16xi32> to vector<1xi32>
    %squeeze3A_616 = vector.extract %slice3A_615[0] : i32 from vector<1xi32>
    %shift_right_arithmetic3A_617 = arith.constant 7 : i32
    %shift_right_arithmetic3A_618 = arith.shrsi %squeeze3A_616, %shift_right_arithmetic3A_617 : i32
    %shift_left3A_619 = arith.constant 7 : i32
    %shift_left3A_620 = arith.shli %shift_right_arithmetic3A_618, %shift_left3A_619 : i32
    %multiple_of3A_621 = tpu.assume_multiple %shift_left3A_620, 128 : i32
    %dma_start3A_622 = arith.constant 0 : i32
    %dma_start3A_623 = arith.constant 0 : i32
    %dma_start3A_624 = tpu.memref_slice %arg19[%dma_start3A_622, %dma_start3A_623] : memref<32x128xf32, #tpu.memory_space<vmem>> -> memref<8x128xf32, #tpu.memory_space<vmem>>
    %dma_start3A_625 = arith.constant 0 : i32
    %dma_start3A_626 = tpu.memref_slice %arg2[%dma_start3A_625, %multiple_of3A_621] : memref<32x1000000xf32, #tpu.memory_space<hbm>> -> memref<8x128xf32, #tpu.memory_space<hbm>>
    %dma_start3A_627 = arith.constant 0 : i32
    %dma_start3A_628 = arith.constant 0 : i32
    %dma_start3A_629 = tpu.memref_slice %arg19[%dma_start3A_627, %dma_start3A_628] : memref<32x128xf32, #tpu.memory_space<vmem>> -> memref<8x128xf32, #tpu.memory_space<vmem>>
    %dma_start3A_630 = arith.constant 0 : i32
    %dma_start3A_631 = tpu.memref_slice %arg2[%dma_start3A_630, %multiple_of3A_621] : memref<32x1000000xf32, #tpu.memory_space<hbm>> -> memref<8x128xf32, #tpu.memory_space<hbm>>
    tpu.enqueue_dma source(%dma_start3A_631 : memref<8x128xf32, #tpu.memory_space<hbm>>) target(%dma_start3A_629 : memref<8x128xf32, #tpu.memory_space<vmem>>) target_semaphore(%arg24 : memref<!tpu.dma_semaphore, #tpu.memory_space<semaphore_mem>>)
    %dma_start3A_632 = arith.constant 8 : i32
    %dma_start3A_633 = arith.constant 0 : i32
    %dma_start3A_634 = tpu.memref_slice %arg19[%dma_start3A_632, %dma_start3A_633] : memref<32x128xf32, #tpu.memory_space<vmem>> -> memref<8x128xf32, #tpu.memory_space<vmem>>
    %dma_start3A_635 = arith.constant 8 : i32
    %dma_start3A_636 = tpu.memref_slice %arg2[%dma_start3A_635, %multiple_of3A_621] : memref<32x1000000xf32, #tpu.memory_space<hbm>> -> memref<8x128xf32, #tpu.memory_space<hbm>>
    %dma_start3A_637 = arith.constant 8 : i32
    %dma_start3A_638 = arith.constant 0 : i32
    %dma_start3A_639 = tpu.memref_slice %arg19[%dma_start3A_637, %dma_start3A_638] : memref<32x128xf32, #tpu.memory_space<vmem>> -> memref<8x128xf32, #tpu.memory_space<vmem>>
    %dma_start3A_640 = arith.constant 8 : i32
    %dma_start3A_641 = tpu.memref_slice %arg2[%dma_start3A_640, %multiple_of3A_621] : memref<32x1000000xf32, #tpu.memory_space<hbm>> -> memref<8x128xf32, #tpu.memory_space<hbm>>
    tpu.enqueue_dma source(%dma_start3A_641 : memref<8x128xf32, #tpu.memory_space<hbm>>) target(%dma_start3A_639 : memref<8x128xf32, #tpu.memory_space<vmem>>) target_semaphore(%arg24 : memref<!tpu.dma_semaphore, #tpu.memory_space<semaphore_mem>>)
    %dma_start3A_642 = arith.constant 16 : i32
    %dma_start3A_643 = arith.constant 0 : i32
    %dma_start3A_644 = tpu.memref_slice %arg19[%dma_start3A_642, %dma_start3A_643] : memref<32x128xf32, #tpu.memory_space<vmem>> -> memref<8x128xf32, #tpu.memory_space<vmem>>
    %dma_start3A_645 = arith.constant 16 : i32
    %dma_start3A_646 = tpu.memref_slice %arg2[%dma_start3A_645, %multiple_of3A_621] : memref<32x1000000xf32, #tpu.memory_space<hbm>> -> memref<8x128xf32, #tpu.memory_space<hbm>>
    %dma_start3A_647 = arith.constant 16 : i32
    %dma_start3A_648 = arith.constant 0 : i32
    %dma_start3A_649 = tpu.memref_slice %arg19[%dma_start3A_647, %dma_start3A_648] : memref<32x128xf32, #tpu.memory_space<vmem>> -> memref<8x128xf32, #tpu.memory_space<vmem>>
    %dma_start3A_650 = arith.constant 16 : i32
    %dma_start3A_651 = tpu.memref_slice %arg2[%dma_start3A_650, %multiple_of3A_621] : memref<32x1000000xf32, #tpu.memory_space<hbm>> -> memref<8x128xf32, #tpu.memory_space<hbm>>
    tpu.enqueue_dma source(%dma_start3A_651 : memref<8x128xf32, #tpu.memory_space<hbm>>) target(%dma_start3A_649 : memref<8x128xf32, #tpu.memory_space<vmem>>) target_semaphore(%arg24 : memref<!tpu.dma_semaphore, #tpu.memory_space<semaphore_mem>>)
    %dma_start3A_652 = arith.constant 24 : i32
    %dma_start3A_653 = arith.constant 0 : i32
    %dma_start3A_654 = tpu.memref_slice %arg19[%dma_start3A_652, %dma_start3A_653] : memref<32x128xf32, #tpu.memory_space<vmem>> -> memref<8x128xf32, #tpu.memory_space<vmem>>
    %dma_start3A_655 = arith.constant 24 : i32
    %dma_start3A_656 = tpu.memref_slice %arg2[%dma_start3A_655, %multiple_of3A_621] : memref<32x1000000xf32, #tpu.memory_space<hbm>> -> memref<8x128xf32, #tpu.memory_space<hbm>>
    %dma_start3A_657 = arith.constant 24 : i32
    %dma_start3A_658 = arith.constant 0 : i32
    %dma_start3A_659 = tpu.memref_slice %arg19[%dma_start3A_657, %dma_start3A_658] : memref<32x128xf32, #tpu.memory_space<vmem>> -> memref<8x128xf32, #tpu.memory_space<vmem>>
    %dma_start3A_660 = arith.constant 24 : i32
    %dma_start3A_661 = tpu.memref_slice %arg2[%dma_start3A_660, %multiple_of3A_621] : memref<32x1000000xf32, #tpu.memory_space<hbm>> -> memref<8x128xf32, #tpu.memory_space<hbm>>
    tpu.enqueue_dma source(%dma_start3A_661 : memref<8x128xf32, #tpu.memory_space<hbm>>) target(%dma_start3A_659 : memref<8x128xf32, #tpu.memory_space<vmem>>) target_semaphore(%arg24 : memref<!tpu.dma_semaphore, #tpu.memory_space<semaphore_mem>>)
    %slice3A_662 = vector.extract_strided_slice %get3A_8 {offsets = [14], sizes = [1], strides = [1]} : vector<16xi32> to vector<1xi32>
    %squeeze3A_663 = vector.extract %slice3A_662[0] : i32 from vector<1xi32>
    %shift_right_arithmetic3A_664 = arith.constant 7 : i32
    %shift_right_arithmetic3A_665 = arith.shrsi %squeeze3A_663, %shift_right_arithmetic3A_664 : i32
    %shift_left3A_666 = arith.constant 7 : i32
    %shift_left3A_667 = arith.shli %shift_right_arithmetic3A_665, %shift_left3A_666 : i32
    %multiple_of3A_668 = tpu.assume_multiple %shift_left3A_667, 128 : i32
    %dma_start3A_669 = arith.constant 0 : i32
    %dma_start3A_670 = arith.constant 0 : i32
    %dma_start3A_671 = tpu.memref_slice %arg20[%dma_start3A_669, %dma_start3A_670] : memref<32x128xf32, #tpu.memory_space<vmem>> -> memref<8x128xf32, #tpu.memory_space<vmem>>
    %dma_start3A_672 = arith.constant 0 : i32
    %dma_start3A_673 = tpu.memref_slice %arg2[%dma_start3A_672, %multiple_of3A_668] : memref<32x1000000xf32, #tpu.memory_space<hbm>> -> memref<8x128xf32, #tpu.memory_space<hbm>>
    %dma_start3A_674 = arith.constant 0 : i32
    %dma_start3A_675 = arith.constant 0 : i32
    %dma_start3A_676 = tpu.memref_slice %arg20[%dma_start3A_674, %dma_start3A_675] : memref<32x128xf32, #tpu.memory_space<vmem>> -> memref<8x128xf32, #tpu.memory_space<vmem>>
    %dma_start3A_677 = arith.constant 0 : i32
    %dma_start3A_678 = tpu.memref_slice %arg2[%dma_start3A_677, %multiple_of3A_668] : memref<32x1000000xf32, #tpu.memory_space<hbm>> -> memref<8x128xf32, #tpu.memory_space<hbm>>
    tpu.enqueue_dma source(%dma_start3A_678 : memref<8x128xf32, #tpu.memory_space<hbm>>) target(%dma_start3A_676 : memref<8x128xf32, #tpu.memory_space<vmem>>) target_semaphore(%arg24 : memref<!tpu.dma_semaphore, #tpu.memory_space<semaphore_mem>>)
    %dma_start3A_679 = arith.constant 8 : i32
    %dma_start3A_680 = arith.constant 0 : i32
    %dma_start3A_681 = tpu.memref_slice %arg20[%dma_start3A_679, %dma_start3A_680] : memref<32x128xf32, #tpu.memory_space<vmem>> -> memref<8x128xf32, #tpu.memory_space<vmem>>
    %dma_start3A_682 = arith.constant 8 : i32
    %dma_start3A_683 = tpu.memref_slice %arg2[%dma_start3A_682, %multiple_of3A_668] : memref<32x1000000xf32, #tpu.memory_space<hbm>> -> memref<8x128xf32, #tpu.memory_space<hbm>>
    %dma_start3A_684 = arith.constant 8 : i32
    %dma_start3A_685 = arith.constant 0 : i32
    %dma_start3A_686 = tpu.memref_slice %arg20[%dma_start3A_684, %dma_start3A_685] : memref<32x128xf32, #tpu.memory_space<vmem>> -> memref<8x128xf32, #tpu.memory_space<vmem>>
    %dma_start3A_687 = arith.constant 8 : i32
    %dma_start3A_688 = tpu.memref_slice %arg2[%dma_start3A_687, %multiple_of3A_668] : memref<32x1000000xf32, #tpu.memory_space<hbm>> -> memref<8x128xf32, #tpu.memory_space<hbm>>
    tpu.enqueue_dma source(%dma_start3A_688 : memref<8x128xf32, #tpu.memory_space<hbm>>) target(%dma_start3A_686 : memref<8x128xf32, #tpu.memory_space<vmem>>) target_semaphore(%arg24 : memref<!tpu.dma_semaphore, #tpu.memory_space<semaphore_mem>>)
    %dma_start3A_689 = arith.constant 16 : i32
    %dma_start3A_690 = arith.constant 0 : i32
    %dma_start3A_691 = tpu.memref_slice %arg20[%dma_start3A_689, %dma_start3A_690] : memref<32x128xf32, #tpu.memory_space<vmem>> -> memref<8x128xf32, #tpu.memory_space<vmem>>
    %dma_start3A_692 = arith.constant 16 : i32
    %dma_start3A_693 = tpu.memref_slice %arg2[%dma_start3A_692, %multiple_of3A_668] : memref<32x1000000xf32, #tpu.memory_space<hbm>> -> memref<8x128xf32, #tpu.memory_space<hbm>>
    %dma_start3A_694 = arith.constant 16 : i32
    %dma_start3A_695 = arith.constant 0 : i32
    %dma_start3A_696 = tpu.memref_slice %arg20[%dma_start3A_694, %dma_start3A_695] : memref<32x128xf32, #tpu.memory_space<vmem>> -> memref<8x128xf32, #tpu.memory_space<vmem>>
    %dma_start3A_697 = arith.constant 16 : i32
    %dma_start3A_698 = tpu.memref_slice %arg2[%dma_start3A_697, %multiple_of3A_668] : memref<32x1000000xf32, #tpu.memory_space<hbm>> -> memref<8x128xf32, #tpu.memory_space<hbm>>
    tpu.enqueue_dma source(%dma_start3A_698 : memref<8x128xf32, #tpu.memory_space<hbm>>) target(%dma_start3A_696 : memref<8x128xf32, #tpu.memory_space<vmem>>) target_semaphore(%arg24 : memref<!tpu.dma_semaphore, #tpu.memory_space<semaphore_mem>>)
    %dma_start3A_699 = arith.constant 24 : i32
    %dma_start3A_700 = arith.constant 0 : i32
    %dma_start3A_701 = tpu.memref_slice %arg20[%dma_start3A_699, %dma_start3A_700] : memref<32x128xf32, #tpu.memory_space<vmem>> -> memref<8x128xf32, #tpu.memory_space<vmem>>
    %dma_start3A_702 = arith.constant 24 : i32
    %dma_start3A_703 = tpu.memref_slice %arg2[%dma_start3A_702, %multiple_of3A_668] : memref<32x1000000xf32, #tpu.memory_space<hbm>> -> memref<8x128xf32, #tpu.memory_space<hbm>>
    %dma_start3A_704 = arith.constant 24 : i32
    %dma_start3A_705 = arith.constant 0 : i32
    %dma_start3A_706 = tpu.memref_slice %arg20[%dma_start3A_704, %dma_start3A_705] : memref<32x128xf32, #tpu.memory_space<vmem>> -> memref<8x128xf32, #tpu.memory_space<vmem>>
    %dma_start3A_707 = arith.constant 24 : i32
    %dma_start3A_708 = tpu.memref_slice %arg2[%dma_start3A_707, %multiple_of3A_668] : memref<32x1000000xf32, #tpu.memory_space<hbm>> -> memref<8x128xf32, #tpu.memory_space<hbm>>
    tpu.enqueue_dma source(%dma_start3A_708 : memref<8x128xf32, #tpu.memory_space<hbm>>) target(%dma_start3A_706 : memref<8x128xf32, #tpu.memory_space<vmem>>) target_semaphore(%arg24 : memref<!tpu.dma_semaphore, #tpu.memory_space<semaphore_mem>>)
    %slice3A_709 = vector.extract_strided_slice %get3A_8 {offsets = [15], sizes = [1], strides = [1]} : vector<16xi32> to vector<1xi32>
    %squeeze3A_710 = vector.extract %slice3A_709[0] : i32 from vector<1xi32>
    %shift_right_arithmetic3A_711 = arith.constant 7 : i32
    %shift_right_arithmetic3A_712 = arith.shrsi %squeeze3A_710, %shift_right_arithmetic3A_711 : i32
    %shift_left3A_713 = arith.constant 7 : i32
    %shift_left3A_714 = arith.shli %shift_right_arithmetic3A_712, %shift_left3A_713 : i32
    %multiple_of3A_715 = tpu.assume_multiple %shift_left3A_714, 128 : i32
    %dma_start3A_716 = arith.constant 0 : i32
    %dma_start3A_717 = arith.constant 0 : i32
    %dma_start3A_718 = tpu.memref_slice %arg21[%dma_start3A_716, %dma_start3A_717] : memref<32x128xf32, #tpu.memory_space<vmem>> -> memref<8x128xf32, #tpu.memory_space<vmem>>
    %dma_start3A_719 = arith.constant 0 : i32
    %dma_start3A_720 = tpu.memref_slice %arg2[%dma_start3A_719, %multiple_of3A_715] : memref<32x1000000xf32, #tpu.memory_space<hbm>> -> memref<8x128xf32, #tpu.memory_space<hbm>>
    %dma_start3A_721 = arith.constant 0 : i32
    %dma_start3A_722 = arith.constant 0 : i32
    %dma_start3A_723 = tpu.memref_slice %arg21[%dma_start3A_721, %dma_start3A_722] : memref<32x128xf32, #tpu.memory_space<vmem>> -> memref<8x128xf32, #tpu.memory_space<vmem>>
    %dma_start3A_724 = arith.constant 0 : i32
    %dma_start3A_725 = tpu.memref_slice %arg2[%dma_start3A_724, %multiple_of3A_715] : memref<32x1000000xf32, #tpu.memory_space<hbm>> -> memref<8x128xf32, #tpu.memory_space<hbm>>
    tpu.enqueue_dma source(%dma_start3A_725 : memref<8x128xf32, #tpu.memory_space<hbm>>) target(%dma_start3A_723 : memref<8x128xf32, #tpu.memory_space<vmem>>) target_semaphore(%arg24 : memref<!tpu.dma_semaphore, #tpu.memory_space<semaphore_mem>>)
    %dma_start3A_726 = arith.constant 8 : i32
    %dma_start3A_727 = arith.constant 0 : i32
    %dma_start3A_728 = tpu.memref_slice %arg21[%dma_start3A_726, %dma_start3A_727] : memref<32x128xf32, #tpu.memory_space<vmem>> -> memref<8x128xf32, #tpu.memory_space<vmem>>
    %dma_start3A_729 = arith.constant 8 : i32
    %dma_start3A_730 = tpu.memref_slice %arg2[%dma_start3A_729, %multiple_of3A_715] : memref<32x1000000xf32, #tpu.memory_space<hbm>> -> memref<8x128xf32, #tpu.memory_space<hbm>>
    %dma_start3A_731 = arith.constant 8 : i32
    %dma_start3A_732 = arith.constant 0 : i32
    %dma_start3A_733 = tpu.memref_slice %arg21[%dma_start3A_731, %dma_start3A_732] : memref<32x128xf32, #tpu.memory_space<vmem>> -> memref<8x128xf32, #tpu.memory_space<vmem>>
    %dma_start3A_734 = arith.constant 8 : i32
    %dma_start3A_735 = tpu.memref_slice %arg2[%dma_start3A_734, %multiple_of3A_715] : memref<32x1000000xf32, #tpu.memory_space<hbm>> -> memref<8x128xf32, #tpu.memory_space<hbm>>
    tpu.enqueue_dma source(%dma_start3A_735 : memref<8x128xf32, #tpu.memory_space<hbm>>) target(%dma_start3A_733 : memref<8x128xf32, #tpu.memory_space<vmem>>) target_semaphore(%arg24 : memref<!tpu.dma_semaphore, #tpu.memory_space<semaphore_mem>>)
    %dma_start3A_736 = arith.constant 16 : i32
    %dma_start3A_737 = arith.constant 0 : i32
    %dma_start3A_738 = tpu.memref_slice %arg21[%dma_start3A_736, %dma_start3A_737] : memref<32x128xf32, #tpu.memory_space<vmem>> -> memref<8x128xf32, #tpu.memory_space<vmem>>
    %dma_start3A_739 = arith.constant 16 : i32
    %dma_start3A_740 = tpu.memref_slice %arg2[%dma_start3A_739, %multiple_of3A_715] : memref<32x1000000xf32, #tpu.memory_space<hbm>> -> memref<8x128xf32, #tpu.memory_space<hbm>>
    %dma_start3A_741 = arith.constant 16 : i32
    %dma_start3A_742 = arith.constant 0 : i32
    %dma_start3A_743 = tpu.memref_slice %arg21[%dma_start3A_741, %dma_start3A_742] : memref<32x128xf32, #tpu.memory_space<vmem>> -> memref<8x128xf32, #tpu.memory_space<vmem>>
    %dma_start3A_744 = arith.constant 16 : i32
    %dma_start3A_745 = tpu.memref_slice %arg2[%dma_start3A_744, %multiple_of3A_715] : memref<32x1000000xf32, #tpu.memory_space<hbm>> -> memref<8x128xf32, #tpu.memory_space<hbm>>
    tpu.enqueue_dma source(%dma_start3A_745 : memref<8x128xf32, #tpu.memory_space<hbm>>) target(%dma_start3A_743 : memref<8x128xf32, #tpu.memory_space<vmem>>) target_semaphore(%arg24 : memref<!tpu.dma_semaphore, #tpu.memory_space<semaphore_mem>>)
    %dma_start3A_746 = arith.constant 24 : i32
    %dma_start3A_747 = arith.constant 0 : i32
    %dma_start3A_748 = tpu.memref_slice %arg21[%dma_start3A_746, %dma_start3A_747] : memref<32x128xf32, #tpu.memory_space<vmem>> -> memref<8x128xf32, #tpu.memory_space<vmem>>
    %dma_start3A_749 = arith.constant 24 : i32
    %dma_start3A_750 = tpu.memref_slice %arg2[%dma_start3A_749, %multiple_of3A_715] : memref<32x1000000xf32, #tpu.memory_space<hbm>> -> memref<8x128xf32, #tpu.memory_space<hbm>>
    %dma_start3A_751 = arith.constant 24 : i32
    %dma_start3A_752 = arith.constant 0 : i32
    %dma_start3A_753 = tpu.memref_slice %arg21[%dma_start3A_751, %dma_start3A_752] : memref<32x128xf32, #tpu.memory_space<vmem>> -> memref<8x128xf32, #tpu.memory_space<vmem>>
    %dma_start3A_754 = arith.constant 24 : i32
    %dma_start3A_755 = tpu.memref_slice %arg2[%dma_start3A_754, %multiple_of3A_715] : memref<32x1000000xf32, #tpu.memory_space<hbm>> -> memref<8x128xf32, #tpu.memory_space<hbm>>
    tpu.enqueue_dma source(%dma_start3A_755 : memref<8x128xf32, #tpu.memory_space<hbm>>) target(%dma_start3A_753 : memref<8x128xf32, #tpu.memory_space<vmem>>) target_semaphore(%arg24 : memref<!tpu.dma_semaphore, #tpu.memory_space<semaphore_mem>>)
    %scan3A = arith.constant 0 : i32
    %scan3A_756 = arith.constant 32 : i32
    %scan3A_757 = arith.addi %scan3A, %scan3A_756 : i32
    %scan3A_758 = arith.constant 1 : i32
    scf.for %scan3A_760 = %scan3A to %scan3A_757 step %scan3A_758  : i32 {
      %mul3A_761 = arith.constant 1 : i32
      %mul3A_762 = arith.muli %scan3A_760, %mul3A_761 : i32
      %add3A_763 = arith.constant 0 : i32
      %add3A_764 = arith.addi %add3A_763, %mul3A_762 : i32
      %mul3A_765 = arith.constant 16 : i32
      %mul3A_766 = arith.muli %add3A_764, %mul3A_765 : i32
      %get3A_767 = arith.index_cast %mul3A_766 : i32 to index
      %get3A_768 = tpu.vector_load %arg5[%get3A_767] {strides = array<i32>} : memref<512xi32, #tpu.memory_space<vmem>>, vector<16xi32>,
      %add3A_769 = arith.constant 1 : i32
      %add3A_770 = arith.addi %add3A_764, %add3A_769 : i32
      %min3A = arith.constant 31 : i32
      %min3A_771 = arith.minsi %add3A_770, %min3A : i32
      %mul3A_772 = arith.constant 16 : i32
      %mul3A_773 = arith.muli %min3A_771, %mul3A_772 : i32
      %get3A_774 = arith.index_cast %mul3A_773 : i32 to index
      %get3A_775 = tpu.vector_load %arg5[%get3A_774] {strides = array<i32>} : memref<512xi32, #tpu.memory_space<vmem>>, vector<16xi32>,
      %dma_wait3A_776 = arith.constant 0 : i32
      %dma_wait3A_777 = arith.constant 0 : i32
      %dma_wait3A_778 = tpu.memref_slice %arg6[%dma_wait3A_776, %dma_wait3A_777] : memref<32x128xf32, #tpu.memory_space<vmem>> -> memref<8x128xf32, #tpu.memory_space<vmem>>
      %dma_wait3A_779 = arith.constant 0 : i32
      %dma_wait3A_780 = arith.constant 0 : i32
      %dma_wait3A_781 = tpu.memref_slice %arg2[%dma_wait3A_779, %dma_wait3A_780] : memref<32x1000000xf32, #tpu.memory_space<hbm>> -> memref<8x128xf32, #tpu.memory_space<hbm>>
      %dma_wait3A_782 = arith.constant 0 : i32
      %dma_wait3A_783 = arith.constant 0 : i32
      %dma_wait3A_784 = tpu.memref_slice %arg6[%dma_wait3A_782, %dma_wait3A_783] : memref<32x128xf32, #tpu.memory_space<vmem>> -> memref<8x128xf32, #tpu.memory_space<vmem>>
      %dma_wait3A_785 = arith.constant 0 : i32
      %dma_wait3A_786 = arith.constant 0 : i32
      %dma_wait3A_787 = tpu.memref_slice %arg2[%dma_wait3A_785, %dma_wait3A_786] : memref<32x1000000xf32, #tpu.memory_space<hbm>> -> memref<8x128xf32, #tpu.memory_space<hbm>>
      tpu.wait_dma2 semaphore(%arg24 : memref<!tpu.dma_semaphore, #tpu.memory_space<semaphore_mem>>) src(%dma_wait3A_787 : memref<8x128xf32, #tpu.memory_space<hbm>>) dst(%dma_wait3A_784 : memref<8x128xf32, #tpu.memory_space<vmem>>)
      %dma_wait3A_788 = arith.constant 8 : i32
      %dma_wait3A_789 = arith.constant 0 : i32
      %dma_wait3A_790 = tpu.memref_slice %arg6[%dma_wait3A_788, %dma_wait3A_789] : memref<32x128xf32, #tpu.memory_space<vmem>> -> memref<8x128xf32, #tpu.memory_space<vmem>>
      %dma_wait3A_791 = arith.constant 8 : i32
      %dma_wait3A_792 = arith.constant 0 : i32
      %dma_wait3A_793 = tpu.memref_slice %arg2[%dma_wait3A_791, %dma_wait3A_792] : memref<32x1000000xf32, #tpu.memory_space<hbm>> -> memref<8x128xf32, #tpu.memory_space<hbm>>
      %dma_wait3A_794 = arith.constant 8 : i32
      %dma_wait3A_795 = arith.constant 0 : i32
      %dma_wait3A_796 = tpu.memref_slice %arg6[%dma_wait3A_794, %dma_wait3A_795] : memref<32x128xf32, #tpu.memory_space<vmem>> -> memref<8x128xf32, #tpu.memory_space<vmem>>
      %dma_wait3A_797 = arith.constant 8 : i32
      %dma_wait3A_798 = arith.constant 0 : i32
      %dma_wait3A_799 = tpu.memref_slice %arg2[%dma_wait3A_797, %dma_wait3A_798] : memref<32x1000000xf32, #tpu.memory_space<hbm>> -> memref<8x128xf32, #tpu.memory_space<hbm>>
      tpu.wait_dma2 semaphore(%arg24 : memref<!tpu.dma_semaphore, #tpu.memory_space<semaphore_mem>>) src(%dma_wait3A_799 : memref<8x128xf32, #tpu.memory_space<hbm>>) dst(%dma_wait3A_796 : memref<8x128xf32, #tpu.memory_space<vmem>>)
      %dma_wait3A_800 = arith.constant 16 : i32
      %dma_wait3A_801 = arith.constant 0 : i32
      %dma_wait3A_802 = tpu.memref_slice %arg6[%dma_wait3A_800, %dma_wait3A_801] : memref<32x128xf32, #tpu.memory_space<vmem>> -> memref<8x128xf32, #tpu.memory_space<vmem>>
      %dma_wait3A_803 = arith.constant 16 : i32
      %dma_wait3A_804 = arith.constant 0 : i32
      %dma_wait3A_805 = tpu.memref_slice %arg2[%dma_wait3A_803, %dma_wait3A_804] : memref<32x1000000xf32, #tpu.memory_space<hbm>> -> memref<8x128xf32, #tpu.memory_space<hbm>>
      %dma_wait3A_806 = arith.constant 16 : i32
      %dma_wait3A_807 = arith.constant 0 : i32
      %dma_wait3A_808 = tpu.memref_slice %arg6[%dma_wait3A_806, %dma_wait3A_807] : memref<32x128xf32, #tpu.memory_space<vmem>> -> memref<8x128xf32, #tpu.memory_space<vmem>>
      %dma_wait3A_809 = arith.constant 16 : i32
      %dma_wait3A_810 = arith.constant 0 : i32
      %dma_wait3A_811 = tpu.memref_slice %arg2[%dma_wait3A_809, %dma_wait3A_810] : memref<32x1000000xf32, #tpu.memory_space<hbm>> -> memref<8x128xf32, #tpu.memory_space<hbm>>
      tpu.wait_dma2 semaphore(%arg24 : memref<!tpu.dma_semaphore, #tpu.memory_space<semaphore_mem>>) src(%dma_wait3A_811 : memref<8x128xf32, #tpu.memory_space<hbm>>) dst(%dma_wait3A_808 : memref<8x128xf32, #tpu.memory_space<vmem>>)
      %dma_wait3A_812 = arith.constant 24 : i32
      %dma_wait3A_813 = arith.constant 0 : i32
      %dma_wait3A_814 = tpu.memref_slice %arg6[%dma_wait3A_812, %dma_wait3A_813] : memref<32x128xf32, #tpu.memory_space<vmem>> -> memref<8x128xf32, #tpu.memory_space<vmem>>
      %dma_wait3A_815 = arith.constant 24 : i32
      %dma_wait3A_816 = arith.constant 0 : i32
      %dma_wait3A_817 = tpu.memref_slice %arg2[%dma_wait3A_815, %dma_wait3A_816] : memref<32x1000000xf32, #tpu.memory_space<hbm>> -> memref<8x128xf32, #tpu.memory_space<hbm>>
      %dma_wait3A_818 = arith.constant 24 : i32
      %dma_wait3A_819 = arith.constant 0 : i32
      %dma_wait3A_820 = tpu.memref_slice %arg6[%dma_wait3A_818, %dma_wait3A_819] : memref<32x128xf32, #tpu.memory_space<vmem>> -> memref<8x128xf32, #tpu.memory_space<vmem>>
      %dma_wait3A_821 = arith.constant 24 : i32
      %dma_wait3A_822 = arith.constant 0 : i32
      %dma_wait3A_823 = tpu.memref_slice %arg2[%dma_wait3A_821, %dma_wait3A_822] : memref<32x1000000xf32, #tpu.memory_space<hbm>> -> memref<8x128xf32, #tpu.memory_space<hbm>>
      tpu.wait_dma2 semaphore(%arg24 : memref<!tpu.dma_semaphore, #tpu.memory_space<semaphore_mem>>) src(%dma_wait3A_823 : memref<8x128xf32, #tpu.memory_space<hbm>>) dst(%dma_wait3A_820 : memref<8x128xf32, #tpu.memory_space<vmem>>)
      %slice3A_824 = vector.extract_strided_slice %get3A_768 {offsets = [0], sizes = [1], strides = [1]} : vector<16xi32> to vector<1xi32>
      %squeeze3A_825 = vector.extract %slice3A_824[0] : i32 from vector<1xi32>
      %add3A_826 = arith.constant 0 : i32
      %add3A_827 = arith.addi %mul3A_766, %add3A_826 : i32
      %and3A = arith.constant 127 : i32
      %and3A_828 = arith.andi %squeeze3A_825, %and3A : i32
      %broadcast_in_dim3A = vector.broadcast %and3A_828 : i32 to vector<16xi32>
      %gather3A = tpu.vector_load_idx %arg6[%iota3A, %broadcast_in_dim3A] : memref<32x128xf32, #tpu.memory_space<vmem>>[vector<16xi32>, vector<16xi32>], vector<16xf32>,
      %gather3A_829 = tpu.vector_load_idx %arg6[%add3A_7, %broadcast_in_dim3A] : memref<32x128xf32, #tpu.memory_space<vmem>>[vector<16xi32>, vector<16xi32>], vector<16xf32>,
      %broadcast_in_dim3A_830 = vector.broadcast %add3A_827 : i32 to vector<16xi32>
      tpu.vector_store_idx %arg22[%iota3A, %broadcast_in_dim3A_830], %gather3A : memref<32x512xf32, #tpu.memory_space<vmem>>[vector<16xi32>, vector<16xi32>], vector<16xf32>,
      tpu.vector_store_idx %arg22[%add3A_7, %broadcast_in_dim3A_830], %gather3A_829 : memref<32x512xf32, #tpu.memory_space<vmem>>[vector<16xi32>, vector<16xi32>], vector<16xf32>,
      %add3A_831 = arith.constant 1 : i32
      %add3A_832 = arith.addi %add3A_764, %add3A_831 : i32
      %lt3A = arith.constant 32 : i32
      %lt3A_833 = arith.cmpi slt, %add3A_832, %lt3A : i32
      %slice3A_834 = vector.extract_strided_slice %get3A_775 {offsets = [0], sizes = [1], strides = [1]} : vector<16xi32> to vector<1xi32>
      %squeeze3A_835 = vector.extract %slice3A_834[0] : i32 from vector<1xi32>
      %convert_element_type3A = arith.extui %lt3A_833 : i1 to i32
      %cond3A = arith.constant 0 : i32
      %cond3A_836 = arith.cmpi ne, %convert_element_type3A, %cond3A : i32
      scf.if %cond3A_836 {
        %shift_right_arithmetic3A_1842 = arith.constant 7 : i32
        %shift_right_arithmetic3A_1843 = arith.shrsi %squeeze3A_835, %shift_right_arithmetic3A_1842 : i32
        %shift_left3A_1844 = arith.constant 7 : i32
        %shift_left3A_1845 = arith.shli %shift_right_arithmetic3A_1843, %shift_left3A_1844 : i32
        %multiple_of3A_1846 = tpu.assume_multiple %shift_left3A_1845, 128 : i32
        %dma_start3A_1847 = arith.constant 0 : i32
        %dma_start3A_1848 = arith.constant 0 : i32
        %dma_start3A_1849 = tpu.memref_slice %arg6[%dma_start3A_1847, %dma_start3A_1848] : memref<32x128xf32, #tpu.memory_space<vmem>> -> memref<8x128xf32, #tpu.memory_space<vmem>>
        %dma_start3A_1850 = arith.constant 0 : i32
        %dma_start3A_1851 = tpu.memref_slice %arg2[%dma_start3A_1850, %multiple_of3A_1846] : memref<32x1000000xf32, #tpu.memory_space<hbm>> -> memref<8x128xf32, #tpu.memory_space<hbm>>
        %dma_start3A_1852 = arith.constant 0 : i32
        %dma_start3A_1853 = arith.constant 0 : i32
        %dma_start3A_1854 = tpu.memref_slice %arg6[%dma_start3A_1852, %dma_start3A_1853] : memref<32x128xf32, #tpu.memory_space<vmem>> -> memref<8x128xf32, #tpu.memory_space<vmem>>
        %dma_start3A_1855 = arith.constant 0 : i32
        %dma_start3A_1856 = tpu.memref_slice %arg2[%dma_start3A_1855, %multiple_of3A_1846] : memref<32x1000000xf32, #tpu.memory_space<hbm>> -> memref<8x128xf32, #tpu.memory_space<hbm>>
        tpu.enqueue_dma source(%dma_start3A_1856 : memref<8x128xf32, #tpu.memory_space<hbm>>) target(%dma_start3A_1854 : memref<8x128xf32, #tpu.memory_space<vmem>>) target_semaphore(%arg24 : memref<!tpu.dma_semaphore, #tpu.memory_space<semaphore_mem>>)
        %dma_start3A_1857 = arith.constant 8 : i32
        %dma_start3A_1858 = arith.constant 0 : i32
        %dma_start3A_1859 = tpu.memref_slice %arg6[%dma_start3A_1857, %dma_start3A_1858] : memref<32x128xf32, #tpu.memory_space<vmem>> -> memref<8x128xf32, #tpu.memory_space<vmem>>
        %dma_start3A_1860 = arith.constant 8 : i32
        %dma_start3A_1861 = tpu.memref_slice %arg2[%dma_start3A_1860, %multiple_of3A_1846] : memref<32x1000000xf32, #tpu.memory_space<hbm>> -> memref<8x128xf32, #tpu.memory_space<hbm>>
        %dma_start3A_1862 = arith.constant 8 : i32
        %dma_start3A_1863 = arith.constant 0 : i32
        %dma_start3A_1864 = tpu.memref_slice %arg6[%dma_start3A_1862, %dma_start3A_1863] : memref<32x128xf32, #tpu.memory_space<vmem>> -> memref<8x128xf32, #tpu.memory_space<vmem>>
        %dma_start3A_1865 = arith.constant 8 : i32
        %dma_start3A_1866 = tpu.memref_slice %arg2[%dma_start3A_1865, %multiple_of3A_1846] : memref<32x1000000xf32, #tpu.memory_space<hbm>> -> memref<8x128xf32, #tpu.memory_space<hbm>>
        tpu.enqueue_dma source(%dma_start3A_1866 : memref<8x128xf32, #tpu.memory_space<hbm>>) target(%dma_start3A_1864 : memref<8x128xf32, #tpu.memory_space<vmem>>) target_semaphore(%arg24 : memref<!tpu.dma_semaphore, #tpu.memory_space<semaphore_mem>>)
        %dma_start3A_1867 = arith.constant 16 : i32
        %dma_start3A_1868 = arith.constant 0 : i32
        %dma_start3A_1869 = tpu.memref_slice %arg6[%dma_start3A_1867, %dma_start3A_1868] : memref<32x128xf32, #tpu.memory_space<vmem>> -> memref<8x128xf32, #tpu.memory_space<vmem>>
        %dma_start3A_1870 = arith.constant 16 : i32
        %dma_start3A_1871 = tpu.memref_slice %arg2[%dma_start3A_1870, %multiple_of3A_1846] : memref<32x1000000xf32, #tpu.memory_space<hbm>> -> memref<8x128xf32, #tpu.memory_space<hbm>>
        %dma_start3A_1872 = arith.constant 16 : i32
        %dma_start3A_1873 = arith.constant 0 : i32
        %dma_start3A_1874 = tpu.memref_slice %arg6[%dma_start3A_1872, %dma_start3A_1873] : memref<32x128xf32, #tpu.memory_space<vmem>> -> memref<8x128xf32, #tpu.memory_space<vmem>>
        %dma_start3A_1875 = arith.constant 16 : i32
        %dma_start3A_1876 = tpu.memref_slice %arg2[%dma_start3A_1875, %multiple_of3A_1846] : memref<32x1000000xf32, #tpu.memory_space<hbm>> -> memref<8x128xf32, #tpu.memory_space<hbm>>
        tpu.enqueue_dma source(%dma_start3A_1876 : memref<8x128xf32, #tpu.memory_space<hbm>>) target(%dma_start3A_1874 : memref<8x128xf32, #tpu.memory_space<vmem>>) target_semaphore(%arg24 : memref<!tpu.dma_semaphore, #tpu.memory_space<semaphore_mem>>)
        %dma_start3A_1877 = arith.constant 24 : i32
        %dma_start3A_1878 = arith.constant 0 : i32
        %dma_start3A_1879 = tpu.memref_slice %arg6[%dma_start3A_1877, %dma_start3A_1878] : memref<32x128xf32, #tpu.memory_space<vmem>> -> memref<8x128xf32, #tpu.memory_space<vmem>>
        %dma_start3A_1880 = arith.constant 24 : i32
        %dma_start3A_1881 = tpu.memref_slice %arg2[%dma_start3A_1880, %multiple_of3A_1846] : memref<32x1000000xf32, #tpu.memory_space<hbm>> -> memref<8x128xf32, #tpu.memory_space<hbm>>
        %dma_start3A_1882 = arith.constant 24 : i32
        %dma_start3A_1883 = arith.constant 0 : i32
        %dma_start3A_1884 = tpu.memref_slice %arg6[%dma_start3A_1882, %dma_start3A_1883] : memref<32x128xf32, #tpu.memory_space<vmem>> -> memref<8x128xf32, #tpu.memory_space<vmem>>
        %dma_start3A_1885 = arith.constant 24 : i32
        %dma_start3A_1886 = tpu.memref_slice %arg2[%dma_start3A_1885, %multiple_of3A_1846] : memref<32x1000000xf32, #tpu.memory_space<hbm>> -> memref<8x128xf32, #tpu.memory_space<hbm>>
        tpu.enqueue_dma source(%dma_start3A_1886 : memref<8x128xf32, #tpu.memory_space<hbm>>) target(%dma_start3A_1884 : memref<8x128xf32, #tpu.memory_space<vmem>>) target_semaphore(%arg24 : memref<!tpu.dma_semaphore, #tpu.memory_space<semaphore_mem>>)
      } else {
      }
      %dma_wait3A_837 = arith.constant 0 : i32
      %dma_wait3A_838 = arith.constant 0 : i32
      %dma_wait3A_839 = tpu.memref_slice %arg7[%dma_wait3A_837, %dma_wait3A_838] : memref<32x128xf32, #tpu.memory_space<vmem>> -> memref<8x128xf32, #tpu.memory_space<vmem>>
      %dma_wait3A_840 = arith.constant 0 : i32
      %dma_wait3A_841 = arith.constant 0 : i32
      %dma_wait3A_842 = tpu.memref_slice %arg2[%dma_wait3A_840, %dma_wait3A_841] : memref<32x1000000xf32, #tpu.memory_space<hbm>> -> memref<8x128xf32, #tpu.memory_space<hbm>>
      %dma_wait3A_843 = arith.constant 0 : i32
      %dma_wait3A_844 = arith.constant 0 : i32
      %dma_wait3A_845 = tpu.memref_slice %arg7[%dma_wait3A_843, %dma_wait3A_844] : memref<32x128xf32, #tpu.memory_space<vmem>> -> memref<8x128xf32, #tpu.memory_space<vmem>>
      %dma_wait3A_846 = arith.constant 0 : i32
      %dma_wait3A_847 = arith.constant 0 : i32
      %dma_wait3A_848 = tpu.memref_slice %arg2[%dma_wait3A_846, %dma_wait3A_847] : memref<32x1000000xf32, #tpu.memory_space<hbm>> -> memref<8x128xf32, #tpu.memory_space<hbm>>
      tpu.wait_dma2 semaphore(%arg24 : memref<!tpu.dma_semaphore, #tpu.memory_space<semaphore_mem>>) src(%dma_wait3A_848 : memref<8x128xf32, #tpu.memory_space<hbm>>) dst(%dma_wait3A_845 : memref<8x128xf32, #tpu.memory_space<vmem>>)
      %dma_wait3A_849 = arith.constant 8 : i32
      %dma_wait3A_850 = arith.constant 0 : i32
      %dma_wait3A_851 = tpu.memref_slice %arg7[%dma_wait3A_849, %dma_wait3A_850] : memref<32x128xf32, #tpu.memory_space<vmem>> -> memref<8x128xf32, #tpu.memory_space<vmem>>
      %dma_wait3A_852 = arith.constant 8 : i32
      %dma_wait3A_853 = arith.constant 0 : i32
      %dma_wait3A_854 = tpu.memref_slice %arg2[%dma_wait3A_852, %dma_wait3A_853] : memref<32x1000000xf32, #tpu.memory_space<hbm>> -> memref<8x128xf32, #tpu.memory_space<hbm>>
      %dma_wait3A_855 = arith.constant 8 : i32
      %dma_wait3A_856 = arith.constant 0 : i32
      %dma_wait3A_857 = tpu.memref_slice %arg7[%dma_wait3A_855, %dma_wait3A_856] : memref<32x128xf32, #tpu.memory_space<vmem>> -> memref<8x128xf32, #tpu.memory_space<vmem>>
      %dma_wait3A_858 = arith.constant 8 : i32
      %dma_wait3A_859 = arith.constant 0 : i32
      %dma_wait3A_860 = tpu.memref_slice %arg2[%dma_wait3A_858, %dma_wait3A_859] : memref<32x1000000xf32, #tpu.memory_space<hbm>> -> memref<8x128xf32, #tpu.memory_space<hbm>>
      tpu.wait_dma2 semaphore(%arg24 : memref<!tpu.dma_semaphore, #tpu.memory_space<semaphore_mem>>) src(%dma_wait3A_860 : memref<8x128xf32, #tpu.memory_space<hbm>>) dst(%dma_wait3A_857 : memref<8x128xf32, #tpu.memory_space<vmem>>)
      %dma_wait3A_861 = arith.constant 16 : i32
      %dma_wait3A_862 = arith.constant 0 : i32
      %dma_wait3A_863 = tpu.memref_slice %arg7[%dma_wait3A_861, %dma_wait3A_862] : memref<32x128xf32, #tpu.memory_space<vmem>> -> memref<8x128xf32, #tpu.memory_space<vmem>>
      %dma_wait3A_864 = arith.constant 16 : i32
      %dma_wait3A_865 = arith.constant 0 : i32
      %dma_wait3A_866 = tpu.memref_slice %arg2[%dma_wait3A_864, %dma_wait3A_865] : memref<32x1000000xf32, #tpu.memory_space<hbm>> -> memref<8x128xf32, #tpu.memory_space<hbm>>
      %dma_wait3A_867 = arith.constant 16 : i32
      %dma_wait3A_868 = arith.constant 0 : i32
      %dma_wait3A_869 = tpu.memref_slice %arg7[%dma_wait3A_867, %dma_wait3A_868] : memref<32x128xf32, #tpu.memory_space<vmem>> -> memref<8x128xf32, #tpu.memory_space<vmem>>
      %dma_wait3A_870 = arith.constant 16 : i32
      %dma_wait3A_871 = arith.constant 0 : i32
      %dma_wait3A_872 = tpu.memref_slice %arg2[%dma_wait3A_870, %dma_wait3A_871] : memref<32x1000000xf32, #tpu.memory_space<hbm>> -> memref<8x128xf32, #tpu.memory_space<hbm>>
      tpu.wait_dma2 semaphore(%arg24 : memref<!tpu.dma_semaphore, #tpu.memory_space<semaphore_mem>>) src(%dma_wait3A_872 : memref<8x128xf32, #tpu.memory_space<hbm>>) dst(%dma_wait3A_869 : memref<8x128xf32, #tpu.memory_space<vmem>>)
      %dma_wait3A_873 = arith.constant 24 : i32
      %dma_wait3A_874 = arith.constant 0 : i32
      %dma_wait3A_875 = tpu.memref_slice %arg7[%dma_wait3A_873, %dma_wait3A_874] : memref<32x128xf32, #tpu.memory_space<vmem>> -> memref<8x128xf32, #tpu.memory_space<vmem>>
      %dma_wait3A_876 = arith.constant 24 : i32
      %dma_wait3A_877 = arith.constant 0 : i32
      %dma_wait3A_878 = tpu.memref_slice %arg2[%dma_wait3A_876, %dma_wait3A_877] : memref<32x1000000xf32, #tpu.memory_space<hbm>> -> memref<8x128xf32, #tpu.memory_space<hbm>>
      %dma_wait3A_879 = arith.constant 24 : i32
      %dma_wait3A_880 = arith.constant 0 : i32
      %dma_wait3A_881 = tpu.memref_slice %arg7[%dma_wait3A_879, %dma_wait3A_880] : memref<32x128xf32, #tpu.memory_space<vmem>> -> memref<8x128xf32, #tpu.memory_space<vmem>>
      %dma_wait3A_882 = arith.constant 24 : i32
      %dma_wait3A_883 = arith.constant 0 : i32
      %dma_wait3A_884 = tpu.memref_slice %arg2[%dma_wait3A_882, %dma_wait3A_883] : memref<32x1000000xf32, #tpu.memory_space<hbm>> -> memref<8x128xf32, #tpu.memory_space<hbm>>
      tpu.wait_dma2 semaphore(%arg24 : memref<!tpu.dma_semaphore, #tpu.memory_space<semaphore_mem>>) src(%dma_wait3A_884 : memref<8x128xf32, #tpu.memory_space<hbm>>) dst(%dma_wait3A_881 : memref<8x128xf32, #tpu.memory_space<vmem>>)
      %slice3A_885 = vector.extract_strided_slice %get3A_768 {offsets = [1], sizes = [1], strides = [1]} : vector<16xi32> to vector<1xi32>
      %squeeze3A_886 = vector.extract %slice3A_885[0] : i32 from vector<1xi32>
      %add3A_887 = arith.constant 1 : i32
      %add3A_888 = arith.addi %mul3A_766, %add3A_887 : i32
      %and3A_889 = arith.constant 127 : i32
      %and3A_890 = arith.andi %squeeze3A_886, %and3A_889 : i32
      %broadcast_in_dim3A_891 = vector.broadcast %and3A_890 : i32 to vector<16xi32>
      %gather3A_892 = tpu.vector_load_idx %arg7[%iota3A, %broadcast_in_dim3A_891] : memref<32x128xf32, #tpu.memory_space<vmem>>[vector<16xi32>, vector<16xi32>], vector<16xf32>,
      %gather3A_893 = tpu.vector_load_idx %arg7[%add3A_7, %broadcast_in_dim3A_891] : memref<32x128xf32, #tpu.memory_space<vmem>>[vector<16xi32>, vector<16xi32>], vector<16xf32>,
      %broadcast_in_dim3A_894 = vector.broadcast %add3A_888 : i32 to vector<16xi32>
      tpu.vector_store_idx %arg22[%iota3A, %broadcast_in_dim3A_894], %gather3A_892 : memref<32x512xf32, #tpu.memory_space<vmem>>[vector<16xi32>, vector<16xi32>], vector<16xf32>,
      tpu.vector_store_idx %arg22[%add3A_7, %broadcast_in_dim3A_894], %gather3A_893 : memref<32x512xf32, #tpu.memory_space<vmem>>[vector<16xi32>, vector<16xi32>], vector<16xf32>,
      %add3A_895 = arith.constant 1 : i32
      %add3A_896 = arith.addi %add3A_764, %add3A_895 : i32
      %lt3A_897 = arith.constant 32 : i32
      %lt3A_898 = arith.cmpi slt, %add3A_896, %lt3A_897 : i32
      %slice3A_899 = vector.extract_strided_slice %get3A_775 {offsets = [1], sizes = [1], strides = [1]} : vector<16xi32> to vector<1xi32>
      %squeeze3A_900 = vector.extract %slice3A_899[0] : i32 from vector<1xi32>
      %convert_element_type3A_901 = arith.extui %lt3A_898 : i1 to i32
      %cond3A_902 = arith.constant 0 : i32
      %cond3A_903 = arith.cmpi ne, %convert_element_type3A_901, %cond3A_902 : i32
      scf.if %cond3A_903 {
        %shift_right_arithmetic3A_1842 = arith.constant 7 : i32
        %shift_right_arithmetic3A_1843 = arith.shrsi %squeeze3A_900, %shift_right_arithmetic3A_1842 : i32
        %shift_left3A_1844 = arith.constant 7 : i32
        %shift_left3A_1845 = arith.shli %shift_right_arithmetic3A_1843, %shift_left3A_1844 : i32
        %multiple_of3A_1846 = tpu.assume_multiple %shift_left3A_1845, 128 : i32
        %dma_start3A_1847 = arith.constant 0 : i32
        %dma_start3A_1848 = arith.constant 0 : i32
        %dma_start3A_1849 = tpu.memref_slice %arg7[%dma_start3A_1847, %dma_start3A_1848] : memref<32x128xf32, #tpu.memory_space<vmem>> -> memref<8x128xf32, #tpu.memory_space<vmem>>
        %dma_start3A_1850 = arith.constant 0 : i32
        %dma_start3A_1851 = tpu.memref_slice %arg2[%dma_start3A_1850, %multiple_of3A_1846] : memref<32x1000000xf32, #tpu.memory_space<hbm>> -> memref<8x128xf32, #tpu.memory_space<hbm>>
        %dma_start3A_1852 = arith.constant 0 : i32
        %dma_start3A_1853 = arith.constant 0 : i32
        %dma_start3A_1854 = tpu.memref_slice %arg7[%dma_start3A_1852, %dma_start3A_1853] : memref<32x128xf32, #tpu.memory_space<vmem>> -> memref<8x128xf32, #tpu.memory_space<vmem>>
        %dma_start3A_1855 = arith.constant 0 : i32
        %dma_start3A_1856 = tpu.memref_slice %arg2[%dma_start3A_1855, %multiple_of3A_1846] : memref<32x1000000xf32, #tpu.memory_space<hbm>> -> memref<8x128xf32, #tpu.memory_space<hbm>>
        tpu.enqueue_dma source(%dma_start3A_1856 : memref<8x128xf32, #tpu.memory_space<hbm>>) target(%dma_start3A_1854 : memref<8x128xf32, #tpu.memory_space<vmem>>) target_semaphore(%arg24 : memref<!tpu.dma_semaphore, #tpu.memory_space<semaphore_mem>>)
        %dma_start3A_1857 = arith.constant 8 : i32
        %dma_start3A_1858 = arith.constant 0 : i32
        %dma_start3A_1859 = tpu.memref_slice %arg7[%dma_start3A_1857, %dma_start3A_1858] : memref<32x128xf32, #tpu.memory_space<vmem>> -> memref<8x128xf32, #tpu.memory_space<vmem>>
        %dma_start3A_1860 = arith.constant 8 : i32
        %dma_start3A_1861 = tpu.memref_slice %arg2[%dma_start3A_1860, %multiple_of3A_1846] : memref<32x1000000xf32, #tpu.memory_space<hbm>> -> memref<8x128xf32, #tpu.memory_space<hbm>>
        %dma_start3A_1862 = arith.constant 8 : i32
        %dma_start3A_1863 = arith.constant 0 : i32
        %dma_start3A_1864 = tpu.memref_slice %arg7[%dma_start3A_1862, %dma_start3A_1863] : memref<32x128xf32, #tpu.memory_space<vmem>> -> memref<8x128xf32, #tpu.memory_space<vmem>>
        %dma_start3A_1865 = arith.constant 8 : i32
        %dma_start3A_1866 = tpu.memref_slice %arg2[%dma_start3A_1865, %multiple_of3A_1846] : memref<32x1000000xf32, #tpu.memory_space<hbm>> -> memref<8x128xf32, #tpu.memory_space<hbm>>
        tpu.enqueue_dma source(%dma_start3A_1866 : memref<8x128xf32, #tpu.memory_space<hbm>>) target(%dma_start3A_1864 : memref<8x128xf32, #tpu.memory_space<vmem>>) target_semaphore(%arg24 : memref<!tpu.dma_semaphore, #tpu.memory_space<semaphore_mem>>)
        %dma_start3A_1867 = arith.constant 16 : i32
        %dma_start3A_1868 = arith.constant 0 : i32
        %dma_start3A_1869 = tpu.memref_slice %arg7[%dma_start3A_1867, %dma_start3A_1868] : memref<32x128xf32, #tpu.memory_space<vmem>> -> memref<8x128xf32, #tpu.memory_space<vmem>>
        %dma_start3A_1870 = arith.constant 16 : i32
        %dma_start3A_1871 = tpu.memref_slice %arg2[%dma_start3A_1870, %multiple_of3A_1846] : memref<32x1000000xf32, #tpu.memory_space<hbm>> -> memref<8x128xf32, #tpu.memory_space<hbm>>
        %dma_start3A_1872 = arith.constant 16 : i32
        %dma_start3A_1873 = arith.constant 0 : i32
        %dma_start3A_1874 = tpu.memref_slice %arg7[%dma_start3A_1872, %dma_start3A_1873] : memref<32x128xf32, #tpu.memory_space<vmem>> -> memref<8x128xf32, #tpu.memory_space<vmem>>
        %dma_start3A_1875 = arith.constant 16 : i32
        %dma_start3A_1876 = tpu.memref_slice %arg2[%dma_start3A_1875, %multiple_of3A_1846] : memref<32x1000000xf32, #tpu.memory_space<hbm>> -> memref<8x128xf32, #tpu.memory_space<hbm>>
        tpu.enqueue_dma source(%dma_start3A_1876 : memref<8x128xf32, #tpu.memory_space<hbm>>) target(%dma_start3A_1874 : memref<8x128xf32, #tpu.memory_space<vmem>>) target_semaphore(%arg24 : memref<!tpu.dma_semaphore, #tpu.memory_space<semaphore_mem>>)
        %dma_start3A_1877 = arith.constant 24 : i32
        %dma_start3A_1878 = arith.constant 0 : i32
        %dma_start3A_1879 = tpu.memref_slice %arg7[%dma_start3A_1877, %dma_start3A_1878] : memref<32x128xf32, #tpu.memory_space<vmem>> -> memref<8x128xf32, #tpu.memory_space<vmem>>
        %dma_start3A_1880 = arith.constant 24 : i32
        %dma_start3A_1881 = tpu.memref_slice %arg2[%dma_start3A_1880, %multiple_of3A_1846] : memref<32x1000000xf32, #tpu.memory_space<hbm>> -> memref<8x128xf32, #tpu.memory_space<hbm>>
        %dma_start3A_1882 = arith.constant 24 : i32
        %dma_start3A_1883 = arith.constant 0 : i32
        %dma_start3A_1884 = tpu.memref_slice %arg7[%dma_start3A_1882, %dma_start3A_1883] : memref<32x128xf32, #tpu.memory_space<vmem>> -> memref<8x128xf32, #tpu.memory_space<vmem>>
        %dma_start3A_1885 = arith.constant 24 : i32
        %dma_start3A_1886 = tpu.memref_slice %arg2[%dma_start3A_1885, %multiple_of3A_1846] : memref<32x1000000xf32, #tpu.memory_space<hbm>> -> memref<8x128xf32, #tpu.memory_space<hbm>>
        tpu.enqueue_dma source(%dma_start3A_1886 : memref<8x128xf32, #tpu.memory_space<hbm>>) target(%dma_start3A_1884 : memref<8x128xf32, #tpu.memory_space<vmem>>) target_semaphore(%arg24 : memref<!tpu.dma_semaphore, #tpu.memory_space<semaphore_mem>>)
      } else {
      }
      %dma_wait3A_904 = arith.constant 0 : i32
      %dma_wait3A_905 = arith.constant 0 : i32
      %dma_wait3A_906 = tpu.memref_slice %arg8[%dma_wait3A_904, %dma_wait3A_905] : memref<32x128xf32, #tpu.memory_space<vmem>> -> memref<8x128xf32, #tpu.memory_space<vmem>>
      %dma_wait3A_907 = arith.constant 0 : i32
      %dma_wait3A_908 = arith.constant 0 : i32
      %dma_wait3A_909 = tpu.memref_slice %arg2[%dma_wait3A_907, %dma_wait3A_908] : memref<32x1000000xf32, #tpu.memory_space<hbm>> -> memref<8x128xf32, #tpu.memory_space<hbm>>
      %dma_wait3A_910 = arith.constant 0 : i32
      %dma_wait3A_911 = arith.constant 0 : i32
      %dma_wait3A_912 = tpu.memref_slice %arg8[%dma_wait3A_910, %dma_wait3A_911] : memref<32x128xf32, #tpu.memory_space<vmem>> -> memref<8x128xf32, #tpu.memory_space<vmem>>
      %dma_wait3A_913 = arith.constant 0 : i32
      %dma_wait3A_914 = arith.constant 0 : i32
      %dma_wait3A_915 = tpu.memref_slice %arg2[%dma_wait3A_913, %dma_wait3A_914] : memref<32x1000000xf32, #tpu.memory_space<hbm>> -> memref<8x128xf32, #tpu.memory_space<hbm>>
      tpu.wait_dma2 semaphore(%arg24 : memref<!tpu.dma_semaphore, #tpu.memory_space<semaphore_mem>>) src(%dma_wait3A_915 : memref<8x128xf32, #tpu.memory_space<hbm>>) dst(%dma_wait3A_912 : memref<8x128xf32, #tpu.memory_space<vmem>>)
      %dma_wait3A_916 = arith.constant 8 : i32
      %dma_wait3A_917 = arith.constant 0 : i32
      %dma_wait3A_918 = tpu.memref_slice %arg8[%dma_wait3A_916, %dma_wait3A_917] : memref<32x128xf32, #tpu.memory_space<vmem>> -> memref<8x128xf32, #tpu.memory_space<vmem>>
      %dma_wait3A_919 = arith.constant 8 : i32
      %dma_wait3A_920 = arith.constant 0 : i32
      %dma_wait3A_921 = tpu.memref_slice %arg2[%dma_wait3A_919, %dma_wait3A_920] : memref<32x1000000xf32, #tpu.memory_space<hbm>> -> memref<8x128xf32, #tpu.memory_space<hbm>>
      %dma_wait3A_922 = arith.constant 8 : i32
      %dma_wait3A_923 = arith.constant 0 : i32
      %dma_wait3A_924 = tpu.memref_slice %arg8[%dma_wait3A_922, %dma_wait3A_923] : memref<32x128xf32, #tpu.memory_space<vmem>> -> memref<8x128xf32, #tpu.memory_space<vmem>>
      %dma_wait3A_925 = arith.constant 8 : i32
      %dma_wait3A_926 = arith.constant 0 : i32
      %dma_wait3A_927 = tpu.memref_slice %arg2[%dma_wait3A_925, %dma_wait3A_926] : memref<32x1000000xf32, #tpu.memory_space<hbm>> -> memref<8x128xf32, #tpu.memory_space<hbm>>
      tpu.wait_dma2 semaphore(%arg24 : memref<!tpu.dma_semaphore, #tpu.memory_space<semaphore_mem>>) src(%dma_wait3A_927 : memref<8x128xf32, #tpu.memory_space<hbm>>) dst(%dma_wait3A_924 : memref<8x128xf32, #tpu.memory_space<vmem>>)
      %dma_wait3A_928 = arith.constant 16 : i32
      %dma_wait3A_929 = arith.constant 0 : i32
      %dma_wait3A_930 = tpu.memref_slice %arg8[%dma_wait3A_928, %dma_wait3A_929] : memref<32x128xf32, #tpu.memory_space<vmem>> -> memref<8x128xf32, #tpu.memory_space<vmem>>
      %dma_wait3A_931 = arith.constant 16 : i32
      %dma_wait3A_932 = arith.constant 0 : i32
      %dma_wait3A_933 = tpu.memref_slice %arg2[%dma_wait3A_931, %dma_wait3A_932] : memref<32x1000000xf32, #tpu.memory_space<hbm>> -> memref<8x128xf32, #tpu.memory_space<hbm>>
      %dma_wait3A_934 = arith.constant 16 : i32
      %dma_wait3A_935 = arith.constant 0 : i32
      %dma_wait3A_936 = tpu.memref_slice %arg8[%dma_wait3A_934, %dma_wait3A_935] : memref<32x128xf32, #tpu.memory_space<vmem>> -> memref<8x128xf32, #tpu.memory_space<vmem>>
      %dma_wait3A_937 = arith.constant 16 : i32
      %dma_wait3A_938 = arith.constant 0 : i32
      %dma_wait3A_939 = tpu.memref_slice %arg2[%dma_wait3A_937, %dma_wait3A_938] : memref<32x1000000xf32, #tpu.memory_space<hbm>> -> memref<8x128xf32, #tpu.memory_space<hbm>>
      tpu.wait_dma2 semaphore(%arg24 : memref<!tpu.dma_semaphore, #tpu.memory_space<semaphore_mem>>) src(%dma_wait3A_939 : memref<8x128xf32, #tpu.memory_space<hbm>>) dst(%dma_wait3A_936 : memref<8x128xf32, #tpu.memory_space<vmem>>)
      %dma_wait3A_940 = arith.constant 24 : i32
      %dma_wait3A_941 = arith.constant 0 : i32
      %dma_wait3A_942 = tpu.memref_slice %arg8[%dma_wait3A_940, %dma_wait3A_941] : memref<32x128xf32, #tpu.memory_space<vmem>> -> memref<8x128xf32, #tpu.memory_space<vmem>>
      %dma_wait3A_943 = arith.constant 24 : i32
      %dma_wait3A_944 = arith.constant 0 : i32
      %dma_wait3A_945 = tpu.memref_slice %arg2[%dma_wait3A_943, %dma_wait3A_944] : memref<32x1000000xf32, #tpu.memory_space<hbm>> -> memref<8x128xf32, #tpu.memory_space<hbm>>
      %dma_wait3A_946 = arith.constant 24 : i32
      %dma_wait3A_947 = arith.constant 0 : i32
      %dma_wait3A_948 = tpu.memref_slice %arg8[%dma_wait3A_946, %dma_wait3A_947] : memref<32x128xf32, #tpu.memory_space<vmem>> -> memref<8x128xf32, #tpu.memory_space<vmem>>
      %dma_wait3A_949 = arith.constant 24 : i32
      %dma_wait3A_950 = arith.constant 0 : i32
      %dma_wait3A_951 = tpu.memref_slice %arg2[%dma_wait3A_949, %dma_wait3A_950] : memref<32x1000000xf32, #tpu.memory_space<hbm>> -> memref<8x128xf32, #tpu.memory_space<hbm>>
      tpu.wait_dma2 semaphore(%arg24 : memref<!tpu.dma_semaphore, #tpu.memory_space<semaphore_mem>>) src(%dma_wait3A_951 : memref<8x128xf32, #tpu.memory_space<hbm>>) dst(%dma_wait3A_948 : memref<8x128xf32, #tpu.memory_space<vmem>>)
      %slice3A_952 = vector.extract_strided_slice %get3A_768 {offsets = [2], sizes = [1], strides = [1]} : vector<16xi32> to vector<1xi32>
      %squeeze3A_953 = vector.extract %slice3A_952[0] : i32 from vector<1xi32>
      %add3A_954 = arith.constant 2 : i32
      %add3A_955 = arith.addi %mul3A_766, %add3A_954 : i32
      %and3A_956 = arith.constant 127 : i32
      %and3A_957 = arith.andi %squeeze3A_953, %and3A_956 : i32
      %broadcast_in_dim3A_958 = vector.broadcast %and3A_957 : i32 to vector<16xi32>
      %gather3A_959 = tpu.vector_load_idx %arg8[%iota3A, %broadcast_in_dim3A_958] : memref<32x128xf32, #tpu.memory_space<vmem>>[vector<16xi32>, vector<16xi32>], vector<16xf32>,
      %gather3A_960 = tpu.vector_load_idx %arg8[%add3A_7, %broadcast_in_dim3A_958] : memref<32x128xf32, #tpu.memory_space<vmem>>[vector<16xi32>, vector<16xi32>], vector<16xf32>,
      %broadcast_in_dim3A_961 = vector.broadcast %add3A_955 : i32 to vector<16xi32>
      tpu.vector_store_idx %arg22[%iota3A, %broadcast_in_dim3A_961], %gather3A_959 : memref<32x512xf32, #tpu.memory_space<vmem>>[vector<16xi32>, vector<16xi32>], vector<16xf32>,
      tpu.vector_store_idx %arg22[%add3A_7, %broadcast_in_dim3A_961], %gather3A_960 : memref<32x512xf32, #tpu.memory_space<vmem>>[vector<16xi32>, vector<16xi32>], vector<16xf32>,
      %add3A_962 = arith.constant 1 : i32
      %add3A_963 = arith.addi %add3A_764, %add3A_962 : i32
      %lt3A_964 = arith.constant 32 : i32
      %lt3A_965 = arith.cmpi slt, %add3A_963, %lt3A_964 : i32
      %slice3A_966 = vector.extract_strided_slice %get3A_775 {offsets = [2], sizes = [1], strides = [1]} : vector<16xi32> to vector<1xi32>
      %squeeze3A_967 = vector.extract %slice3A_966[0] : i32 from vector<1xi32>
      %convert_element_type3A_968 = arith.extui %lt3A_965 : i1 to i32
      %cond3A_969 = arith.constant 0 : i32
      %cond3A_970 = arith.cmpi ne, %convert_element_type3A_968, %cond3A_969 : i32
      scf.if %cond3A_970 {
        %shift_right_arithmetic3A_1842 = arith.constant 7 : i32
        %shift_right_arithmetic3A_1843 = arith.shrsi %squeeze3A_967, %shift_right_arithmetic3A_1842 : i32
        %shift_left3A_1844 = arith.constant 7 : i32
        %shift_left3A_1845 = arith.shli %shift_right_arithmetic3A_1843, %shift_left3A_1844 : i32
        %multiple_of3A_1846 = tpu.assume_multiple %shift_left3A_1845, 128 : i32
        %dma_start3A_1847 = arith.constant 0 : i32
        %dma_start3A_1848 = arith.constant 0 : i32
        %dma_start3A_1849 = tpu.memref_slice %arg8[%dma_start3A_1847, %dma_start3A_1848] : memref<32x128xf32, #tpu.memory_space<vmem>> -> memref<8x128xf32, #tpu.memory_space<vmem>>
        %dma_start3A_1850 = arith.constant 0 : i32
        %dma_start3A_1851 = tpu.memref_slice %arg2[%dma_start3A_1850, %multiple_of3A_1846] : memref<32x1000000xf32, #tpu.memory_space<hbm>> -> memref<8x128xf32, #tpu.memory_space<hbm>>
        %dma_start3A_1852 = arith.constant 0 : i32
        %dma_start3A_1853 = arith.constant 0 : i32
        %dma_start3A_1854 = tpu.memref_slice %arg8[%dma_start3A_1852, %dma_start3A_1853] : memref<32x128xf32, #tpu.memory_space<vmem>> -> memref<8x128xf32, #tpu.memory_space<vmem>>
        %dma_start3A_1855 = arith.constant 0 : i32
        %dma_start3A_1856 = tpu.memref_slice %arg2[%dma_start3A_1855, %multiple_of3A_1846] : memref<32x1000000xf32, #tpu.memory_space<hbm>> -> memref<8x128xf32, #tpu.memory_space<hbm>>
        tpu.enqueue_dma source(%dma_start3A_1856 : memref<8x128xf32, #tpu.memory_space<hbm>>) target(%dma_start3A_1854 : memref<8x128xf32, #tpu.memory_space<vmem>>) target_semaphore(%arg24 : memref<!tpu.dma_semaphore, #tpu.memory_space<semaphore_mem>>)
        %dma_start3A_1857 = arith.constant 8 : i32
        %dma_start3A_1858 = arith.constant 0 : i32
        %dma_start3A_1859 = tpu.memref_slice %arg8[%dma_start3A_1857, %dma_start3A_1858] : memref<32x128xf32, #tpu.memory_space<vmem>> -> memref<8x128xf32, #tpu.memory_space<vmem>>
        %dma_start3A_1860 = arith.constant 8 : i32
        %dma_start3A_1861 = tpu.memref_slice %arg2[%dma_start3A_1860, %multiple_of3A_1846] : memref<32x1000000xf32, #tpu.memory_space<hbm>> -> memref<8x128xf32, #tpu.memory_space<hbm>>
        %dma_start3A_1862 = arith.constant 8 : i32
        %dma_start3A_1863 = arith.constant 0 : i32
        %dma_start3A_1864 = tpu.memref_slice %arg8[%dma_start3A_1862, %dma_start3A_1863] : memref<32x128xf32, #tpu.memory_space<vmem>> -> memref<8x128xf32, #tpu.memory_space<vmem>>
        %dma_start3A_1865 = arith.constant 8 : i32
        %dma_start3A_1866 = tpu.memref_slice %arg2[%dma_start3A_1865, %multiple_of3A_1846] : memref<32x1000000xf32, #tpu.memory_space<hbm>> -> memref<8x128xf32, #tpu.memory_space<hbm>>
        tpu.enqueue_dma source(%dma_start3A_1866 : memref<8x128xf32, #tpu.memory_space<hbm>>) target(%dma_start3A_1864 : memref<8x128xf32, #tpu.memory_space<vmem>>) target_semaphore(%arg24 : memref<!tpu.dma_semaphore, #tpu.memory_space<semaphore_mem>>)
        %dma_start3A_1867 = arith.constant 16 : i32
        %dma_start3A_1868 = arith.constant 0 : i32
        %dma_start3A_1869 = tpu.memref_slice %arg8[%dma_start3A_1867, %dma_start3A_1868] : memref<32x128xf32, #tpu.memory_space<vmem>> -> memref<8x128xf32, #tpu.memory_space<vmem>>
        %dma_start3A_1870 = arith.constant 16 : i32
        %dma_start3A_1871 = tpu.memref_slice %arg2[%dma_start3A_1870, %multiple_of3A_1846] : memref<32x1000000xf32, #tpu.memory_space<hbm>> -> memref<8x128xf32, #tpu.memory_space<hbm>>
        %dma_start3A_1872 = arith.constant 16 : i32
        %dma_start3A_1873 = arith.constant 0 : i32
        %dma_start3A_1874 = tpu.memref_slice %arg8[%dma_start3A_1872, %dma_start3A_1873] : memref<32x128xf32, #tpu.memory_space<vmem>> -> memref<8x128xf32, #tpu.memory_space<vmem>>
        %dma_start3A_1875 = arith.constant 16 : i32
        %dma_start3A_1876 = tpu.memref_slice %arg2[%dma_start3A_1875, %multiple_of3A_1846] : memref<32x1000000xf32, #tpu.memory_space<hbm>> -> memref<8x128xf32, #tpu.memory_space<hbm>>
        tpu.enqueue_dma source(%dma_start3A_1876 : memref<8x128xf32, #tpu.memory_space<hbm>>) target(%dma_start3A_1874 : memref<8x128xf32, #tpu.memory_space<vmem>>) target_semaphore(%arg24 : memref<!tpu.dma_semaphore, #tpu.memory_space<semaphore_mem>>)
        %dma_start3A_1877 = arith.constant 24 : i32
        %dma_start3A_1878 = arith.constant 0 : i32
        %dma_start3A_1879 = tpu.memref_slice %arg8[%dma_start3A_1877, %dma_start3A_1878] : memref<32x128xf32, #tpu.memory_space<vmem>> -> memref<8x128xf32, #tpu.memory_space<vmem>>
        %dma_start3A_1880 = arith.constant 24 : i32
        %dma_start3A_1881 = tpu.memref_slice %arg2[%dma_start3A_1880, %multiple_of3A_1846] : memref<32x1000000xf32, #tpu.memory_space<hbm>> -> memref<8x128xf32, #tpu.memory_space<hbm>>
        %dma_start3A_1882 = arith.constant 24 : i32
        %dma_start3A_1883 = arith.constant 0 : i32
        %dma_start3A_1884 = tpu.memref_slice %arg8[%dma_start3A_1882, %dma_start3A_1883] : memref<32x128xf32, #tpu.memory_space<vmem>> -> memref<8x128xf32, #tpu.memory_space<vmem>>
        %dma_start3A_1885 = arith.constant 24 : i32
        %dma_start3A_1886 = tpu.memref_slice %arg2[%dma_start3A_1885, %multiple_of3A_1846] : memref<32x1000000xf32, #tpu.memory_space<hbm>> -> memref<8x128xf32, #tpu.memory_space<hbm>>
        tpu.enqueue_dma source(%dma_start3A_1886 : memref<8x128xf32, #tpu.memory_space<hbm>>) target(%dma_start3A_1884 : memref<8x128xf32, #tpu.memory_space<vmem>>) target_semaphore(%arg24 : memref<!tpu.dma_semaphore, #tpu.memory_space<semaphore_mem>>)
      } else {
      }
      %dma_wait3A_971 = arith.constant 0 : i32
      %dma_wait3A_972 = arith.constant 0 : i32
      %dma_wait3A_973 = tpu.memref_slice %arg9[%dma_wait3A_971, %dma_wait3A_972] : memref<32x128xf32, #tpu.memory_space<vmem>> -> memref<8x128xf32, #tpu.memory_space<vmem>>
      %dma_wait3A_974 = arith.constant 0 : i32
      %dma_wait3A_975 = arith.constant 0 : i32
      %dma_wait3A_976 = tpu.memref_slice %arg2[%dma_wait3A_974, %dma_wait3A_975] : memref<32x1000000xf32, #tpu.memory_space<hbm>> -> memref<8x128xf32, #tpu.memory_space<hbm>>
      %dma_wait3A_977 = arith.constant 0 : i32
      %dma_wait3A_978 = arith.constant 0 : i32
      %dma_wait3A_979 = tpu.memref_slice %arg9[%dma_wait3A_977, %dma_wait3A_978] : memref<32x128xf32, #tpu.memory_space<vmem>> -> memref<8x128xf32, #tpu.memory_space<vmem>>
      %dma_wait3A_980 = arith.constant 0 : i32
      %dma_wait3A_981 = arith.constant 0 : i32
      %dma_wait3A_982 = tpu.memref_slice %arg2[%dma_wait3A_980, %dma_wait3A_981] : memref<32x1000000xf32, #tpu.memory_space<hbm>> -> memref<8x128xf32, #tpu.memory_space<hbm>>
      tpu.wait_dma2 semaphore(%arg24 : memref<!tpu.dma_semaphore, #tpu.memory_space<semaphore_mem>>) src(%dma_wait3A_982 : memref<8x128xf32, #tpu.memory_space<hbm>>) dst(%dma_wait3A_979 : memref<8x128xf32, #tpu.memory_space<vmem>>)
      %dma_wait3A_983 = arith.constant 8 : i32
      %dma_wait3A_984 = arith.constant 0 : i32
      %dma_wait3A_985 = tpu.memref_slice %arg9[%dma_wait3A_983, %dma_wait3A_984] : memref<32x128xf32, #tpu.memory_space<vmem>> -> memref<8x128xf32, #tpu.memory_space<vmem>>
      %dma_wait3A_986 = arith.constant 8 : i32
      %dma_wait3A_987 = arith.constant 0 : i32
      %dma_wait3A_988 = tpu.memref_slice %arg2[%dma_wait3A_986, %dma_wait3A_987] : memref<32x1000000xf32, #tpu.memory_space<hbm>> -> memref<8x128xf32, #tpu.memory_space<hbm>>
      %dma_wait3A_989 = arith.constant 8 : i32
      %dma_wait3A_990 = arith.constant 0 : i32
      %dma_wait3A_991 = tpu.memref_slice %arg9[%dma_wait3A_989, %dma_wait3A_990] : memref<32x128xf32, #tpu.memory_space<vmem>> -> memref<8x128xf32, #tpu.memory_space<vmem>>
      %dma_wait3A_992 = arith.constant 8 : i32
      %dma_wait3A_993 = arith.constant 0 : i32
      %dma_wait3A_994 = tpu.memref_slice %arg2[%dma_wait3A_992, %dma_wait3A_993] : memref<32x1000000xf32, #tpu.memory_space<hbm>> -> memref<8x128xf32, #tpu.memory_space<hbm>>
      tpu.wait_dma2 semaphore(%arg24 : memref<!tpu.dma_semaphore, #tpu.memory_space<semaphore_mem>>) src(%dma_wait3A_994 : memref<8x128xf32, #tpu.memory_space<hbm>>) dst(%dma_wait3A_991 : memref<8x128xf32, #tpu.memory_space<vmem>>)
      %dma_wait3A_995 = arith.constant 16 : i32
      %dma_wait3A_996 = arith.constant 0 : i32
      %dma_wait3A_997 = tpu.memref_slice %arg9[%dma_wait3A_995, %dma_wait3A_996] : memref<32x128xf32, #tpu.memory_space<vmem>> -> memref<8x128xf32, #tpu.memory_space<vmem>>
      %dma_wait3A_998 = arith.constant 16 : i32
      %dma_wait3A_999 = arith.constant 0 : i32
      %dma_wait3A_1000 = tpu.memref_slice %arg2[%dma_wait3A_998, %dma_wait3A_999] : memref<32x1000000xf32, #tpu.memory_space<hbm>> -> memref<8x128xf32, #tpu.memory_space<hbm>>
      %dma_wait3A_1001 = arith.constant 16 : i32
      %dma_wait3A_1002 = arith.constant 0 : i32
      %dma_wait3A_1003 = tpu.memref_slice %arg9[%dma_wait3A_1001, %dma_wait3A_1002] : memref<32x128xf32, #tpu.memory_space<vmem>> -> memref<8x128xf32, #tpu.memory_space<vmem>>
      %dma_wait3A_1004 = arith.constant 16 : i32
      %dma_wait3A_1005 = arith.constant 0 : i32
      %dma_wait3A_1006 = tpu.memref_slice %arg2[%dma_wait3A_1004, %dma_wait3A_1005] : memref<32x1000000xf32, #tpu.memory_space<hbm>> -> memref<8x128xf32, #tpu.memory_space<hbm>>
      tpu.wait_dma2 semaphore(%arg24 : memref<!tpu.dma_semaphore, #tpu.memory_space<semaphore_mem>>) src(%dma_wait3A_1006 : memref<8x128xf32, #tpu.memory_space<hbm>>) dst(%dma_wait3A_1003 : memref<8x128xf32, #tpu.memory_space<vmem>>)
      %dma_wait3A_1007 = arith.constant 24 : i32
      %dma_wait3A_1008 = arith.constant 0 : i32
      %dma_wait3A_1009 = tpu.memref_slice %arg9[%dma_wait3A_1007, %dma_wait3A_1008] : memref<32x128xf32, #tpu.memory_space<vmem>> -> memref<8x128xf32, #tpu.memory_space<vmem>>
      %dma_wait3A_1010 = arith.constant 24 : i32
      %dma_wait3A_1011 = arith.constant 0 : i32
      %dma_wait3A_1012 = tpu.memref_slice %arg2[%dma_wait3A_1010, %dma_wait3A_1011] : memref<32x1000000xf32, #tpu.memory_space<hbm>> -> memref<8x128xf32, #tpu.memory_space<hbm>>
      %dma_wait3A_1013 = arith.constant 24 : i32
      %dma_wait3A_1014 = arith.constant 0 : i32
      %dma_wait3A_1015 = tpu.memref_slice %arg9[%dma_wait3A_1013, %dma_wait3A_1014] : memref<32x128xf32, #tpu.memory_space<vmem>> -> memref<8x128xf32, #tpu.memory_space<vmem>>
      %dma_wait3A_1016 = arith.constant 24 : i32
      %dma_wait3A_1017 = arith.constant 0 : i32
      %dma_wait3A_1018 = tpu.memref_slice %arg2[%dma_wait3A_1016, %dma_wait3A_1017] : memref<32x1000000xf32, #tpu.memory_space<hbm>> -> memref<8x128xf32, #tpu.memory_space<hbm>>
      tpu.wait_dma2 semaphore(%arg24 : memref<!tpu.dma_semaphore, #tpu.memory_space<semaphore_mem>>) src(%dma_wait3A_1018 : memref<8x128xf32, #tpu.memory_space<hbm>>) dst(%dma_wait3A_1015 : memref<8x128xf32, #tpu.memory_space<vmem>>)
      %slice3A_1019 = vector.extract_strided_slice %get3A_768 {offsets = [3], sizes = [1], strides = [1]} : vector<16xi32> to vector<1xi32>
      %squeeze3A_1020 = vector.extract %slice3A_1019[0] : i32 from vector<1xi32>
      %add3A_1021 = arith.constant 3 : i32
      %add3A_1022 = arith.addi %mul3A_766, %add3A_1021 : i32
      %and3A_1023 = arith.constant 127 : i32
      %and3A_1024 = arith.andi %squeeze3A_1020, %and3A_1023 : i32
      %broadcast_in_dim3A_1025 = vector.broadcast %and3A_1024 : i32 to vector<16xi32>
      %gather3A_1026 = tpu.vector_load_idx %arg9[%iota3A, %broadcast_in_dim3A_1025] : memref<32x128xf32, #tpu.memory_space<vmem>>[vector<16xi32>, vector<16xi32>], vector<16xf32>,
      %gather3A_1027 = tpu.vector_load_idx %arg9[%add3A_7, %broadcast_in_dim3A_1025] : memref<32x128xf32, #tpu.memory_space<vmem>>[vector<16xi32>, vector<16xi32>], vector<16xf32>,
      %broadcast_in_dim3A_1028 = vector.broadcast %add3A_1022 : i32 to vector<16xi32>
      tpu.vector_store_idx %arg22[%iota3A, %broadcast_in_dim3A_1028], %gather3A_1026 : memref<32x512xf32, #tpu.memory_space<vmem>>[vector<16xi32>, vector<16xi32>], vector<16xf32>,
      tpu.vector_store_idx %arg22[%add3A_7, %broadcast_in_dim3A_1028], %gather3A_1027 : memref<32x512xf32, #tpu.memory_space<vmem>>[vector<16xi32>, vector<16xi32>], vector<16xf32>,
      %add3A_1029 = arith.constant 1 : i32
      %add3A_1030 = arith.addi %add3A_764, %add3A_1029 : i32
      %lt3A_1031 = arith.constant 32 : i32
      %lt3A_1032 = arith.cmpi slt, %add3A_1030, %lt3A_1031 : i32
      %slice3A_1033 = vector.extract_strided_slice %get3A_775 {offsets = [3], sizes = [1], strides = [1]} : vector<16xi32> to vector<1xi32>
      %squeeze3A_1034 = vector.extract %slice3A_1033[0] : i32 from vector<1xi32>
      %convert_element_type3A_1035 = arith.extui %lt3A_1032 : i1 to i32
      %cond3A_1036 = arith.constant 0 : i32
      %cond3A_1037 = arith.cmpi ne, %convert_element_type3A_1035, %cond3A_1036 : i32
      scf.if %cond3A_1037 {
        %shift_right_arithmetic3A_1842 = arith.constant 7 : i32
        %shift_right_arithmetic3A_1843 = arith.shrsi %squeeze3A_1034, %shift_right_arithmetic3A_1842 : i32
        %shift_left3A_1844 = arith.constant 7 : i32
        %shift_left3A_1845 = arith.shli %shift_right_arithmetic3A_1843, %shift_left3A_1844 : i32
        %multiple_of3A_1846 = tpu.assume_multiple %shift_left3A_1845, 128 : i32
        %dma_start3A_1847 = arith.constant 0 : i32
        %dma_start3A_1848 = arith.constant 0 : i32
        %dma_start3A_1849 = tpu.memref_slice %arg9[%dma_start3A_1847, %dma_start3A_1848] : memref<32x128xf32, #tpu.memory_space<vmem>> -> memref<8x128xf32, #tpu.memory_space<vmem>>
        %dma_start3A_1850 = arith.constant 0 : i32
        %dma_start3A_1851 = tpu.memref_slice %arg2[%dma_start3A_1850, %multiple_of3A_1846] : memref<32x1000000xf32, #tpu.memory_space<hbm>> -> memref<8x128xf32, #tpu.memory_space<hbm>>
        %dma_start3A_1852 = arith.constant 0 : i32
        %dma_start3A_1853 = arith.constant 0 : i32
        %dma_start3A_1854 = tpu.memref_slice %arg9[%dma_start3A_1852, %dma_start3A_1853] : memref<32x128xf32, #tpu.memory_space<vmem>> -> memref<8x128xf32, #tpu.memory_space<vmem>>
        %dma_start3A_1855 = arith.constant 0 : i32
        %dma_start3A_1856 = tpu.memref_slice %arg2[%dma_start3A_1855, %multiple_of3A_1846] : memref<32x1000000xf32, #tpu.memory_space<hbm>> -> memref<8x128xf32, #tpu.memory_space<hbm>>
        tpu.enqueue_dma source(%dma_start3A_1856 : memref<8x128xf32, #tpu.memory_space<hbm>>) target(%dma_start3A_1854 : memref<8x128xf32, #tpu.memory_space<vmem>>) target_semaphore(%arg24 : memref<!tpu.dma_semaphore, #tpu.memory_space<semaphore_mem>>)
        %dma_start3A_1857 = arith.constant 8 : i32
        %dma_start3A_1858 = arith.constant 0 : i32
        %dma_start3A_1859 = tpu.memref_slice %arg9[%dma_start3A_1857, %dma_start3A_1858] : memref<32x128xf32, #tpu.memory_space<vmem>> -> memref<8x128xf32, #tpu.memory_space<vmem>>
        %dma_start3A_1860 = arith.constant 8 : i32
        %dma_start3A_1861 = tpu.memref_slice %arg2[%dma_start3A_1860, %multiple_of3A_1846] : memref<32x1000000xf32, #tpu.memory_space<hbm>> -> memref<8x128xf32, #tpu.memory_space<hbm>>
        %dma_start3A_1862 = arith.constant 8 : i32
        %dma_start3A_1863 = arith.constant 0 : i32
        %dma_start3A_1864 = tpu.memref_slice %arg9[%dma_start3A_1862, %dma_start3A_1863] : memref<32x128xf32, #tpu.memory_space<vmem>> -> memref<8x128xf32, #tpu.memory_space<vmem>>
        %dma_start3A_1865 = arith.constant 8 : i32
        %dma_start3A_1866 = tpu.memref_slice %arg2[%dma_start3A_1865, %multiple_of3A_1846] : memref<32x1000000xf32, #tpu.memory_space<hbm>> -> memref<8x128xf32, #tpu.memory_space<hbm>>
        tpu.enqueue_dma source(%dma_start3A_1866 : memref<8x128xf32, #tpu.memory_space<hbm>>) target(%dma_start3A_1864 : memref<8x128xf32, #tpu.memory_space<vmem>>) target_semaphore(%arg24 : memref<!tpu.dma_semaphore, #tpu.memory_space<semaphore_mem>>)
        %dma_start3A_1867 = arith.constant 16 : i32
        %dma_start3A_1868 = arith.constant 0 : i32
        %dma_start3A_1869 = tpu.memref_slice %arg9[%dma_start3A_1867, %dma_start3A_1868] : memref<32x128xf32, #tpu.memory_space<vmem>> -> memref<8x128xf32, #tpu.memory_space<vmem>>
        %dma_start3A_1870 = arith.constant 16 : i32
        %dma_start3A_1871 = tpu.memref_slice %arg2[%dma_start3A_1870, %multiple_of3A_1846] : memref<32x1000000xf32, #tpu.memory_space<hbm>> -> memref<8x128xf32, #tpu.memory_space<hbm>>
        %dma_start3A_1872 = arith.constant 16 : i32
        %dma_start3A_1873 = arith.constant 0 : i32
        %dma_start3A_1874 = tpu.memref_slice %arg9[%dma_start3A_1872, %dma_start3A_1873] : memref<32x128xf32, #tpu.memory_space<vmem>> -> memref<8x128xf32, #tpu.memory_space<vmem>>
        %dma_start3A_1875 = arith.constant 16 : i32
        %dma_start3A_1876 = tpu.memref_slice %arg2[%dma_start3A_1875, %multiple_of3A_1846] : memref<32x1000000xf32, #tpu.memory_space<hbm>> -> memref<8x128xf32, #tpu.memory_space<hbm>>
        tpu.enqueue_dma source(%dma_start3A_1876 : memref<8x128xf32, #tpu.memory_space<hbm>>) target(%dma_start3A_1874 : memref<8x128xf32, #tpu.memory_space<vmem>>) target_semaphore(%arg24 : memref<!tpu.dma_semaphore, #tpu.memory_space<semaphore_mem>>)
        %dma_start3A_1877 = arith.constant 24 : i32
        %dma_start3A_1878 = arith.constant 0 : i32
        %dma_start3A_1879 = tpu.memref_slice %arg9[%dma_start3A_1877, %dma_start3A_1878] : memref<32x128xf32, #tpu.memory_space<vmem>> -> memref<8x128xf32, #tpu.memory_space<vmem>>
        %dma_start3A_1880 = arith.constant 24 : i32
        %dma_start3A_1881 = tpu.memref_slice %arg2[%dma_start3A_1880, %multiple_of3A_1846] : memref<32x1000000xf32, #tpu.memory_space<hbm>> -> memref<8x128xf32, #tpu.memory_space<hbm>>
        %dma_start3A_1882 = arith.constant 24 : i32
        %dma_start3A_1883 = arith.constant 0 : i32
        %dma_start3A_1884 = tpu.memref_slice %arg9[%dma_start3A_1882, %dma_start3A_1883] : memref<32x128xf32, #tpu.memory_space<vmem>> -> memref<8x128xf32, #tpu.memory_space<vmem>>
        %dma_start3A_1885 = arith.constant 24 : i32
        %dma_start3A_1886 = tpu.memref_slice %arg2[%dma_start3A_1885, %multiple_of3A_1846] : memref<32x1000000xf32, #tpu.memory_space<hbm>> -> memref<8x128xf32, #tpu.memory_space<hbm>>
        tpu.enqueue_dma source(%dma_start3A_1886 : memref<8x128xf32, #tpu.memory_space<hbm>>) target(%dma_start3A_1884 : memref<8x128xf32, #tpu.memory_space<vmem>>) target_semaphore(%arg24 : memref<!tpu.dma_semaphore, #tpu.memory_space<semaphore_mem>>)
      } else {
      }
      %dma_wait3A_1038 = arith.constant 0 : i32
      %dma_wait3A_1039 = arith.constant 0 : i32
      %dma_wait3A_1040 = tpu.memref_slice %arg10[%dma_wait3A_1038, %dma_wait3A_1039] : memref<32x128xf32, #tpu.memory_space<vmem>> -> memref<8x128xf32, #tpu.memory_space<vmem>>
      %dma_wait3A_1041 = arith.constant 0 : i32
      %dma_wait3A_1042 = arith.constant 0 : i32
      %dma_wait3A_1043 = tpu.memref_slice %arg2[%dma_wait3A_1041, %dma_wait3A_1042] : memref<32x1000000xf32, #tpu.memory_space<hbm>> -> memref<8x128xf32, #tpu.memory_space<hbm>>
      %dma_wait3A_1044 = arith.constant 0 : i32
      %dma_wait3A_1045 = arith.constant 0 : i32
      %dma_wait3A_1046 = tpu.memref_slice %arg10[%dma_wait3A_1044, %dma_wait3A_1045] : memref<32x128xf32, #tpu.memory_space<vmem>> -> memref<8x128xf32, #tpu.memory_space<vmem>>
      %dma_wait3A_1047 = arith.constant 0 : i32
      %dma_wait3A_1048 = arith.constant 0 : i32
      %dma_wait3A_1049 = tpu.memref_slice %arg2[%dma_wait3A_1047, %dma_wait3A_1048] : memref<32x1000000xf32, #tpu.memory_space<hbm>> -> memref<8x128xf32, #tpu.memory_space<hbm>>
      tpu.wait_dma2 semaphore(%arg24 : memref<!tpu.dma_semaphore, #tpu.memory_space<semaphore_mem>>) src(%dma_wait3A_1049 : memref<8x128xf32, #tpu.memory_space<hbm>>) dst(%dma_wait3A_1046 : memref<8x128xf32, #tpu.memory_space<vmem>>)
      %dma_wait3A_1050 = arith.constant 8 : i32
      %dma_wait3A_1051 = arith.constant 0 : i32
      %dma_wait3A_1052 = tpu.memref_slice %arg10[%dma_wait3A_1050, %dma_wait3A_1051] : memref<32x128xf32, #tpu.memory_space<vmem>> -> memref<8x128xf32, #tpu.memory_space<vmem>>
      %dma_wait3A_1053 = arith.constant 8 : i32
      %dma_wait3A_1054 = arith.constant 0 : i32
      %dma_wait3A_1055 = tpu.memref_slice %arg2[%dma_wait3A_1053, %dma_wait3A_1054] : memref<32x1000000xf32, #tpu.memory_space<hbm>> -> memref<8x128xf32, #tpu.memory_space<hbm>>
      %dma_wait3A_1056 = arith.constant 8 : i32
      %dma_wait3A_1057 = arith.constant 0 : i32
      %dma_wait3A_1058 = tpu.memref_slice %arg10[%dma_wait3A_1056, %dma_wait3A_1057] : memref<32x128xf32, #tpu.memory_space<vmem>> -> memref<8x128xf32, #tpu.memory_space<vmem>>
      %dma_wait3A_1059 = arith.constant 8 : i32
      %dma_wait3A_1060 = arith.constant 0 : i32
      %dma_wait3A_1061 = tpu.memref_slice %arg2[%dma_wait3A_1059, %dma_wait3A_1060] : memref<32x1000000xf32, #tpu.memory_space<hbm>> -> memref<8x128xf32, #tpu.memory_space<hbm>>
      tpu.wait_dma2 semaphore(%arg24 : memref<!tpu.dma_semaphore, #tpu.memory_space<semaphore_mem>>) src(%dma_wait3A_1061 : memref<8x128xf32, #tpu.memory_space<hbm>>) dst(%dma_wait3A_1058 : memref<8x128xf32, #tpu.memory_space<vmem>>)
      %dma_wait3A_1062 = arith.constant 16 : i32
      %dma_wait3A_1063 = arith.constant 0 : i32
      %dma_wait3A_1064 = tpu.memref_slice %arg10[%dma_wait3A_1062, %dma_wait3A_1063] : memref<32x128xf32, #tpu.memory_space<vmem>> -> memref<8x128xf32, #tpu.memory_space<vmem>>
      %dma_wait3A_1065 = arith.constant 16 : i32
      %dma_wait3A_1066 = arith.constant 0 : i32
      %dma_wait3A_1067 = tpu.memref_slice %arg2[%dma_wait3A_1065, %dma_wait3A_1066] : memref<32x1000000xf32, #tpu.memory_space<hbm>> -> memref<8x128xf32, #tpu.memory_space<hbm>>
      %dma_wait3A_1068 = arith.constant 16 : i32
      %dma_wait3A_1069 = arith.constant 0 : i32
      %dma_wait3A_1070 = tpu.memref_slice %arg10[%dma_wait3A_1068, %dma_wait3A_1069] : memref<32x128xf32, #tpu.memory_space<vmem>> -> memref<8x128xf32, #tpu.memory_space<vmem>>
      %dma_wait3A_1071 = arith.constant 16 : i32
      %dma_wait3A_1072 = arith.constant 0 : i32
      %dma_wait3A_1073 = tpu.memref_slice %arg2[%dma_wait3A_1071, %dma_wait3A_1072] : memref<32x1000000xf32, #tpu.memory_space<hbm>> -> memref<8x128xf32, #tpu.memory_space<hbm>>
      tpu.wait_dma2 semaphore(%arg24 : memref<!tpu.dma_semaphore, #tpu.memory_space<semaphore_mem>>) src(%dma_wait3A_1073 : memref<8x128xf32, #tpu.memory_space<hbm>>) dst(%dma_wait3A_1070 : memref<8x128xf32, #tpu.memory_space<vmem>>)
      %dma_wait3A_1074 = arith.constant 24 : i32
      %dma_wait3A_1075 = arith.constant 0 : i32
      %dma_wait3A_1076 = tpu.memref_slice %arg10[%dma_wait3A_1074, %dma_wait3A_1075] : memref<32x128xf32, #tpu.memory_space<vmem>> -> memref<8x128xf32, #tpu.memory_space<vmem>>
      %dma_wait3A_1077 = arith.constant 24 : i32
      %dma_wait3A_1078 = arith.constant 0 : i32
      %dma_wait3A_1079 = tpu.memref_slice %arg2[%dma_wait3A_1077, %dma_wait3A_1078] : memref<32x1000000xf32, #tpu.memory_space<hbm>> -> memref<8x128xf32, #tpu.memory_space<hbm>>
      %dma_wait3A_1080 = arith.constant 24 : i32
      %dma_wait3A_1081 = arith.constant 0 : i32
      %dma_wait3A_1082 = tpu.memref_slice %arg10[%dma_wait3A_1080, %dma_wait3A_1081] : memref<32x128xf32, #tpu.memory_space<vmem>> -> memref<8x128xf32, #tpu.memory_space<vmem>>
      %dma_wait3A_1083 = arith.constant 24 : i32
      %dma_wait3A_1084 = arith.constant 0 : i32
      %dma_wait3A_1085 = tpu.memref_slice %arg2[%dma_wait3A_1083, %dma_wait3A_1084] : memref<32x1000000xf32, #tpu.memory_space<hbm>> -> memref<8x128xf32, #tpu.memory_space<hbm>>
      tpu.wait_dma2 semaphore(%arg24 : memref<!tpu.dma_semaphore, #tpu.memory_space<semaphore_mem>>) src(%dma_wait3A_1085 : memref<8x128xf32, #tpu.memory_space<hbm>>) dst(%dma_wait3A_1082 : memref<8x128xf32, #tpu.memory_space<vmem>>)
      %slice3A_1086 = vector.extract_strided_slice %get3A_768 {offsets = [4], sizes = [1], strides = [1]} : vector<16xi32> to vector<1xi32>
      %squeeze3A_1087 = vector.extract %slice3A_1086[0] : i32 from vector<1xi32>
      %add3A_1088 = arith.constant 4 : i32
      %add3A_1089 = arith.addi %mul3A_766, %add3A_1088 : i32
      %and3A_1090 = arith.constant 127 : i32
      %and3A_1091 = arith.andi %squeeze3A_1087, %and3A_1090 : i32
      %broadcast_in_dim3A_1092 = vector.broadcast %and3A_1091 : i32 to vector<16xi32>
      %gather3A_1093 = tpu.vector_load_idx %arg10[%iota3A, %broadcast_in_dim3A_1092] : memref<32x128xf32, #tpu.memory_space<vmem>>[vector<16xi32>, vector<16xi32>], vector<16xf32>,
      %gather3A_1094 = tpu.vector_load_idx %arg10[%add3A_7, %broadcast_in_dim3A_1092] : memref<32x128xf32, #tpu.memory_space<vmem>>[vector<16xi32>, vector<16xi32>], vector<16xf32>,
      %broadcast_in_dim3A_1095 = vector.broadcast %add3A_1089 : i32 to vector<16xi32>
      tpu.vector_store_idx %arg22[%iota3A, %broadcast_in_dim3A_1095], %gather3A_1093 : memref<32x512xf32, #tpu.memory_space<vmem>>[vector<16xi32>, vector<16xi32>], vector<16xf32>,
      tpu.vector_store_idx %arg22[%add3A_7, %broadcast_in_dim3A_1095], %gather3A_1094 : memref<32x512xf32, #tpu.memory_space<vmem>>[vector<16xi32>, vector<16xi32>], vector<16xf32>,
      %add3A_1096 = arith.constant 1 : i32
      %add3A_1097 = arith.addi %add3A_764, %add3A_1096 : i32
      %lt3A_1098 = arith.constant 32 : i32
      %lt3A_1099 = arith.cmpi slt, %add3A_1097, %lt3A_1098 : i32
      %slice3A_1100 = vector.extract_strided_slice %get3A_775 {offsets = [4], sizes = [1], strides = [1]} : vector<16xi32> to vector<1xi32>
      %squeeze3A_1101 = vector.extract %slice3A_1100[0] : i32 from vector<1xi32>
      %convert_element_type3A_1102 = arith.extui %lt3A_1099 : i1 to i32
      %cond3A_1103 = arith.constant 0 : i32
      %cond3A_1104 = arith.cmpi ne, %convert_element_type3A_1102, %cond3A_1103 : i32
      scf.if %cond3A_1104 {
        %shift_right_arithmetic3A_1842 = arith.constant 7 : i32
        %shift_right_arithmetic3A_1843 = arith.shrsi %squeeze3A_1101, %shift_right_arithmetic3A_1842 : i32
        %shift_left3A_1844 = arith.constant 7 : i32
        %shift_left3A_1845 = arith.shli %shift_right_arithmetic3A_1843, %shift_left3A_1844 : i32
        %multiple_of3A_1846 = tpu.assume_multiple %shift_left3A_1845, 128 : i32
        %dma_start3A_1847 = arith.constant 0 : i32
        %dma_start3A_1848 = arith.constant 0 : i32
        %dma_start3A_1849 = tpu.memref_slice %arg10[%dma_start3A_1847, %dma_start3A_1848] : memref<32x128xf32, #tpu.memory_space<vmem>> -> memref<8x128xf32, #tpu.memory_space<vmem>>
        %dma_start3A_1850 = arith.constant 0 : i32
        %dma_start3A_1851 = tpu.memref_slice %arg2[%dma_start3A_1850, %multiple_of3A_1846] : memref<32x1000000xf32, #tpu.memory_space<hbm>> -> memref<8x128xf32, #tpu.memory_space<hbm>>
        %dma_start3A_1852 = arith.constant 0 : i32
        %dma_start3A_1853 = arith.constant 0 : i32
        %dma_start3A_1854 = tpu.memref_slice %arg10[%dma_start3A_1852, %dma_start3A_1853] : memref<32x128xf32, #tpu.memory_space<vmem>> -> memref<8x128xf32, #tpu.memory_space<vmem>>
        %dma_start3A_1855 = arith.constant 0 : i32
        %dma_start3A_1856 = tpu.memref_slice %arg2[%dma_start3A_1855, %multiple_of3A_1846] : memref<32x1000000xf32, #tpu.memory_space<hbm>> -> memref<8x128xf32, #tpu.memory_space<hbm>>
        tpu.enqueue_dma source(%dma_start3A_1856 : memref<8x128xf32, #tpu.memory_space<hbm>>) target(%dma_start3A_1854 : memref<8x128xf32, #tpu.memory_space<vmem>>) target_semaphore(%arg24 : memref<!tpu.dma_semaphore, #tpu.memory_space<semaphore_mem>>)
        %dma_start3A_1857 = arith.constant 8 : i32
        %dma_start3A_1858 = arith.constant 0 : i32
        %dma_start3A_1859 = tpu.memref_slice %arg10[%dma_start3A_1857, %dma_start3A_1858] : memref<32x128xf32, #tpu.memory_space<vmem>> -> memref<8x128xf32, #tpu.memory_space<vmem>>
        %dma_start3A_1860 = arith.constant 8 : i32
        %dma_start3A_1861 = tpu.memref_slice %arg2[%dma_start3A_1860, %multiple_of3A_1846] : memref<32x1000000xf32, #tpu.memory_space<hbm>> -> memref<8x128xf32, #tpu.memory_space<hbm>>
        %dma_start3A_1862 = arith.constant 8 : i32
        %dma_start3A_1863 = arith.constant 0 : i32
        %dma_start3A_1864 = tpu.memref_slice %arg10[%dma_start3A_1862, %dma_start3A_1863] : memref<32x128xf32, #tpu.memory_space<vmem>> -> memref<8x128xf32, #tpu.memory_space<vmem>>
        %dma_start3A_1865 = arith.constant 8 : i32
        %dma_start3A_1866 = tpu.memref_slice %arg2[%dma_start3A_1865, %multiple_of3A_1846] : memref<32x1000000xf32, #tpu.memory_space<hbm>> -> memref<8x128xf32, #tpu.memory_space<hbm>>
        tpu.enqueue_dma source(%dma_start3A_1866 : memref<8x128xf32, #tpu.memory_space<hbm>>) target(%dma_start3A_1864 : memref<8x128xf32, #tpu.memory_space<vmem>>) target_semaphore(%arg24 : memref<!tpu.dma_semaphore, #tpu.memory_space<semaphore_mem>>)
        %dma_start3A_1867 = arith.constant 16 : i32
        %dma_start3A_1868 = arith.constant 0 : i32
        %dma_start3A_1869 = tpu.memref_slice %arg10[%dma_start3A_1867, %dma_start3A_1868] : memref<32x128xf32, #tpu.memory_space<vmem>> -> memref<8x128xf32, #tpu.memory_space<vmem>>
        %dma_start3A_1870 = arith.constant 16 : i32
        %dma_start3A_1871 = tpu.memref_slice %arg2[%dma_start3A_1870, %multiple_of3A_1846] : memref<32x1000000xf32, #tpu.memory_space<hbm>> -> memref<8x128xf32, #tpu.memory_space<hbm>>
        %dma_start3A_1872 = arith.constant 16 : i32
        %dma_start3A_1873 = arith.constant 0 : i32
        %dma_start3A_1874 = tpu.memref_slice %arg10[%dma_start3A_1872, %dma_start3A_1873] : memref<32x128xf32, #tpu.memory_space<vmem>> -> memref<8x128xf32, #tpu.memory_space<vmem>>
        %dma_start3A_1875 = arith.constant 16 : i32
        %dma_start3A_1876 = tpu.memref_slice %arg2[%dma_start3A_1875, %multiple_of3A_1846] : memref<32x1000000xf32, #tpu.memory_space<hbm>> -> memref<8x128xf32, #tpu.memory_space<hbm>>
        tpu.enqueue_dma source(%dma_start3A_1876 : memref<8x128xf32, #tpu.memory_space<hbm>>) target(%dma_start3A_1874 : memref<8x128xf32, #tpu.memory_space<vmem>>) target_semaphore(%arg24 : memref<!tpu.dma_semaphore, #tpu.memory_space<semaphore_mem>>)
        %dma_start3A_1877 = arith.constant 24 : i32
        %dma_start3A_1878 = arith.constant 0 : i32
        %dma_start3A_1879 = tpu.memref_slice %arg10[%dma_start3A_1877, %dma_start3A_1878] : memref<32x128xf32, #tpu.memory_space<vmem>> -> memref<8x128xf32, #tpu.memory_space<vmem>>
        %dma_start3A_1880 = arith.constant 24 : i32
        %dma_start3A_1881 = tpu.memref_slice %arg2[%dma_start3A_1880, %multiple_of3A_1846] : memref<32x1000000xf32, #tpu.memory_space<hbm>> -> memref<8x128xf32, #tpu.memory_space<hbm>>
        %dma_start3A_1882 = arith.constant 24 : i32
        %dma_start3A_1883 = arith.constant 0 : i32
        %dma_start3A_1884 = tpu.memref_slice %arg10[%dma_start3A_1882, %dma_start3A_1883] : memref<32x128xf32, #tpu.memory_space<vmem>> -> memref<8x128xf32, #tpu.memory_space<vmem>>
        %dma_start3A_1885 = arith.constant 24 : i32
        %dma_start3A_1886 = tpu.memref_slice %arg2[%dma_start3A_1885, %multiple_of3A_1846] : memref<32x1000000xf32, #tpu.memory_space<hbm>> -> memref<8x128xf32, #tpu.memory_space<hbm>>
        tpu.enqueue_dma source(%dma_start3A_1886 : memref<8x128xf32, #tpu.memory_space<hbm>>) target(%dma_start3A_1884 : memref<8x128xf32, #tpu.memory_space<vmem>>) target_semaphore(%arg24 : memref<!tpu.dma_semaphore, #tpu.memory_space<semaphore_mem>>)
      } else {
      }
      %dma_wait3A_1105 = arith.constant 0 : i32
      %dma_wait3A_1106 = arith.constant 0 : i32
      %dma_wait3A_1107 = tpu.memref_slice %arg11[%dma_wait3A_1105, %dma_wait3A_1106] : memref<32x128xf32, #tpu.memory_space<vmem>> -> memref<8x128xf32, #tpu.memory_space<vmem>>
      %dma_wait3A_1108 = arith.constant 0 : i32
      %dma_wait3A_1109 = arith.constant 0 : i32
      %dma_wait3A_1110 = tpu.memref_slice %arg2[%dma_wait3A_1108, %dma_wait3A_1109] : memref<32x1000000xf32, #tpu.memory_space<hbm>> -> memref<8x128xf32, #tpu.memory_space<hbm>>
      %dma_wait3A_1111 = arith.constant 0 : i32
      %dma_wait3A_1112 = arith.constant 0 : i32
      %dma_wait3A_1113 = tpu.memref_slice %arg11[%dma_wait3A_1111, %dma_wait3A_1112] : memref<32x128xf32, #tpu.memory_space<vmem>> -> memref<8x128xf32, #tpu.memory_space<vmem>>
      %dma_wait3A_1114 = arith.constant 0 : i32
      %dma_wait3A_1115 = arith.constant 0 : i32
      %dma_wait3A_1116 = tpu.memref_slice %arg2[%dma_wait3A_1114, %dma_wait3A_1115] : memref<32x1000000xf32, #tpu.memory_space<hbm>> -> memref<8x128xf32, #tpu.memory_space<hbm>>
      tpu.wait_dma2 semaphore(%arg24 : memref<!tpu.dma_semaphore, #tpu.memory_space<semaphore_mem>>) src(%dma_wait3A_1116 : memref<8x128xf32, #tpu.memory_space<hbm>>) dst(%dma_wait3A_1113 : memref<8x128xf32, #tpu.memory_space<vmem>>)
      %dma_wait3A_1117 = arith.constant 8 : i32
      %dma_wait3A_1118 = arith.constant 0 : i32
      %dma_wait3A_1119 = tpu.memref_slice %arg11[%dma_wait3A_1117, %dma_wait3A_1118] : memref<32x128xf32, #tpu.memory_space<vmem>> -> memref<8x128xf32, #tpu.memory_space<vmem>>
      %dma_wait3A_1120 = arith.constant 8 : i32
      %dma_wait3A_1121 = arith.constant 0 : i32
      %dma_wait3A_1122 = tpu.memref_slice %arg2[%dma_wait3A_1120, %dma_wait3A_1121] : memref<32x1000000xf32, #tpu.memory_space<hbm>> -> memref<8x128xf32, #tpu.memory_space<hbm>>
      %dma_wait3A_1123 = arith.constant 8 : i32
      %dma_wait3A_1124 = arith.constant 0 : i32
      %dma_wait3A_1125 = tpu.memref_slice %arg11[%dma_wait3A_1123, %dma_wait3A_1124] : memref<32x128xf32, #tpu.memory_space<vmem>> -> memref<8x128xf32, #tpu.memory_space<vmem>>
      %dma_wait3A_1126 = arith.constant 8 : i32
      %dma_wait3A_1127 = arith.constant 0 : i32
      %dma_wait3A_1128 = tpu.memref_slice %arg2[%dma_wait3A_1126, %dma_wait3A_1127] : memref<32x1000000xf32, #tpu.memory_space<hbm>> -> memref<8x128xf32, #tpu.memory_space<hbm>>
      tpu.wait_dma2 semaphore(%arg24 : memref<!tpu.dma_semaphore, #tpu.memory_space<semaphore_mem>>) src(%dma_wait3A_1128 : memref<8x128xf32, #tpu.memory_space<hbm>>) dst(%dma_wait3A_1125 : memref<8x128xf32, #tpu.memory_space<vmem>>)
      %dma_wait3A_1129 = arith.constant 16 : i32
      %dma_wait3A_1130 = arith.constant 0 : i32
      %dma_wait3A_1131 = tpu.memref_slice %arg11[%dma_wait3A_1129, %dma_wait3A_1130] : memref<32x128xf32, #tpu.memory_space<vmem>> -> memref<8x128xf32, #tpu.memory_space<vmem>>
      %dma_wait3A_1132 = arith.constant 16 : i32
      %dma_wait3A_1133 = arith.constant 0 : i32
      %dma_wait3A_1134 = tpu.memref_slice %arg2[%dma_wait3A_1132, %dma_wait3A_1133] : memref<32x1000000xf32, #tpu.memory_space<hbm>> -> memref<8x128xf32, #tpu.memory_space<hbm>>
      %dma_wait3A_1135 = arith.constant 16 : i32
      %dma_wait3A_1136 = arith.constant 0 : i32
      %dma_wait3A_1137 = tpu.memref_slice %arg11[%dma_wait3A_1135, %dma_wait3A_1136] : memref<32x128xf32, #tpu.memory_space<vmem>> -> memref<8x128xf32, #tpu.memory_space<vmem>>
      %dma_wait3A_1138 = arith.constant 16 : i32
      %dma_wait3A_1139 = arith.constant 0 : i32
      %dma_wait3A_1140 = tpu.memref_slice %arg2[%dma_wait3A_1138, %dma_wait3A_1139] : memref<32x1000000xf32, #tpu.memory_space<hbm>> -> memref<8x128xf32, #tpu.memory_space<hbm>>
      tpu.wait_dma2 semaphore(%arg24 : memref<!tpu.dma_semaphore, #tpu.memory_space<semaphore_mem>>) src(%dma_wait3A_1140 : memref<8x128xf32, #tpu.memory_space<hbm>>) dst(%dma_wait3A_1137 : memref<8x128xf32, #tpu.memory_space<vmem>>)
      %dma_wait3A_1141 = arith.constant 24 : i32
      %dma_wait3A_1142 = arith.constant 0 : i32
      %dma_wait3A_1143 = tpu.memref_slice %arg11[%dma_wait3A_1141, %dma_wait3A_1142] : memref<32x128xf32, #tpu.memory_space<vmem>> -> memref<8x128xf32, #tpu.memory_space<vmem>>
      %dma_wait3A_1144 = arith.constant 24 : i32
      %dma_wait3A_1145 = arith.constant 0 : i32
      %dma_wait3A_1146 = tpu.memref_slice %arg2[%dma_wait3A_1144, %dma_wait3A_1145] : memref<32x1000000xf32, #tpu.memory_space<hbm>> -> memref<8x128xf32, #tpu.memory_space<hbm>>
      %dma_wait3A_1147 = arith.constant 24 : i32
      %dma_wait3A_1148 = arith.constant 0 : i32
      %dma_wait3A_1149 = tpu.memref_slice %arg11[%dma_wait3A_1147, %dma_wait3A_1148] : memref<32x128xf32, #tpu.memory_space<vmem>> -> memref<8x128xf32, #tpu.memory_space<vmem>>
      %dma_wait3A_1150 = arith.constant 24 : i32
      %dma_wait3A_1151 = arith.constant 0 : i32
      %dma_wait3A_1152 = tpu.memref_slice %arg2[%dma_wait3A_1150, %dma_wait3A_1151] : memref<32x1000000xf32, #tpu.memory_space<hbm>> -> memref<8x128xf32, #tpu.memory_space<hbm>>
      tpu.wait_dma2 semaphore(%arg24 : memref<!tpu.dma_semaphore, #tpu.memory_space<semaphore_mem>>) src(%dma_wait3A_1152 : memref<8x128xf32, #tpu.memory_space<hbm>>) dst(%dma_wait3A_1149 : memref<8x128xf32, #tpu.memory_space<vmem>>)
      %slice3A_1153 = vector.extract_strided_slice %get3A_768 {offsets = [5], sizes = [1], strides = [1]} : vector<16xi32> to vector<1xi32>
      %squeeze3A_1154 = vector.extract %slice3A_1153[0] : i32 from vector<1xi32>
      %add3A_1155 = arith.constant 5 : i32
      %add3A_1156 = arith.addi %mul3A_766, %add3A_1155 : i32
      %and3A_1157 = arith.constant 127 : i32
      %and3A_1158 = arith.andi %squeeze3A_1154, %and3A_1157 : i32
      %broadcast_in_dim3A_1159 = vector.broadcast %and3A_1158 : i32 to vector<16xi32>
      %gather3A_1160 = tpu.vector_load_idx %arg11[%iota3A, %broadcast_in_dim3A_1159] : memref<32x128xf32, #tpu.memory_space<vmem>>[vector<16xi32>, vector<16xi32>], vector<16xf32>,
      %gather3A_1161 = tpu.vector_load_idx %arg11[%add3A_7, %broadcast_in_dim3A_1159] : memref<32x128xf32, #tpu.memory_space<vmem>>[vector<16xi32>, vector<16xi32>], vector<16xf32>,
      %broadcast_in_dim3A_1162 = vector.broadcast %add3A_1156 : i32 to vector<16xi32>
      tpu.vector_store_idx %arg22[%iota3A, %broadcast_in_dim3A_1162], %gather3A_1160 : memref<32x512xf32, #tpu.memory_space<vmem>>[vector<16xi32>, vector<16xi32>], vector<16xf32>,
      tpu.vector_store_idx %arg22[%add3A_7, %broadcast_in_dim3A_1162], %gather3A_1161 : memref<32x512xf32, #tpu.memory_space<vmem>>[vector<16xi32>, vector<16xi32>], vector<16xf32>,
      %add3A_1163 = arith.constant 1 : i32
      %add3A_1164 = arith.addi %add3A_764, %add3A_1163 : i32
      %lt3A_1165 = arith.constant 32 : i32
      %lt3A_1166 = arith.cmpi slt, %add3A_1164, %lt3A_1165 : i32
      %slice3A_1167 = vector.extract_strided_slice %get3A_775 {offsets = [5], sizes = [1], strides = [1]} : vector<16xi32> to vector<1xi32>
      %squeeze3A_1168 = vector.extract %slice3A_1167[0] : i32 from vector<1xi32>
      %convert_element_type3A_1169 = arith.extui %lt3A_1166 : i1 to i32
      %cond3A_1170 = arith.constant 0 : i32
      %cond3A_1171 = arith.cmpi ne, %convert_element_type3A_1169, %cond3A_1170 : i32
      scf.if %cond3A_1171 {
        %shift_right_arithmetic3A_1842 = arith.constant 7 : i32
        %shift_right_arithmetic3A_1843 = arith.shrsi %squeeze3A_1168, %shift_right_arithmetic3A_1842 : i32
        %shift_left3A_1844 = arith.constant 7 : i32
        %shift_left3A_1845 = arith.shli %shift_right_arithmetic3A_1843, %shift_left3A_1844 : i32
        %multiple_of3A_1846 = tpu.assume_multiple %shift_left3A_1845, 128 : i32
        %dma_start3A_1847 = arith.constant 0 : i32
        %dma_start3A_1848 = arith.constant 0 : i32
        %dma_start3A_1849 = tpu.memref_slice %arg11[%dma_start3A_1847, %dma_start3A_1848] : memref<32x128xf32, #tpu.memory_space<vmem>> -> memref<8x128xf32, #tpu.memory_space<vmem>>
        %dma_start3A_1850 = arith.constant 0 : i32
        %dma_start3A_1851 = tpu.memref_slice %arg2[%dma_start3A_1850, %multiple_of3A_1846] : memref<32x1000000xf32, #tpu.memory_space<hbm>> -> memref<8x128xf32, #tpu.memory_space<hbm>>
        %dma_start3A_1852 = arith.constant 0 : i32
        %dma_start3A_1853 = arith.constant 0 : i32
        %dma_start3A_1854 = tpu.memref_slice %arg11[%dma_start3A_1852, %dma_start3A_1853] : memref<32x128xf32, #tpu.memory_space<vmem>> -> memref<8x128xf32, #tpu.memory_space<vmem>>
        %dma_start3A_1855 = arith.constant 0 : i32
        %dma_start3A_1856 = tpu.memref_slice %arg2[%dma_start3A_1855, %multiple_of3A_1846] : memref<32x1000000xf32, #tpu.memory_space<hbm>> -> memref<8x128xf32, #tpu.memory_space<hbm>>
        tpu.enqueue_dma source(%dma_start3A_1856 : memref<8x128xf32, #tpu.memory_space<hbm>>) target(%dma_start3A_1854 : memref<8x128xf32, #tpu.memory_space<vmem>>) target_semaphore(%arg24 : memref<!tpu.dma_semaphore, #tpu.memory_space<semaphore_mem>>)
        %dma_start3A_1857 = arith.constant 8 : i32
        %dma_start3A_1858 = arith.constant 0 : i32
        %dma_start3A_1859 = tpu.memref_slice %arg11[%dma_start3A_1857, %dma_start3A_1858] : memref<32x128xf32, #tpu.memory_space<vmem>> -> memref<8x128xf32, #tpu.memory_space<vmem>>
        %dma_start3A_1860 = arith.constant 8 : i32
        %dma_start3A_1861 = tpu.memref_slice %arg2[%dma_start3A_1860, %multiple_of3A_1846] : memref<32x1000000xf32, #tpu.memory_space<hbm>> -> memref<8x128xf32, #tpu.memory_space<hbm>>
        %dma_start3A_1862 = arith.constant 8 : i32
        %dma_start3A_1863 = arith.constant 0 : i32
        %dma_start3A_1864 = tpu.memref_slice %arg11[%dma_start3A_1862, %dma_start3A_1863] : memref<32x128xf32, #tpu.memory_space<vmem>> -> memref<8x128xf32, #tpu.memory_space<vmem>>
        %dma_start3A_1865 = arith.constant 8 : i32
        %dma_start3A_1866 = tpu.memref_slice %arg2[%dma_start3A_1865, %multiple_of3A_1846] : memref<32x1000000xf32, #tpu.memory_space<hbm>> -> memref<8x128xf32, #tpu.memory_space<hbm>>
        tpu.enqueue_dma source(%dma_start3A_1866 : memref<8x128xf32, #tpu.memory_space<hbm>>) target(%dma_start3A_1864 : memref<8x128xf32, #tpu.memory_space<vmem>>) target_semaphore(%arg24 : memref<!tpu.dma_semaphore, #tpu.memory_space<semaphore_mem>>)
        %dma_start3A_1867 = arith.constant 16 : i32
        %dma_start3A_1868 = arith.constant 0 : i32
        %dma_start3A_1869 = tpu.memref_slice %arg11[%dma_start3A_1867, %dma_start3A_1868] : memref<32x128xf32, #tpu.memory_space<vmem>> -> memref<8x128xf32, #tpu.memory_space<vmem>>
        %dma_start3A_1870 = arith.constant 16 : i32
        %dma_start3A_1871 = tpu.memref_slice %arg2[%dma_start3A_1870, %multiple_of3A_1846] : memref<32x1000000xf32, #tpu.memory_space<hbm>> -> memref<8x128xf32, #tpu.memory_space<hbm>>
        %dma_start3A_1872 = arith.constant 16 : i32
        %dma_start3A_1873 = arith.constant 0 : i32
        %dma_start3A_1874 = tpu.memref_slice %arg11[%dma_start3A_1872, %dma_start3A_1873] : memref<32x128xf32, #tpu.memory_space<vmem>> -> memref<8x128xf32, #tpu.memory_space<vmem>>
        %dma_start3A_1875 = arith.constant 16 : i32
        %dma_start3A_1876 = tpu.memref_slice %arg2[%dma_start3A_1875, %multiple_of3A_1846] : memref<32x1000000xf32, #tpu.memory_space<hbm>> -> memref<8x128xf32, #tpu.memory_space<hbm>>
        tpu.enqueue_dma source(%dma_start3A_1876 : memref<8x128xf32, #tpu.memory_space<hbm>>) target(%dma_start3A_1874 : memref<8x128xf32, #tpu.memory_space<vmem>>) target_semaphore(%arg24 : memref<!tpu.dma_semaphore, #tpu.memory_space<semaphore_mem>>)
        %dma_start3A_1877 = arith.constant 24 : i32
        %dma_start3A_1878 = arith.constant 0 : i32
        %dma_start3A_1879 = tpu.memref_slice %arg11[%dma_start3A_1877, %dma_start3A_1878] : memref<32x128xf32, #tpu.memory_space<vmem>> -> memref<8x128xf32, #tpu.memory_space<vmem>>
        %dma_start3A_1880 = arith.constant 24 : i32
        %dma_start3A_1881 = tpu.memref_slice %arg2[%dma_start3A_1880, %multiple_of3A_1846] : memref<32x1000000xf32, #tpu.memory_space<hbm>> -> memref<8x128xf32, #tpu.memory_space<hbm>>
        %dma_start3A_1882 = arith.constant 24 : i32
        %dma_start3A_1883 = arith.constant 0 : i32
        %dma_start3A_1884 = tpu.memref_slice %arg11[%dma_start3A_1882, %dma_start3A_1883] : memref<32x128xf32, #tpu.memory_space<vmem>> -> memref<8x128xf32, #tpu.memory_space<vmem>>
        %dma_start3A_1885 = arith.constant 24 : i32
        %dma_start3A_1886 = tpu.memref_slice %arg2[%dma_start3A_1885, %multiple_of3A_1846] : memref<32x1000000xf32, #tpu.memory_space<hbm>> -> memref<8x128xf32, #tpu.memory_space<hbm>>
        tpu.enqueue_dma source(%dma_start3A_1886 : memref<8x128xf32, #tpu.memory_space<hbm>>) target(%dma_start3A_1884 : memref<8x128xf32, #tpu.memory_space<vmem>>) target_semaphore(%arg24 : memref<!tpu.dma_semaphore, #tpu.memory_space<semaphore_mem>>)
      } else {
      }
      %dma_wait3A_1172 = arith.constant 0 : i32
      %dma_wait3A_1173 = arith.constant 0 : i32
      %dma_wait3A_1174 = tpu.memref_slice %arg12[%dma_wait3A_1172, %dma_wait3A_1173] : memref<32x128xf32, #tpu.memory_space<vmem>> -> memref<8x128xf32, #tpu.memory_space<vmem>>
      %dma_wait3A_1175 = arith.constant 0 : i32
      %dma_wait3A_1176 = arith.constant 0 : i32
      %dma_wait3A_1177 = tpu.memref_slice %arg2[%dma_wait3A_1175, %dma_wait3A_1176] : memref<32x1000000xf32, #tpu.memory_space<hbm>> -> memref<8x128xf32, #tpu.memory_space<hbm>>
      %dma_wait3A_1178 = arith.constant 0 : i32
      %dma_wait3A_1179 = arith.constant 0 : i32
      %dma_wait3A_1180 = tpu.memref_slice %arg12[%dma_wait3A_1178, %dma_wait3A_1179] : memref<32x128xf32, #tpu.memory_space<vmem>> -> memref<8x128xf32, #tpu.memory_space<vmem>>
      %dma_wait3A_1181 = arith.constant 0 : i32
      %dma_wait3A_1182 = arith.constant 0 : i32
      %dma_wait3A_1183 = tpu.memref_slice %arg2[%dma_wait3A_1181, %dma_wait3A_1182] : memref<32x1000000xf32, #tpu.memory_space<hbm>> -> memref<8x128xf32, #tpu.memory_space<hbm>>
      tpu.wait_dma2 semaphore(%arg24 : memref<!tpu.dma_semaphore, #tpu.memory_space<semaphore_mem>>) src(%dma_wait3A_1183 : memref<8x128xf32, #tpu.memory_space<hbm>>) dst(%dma_wait3A_1180 : memref<8x128xf32, #tpu.memory_space<vmem>>)
      %dma_wait3A_1184 = arith.constant 8 : i32
      %dma_wait3A_1185 = arith.constant 0 : i32
      %dma_wait3A_1186 = tpu.memref_slice %arg12[%dma_wait3A_1184, %dma_wait3A_1185] : memref<32x128xf32, #tpu.memory_space<vmem>> -> memref<8x128xf32, #tpu.memory_space<vmem>>
      %dma_wait3A_1187 = arith.constant 8 : i32
      %dma_wait3A_1188 = arith.constant 0 : i32
      %dma_wait3A_1189 = tpu.memref_slice %arg2[%dma_wait3A_1187, %dma_wait3A_1188] : memref<32x1000000xf32, #tpu.memory_space<hbm>> -> memref<8x128xf32, #tpu.memory_space<hbm>>
      %dma_wait3A_1190 = arith.constant 8 : i32
      %dma_wait3A_1191 = arith.constant 0 : i32
      %dma_wait3A_1192 = tpu.memref_slice %arg12[%dma_wait3A_1190, %dma_wait3A_1191] : memref<32x128xf32, #tpu.memory_space<vmem>> -> memref<8x128xf32, #tpu.memory_space<vmem>>
      %dma_wait3A_1193 = arith.constant 8 : i32
      %dma_wait3A_1194 = arith.constant 0 : i32
      %dma_wait3A_1195 = tpu.memref_slice %arg2[%dma_wait3A_1193, %dma_wait3A_1194] : memref<32x1000000xf32, #tpu.memory_space<hbm>> -> memref<8x128xf32, #tpu.memory_space<hbm>>
      tpu.wait_dma2 semaphore(%arg24 : memref<!tpu.dma_semaphore, #tpu.memory_space<semaphore_mem>>) src(%dma_wait3A_1195 : memref<8x128xf32, #tpu.memory_space<hbm>>) dst(%dma_wait3A_1192 : memref<8x128xf32, #tpu.memory_space<vmem>>)
      %dma_wait3A_1196 = arith.constant 16 : i32
      %dma_wait3A_1197 = arith.constant 0 : i32
      %dma_wait3A_1198 = tpu.memref_slice %arg12[%dma_wait3A_1196, %dma_wait3A_1197] : memref<32x128xf32, #tpu.memory_space<vmem>> -> memref<8x128xf32, #tpu.memory_space<vmem>>
      %dma_wait3A_1199 = arith.constant 16 : i32
      %dma_wait3A_1200 = arith.constant 0 : i32
      %dma_wait3A_1201 = tpu.memref_slice %arg2[%dma_wait3A_1199, %dma_wait3A_1200] : memref<32x1000000xf32, #tpu.memory_space<hbm>> -> memref<8x128xf32, #tpu.memory_space<hbm>>
      %dma_wait3A_1202 = arith.constant 16 : i32
      %dma_wait3A_1203 = arith.constant 0 : i32
      %dma_wait3A_1204 = tpu.memref_slice %arg12[%dma_wait3A_1202, %dma_wait3A_1203] : memref<32x128xf32, #tpu.memory_space<vmem>> -> memref<8x128xf32, #tpu.memory_space<vmem>>
      %dma_wait3A_1205 = arith.constant 16 : i32
      %dma_wait3A_1206 = arith.constant 0 : i32
      %dma_wait3A_1207 = tpu.memref_slice %arg2[%dma_wait3A_1205, %dma_wait3A_1206] : memref<32x1000000xf32, #tpu.memory_space<hbm>> -> memref<8x128xf32, #tpu.memory_space<hbm>>
      tpu.wait_dma2 semaphore(%arg24 : memref<!tpu.dma_semaphore, #tpu.memory_space<semaphore_mem>>) src(%dma_wait3A_1207 : memref<8x128xf32, #tpu.memory_space<hbm>>) dst(%dma_wait3A_1204 : memref<8x128xf32, #tpu.memory_space<vmem>>)
      %dma_wait3A_1208 = arith.constant 24 : i32
      %dma_wait3A_1209 = arith.constant 0 : i32
      %dma_wait3A_1210 = tpu.memref_slice %arg12[%dma_wait3A_1208, %dma_wait3A_1209] : memref<32x128xf32, #tpu.memory_space<vmem>> -> memref<8x128xf32, #tpu.memory_space<vmem>>
      %dma_wait3A_1211 = arith.constant 24 : i32
      %dma_wait3A_1212 = arith.constant 0 : i32
      %dma_wait3A_1213 = tpu.memref_slice %arg2[%dma_wait3A_1211, %dma_wait3A_1212] : memref<32x1000000xf32, #tpu.memory_space<hbm>> -> memref<8x128xf32, #tpu.memory_space<hbm>>
      %dma_wait3A_1214 = arith.constant 24 : i32
      %dma_wait3A_1215 = arith.constant 0 : i32
      %dma_wait3A_1216 = tpu.memref_slice %arg12[%dma_wait3A_1214, %dma_wait3A_1215] : memref<32x128xf32, #tpu.memory_space<vmem>> -> memref<8x128xf32, #tpu.memory_space<vmem>>
      %dma_wait3A_1217 = arith.constant 24 : i32
      %dma_wait3A_1218 = arith.constant 0 : i32
      %dma_wait3A_1219 = tpu.memref_slice %arg2[%dma_wait3A_1217, %dma_wait3A_1218] : memref<32x1000000xf32, #tpu.memory_space<hbm>> -> memref<8x128xf32, #tpu.memory_space<hbm>>
      tpu.wait_dma2 semaphore(%arg24 : memref<!tpu.dma_semaphore, #tpu.memory_space<semaphore_mem>>) src(%dma_wait3A_1219 : memref<8x128xf32, #tpu.memory_space<hbm>>) dst(%dma_wait3A_1216 : memref<8x128xf32, #tpu.memory_space<vmem>>)
      %slice3A_1220 = vector.extract_strided_slice %get3A_768 {offsets = [6], sizes = [1], strides = [1]} : vector<16xi32> to vector<1xi32>
      %squeeze3A_1221 = vector.extract %slice3A_1220[0] : i32 from vector<1xi32>
      %add3A_1222 = arith.constant 6 : i32
      %add3A_1223 = arith.addi %mul3A_766, %add3A_1222 : i32
      %and3A_1224 = arith.constant 127 : i32
      %and3A_1225 = arith.andi %squeeze3A_1221, %and3A_1224 : i32
      %broadcast_in_dim3A_1226 = vector.broadcast %and3A_1225 : i32 to vector<16xi32>
      %gather3A_1227 = tpu.vector_load_idx %arg12[%iota3A, %broadcast_in_dim3A_1226] : memref<32x128xf32, #tpu.memory_space<vmem>>[vector<16xi32>, vector<16xi32>], vector<16xf32>,
      %gather3A_1228 = tpu.vector_load_idx %arg12[%add3A_7, %broadcast_in_dim3A_1226] : memref<32x128xf32, #tpu.memory_space<vmem>>[vector<16xi32>, vector<16xi32>], vector<16xf32>,
      %broadcast_in_dim3A_1229 = vector.broadcast %add3A_1223 : i32 to vector<16xi32>
      tpu.vector_store_idx %arg22[%iota3A, %broadcast_in_dim3A_1229], %gather3A_1227 : memref<32x512xf32, #tpu.memory_space<vmem>>[vector<16xi32>, vector<16xi32>], vector<16xf32>,
      tpu.vector_store_idx %arg22[%add3A_7, %broadcast_in_dim3A_1229], %gather3A_1228 : memref<32x512xf32, #tpu.memory_space<vmem>>[vector<16xi32>, vector<16xi32>], vector<16xf32>,
      %add3A_1230 = arith.constant 1 : i32
      %add3A_1231 = arith.addi %add3A_764, %add3A_1230 : i32
      %lt3A_1232 = arith.constant 32 : i32
      %lt3A_1233 = arith.cmpi slt, %add3A_1231, %lt3A_1232 : i32
      %slice3A_1234 = vector.extract_strided_slice %get3A_775 {offsets = [6], sizes = [1], strides = [1]} : vector<16xi32> to vector<1xi32>
      %squeeze3A_1235 = vector.extract %slice3A_1234[0] : i32 from vector<1xi32>
      %convert_element_type3A_1236 = arith.extui %lt3A_1233 : i1 to i32
      %cond3A_1237 = arith.constant 0 : i32
      %cond3A_1238 = arith.cmpi ne, %convert_element_type3A_1236, %cond3A_1237 : i32
      scf.if %cond3A_1238 {
        %shift_right_arithmetic3A_1842 = arith.constant 7 : i32
        %shift_right_arithmetic3A_1843 = arith.shrsi %squeeze3A_1235, %shift_right_arithmetic3A_1842 : i32
        %shift_left3A_1844 = arith.constant 7 : i32
        %shift_left3A_1845 = arith.shli %shift_right_arithmetic3A_1843, %shift_left3A_1844 : i32
        %multiple_of3A_1846 = tpu.assume_multiple %shift_left3A_1845, 128 : i32
        %dma_start3A_1847 = arith.constant 0 : i32
        %dma_start3A_1848 = arith.constant 0 : i32
        %dma_start3A_1849 = tpu.memref_slice %arg12[%dma_start3A_1847, %dma_start3A_1848] : memref<32x128xf32, #tpu.memory_space<vmem>> -> memref<8x128xf32, #tpu.memory_space<vmem>>
        %dma_start3A_1850 = arith.constant 0 : i32
        %dma_start3A_1851 = tpu.memref_slice %arg2[%dma_start3A_1850, %multiple_of3A_1846] : memref<32x1000000xf32, #tpu.memory_space<hbm>> -> memref<8x128xf32, #tpu.memory_space<hbm>>
        %dma_start3A_1852 = arith.constant 0 : i32
        %dma_start3A_1853 = arith.constant 0 : i32
        %dma_start3A_1854 = tpu.memref_slice %arg12[%dma_start3A_1852, %dma_start3A_1853] : memref<32x128xf32, #tpu.memory_space<vmem>> -> memref<8x128xf32, #tpu.memory_space<vmem>>
        %dma_start3A_1855 = arith.constant 0 : i32
        %dma_start3A_1856 = tpu.memref_slice %arg2[%dma_start3A_1855, %multiple_of3A_1846] : memref<32x1000000xf32, #tpu.memory_space<hbm>> -> memref<8x128xf32, #tpu.memory_space<hbm>>
        tpu.enqueue_dma source(%dma_start3A_1856 : memref<8x128xf32, #tpu.memory_space<hbm>>) target(%dma_start3A_1854 : memref<8x128xf32, #tpu.memory_space<vmem>>) target_semaphore(%arg24 : memref<!tpu.dma_semaphore, #tpu.memory_space<semaphore_mem>>)
        %dma_start3A_1857 = arith.constant 8 : i32
        %dma_start3A_1858 = arith.constant 0 : i32
        %dma_start3A_1859 = tpu.memref_slice %arg12[%dma_start3A_1857, %dma_start3A_1858] : memref<32x128xf32, #tpu.memory_space<vmem>> -> memref<8x128xf32, #tpu.memory_space<vmem>>
        %dma_start3A_1860 = arith.constant 8 : i32
        %dma_start3A_1861 = tpu.memref_slice %arg2[%dma_start3A_1860, %multiple_of3A_1846] : memref<32x1000000xf32, #tpu.memory_space<hbm>> -> memref<8x128xf32, #tpu.memory_space<hbm>>
        %dma_start3A_1862 = arith.constant 8 : i32
        %dma_start3A_1863 = arith.constant 0 : i32
        %dma_start3A_1864 = tpu.memref_slice %arg12[%dma_start3A_1862, %dma_start3A_1863] : memref<32x128xf32, #tpu.memory_space<vmem>> -> memref<8x128xf32, #tpu.memory_space<vmem>>
        %dma_start3A_1865 = arith.constant 8 : i32
        %dma_start3A_1866 = tpu.memref_slice %arg2[%dma_start3A_1865, %multiple_of3A_1846] : memref<32x1000000xf32, #tpu.memory_space<hbm>> -> memref<8x128xf32, #tpu.memory_space<hbm>>
        tpu.enqueue_dma source(%dma_start3A_1866 : memref<8x128xf32, #tpu.memory_space<hbm>>) target(%dma_start3A_1864 : memref<8x128xf32, #tpu.memory_space<vmem>>) target_semaphore(%arg24 : memref<!tpu.dma_semaphore, #tpu.memory_space<semaphore_mem>>)
        %dma_start3A_1867 = arith.constant 16 : i32
        %dma_start3A_1868 = arith.constant 0 : i32
        %dma_start3A_1869 = tpu.memref_slice %arg12[%dma_start3A_1867, %dma_start3A_1868] : memref<32x128xf32, #tpu.memory_space<vmem>> -> memref<8x128xf32, #tpu.memory_space<vmem>>
        %dma_start3A_1870 = arith.constant 16 : i32
        %dma_start3A_1871 = tpu.memref_slice %arg2[%dma_start3A_1870, %multiple_of3A_1846] : memref<32x1000000xf32, #tpu.memory_space<hbm>> -> memref<8x128xf32, #tpu.memory_space<hbm>>
        %dma_start3A_1872 = arith.constant 16 : i32
        %dma_start3A_1873 = arith.constant 0 : i32
        %dma_start3A_1874 = tpu.memref_slice %arg12[%dma_start3A_1872, %dma_start3A_1873] : memref<32x128xf32, #tpu.memory_space<vmem>> -> memref<8x128xf32, #tpu.memory_space<vmem>>
        %dma_start3A_1875 = arith.constant 16 : i32
        %dma_start3A_1876 = tpu.memref_slice %arg2[%dma_start3A_1875, %multiple_of3A_1846] : memref<32x1000000xf32, #tpu.memory_space<hbm>> -> memref<8x128xf32, #tpu.memory_space<hbm>>
        tpu.enqueue_dma source(%dma_start3A_1876 : memref<8x128xf32, #tpu.memory_space<hbm>>) target(%dma_start3A_1874 : memref<8x128xf32, #tpu.memory_space<vmem>>) target_semaphore(%arg24 : memref<!tpu.dma_semaphore, #tpu.memory_space<semaphore_mem>>)
        %dma_start3A_1877 = arith.constant 24 : i32
        %dma_start3A_1878 = arith.constant 0 : i32
        %dma_start3A_1879 = tpu.memref_slice %arg12[%dma_start3A_1877, %dma_start3A_1878] : memref<32x128xf32, #tpu.memory_space<vmem>> -> memref<8x128xf32, #tpu.memory_space<vmem>>
        %dma_start3A_1880 = arith.constant 24 : i32
        %dma_start3A_1881 = tpu.memref_slice %arg2[%dma_start3A_1880, %multiple_of3A_1846] : memref<32x1000000xf32, #tpu.memory_space<hbm>> -> memref<8x128xf32, #tpu.memory_space<hbm>>
        %dma_start3A_1882 = arith.constant 24 : i32
        %dma_start3A_1883 = arith.constant 0 : i32
        %dma_start3A_1884 = tpu.memref_slice %arg12[%dma_start3A_1882, %dma_start3A_1883] : memref<32x128xf32, #tpu.memory_space<vmem>> -> memref<8x128xf32, #tpu.memory_space<vmem>>
        %dma_start3A_1885 = arith.constant 24 : i32
        %dma_start3A_1886 = tpu.memref_slice %arg2[%dma_start3A_1885, %multiple_of3A_1846] : memref<32x1000000xf32, #tpu.memory_space<hbm>> -> memref<8x128xf32, #tpu.memory_space<hbm>>
        tpu.enqueue_dma source(%dma_start3A_1886 : memref<8x128xf32, #tpu.memory_space<hbm>>) target(%dma_start3A_1884 : memref<8x128xf32, #tpu.memory_space<vmem>>) target_semaphore(%arg24 : memref<!tpu.dma_semaphore, #tpu.memory_space<semaphore_mem>>)
      } else {
      }
      %dma_wait3A_1239 = arith.constant 0 : i32
      %dma_wait3A_1240 = arith.constant 0 : i32
      %dma_wait3A_1241 = tpu.memref_slice %arg13[%dma_wait3A_1239, %dma_wait3A_1240] : memref<32x128xf32, #tpu.memory_space<vmem>> -> memref<8x128xf32, #tpu.memory_space<vmem>>
      %dma_wait3A_1242 = arith.constant 0 : i32
      %dma_wait3A_1243 = arith.constant 0 : i32
      %dma_wait3A_1244 = tpu.memref_slice %arg2[%dma_wait3A_1242, %dma_wait3A_1243] : memref<32x1000000xf32, #tpu.memory_space<hbm>> -> memref<8x128xf32, #tpu.memory_space<hbm>>
      %dma_wait3A_1245 = arith.constant 0 : i32
      %dma_wait3A_1246 = arith.constant 0 : i32
      %dma_wait3A_1247 = tpu.memref_slice %arg13[%dma_wait3A_1245, %dma_wait3A_1246] : memref<32x128xf32, #tpu.memory_space<vmem>> -> memref<8x128xf32, #tpu.memory_space<vmem>>
      %dma_wait3A_1248 = arith.constant 0 : i32
      %dma_wait3A_1249 = arith.constant 0 : i32
      %dma_wait3A_1250 = tpu.memref_slice %arg2[%dma_wait3A_1248, %dma_wait3A_1249] : memref<32x1000000xf32, #tpu.memory_space<hbm>> -> memref<8x128xf32, #tpu.memory_space<hbm>>
      tpu.wait_dma2 semaphore(%arg24 : memref<!tpu.dma_semaphore, #tpu.memory_space<semaphore_mem>>) src(%dma_wait3A_1250 : memref<8x128xf32, #tpu.memory_space<hbm>>) dst(%dma_wait3A_1247 : memref<8x128xf32, #tpu.memory_space<vmem>>)
      %dma_wait3A_1251 = arith.constant 8 : i32
      %dma_wait3A_1252 = arith.constant 0 : i32
      %dma_wait3A_1253 = tpu.memref_slice %arg13[%dma_wait3A_1251, %dma_wait3A_1252] : memref<32x128xf32, #tpu.memory_space<vmem>> -> memref<8x128xf32, #tpu.memory_space<vmem>>
      %dma_wait3A_1254 = arith.constant 8 : i32
      %dma_wait3A_1255 = arith.constant 0 : i32
      %dma_wait3A_1256 = tpu.memref_slice %arg2[%dma_wait3A_1254, %dma_wait3A_1255] : memref<32x1000000xf32, #tpu.memory_space<hbm>> -> memref<8x128xf32, #tpu.memory_space<hbm>>
      %dma_wait3A_1257 = arith.constant 8 : i32
      %dma_wait3A_1258 = arith.constant 0 : i32
      %dma_wait3A_1259 = tpu.memref_slice %arg13[%dma_wait3A_1257, %dma_wait3A_1258] : memref<32x128xf32, #tpu.memory_space<vmem>> -> memref<8x128xf32, #tpu.memory_space<vmem>>
      %dma_wait3A_1260 = arith.constant 8 : i32
      %dma_wait3A_1261 = arith.constant 0 : i32
      %dma_wait3A_1262 = tpu.memref_slice %arg2[%dma_wait3A_1260, %dma_wait3A_1261] : memref<32x1000000xf32, #tpu.memory_space<hbm>> -> memref<8x128xf32, #tpu.memory_space<hbm>>
      tpu.wait_dma2 semaphore(%arg24 : memref<!tpu.dma_semaphore, #tpu.memory_space<semaphore_mem>>) src(%dma_wait3A_1262 : memref<8x128xf32, #tpu.memory_space<hbm>>) dst(%dma_wait3A_1259 : memref<8x128xf32, #tpu.memory_space<vmem>>)
      %dma_wait3A_1263 = arith.constant 16 : i32
      %dma_wait3A_1264 = arith.constant 0 : i32
      %dma_wait3A_1265 = tpu.memref_slice %arg13[%dma_wait3A_1263, %dma_wait3A_1264] : memref<32x128xf32, #tpu.memory_space<vmem>> -> memref<8x128xf32, #tpu.memory_space<vmem>>
      %dma_wait3A_1266 = arith.constant 16 : i32
      %dma_wait3A_1267 = arith.constant 0 : i32
      %dma_wait3A_1268 = tpu.memref_slice %arg2[%dma_wait3A_1266, %dma_wait3A_1267] : memref<32x1000000xf32, #tpu.memory_space<hbm>> -> memref<8x128xf32, #tpu.memory_space<hbm>>
      %dma_wait3A_1269 = arith.constant 16 : i32
      %dma_wait3A_1270 = arith.constant 0 : i32
      %dma_wait3A_1271 = tpu.memref_slice %arg13[%dma_wait3A_1269, %dma_wait3A_1270] : memref<32x128xf32, #tpu.memory_space<vmem>> -> memref<8x128xf32, #tpu.memory_space<vmem>>
      %dma_wait3A_1272 = arith.constant 16 : i32
      %dma_wait3A_1273 = arith.constant 0 : i32
      %dma_wait3A_1274 = tpu.memref_slice %arg2[%dma_wait3A_1272, %dma_wait3A_1273] : memref<32x1000000xf32, #tpu.memory_space<hbm>> -> memref<8x128xf32, #tpu.memory_space<hbm>>
      tpu.wait_dma2 semaphore(%arg24 : memref<!tpu.dma_semaphore, #tpu.memory_space<semaphore_mem>>) src(%dma_wait3A_1274 : memref<8x128xf32, #tpu.memory_space<hbm>>) dst(%dma_wait3A_1271 : memref<8x128xf32, #tpu.memory_space<vmem>>)
      %dma_wait3A_1275 = arith.constant 24 : i32
      %dma_wait3A_1276 = arith.constant 0 : i32
      %dma_wait3A_1277 = tpu.memref_slice %arg13[%dma_wait3A_1275, %dma_wait3A_1276] : memref<32x128xf32, #tpu.memory_space<vmem>> -> memref<8x128xf32, #tpu.memory_space<vmem>>
      %dma_wait3A_1278 = arith.constant 24 : i32
      %dma_wait3A_1279 = arith.constant 0 : i32
      %dma_wait3A_1280 = tpu.memref_slice %arg2[%dma_wait3A_1278, %dma_wait3A_1279] : memref<32x1000000xf32, #tpu.memory_space<hbm>> -> memref<8x128xf32, #tpu.memory_space<hbm>>
      %dma_wait3A_1281 = arith.constant 24 : i32
      %dma_wait3A_1282 = arith.constant 0 : i32
      %dma_wait3A_1283 = tpu.memref_slice %arg13[%dma_wait3A_1281, %dma_wait3A_1282] : memref<32x128xf32, #tpu.memory_space<vmem>> -> memref<8x128xf32, #tpu.memory_space<vmem>>
      %dma_wait3A_1284 = arith.constant 24 : i32
      %dma_wait3A_1285 = arith.constant 0 : i32
      %dma_wait3A_1286 = tpu.memref_slice %arg2[%dma_wait3A_1284, %dma_wait3A_1285] : memref<32x1000000xf32, #tpu.memory_space<hbm>> -> memref<8x128xf32, #tpu.memory_space<hbm>>
      tpu.wait_dma2 semaphore(%arg24 : memref<!tpu.dma_semaphore, #tpu.memory_space<semaphore_mem>>) src(%dma_wait3A_1286 : memref<8x128xf32, #tpu.memory_space<hbm>>) dst(%dma_wait3A_1283 : memref<8x128xf32, #tpu.memory_space<vmem>>)
      %slice3A_1287 = vector.extract_strided_slice %get3A_768 {offsets = [7], sizes = [1], strides = [1]} : vector<16xi32> to vector<1xi32>
      %squeeze3A_1288 = vector.extract %slice3A_1287[0] : i32 from vector<1xi32>
      %add3A_1289 = arith.constant 7 : i32
      %add3A_1290 = arith.addi %mul3A_766, %add3A_1289 : i32
      %and3A_1291 = arith.constant 127 : i32
      %and3A_1292 = arith.andi %squeeze3A_1288, %and3A_1291 : i32
      %broadcast_in_dim3A_1293 = vector.broadcast %and3A_1292 : i32 to vector<16xi32>
      %gather3A_1294 = tpu.vector_load_idx %arg13[%iota3A, %broadcast_in_dim3A_1293] : memref<32x128xf32, #tpu.memory_space<vmem>>[vector<16xi32>, vector<16xi32>], vector<16xf32>,
      %gather3A_1295 = tpu.vector_load_idx %arg13[%add3A_7, %broadcast_in_dim3A_1293] : memref<32x128xf32, #tpu.memory_space<vmem>>[vector<16xi32>, vector<16xi32>], vector<16xf32>,
      %broadcast_in_dim3A_1296 = vector.broadcast %add3A_1290 : i32 to vector<16xi32>
      tpu.vector_store_idx %arg22[%iota3A, %broadcast_in_dim3A_1296], %gather3A_1294 : memref<32x512xf32, #tpu.memory_space<vmem>>[vector<16xi32>, vector<16xi32>], vector<16xf32>,
      tpu.vector_store_idx %arg22[%add3A_7, %broadcast_in_dim3A_1296], %gather3A_1295 : memref<32x512xf32, #tpu.memory_space<vmem>>[vector<16xi32>, vector<16xi32>], vector<16xf32>,
      %add3A_1297 = arith.constant 1 : i32
      %add3A_1298 = arith.addi %add3A_764, %add3A_1297 : i32
      %lt3A_1299 = arith.constant 32 : i32
      %lt3A_1300 = arith.cmpi slt, %add3A_1298, %lt3A_1299 : i32
      %slice3A_1301 = vector.extract_strided_slice %get3A_775 {offsets = [7], sizes = [1], strides = [1]} : vector<16xi32> to vector<1xi32>
      %squeeze3A_1302 = vector.extract %slice3A_1301[0] : i32 from vector<1xi32>
      %convert_element_type3A_1303 = arith.extui %lt3A_1300 : i1 to i32
      %cond3A_1304 = arith.constant 0 : i32
      %cond3A_1305 = arith.cmpi ne, %convert_element_type3A_1303, %cond3A_1304 : i32
      scf.if %cond3A_1305 {
        %shift_right_arithmetic3A_1842 = arith.constant 7 : i32
        %shift_right_arithmetic3A_1843 = arith.shrsi %squeeze3A_1302, %shift_right_arithmetic3A_1842 : i32
        %shift_left3A_1844 = arith.constant 7 : i32
        %shift_left3A_1845 = arith.shli %shift_right_arithmetic3A_1843, %shift_left3A_1844 : i32
        %multiple_of3A_1846 = tpu.assume_multiple %shift_left3A_1845, 128 : i32
        %dma_start3A_1847 = arith.constant 0 : i32
        %dma_start3A_1848 = arith.constant 0 : i32
        %dma_start3A_1849 = tpu.memref_slice %arg13[%dma_start3A_1847, %dma_start3A_1848] : memref<32x128xf32, #tpu.memory_space<vmem>> -> memref<8x128xf32, #tpu.memory_space<vmem>>
        %dma_start3A_1850 = arith.constant 0 : i32
        %dma_start3A_1851 = tpu.memref_slice %arg2[%dma_start3A_1850, %multiple_of3A_1846] : memref<32x1000000xf32, #tpu.memory_space<hbm>> -> memref<8x128xf32, #tpu.memory_space<hbm>>
        %dma_start3A_1852 = arith.constant 0 : i32
        %dma_start3A_1853 = arith.constant 0 : i32
        %dma_start3A_1854 = tpu.memref_slice %arg13[%dma_start3A_1852, %dma_start3A_1853] : memref<32x128xf32, #tpu.memory_space<vmem>> -> memref<8x128xf32, #tpu.memory_space<vmem>>
        %dma_start3A_1855 = arith.constant 0 : i32
        %dma_start3A_1856 = tpu.memref_slice %arg2[%dma_start3A_1855, %multiple_of3A_1846] : memref<32x1000000xf32, #tpu.memory_space<hbm>> -> memref<8x128xf32, #tpu.memory_space<hbm>>
        tpu.enqueue_dma source(%dma_start3A_1856 : memref<8x128xf32, #tpu.memory_space<hbm>>) target(%dma_start3A_1854 : memref<8x128xf32, #tpu.memory_space<vmem>>) target_semaphore(%arg24 : memref<!tpu.dma_semaphore, #tpu.memory_space<semaphore_mem>>)
        %dma_start3A_1857 = arith.constant 8 : i32
        %dma_start3A_1858 = arith.constant 0 : i32
        %dma_start3A_1859 = tpu.memref_slice %arg13[%dma_start3A_1857, %dma_start3A_1858] : memref<32x128xf32, #tpu.memory_space<vmem>> -> memref<8x128xf32, #tpu.memory_space<vmem>>
        %dma_start3A_1860 = arith.constant 8 : i32
        %dma_start3A_1861 = tpu.memref_slice %arg2[%dma_start3A_1860, %multiple_of3A_1846] : memref<32x1000000xf32, #tpu.memory_space<hbm>> -> memref<8x128xf32, #tpu.memory_space<hbm>>
        %dma_start3A_1862 = arith.constant 8 : i32
        %dma_start3A_1863 = arith.constant 0 : i32
        %dma_start3A_1864 = tpu.memref_slice %arg13[%dma_start3A_1862, %dma_start3A_1863] : memref<32x128xf32, #tpu.memory_space<vmem>> -> memref<8x128xf32, #tpu.memory_space<vmem>>
        %dma_start3A_1865 = arith.constant 8 : i32
        %dma_start3A_1866 = tpu.memref_slice %arg2[%dma_start3A_1865, %multiple_of3A_1846] : memref<32x1000000xf32, #tpu.memory_space<hbm>> -> memref<8x128xf32, #tpu.memory_space<hbm>>
        tpu.enqueue_dma source(%dma_start3A_1866 : memref<8x128xf32, #tpu.memory_space<hbm>>) target(%dma_start3A_1864 : memref<8x128xf32, #tpu.memory_space<vmem>>) target_semaphore(%arg24 : memref<!tpu.dma_semaphore, #tpu.memory_space<semaphore_mem>>)
        %dma_start3A_1867 = arith.constant 16 : i32
        %dma_start3A_1868 = arith.constant 0 : i32
        %dma_start3A_1869 = tpu.memref_slice %arg13[%dma_start3A_1867, %dma_start3A_1868] : memref<32x128xf32, #tpu.memory_space<vmem>> -> memref<8x128xf32, #tpu.memory_space<vmem>>
        %dma_start3A_1870 = arith.constant 16 : i32
        %dma_start3A_1871 = tpu.memref_slice %arg2[%dma_start3A_1870, %multiple_of3A_1846] : memref<32x1000000xf32, #tpu.memory_space<hbm>> -> memref<8x128xf32, #tpu.memory_space<hbm>>
        %dma_start3A_1872 = arith.constant 16 : i32
        %dma_start3A_1873 = arith.constant 0 : i32
        %dma_start3A_1874 = tpu.memref_slice %arg13[%dma_start3A_1872, %dma_start3A_1873] : memref<32x128xf32, #tpu.memory_space<vmem>> -> memref<8x128xf32, #tpu.memory_space<vmem>>
        %dma_start3A_1875 = arith.constant 16 : i32
        %dma_start3A_1876 = tpu.memref_slice %arg2[%dma_start3A_1875, %multiple_of3A_1846] : memref<32x1000000xf32, #tpu.memory_space<hbm>> -> memref<8x128xf32, #tpu.memory_space<hbm>>
        tpu.enqueue_dma source(%dma_start3A_1876 : memref<8x128xf32, #tpu.memory_space<hbm>>) target(%dma_start3A_1874 : memref<8x128xf32, #tpu.memory_space<vmem>>) target_semaphore(%arg24 : memref<!tpu.dma_semaphore, #tpu.memory_space<semaphore_mem>>)
        %dma_start3A_1877 = arith.constant 24 : i32
        %dma_start3A_1878 = arith.constant 0 : i32
        %dma_start3A_1879 = tpu.memref_slice %arg13[%dma_start3A_1877, %dma_start3A_1878] : memref<32x128xf32, #tpu.memory_space<vmem>> -> memref<8x128xf32, #tpu.memory_space<vmem>>
        %dma_start3A_1880 = arith.constant 24 : i32
        %dma_start3A_1881 = tpu.memref_slice %arg2[%dma_start3A_1880, %multiple_of3A_1846] : memref<32x1000000xf32, #tpu.memory_space<hbm>> -> memref<8x128xf32, #tpu.memory_space<hbm>>
        %dma_start3A_1882 = arith.constant 24 : i32
        %dma_start3A_1883 = arith.constant 0 : i32
        %dma_start3A_1884 = tpu.memref_slice %arg13[%dma_start3A_1882, %dma_start3A_1883] : memref<32x128xf32, #tpu.memory_space<vmem>> -> memref<8x128xf32, #tpu.memory_space<vmem>>
        %dma_start3A_1885 = arith.constant 24 : i32
        %dma_start3A_1886 = tpu.memref_slice %arg2[%dma_start3A_1885, %multiple_of3A_1846] : memref<32x1000000xf32, #tpu.memory_space<hbm>> -> memref<8x128xf32, #tpu.memory_space<hbm>>
        tpu.enqueue_dma source(%dma_start3A_1886 : memref<8x128xf32, #tpu.memory_space<hbm>>) target(%dma_start3A_1884 : memref<8x128xf32, #tpu.memory_space<vmem>>) target_semaphore(%arg24 : memref<!tpu.dma_semaphore, #tpu.memory_space<semaphore_mem>>)
      } else {
      }
      %dma_wait3A_1306 = arith.constant 0 : i32
      %dma_wait3A_1307 = arith.constant 0 : i32
      %dma_wait3A_1308 = tpu.memref_slice %arg14[%dma_wait3A_1306, %dma_wait3A_1307] : memref<32x128xf32, #tpu.memory_space<vmem>> -> memref<8x128xf32, #tpu.memory_space<vmem>>
      %dma_wait3A_1309 = arith.constant 0 : i32
      %dma_wait3A_1310 = arith.constant 0 : i32
      %dma_wait3A_1311 = tpu.memref_slice %arg2[%dma_wait3A_1309, %dma_wait3A_1310] : memref<32x1000000xf32, #tpu.memory_space<hbm>> -> memref<8x128xf32, #tpu.memory_space<hbm>>
      %dma_wait3A_1312 = arith.constant 0 : i32
      %dma_wait3A_1313 = arith.constant 0 : i32
      %dma_wait3A_1314 = tpu.memref_slice %arg14[%dma_wait3A_1312, %dma_wait3A_1313] : memref<32x128xf32, #tpu.memory_space<vmem>> -> memref<8x128xf32, #tpu.memory_space<vmem>>
      %dma_wait3A_1315 = arith.constant 0 : i32
      %dma_wait3A_1316 = arith.constant 0 : i32
      %dma_wait3A_1317 = tpu.memref_slice %arg2[%dma_wait3A_1315, %dma_wait3A_1316] : memref<32x1000000xf32, #tpu.memory_space<hbm>> -> memref<8x128xf32, #tpu.memory_space<hbm>>
      tpu.wait_dma2 semaphore(%arg24 : memref<!tpu.dma_semaphore, #tpu.memory_space<semaphore_mem>>) src(%dma_wait3A_1317 : memref<8x128xf32, #tpu.memory_space<hbm>>) dst(%dma_wait3A_1314 : memref<8x128xf32, #tpu.memory_space<vmem>>)
      %dma_wait3A_1318 = arith.constant 8 : i32
      %dma_wait3A_1319 = arith.constant 0 : i32
      %dma_wait3A_1320 = tpu.memref_slice %arg14[%dma_wait3A_1318, %dma_wait3A_1319] : memref<32x128xf32, #tpu.memory_space<vmem>> -> memref<8x128xf32, #tpu.memory_space<vmem>>
      %dma_wait3A_1321 = arith.constant 8 : i32
      %dma_wait3A_1322 = arith.constant 0 : i32
      %dma_wait3A_1323 = tpu.memref_slice %arg2[%dma_wait3A_1321, %dma_wait3A_1322] : memref<32x1000000xf32, #tpu.memory_space<hbm>> -> memref<8x128xf32, #tpu.memory_space<hbm>>
      %dma_wait3A_1324 = arith.constant 8 : i32
      %dma_wait3A_1325 = arith.constant 0 : i32
      %dma_wait3A_1326 = tpu.memref_slice %arg14[%dma_wait3A_1324, %dma_wait3A_1325] : memref<32x128xf32, #tpu.memory_space<vmem>> -> memref<8x128xf32, #tpu.memory_space<vmem>>
      %dma_wait3A_1327 = arith.constant 8 : i32
      %dma_wait3A_1328 = arith.constant 0 : i32
      %dma_wait3A_1329 = tpu.memref_slice %arg2[%dma_wait3A_1327, %dma_wait3A_1328] : memref<32x1000000xf32, #tpu.memory_space<hbm>> -> memref<8x128xf32, #tpu.memory_space<hbm>>
      tpu.wait_dma2 semaphore(%arg24 : memref<!tpu.dma_semaphore, #tpu.memory_space<semaphore_mem>>) src(%dma_wait3A_1329 : memref<8x128xf32, #tpu.memory_space<hbm>>) dst(%dma_wait3A_1326 : memref<8x128xf32, #tpu.memory_space<vmem>>)
      %dma_wait3A_1330 = arith.constant 16 : i32
      %dma_wait3A_1331 = arith.constant 0 : i32
      %dma_wait3A_1332 = tpu.memref_slice %arg14[%dma_wait3A_1330, %dma_wait3A_1331] : memref<32x128xf32, #tpu.memory_space<vmem>> -> memref<8x128xf32, #tpu.memory_space<vmem>>
      %dma_wait3A_1333 = arith.constant 16 : i32
      %dma_wait3A_1334 = arith.constant 0 : i32
      %dma_wait3A_1335 = tpu.memref_slice %arg2[%dma_wait3A_1333, %dma_wait3A_1334] : memref<32x1000000xf32, #tpu.memory_space<hbm>> -> memref<8x128xf32, #tpu.memory_space<hbm>>
      %dma_wait3A_1336 = arith.constant 16 : i32
      %dma_wait3A_1337 = arith.constant 0 : i32
      %dma_wait3A_1338 = tpu.memref_slice %arg14[%dma_wait3A_1336, %dma_wait3A_1337] : memref<32x128xf32, #tpu.memory_space<vmem>> -> memref<8x128xf32, #tpu.memory_space<vmem>>
      %dma_wait3A_1339 = arith.constant 16 : i32
      %dma_wait3A_1340 = arith.constant 0 : i32
      %dma_wait3A_1341 = tpu.memref_slice %arg2[%dma_wait3A_1339, %dma_wait3A_1340] : memref<32x1000000xf32, #tpu.memory_space<hbm>> -> memref<8x128xf32, #tpu.memory_space<hbm>>
      tpu.wait_dma2 semaphore(%arg24 : memref<!tpu.dma_semaphore, #tpu.memory_space<semaphore_mem>>) src(%dma_wait3A_1341 : memref<8x128xf32, #tpu.memory_space<hbm>>) dst(%dma_wait3A_1338 : memref<8x128xf32, #tpu.memory_space<vmem>>)
      %dma_wait3A_1342 = arith.constant 24 : i32
      %dma_wait3A_1343 = arith.constant 0 : i32
      %dma_wait3A_1344 = tpu.memref_slice %arg14[%dma_wait3A_1342, %dma_wait3A_1343] : memref<32x128xf32, #tpu.memory_space<vmem>> -> memref<8x128xf32, #tpu.memory_space<vmem>>
      %dma_wait3A_1345 = arith.constant 24 : i32
      %dma_wait3A_1346 = arith.constant 0 : i32
      %dma_wait3A_1347 = tpu.memref_slice %arg2[%dma_wait3A_1345, %dma_wait3A_1346] : memref<32x1000000xf32, #tpu.memory_space<hbm>> -> memref<8x128xf32, #tpu.memory_space<hbm>>
      %dma_wait3A_1348 = arith.constant 24 : i32
      %dma_wait3A_1349 = arith.constant 0 : i32
      %dma_wait3A_1350 = tpu.memref_slice %arg14[%dma_wait3A_1348, %dma_wait3A_1349] : memref<32x128xf32, #tpu.memory_space<vmem>> -> memref<8x128xf32, #tpu.memory_space<vmem>>
      %dma_wait3A_1351 = arith.constant 24 : i32
      %dma_wait3A_1352 = arith.constant 0 : i32
      %dma_wait3A_1353 = tpu.memref_slice %arg2[%dma_wait3A_1351, %dma_wait3A_1352] : memref<32x1000000xf32, #tpu.memory_space<hbm>> -> memref<8x128xf32, #tpu.memory_space<hbm>>
      tpu.wait_dma2 semaphore(%arg24 : memref<!tpu.dma_semaphore, #tpu.memory_space<semaphore_mem>>) src(%dma_wait3A_1353 : memref<8x128xf32, #tpu.memory_space<hbm>>) dst(%dma_wait3A_1350 : memref<8x128xf32, #tpu.memory_space<vmem>>)
      %slice3A_1354 = vector.extract_strided_slice %get3A_768 {offsets = [8], sizes = [1], strides = [1]} : vector<16xi32> to vector<1xi32>
      %squeeze3A_1355 = vector.extract %slice3A_1354[0] : i32 from vector<1xi32>
      %add3A_1356 = arith.constant 8 : i32
      %add3A_1357 = arith.addi %mul3A_766, %add3A_1356 : i32
      %and3A_1358 = arith.constant 127 : i32
      %and3A_1359 = arith.andi %squeeze3A_1355, %and3A_1358 : i32
      %broadcast_in_dim3A_1360 = vector.broadcast %and3A_1359 : i32 to vector<16xi32>
      %gather3A_1361 = tpu.vector_load_idx %arg14[%iota3A, %broadcast_in_dim3A_1360] : memref<32x128xf32, #tpu.memory_space<vmem>>[vector<16xi32>, vector<16xi32>], vector<16xf32>,
      %gather3A_1362 = tpu.vector_load_idx %arg14[%add3A_7, %broadcast_in_dim3A_1360] : memref<32x128xf32, #tpu.memory_space<vmem>>[vector<16xi32>, vector<16xi32>], vector<16xf32>,
      %broadcast_in_dim3A_1363 = vector.broadcast %add3A_1357 : i32 to vector<16xi32>
      tpu.vector_store_idx %arg22[%iota3A, %broadcast_in_dim3A_1363], %gather3A_1361 : memref<32x512xf32, #tpu.memory_space<vmem>>[vector<16xi32>, vector<16xi32>], vector<16xf32>,
      tpu.vector_store_idx %arg22[%add3A_7, %broadcast_in_dim3A_1363], %gather3A_1362 : memref<32x512xf32, #tpu.memory_space<vmem>>[vector<16xi32>, vector<16xi32>], vector<16xf32>,
      %add3A_1364 = arith.constant 1 : i32
      %add3A_1365 = arith.addi %add3A_764, %add3A_1364 : i32
      %lt3A_1366 = arith.constant 32 : i32
      %lt3A_1367 = arith.cmpi slt, %add3A_1365, %lt3A_1366 : i32
      %slice3A_1368 = vector.extract_strided_slice %get3A_775 {offsets = [8], sizes = [1], strides = [1]} : vector<16xi32> to vector<1xi32>
      %squeeze3A_1369 = vector.extract %slice3A_1368[0] : i32 from vector<1xi32>
      %convert_element_type3A_1370 = arith.extui %lt3A_1367 : i1 to i32
      %cond3A_1371 = arith.constant 0 : i32
      %cond3A_1372 = arith.cmpi ne, %convert_element_type3A_1370, %cond3A_1371 : i32
      scf.if %cond3A_1372 {
        %shift_right_arithmetic3A_1842 = arith.constant 7 : i32
        %shift_right_arithmetic3A_1843 = arith.shrsi %squeeze3A_1369, %shift_right_arithmetic3A_1842 : i32
        %shift_left3A_1844 = arith.constant 7 : i32
        %shift_left3A_1845 = arith.shli %shift_right_arithmetic3A_1843, %shift_left3A_1844 : i32
        %multiple_of3A_1846 = tpu.assume_multiple %shift_left3A_1845, 128 : i32
        %dma_start3A_1847 = arith.constant 0 : i32
        %dma_start3A_1848 = arith.constant 0 : i32
        %dma_start3A_1849 = tpu.memref_slice %arg14[%dma_start3A_1847, %dma_start3A_1848] : memref<32x128xf32, #tpu.memory_space<vmem>> -> memref<8x128xf32, #tpu.memory_space<vmem>>
        %dma_start3A_1850 = arith.constant 0 : i32
        %dma_start3A_1851 = tpu.memref_slice %arg2[%dma_start3A_1850, %multiple_of3A_1846] : memref<32x1000000xf32, #tpu.memory_space<hbm>> -> memref<8x128xf32, #tpu.memory_space<hbm>>
        %dma_start3A_1852 = arith.constant 0 : i32
        %dma_start3A_1853 = arith.constant 0 : i32
        %dma_start3A_1854 = tpu.memref_slice %arg14[%dma_start3A_1852, %dma_start3A_1853] : memref<32x128xf32, #tpu.memory_space<vmem>> -> memref<8x128xf32, #tpu.memory_space<vmem>>
        %dma_start3A_1855 = arith.constant 0 : i32
        %dma_start3A_1856 = tpu.memref_slice %arg2[%dma_start3A_1855, %multiple_of3A_1846] : memref<32x1000000xf32, #tpu.memory_space<hbm>> -> memref<8x128xf32, #tpu.memory_space<hbm>>
        tpu.enqueue_dma source(%dma_start3A_1856 : memref<8x128xf32, #tpu.memory_space<hbm>>) target(%dma_start3A_1854 : memref<8x128xf32, #tpu.memory_space<vmem>>) target_semaphore(%arg24 : memref<!tpu.dma_semaphore, #tpu.memory_space<semaphore_mem>>)
        %dma_start3A_1857 = arith.constant 8 : i32
        %dma_start3A_1858 = arith.constant 0 : i32
        %dma_start3A_1859 = tpu.memref_slice %arg14[%dma_start3A_1857, %dma_start3A_1858] : memref<32x128xf32, #tpu.memory_space<vmem>> -> memref<8x128xf32, #tpu.memory_space<vmem>>
        %dma_start3A_1860 = arith.constant 8 : i32
        %dma_start3A_1861 = tpu.memref_slice %arg2[%dma_start3A_1860, %multiple_of3A_1846] : memref<32x1000000xf32, #tpu.memory_space<hbm>> -> memref<8x128xf32, #tpu.memory_space<hbm>>
        %dma_start3A_1862 = arith.constant 8 : i32
        %dma_start3A_1863 = arith.constant 0 : i32
        %dma_start3A_1864 = tpu.memref_slice %arg14[%dma_start3A_1862, %dma_start3A_1863] : memref<32x128xf32, #tpu.memory_space<vmem>> -> memref<8x128xf32, #tpu.memory_space<vmem>>
        %dma_start3A_1865 = arith.constant 8 : i32
        %dma_start3A_1866 = tpu.memref_slice %arg2[%dma_start3A_1865, %multiple_of3A_1846] : memref<32x1000000xf32, #tpu.memory_space<hbm>> -> memref<8x128xf32, #tpu.memory_space<hbm>>
        tpu.enqueue_dma source(%dma_start3A_1866 : memref<8x128xf32, #tpu.memory_space<hbm>>) target(%dma_start3A_1864 : memref<8x128xf32, #tpu.memory_space<vmem>>) target_semaphore(%arg24 : memref<!tpu.dma_semaphore, #tpu.memory_space<semaphore_mem>>)
        %dma_start3A_1867 = arith.constant 16 : i32
        %dma_start3A_1868 = arith.constant 0 : i32
        %dma_start3A_1869 = tpu.memref_slice %arg14[%dma_start3A_1867, %dma_start3A_1868] : memref<32x128xf32, #tpu.memory_space<vmem>> -> memref<8x128xf32, #tpu.memory_space<vmem>>
        %dma_start3A_1870 = arith.constant 16 : i32
        %dma_start3A_1871 = tpu.memref_slice %arg2[%dma_start3A_1870, %multiple_of3A_1846] : memref<32x1000000xf32, #tpu.memory_space<hbm>> -> memref<8x128xf32, #tpu.memory_space<hbm>>
        %dma_start3A_1872 = arith.constant 16 : i32
        %dma_start3A_1873 = arith.constant 0 : i32
        %dma_start3A_1874 = tpu.memref_slice %arg14[%dma_start3A_1872, %dma_start3A_1873] : memref<32x128xf32, #tpu.memory_space<vmem>> -> memref<8x128xf32, #tpu.memory_space<vmem>>
        %dma_start3A_1875 = arith.constant 16 : i32
        %dma_start3A_1876 = tpu.memref_slice %arg2[%dma_start3A_1875, %multiple_of3A_1846] : memref<32x1000000xf32, #tpu.memory_space<hbm>> -> memref<8x128xf32, #tpu.memory_space<hbm>>
        tpu.enqueue_dma source(%dma_start3A_1876 : memref<8x128xf32, #tpu.memory_space<hbm>>) target(%dma_start3A_1874 : memref<8x128xf32, #tpu.memory_space<vmem>>) target_semaphore(%arg24 : memref<!tpu.dma_semaphore, #tpu.memory_space<semaphore_mem>>)
        %dma_start3A_1877 = arith.constant 24 : i32
        %dma_start3A_1878 = arith.constant 0 : i32
        %dma_start3A_1879 = tpu.memref_slice %arg14[%dma_start3A_1877, %dma_start3A_1878] : memref<32x128xf32, #tpu.memory_space<vmem>> -> memref<8x128xf32, #tpu.memory_space<vmem>>
        %dma_start3A_1880 = arith.constant 24 : i32
        %dma_start3A_1881 = tpu.memref_slice %arg2[%dma_start3A_1880, %multiple_of3A_1846] : memref<32x1000000xf32, #tpu.memory_space<hbm>> -> memref<8x128xf32, #tpu.memory_space<hbm>>
        %dma_start3A_1882 = arith.constant 24 : i32
        %dma_start3A_1883 = arith.constant 0 : i32
        %dma_start3A_1884 = tpu.memref_slice %arg14[%dma_start3A_1882, %dma_start3A_1883] : memref<32x128xf32, #tpu.memory_space<vmem>> -> memref<8x128xf32, #tpu.memory_space<vmem>>
        %dma_start3A_1885 = arith.constant 24 : i32
        %dma_start3A_1886 = tpu.memref_slice %arg2[%dma_start3A_1885, %multiple_of3A_1846] : memref<32x1000000xf32, #tpu.memory_space<hbm>> -> memref<8x128xf32, #tpu.memory_space<hbm>>
        tpu.enqueue_dma source(%dma_start3A_1886 : memref<8x128xf32, #tpu.memory_space<hbm>>) target(%dma_start3A_1884 : memref<8x128xf32, #tpu.memory_space<vmem>>) target_semaphore(%arg24 : memref<!tpu.dma_semaphore, #tpu.memory_space<semaphore_mem>>)
      } else {
      }
      %dma_wait3A_1373 = arith.constant 0 : i32
      %dma_wait3A_1374 = arith.constant 0 : i32
      %dma_wait3A_1375 = tpu.memref_slice %arg15[%dma_wait3A_1373, %dma_wait3A_1374] : memref<32x128xf32, #tpu.memory_space<vmem>> -> memref<8x128xf32, #tpu.memory_space<vmem>>
      %dma_wait3A_1376 = arith.constant 0 : i32
      %dma_wait3A_1377 = arith.constant 0 : i32
      %dma_wait3A_1378 = tpu.memref_slice %arg2[%dma_wait3A_1376, %dma_wait3A_1377] : memref<32x1000000xf32, #tpu.memory_space<hbm>> -> memref<8x128xf32, #tpu.memory_space<hbm>>
      %dma_wait3A_1379 = arith.constant 0 : i32
      %dma_wait3A_1380 = arith.constant 0 : i32
      %dma_wait3A_1381 = tpu.memref_slice %arg15[%dma_wait3A_1379, %dma_wait3A_1380] : memref<32x128xf32, #tpu.memory_space<vmem>> -> memref<8x128xf32, #tpu.memory_space<vmem>>
      %dma_wait3A_1382 = arith.constant 0 : i32
      %dma_wait3A_1383 = arith.constant 0 : i32
      %dma_wait3A_1384 = tpu.memref_slice %arg2[%dma_wait3A_1382, %dma_wait3A_1383] : memref<32x1000000xf32, #tpu.memory_space<hbm>> -> memref<8x128xf32, #tpu.memory_space<hbm>>
      tpu.wait_dma2 semaphore(%arg24 : memref<!tpu.dma_semaphore, #tpu.memory_space<semaphore_mem>>) src(%dma_wait3A_1384 : memref<8x128xf32, #tpu.memory_space<hbm>>) dst(%dma_wait3A_1381 : memref<8x128xf32, #tpu.memory_space<vmem>>)
      %dma_wait3A_1385 = arith.constant 8 : i32
      %dma_wait3A_1386 = arith.constant 0 : i32
      %dma_wait3A_1387 = tpu.memref_slice %arg15[%dma_wait3A_1385, %dma_wait3A_1386] : memref<32x128xf32, #tpu.memory_space<vmem>> -> memref<8x128xf32, #tpu.memory_space<vmem>>
      %dma_wait3A_1388 = arith.constant 8 : i32
      %dma_wait3A_1389 = arith.constant 0 : i32
      %dma_wait3A_1390 = tpu.memref_slice %arg2[%dma_wait3A_1388, %dma_wait3A_1389] : memref<32x1000000xf32, #tpu.memory_space<hbm>> -> memref<8x128xf32, #tpu.memory_space<hbm>>
      %dma_wait3A_1391 = arith.constant 8 : i32
      %dma_wait3A_1392 = arith.constant 0 : i32
      %dma_wait3A_1393 = tpu.memref_slice %arg15[%dma_wait3A_1391, %dma_wait3A_1392] : memref<32x128xf32, #tpu.memory_space<vmem>> -> memref<8x128xf32, #tpu.memory_space<vmem>>
      %dma_wait3A_1394 = arith.constant 8 : i32
      %dma_wait3A_1395 = arith.constant 0 : i32
      %dma_wait3A_1396 = tpu.memref_slice %arg2[%dma_wait3A_1394, %dma_wait3A_1395] : memref<32x1000000xf32, #tpu.memory_space<hbm>> -> memref<8x128xf32, #tpu.memory_space<hbm>>
      tpu.wait_dma2 semaphore(%arg24 : memref<!tpu.dma_semaphore, #tpu.memory_space<semaphore_mem>>) src(%dma_wait3A_1396 : memref<8x128xf32, #tpu.memory_space<hbm>>) dst(%dma_wait3A_1393 : memref<8x128xf32, #tpu.memory_space<vmem>>)
      %dma_wait3A_1397 = arith.constant 16 : i32
      %dma_wait3A_1398 = arith.constant 0 : i32
      %dma_wait3A_1399 = tpu.memref_slice %arg15[%dma_wait3A_1397, %dma_wait3A_1398] : memref<32x128xf32, #tpu.memory_space<vmem>> -> memref<8x128xf32, #tpu.memory_space<vmem>>
      %dma_wait3A_1400 = arith.constant 16 : i32
      %dma_wait3A_1401 = arith.constant 0 : i32
      %dma_wait3A_1402 = tpu.memref_slice %arg2[%dma_wait3A_1400, %dma_wait3A_1401] : memref<32x1000000xf32, #tpu.memory_space<hbm>> -> memref<8x128xf32, #tpu.memory_space<hbm>>
      %dma_wait3A_1403 = arith.constant 16 : i32
      %dma_wait3A_1404 = arith.constant 0 : i32
      %dma_wait3A_1405 = tpu.memref_slice %arg15[%dma_wait3A_1403, %dma_wait3A_1404] : memref<32x128xf32, #tpu.memory_space<vmem>> -> memref<8x128xf32, #tpu.memory_space<vmem>>
      %dma_wait3A_1406 = arith.constant 16 : i32
      %dma_wait3A_1407 = arith.constant 0 : i32
      %dma_wait3A_1408 = tpu.memref_slice %arg2[%dma_wait3A_1406, %dma_wait3A_1407] : memref<32x1000000xf32, #tpu.memory_space<hbm>> -> memref<8x128xf32, #tpu.memory_space<hbm>>
      tpu.wait_dma2 semaphore(%arg24 : memref<!tpu.dma_semaphore, #tpu.memory_space<semaphore_mem>>) src(%dma_wait3A_1408 : memref<8x128xf32, #tpu.memory_space<hbm>>) dst(%dma_wait3A_1405 : memref<8x128xf32, #tpu.memory_space<vmem>>)
      %dma_wait3A_1409 = arith.constant 24 : i32
      %dma_wait3A_1410 = arith.constant 0 : i32
      %dma_wait3A_1411 = tpu.memref_slice %arg15[%dma_wait3A_1409, %dma_wait3A_1410] : memref<32x128xf32, #tpu.memory_space<vmem>> -> memref<8x128xf32, #tpu.memory_space<vmem>>
      %dma_wait3A_1412 = arith.constant 24 : i32
      %dma_wait3A_1413 = arith.constant 0 : i32
      %dma_wait3A_1414 = tpu.memref_slice %arg2[%dma_wait3A_1412, %dma_wait3A_1413] : memref<32x1000000xf32, #tpu.memory_space<hbm>> -> memref<8x128xf32, #tpu.memory_space<hbm>>
      %dma_wait3A_1415 = arith.constant 24 : i32
      %dma_wait3A_1416 = arith.constant 0 : i32
      %dma_wait3A_1417 = tpu.memref_slice %arg15[%dma_wait3A_1415, %dma_wait3A_1416] : memref<32x128xf32, #tpu.memory_space<vmem>> -> memref<8x128xf32, #tpu.memory_space<vmem>>
      %dma_wait3A_1418 = arith.constant 24 : i32
      %dma_wait3A_1419 = arith.constant 0 : i32
      %dma_wait3A_1420 = tpu.memref_slice %arg2[%dma_wait3A_1418, %dma_wait3A_1419] : memref<32x1000000xf32, #tpu.memory_space<hbm>> -> memref<8x128xf32, #tpu.memory_space<hbm>>
      tpu.wait_dma2 semaphore(%arg24 : memref<!tpu.dma_semaphore, #tpu.memory_space<semaphore_mem>>) src(%dma_wait3A_1420 : memref<8x128xf32, #tpu.memory_space<hbm>>) dst(%dma_wait3A_1417 : memref<8x128xf32, #tpu.memory_space<vmem>>)
      %slice3A_1421 = vector.extract_strided_slice %get3A_768 {offsets = [9], sizes = [1], strides = [1]} : vector<16xi32> to vector<1xi32>
      %squeeze3A_1422 = vector.extract %slice3A_1421[0] : i32 from vector<1xi32>
      %add3A_1423 = arith.constant 9 : i32
      %add3A_1424 = arith.addi %mul3A_766, %add3A_1423 : i32
      %and3A_1425 = arith.constant 127 : i32
      %and3A_1426 = arith.andi %squeeze3A_1422, %and3A_1425 : i32
      %broadcast_in_dim3A_1427 = vector.broadcast %and3A_1426 : i32 to vector<16xi32>
      %gather3A_1428 = tpu.vector_load_idx %arg15[%iota3A, %broadcast_in_dim3A_1427] : memref<32x128xf32, #tpu.memory_space<vmem>>[vector<16xi32>, vector<16xi32>], vector<16xf32>,
      %gather3A_1429 = tpu.vector_load_idx %arg15[%add3A_7, %broadcast_in_dim3A_1427] : memref<32x128xf32, #tpu.memory_space<vmem>>[vector<16xi32>, vector<16xi32>], vector<16xf32>,
      %broadcast_in_dim3A_1430 = vector.broadcast %add3A_1424 : i32 to vector<16xi32>
      tpu.vector_store_idx %arg22[%iota3A, %broadcast_in_dim3A_1430], %gather3A_1428 : memref<32x512xf32, #tpu.memory_space<vmem>>[vector<16xi32>, vector<16xi32>], vector<16xf32>,
      tpu.vector_store_idx %arg22[%add3A_7, %broadcast_in_dim3A_1430], %gather3A_1429 : memref<32x512xf32, #tpu.memory_space<vmem>>[vector<16xi32>, vector<16xi32>], vector<16xf32>,
      %add3A_1431 = arith.constant 1 : i32
      %add3A_1432 = arith.addi %add3A_764, %add3A_1431 : i32
      %lt3A_1433 = arith.constant 32 : i32
      %lt3A_1434 = arith.cmpi slt, %add3A_1432, %lt3A_1433 : i32
      %slice3A_1435 = vector.extract_strided_slice %get3A_775 {offsets = [9], sizes = [1], strides = [1]} : vector<16xi32> to vector<1xi32>
      %squeeze3A_1436 = vector.extract %slice3A_1435[0] : i32 from vector<1xi32>
      %convert_element_type3A_1437 = arith.extui %lt3A_1434 : i1 to i32
      %cond3A_1438 = arith.constant 0 : i32
      %cond3A_1439 = arith.cmpi ne, %convert_element_type3A_1437, %cond3A_1438 : i32
      scf.if %cond3A_1439 {
        %shift_right_arithmetic3A_1842 = arith.constant 7 : i32
        %shift_right_arithmetic3A_1843 = arith.shrsi %squeeze3A_1436, %shift_right_arithmetic3A_1842 : i32
        %shift_left3A_1844 = arith.constant 7 : i32
        %shift_left3A_1845 = arith.shli %shift_right_arithmetic3A_1843, %shift_left3A_1844 : i32
        %multiple_of3A_1846 = tpu.assume_multiple %shift_left3A_1845, 128 : i32
        %dma_start3A_1847 = arith.constant 0 : i32
        %dma_start3A_1848 = arith.constant 0 : i32
        %dma_start3A_1849 = tpu.memref_slice %arg15[%dma_start3A_1847, %dma_start3A_1848] : memref<32x128xf32, #tpu.memory_space<vmem>> -> memref<8x128xf32, #tpu.memory_space<vmem>>
        %dma_start3A_1850 = arith.constant 0 : i32
        %dma_start3A_1851 = tpu.memref_slice %arg2[%dma_start3A_1850, %multiple_of3A_1846] : memref<32x1000000xf32, #tpu.memory_space<hbm>> -> memref<8x128xf32, #tpu.memory_space<hbm>>
        %dma_start3A_1852 = arith.constant 0 : i32
        %dma_start3A_1853 = arith.constant 0 : i32
        %dma_start3A_1854 = tpu.memref_slice %arg15[%dma_start3A_1852, %dma_start3A_1853] : memref<32x128xf32, #tpu.memory_space<vmem>> -> memref<8x128xf32, #tpu.memory_space<vmem>>
        %dma_start3A_1855 = arith.constant 0 : i32
        %dma_start3A_1856 = tpu.memref_slice %arg2[%dma_start3A_1855, %multiple_of3A_1846] : memref<32x1000000xf32, #tpu.memory_space<hbm>> -> memref<8x128xf32, #tpu.memory_space<hbm>>
        tpu.enqueue_dma source(%dma_start3A_1856 : memref<8x128xf32, #tpu.memory_space<hbm>>) target(%dma_start3A_1854 : memref<8x128xf32, #tpu.memory_space<vmem>>) target_semaphore(%arg24 : memref<!tpu.dma_semaphore, #tpu.memory_space<semaphore_mem>>)
        %dma_start3A_1857 = arith.constant 8 : i32
        %dma_start3A_1858 = arith.constant 0 : i32
        %dma_start3A_1859 = tpu.memref_slice %arg15[%dma_start3A_1857, %dma_start3A_1858] : memref<32x128xf32, #tpu.memory_space<vmem>> -> memref<8x128xf32, #tpu.memory_space<vmem>>
        %dma_start3A_1860 = arith.constant 8 : i32
        %dma_start3A_1861 = tpu.memref_slice %arg2[%dma_start3A_1860, %multiple_of3A_1846] : memref<32x1000000xf32, #tpu.memory_space<hbm>> -> memref<8x128xf32, #tpu.memory_space<hbm>>
        %dma_start3A_1862 = arith.constant 8 : i32
        %dma_start3A_1863 = arith.constant 0 : i32
        %dma_start3A_1864 = tpu.memref_slice %arg15[%dma_start3A_1862, %dma_start3A_1863] : memref<32x128xf32, #tpu.memory_space<vmem>> -> memref<8x128xf32, #tpu.memory_space<vmem>>
        %dma_start3A_1865 = arith.constant 8 : i32
        %dma_start3A_1866 = tpu.memref_slice %arg2[%dma_start3A_1865, %multiple_of3A_1846] : memref<32x1000000xf32, #tpu.memory_space<hbm>> -> memref<8x128xf32, #tpu.memory_space<hbm>>
        tpu.enqueue_dma source(%dma_start3A_1866 : memref<8x128xf32, #tpu.memory_space<hbm>>) target(%dma_start3A_1864 : memref<8x128xf32, #tpu.memory_space<vmem>>) target_semaphore(%arg24 : memref<!tpu.dma_semaphore, #tpu.memory_space<semaphore_mem>>)
        %dma_start3A_1867 = arith.constant 16 : i32
        %dma_start3A_1868 = arith.constant 0 : i32
        %dma_start3A_1869 = tpu.memref_slice %arg15[%dma_start3A_1867, %dma_start3A_1868] : memref<32x128xf32, #tpu.memory_space<vmem>> -> memref<8x128xf32, #tpu.memory_space<vmem>>
        %dma_start3A_1870 = arith.constant 16 : i32
        %dma_start3A_1871 = tpu.memref_slice %arg2[%dma_start3A_1870, %multiple_of3A_1846] : memref<32x1000000xf32, #tpu.memory_space<hbm>> -> memref<8x128xf32, #tpu.memory_space<hbm>>
        %dma_start3A_1872 = arith.constant 16 : i32
        %dma_start3A_1873 = arith.constant 0 : i32
        %dma_start3A_1874 = tpu.memref_slice %arg15[%dma_start3A_1872, %dma_start3A_1873] : memref<32x128xf32, #tpu.memory_space<vmem>> -> memref<8x128xf32, #tpu.memory_space<vmem>>
        %dma_start3A_1875 = arith.constant 16 : i32
        %dma_start3A_1876 = tpu.memref_slice %arg2[%dma_start3A_1875, %multiple_of3A_1846] : memref<32x1000000xf32, #tpu.memory_space<hbm>> -> memref<8x128xf32, #tpu.memory_space<hbm>>
        tpu.enqueue_dma source(%dma_start3A_1876 : memref<8x128xf32, #tpu.memory_space<hbm>>) target(%dma_start3A_1874 : memref<8x128xf32, #tpu.memory_space<vmem>>) target_semaphore(%arg24 : memref<!tpu.dma_semaphore, #tpu.memory_space<semaphore_mem>>)
        %dma_start3A_1877 = arith.constant 24 : i32
        %dma_start3A_1878 = arith.constant 0 : i32
        %dma_start3A_1879 = tpu.memref_slice %arg15[%dma_start3A_1877, %dma_start3A_1878] : memref<32x128xf32, #tpu.memory_space<vmem>> -> memref<8x128xf32, #tpu.memory_space<vmem>>
        %dma_start3A_1880 = arith.constant 24 : i32
        %dma_start3A_1881 = tpu.memref_slice %arg2[%dma_start3A_1880, %multiple_of3A_1846] : memref<32x1000000xf32, #tpu.memory_space<hbm>> -> memref<8x128xf32, #tpu.memory_space<hbm>>
        %dma_start3A_1882 = arith.constant 24 : i32
        %dma_start3A_1883 = arith.constant 0 : i32
        %dma_start3A_1884 = tpu.memref_slice %arg15[%dma_start3A_1882, %dma_start3A_1883] : memref<32x128xf32, #tpu.memory_space<vmem>> -> memref<8x128xf32, #tpu.memory_space<vmem>>
        %dma_start3A_1885 = arith.constant 24 : i32
        %dma_start3A_1886 = tpu.memref_slice %arg2[%dma_start3A_1885, %multiple_of3A_1846] : memref<32x1000000xf32, #tpu.memory_space<hbm>> -> memref<8x128xf32, #tpu.memory_space<hbm>>
        tpu.enqueue_dma source(%dma_start3A_1886 : memref<8x128xf32, #tpu.memory_space<hbm>>) target(%dma_start3A_1884 : memref<8x128xf32, #tpu.memory_space<vmem>>) target_semaphore(%arg24 : memref<!tpu.dma_semaphore, #tpu.memory_space<semaphore_mem>>)
      } else {
      }
      %dma_wait3A_1440 = arith.constant 0 : i32
      %dma_wait3A_1441 = arith.constant 0 : i32
      %dma_wait3A_1442 = tpu.memref_slice %arg16[%dma_wait3A_1440, %dma_wait3A_1441] : memref<32x128xf32, #tpu.memory_space<vmem>> -> memref<8x128xf32, #tpu.memory_space<vmem>>
      %dma_wait3A_1443 = arith.constant 0 : i32
      %dma_wait3A_1444 = arith.constant 0 : i32
      %dma_wait3A_1445 = tpu.memref_slice %arg2[%dma_wait3A_1443, %dma_wait3A_1444] : memref<32x1000000xf32, #tpu.memory_space<hbm>> -> memref<8x128xf32, #tpu.memory_space<hbm>>
      %dma_wait3A_1446 = arith.constant 0 : i32
      %dma_wait3A_1447 = arith.constant 0 : i32
      %dma_wait3A_1448 = tpu.memref_slice %arg16[%dma_wait3A_1446, %dma_wait3A_1447] : memref<32x128xf32, #tpu.memory_space<vmem>> -> memref<8x128xf32, #tpu.memory_space<vmem>>
      %dma_wait3A_1449 = arith.constant 0 : i32
      %dma_wait3A_1450 = arith.constant 0 : i32
      %dma_wait3A_1451 = tpu.memref_slice %arg2[%dma_wait3A_1449, %dma_wait3A_1450] : memref<32x1000000xf32, #tpu.memory_space<hbm>> -> memref<8x128xf32, #tpu.memory_space<hbm>>
      tpu.wait_dma2 semaphore(%arg24 : memref<!tpu.dma_semaphore, #tpu.memory_space<semaphore_mem>>) src(%dma_wait3A_1451 : memref<8x128xf32, #tpu.memory_space<hbm>>) dst(%dma_wait3A_1448 : memref<8x128xf32, #tpu.memory_space<vmem>>)
      %dma_wait3A_1452 = arith.constant 8 : i32
      %dma_wait3A_1453 = arith.constant 0 : i32
      %dma_wait3A_1454 = tpu.memref_slice %arg16[%dma_wait3A_1452, %dma_wait3A_1453] : memref<32x128xf32, #tpu.memory_space<vmem>> -> memref<8x128xf32, #tpu.memory_space<vmem>>
      %dma_wait3A_1455 = arith.constant 8 : i32
      %dma_wait3A_1456 = arith.constant 0 : i32
      %dma_wait3A_1457 = tpu.memref_slice %arg2[%dma_wait3A_1455, %dma_wait3A_1456] : memref<32x1000000xf32, #tpu.memory_space<hbm>> -> memref<8x128xf32, #tpu.memory_space<hbm>>
      %dma_wait3A_1458 = arith.constant 8 : i32
      %dma_wait3A_1459 = arith.constant 0 : i32
      %dma_wait3A_1460 = tpu.memref_slice %arg16[%dma_wait3A_1458, %dma_wait3A_1459] : memref<32x128xf32, #tpu.memory_space<vmem>> -> memref<8x128xf32, #tpu.memory_space<vmem>>
      %dma_wait3A_1461 = arith.constant 8 : i32
      %dma_wait3A_1462 = arith.constant 0 : i32
      %dma_wait3A_1463 = tpu.memref_slice %arg2[%dma_wait3A_1461, %dma_wait3A_1462] : memref<32x1000000xf32, #tpu.memory_space<hbm>> -> memref<8x128xf32, #tpu.memory_space<hbm>>
      tpu.wait_dma2 semaphore(%arg24 : memref<!tpu.dma_semaphore, #tpu.memory_space<semaphore_mem>>) src(%dma_wait3A_1463 : memref<8x128xf32, #tpu.memory_space<hbm>>) dst(%dma_wait3A_1460 : memref<8x128xf32, #tpu.memory_space<vmem>>)
      %dma_wait3A_1464 = arith.constant 16 : i32
      %dma_wait3A_1465 = arith.constant 0 : i32
      %dma_wait3A_1466 = tpu.memref_slice %arg16[%dma_wait3A_1464, %dma_wait3A_1465] : memref<32x128xf32, #tpu.memory_space<vmem>> -> memref<8x128xf32, #tpu.memory_space<vmem>>
      %dma_wait3A_1467 = arith.constant 16 : i32
      %dma_wait3A_1468 = arith.constant 0 : i32
      %dma_wait3A_1469 = tpu.memref_slice %arg2[%dma_wait3A_1467, %dma_wait3A_1468] : memref<32x1000000xf32, #tpu.memory_space<hbm>> -> memref<8x128xf32, #tpu.memory_space<hbm>>
      %dma_wait3A_1470 = arith.constant 16 : i32
      %dma_wait3A_1471 = arith.constant 0 : i32
      %dma_wait3A_1472 = tpu.memref_slice %arg16[%dma_wait3A_1470, %dma_wait3A_1471] : memref<32x128xf32, #tpu.memory_space<vmem>> -> memref<8x128xf32, #tpu.memory_space<vmem>>
      %dma_wait3A_1473 = arith.constant 16 : i32
      %dma_wait3A_1474 = arith.constant 0 : i32
      %dma_wait3A_1475 = tpu.memref_slice %arg2[%dma_wait3A_1473, %dma_wait3A_1474] : memref<32x1000000xf32, #tpu.memory_space<hbm>> -> memref<8x128xf32, #tpu.memory_space<hbm>>
      tpu.wait_dma2 semaphore(%arg24 : memref<!tpu.dma_semaphore, #tpu.memory_space<semaphore_mem>>) src(%dma_wait3A_1475 : memref<8x128xf32, #tpu.memory_space<hbm>>) dst(%dma_wait3A_1472 : memref<8x128xf32, #tpu.memory_space<vmem>>)
      %dma_wait3A_1476 = arith.constant 24 : i32
      %dma_wait3A_1477 = arith.constant 0 : i32
      %dma_wait3A_1478 = tpu.memref_slice %arg16[%dma_wait3A_1476, %dma_wait3A_1477] : memref<32x128xf32, #tpu.memory_space<vmem>> -> memref<8x128xf32, #tpu.memory_space<vmem>>
      %dma_wait3A_1479 = arith.constant 24 : i32
      %dma_wait3A_1480 = arith.constant 0 : i32
      %dma_wait3A_1481 = tpu.memref_slice %arg2[%dma_wait3A_1479, %dma_wait3A_1480] : memref<32x1000000xf32, #tpu.memory_space<hbm>> -> memref<8x128xf32, #tpu.memory_space<hbm>>
      %dma_wait3A_1482 = arith.constant 24 : i32
      %dma_wait3A_1483 = arith.constant 0 : i32
      %dma_wait3A_1484 = tpu.memref_slice %arg16[%dma_wait3A_1482, %dma_wait3A_1483] : memref<32x128xf32, #tpu.memory_space<vmem>> -> memref<8x128xf32, #tpu.memory_space<vmem>>
      %dma_wait3A_1485 = arith.constant 24 : i32
      %dma_wait3A_1486 = arith.constant 0 : i32
      %dma_wait3A_1487 = tpu.memref_slice %arg2[%dma_wait3A_1485, %dma_wait3A_1486] : memref<32x1000000xf32, #tpu.memory_space<hbm>> -> memref<8x128xf32, #tpu.memory_space<hbm>>
      tpu.wait_dma2 semaphore(%arg24 : memref<!tpu.dma_semaphore, #tpu.memory_space<semaphore_mem>>) src(%dma_wait3A_1487 : memref<8x128xf32, #tpu.memory_space<hbm>>) dst(%dma_wait3A_1484 : memref<8x128xf32, #tpu.memory_space<vmem>>)
      %slice3A_1488 = vector.extract_strided_slice %get3A_768 {offsets = [10], sizes = [1], strides = [1]} : vector<16xi32> to vector<1xi32>
      %squeeze3A_1489 = vector.extract %slice3A_1488[0] : i32 from vector<1xi32>
      %add3A_1490 = arith.constant 10 : i32
      %add3A_1491 = arith.addi %mul3A_766, %add3A_1490 : i32
      %and3A_1492 = arith.constant 127 : i32
      %and3A_1493 = arith.andi %squeeze3A_1489, %and3A_1492 : i32
      %broadcast_in_dim3A_1494 = vector.broadcast %and3A_1493 : i32 to vector<16xi32>
      %gather3A_1495 = tpu.vector_load_idx %arg16[%iota3A, %broadcast_in_dim3A_1494] : memref<32x128xf32, #tpu.memory_space<vmem>>[vector<16xi32>, vector<16xi32>], vector<16xf32>,
      %gather3A_1496 = tpu.vector_load_idx %arg16[%add3A_7, %broadcast_in_dim3A_1494] : memref<32x128xf32, #tpu.memory_space<vmem>>[vector<16xi32>, vector<16xi32>], vector<16xf32>,
      %broadcast_in_dim3A_1497 = vector.broadcast %add3A_1491 : i32 to vector<16xi32>
      tpu.vector_store_idx %arg22[%iota3A, %broadcast_in_dim3A_1497], %gather3A_1495 : memref<32x512xf32, #tpu.memory_space<vmem>>[vector<16xi32>, vector<16xi32>], vector<16xf32>,
      tpu.vector_store_idx %arg22[%add3A_7, %broadcast_in_dim3A_1497], %gather3A_1496 : memref<32x512xf32, #tpu.memory_space<vmem>>[vector<16xi32>, vector<16xi32>], vector<16xf32>,
      %add3A_1498 = arith.constant 1 : i32
      %add3A_1499 = arith.addi %add3A_764, %add3A_1498 : i32
      %lt3A_1500 = arith.constant 32 : i32
      %lt3A_1501 = arith.cmpi slt, %add3A_1499, %lt3A_1500 : i32
      %slice3A_1502 = vector.extract_strided_slice %get3A_775 {offsets = [10], sizes = [1], strides = [1]} : vector<16xi32> to vector<1xi32>
      %squeeze3A_1503 = vector.extract %slice3A_1502[0] : i32 from vector<1xi32>
      %convert_element_type3A_1504 = arith.extui %lt3A_1501 : i1 to i32
      %cond3A_1505 = arith.constant 0 : i32
      %cond3A_1506 = arith.cmpi ne, %convert_element_type3A_1504, %cond3A_1505 : i32
      scf.if %cond3A_1506 {
        %shift_right_arithmetic3A_1842 = arith.constant 7 : i32
        %shift_right_arithmetic3A_1843 = arith.shrsi %squeeze3A_1503, %shift_right_arithmetic3A_1842 : i32
        %shift_left3A_1844 = arith.constant 7 : i32
        %shift_left3A_1845 = arith.shli %shift_right_arithmetic3A_1843, %shift_left3A_1844 : i32
        %multiple_of3A_1846 = tpu.assume_multiple %shift_left3A_1845, 128 : i32
        %dma_start3A_1847 = arith.constant 0 : i32
        %dma_start3A_1848 = arith.constant 0 : i32
        %dma_start3A_1849 = tpu.memref_slice %arg16[%dma_start3A_1847, %dma_start3A_1848] : memref<32x128xf32, #tpu.memory_space<vmem>> -> memref<8x128xf32, #tpu.memory_space<vmem>>
        %dma_start3A_1850 = arith.constant 0 : i32
        %dma_start3A_1851 = tpu.memref_slice %arg2[%dma_start3A_1850, %multiple_of3A_1846] : memref<32x1000000xf32, #tpu.memory_space<hbm>> -> memref<8x128xf32, #tpu.memory_space<hbm>>
        %dma_start3A_1852 = arith.constant 0 : i32
        %dma_start3A_1853 = arith.constant 0 : i32
        %dma_start3A_1854 = tpu.memref_slice %arg16[%dma_start3A_1852, %dma_start3A_1853] : memref<32x128xf32, #tpu.memory_space<vmem>> -> memref<8x128xf32, #tpu.memory_space<vmem>>
        %dma_start3A_1855 = arith.constant 0 : i32
        %dma_start3A_1856 = tpu.memref_slice %arg2[%dma_start3A_1855, %multiple_of3A_1846] : memref<32x1000000xf32, #tpu.memory_space<hbm>> -> memref<8x128xf32, #tpu.memory_space<hbm>>
        tpu.enqueue_dma source(%dma_start3A_1856 : memref<8x128xf32, #tpu.memory_space<hbm>>) target(%dma_start3A_1854 : memref<8x128xf32, #tpu.memory_space<vmem>>) target_semaphore(%arg24 : memref<!tpu.dma_semaphore, #tpu.memory_space<semaphore_mem>>)
        %dma_start3A_1857 = arith.constant 8 : i32
        %dma_start3A_1858 = arith.constant 0 : i32
        %dma_start3A_1859 = tpu.memref_slice %arg16[%dma_start3A_1857, %dma_start3A_1858] : memref<32x128xf32, #tpu.memory_space<vmem>> -> memref<8x128xf32, #tpu.memory_space<vmem>>
        %dma_start3A_1860 = arith.constant 8 : i32
        %dma_start3A_1861 = tpu.memref_slice %arg2[%dma_start3A_1860, %multiple_of3A_1846] : memref<32x1000000xf32, #tpu.memory_space<hbm>> -> memref<8x128xf32, #tpu.memory_space<hbm>>
        %dma_start3A_1862 = arith.constant 8 : i32
        %dma_start3A_1863 = arith.constant 0 : i32
        %dma_start3A_1864 = tpu.memref_slice %arg16[%dma_start3A_1862, %dma_start3A_1863] : memref<32x128xf32, #tpu.memory_space<vmem>> -> memref<8x128xf32, #tpu.memory_space<vmem>>
        %dma_start3A_1865 = arith.constant 8 : i32
        %dma_start3A_1866 = tpu.memref_slice %arg2[%dma_start3A_1865, %multiple_of3A_1846] : memref<32x1000000xf32, #tpu.memory_space<hbm>> -> memref<8x128xf32, #tpu.memory_space<hbm>>
        tpu.enqueue_dma source(%dma_start3A_1866 : memref<8x128xf32, #tpu.memory_space<hbm>>) target(%dma_start3A_1864 : memref<8x128xf32, #tpu.memory_space<vmem>>) target_semaphore(%arg24 : memref<!tpu.dma_semaphore, #tpu.memory_space<semaphore_mem>>)
        %dma_start3A_1867 = arith.constant 16 : i32
        %dma_start3A_1868 = arith.constant 0 : i32
        %dma_start3A_1869 = tpu.memref_slice %arg16[%dma_start3A_1867, %dma_start3A_1868] : memref<32x128xf32, #tpu.memory_space<vmem>> -> memref<8x128xf32, #tpu.memory_space<vmem>>
        %dma_start3A_1870 = arith.constant 16 : i32
        %dma_start3A_1871 = tpu.memref_slice %arg2[%dma_start3A_1870, %multiple_of3A_1846] : memref<32x1000000xf32, #tpu.memory_space<hbm>> -> memref<8x128xf32, #tpu.memory_space<hbm>>
        %dma_start3A_1872 = arith.constant 16 : i32
        %dma_start3A_1873 = arith.constant 0 : i32
        %dma_start3A_1874 = tpu.memref_slice %arg16[%dma_start3A_1872, %dma_start3A_1873] : memref<32x128xf32, #tpu.memory_space<vmem>> -> memref<8x128xf32, #tpu.memory_space<vmem>>
        %dma_start3A_1875 = arith.constant 16 : i32
        %dma_start3A_1876 = tpu.memref_slice %arg2[%dma_start3A_1875, %multiple_of3A_1846] : memref<32x1000000xf32, #tpu.memory_space<hbm>> -> memref<8x128xf32, #tpu.memory_space<hbm>>
        tpu.enqueue_dma source(%dma_start3A_1876 : memref<8x128xf32, #tpu.memory_space<hbm>>) target(%dma_start3A_1874 : memref<8x128xf32, #tpu.memory_space<vmem>>) target_semaphore(%arg24 : memref<!tpu.dma_semaphore, #tpu.memory_space<semaphore_mem>>)
        %dma_start3A_1877 = arith.constant 24 : i32
        %dma_start3A_1878 = arith.constant 0 : i32
        %dma_start3A_1879 = tpu.memref_slice %arg16[%dma_start3A_1877, %dma_start3A_1878] : memref<32x128xf32, #tpu.memory_space<vmem>> -> memref<8x128xf32, #tpu.memory_space<vmem>>
        %dma_start3A_1880 = arith.constant 24 : i32
        %dma_start3A_1881 = tpu.memref_slice %arg2[%dma_start3A_1880, %multiple_of3A_1846] : memref<32x1000000xf32, #tpu.memory_space<hbm>> -> memref<8x128xf32, #tpu.memory_space<hbm>>
        %dma_start3A_1882 = arith.constant 24 : i32
        %dma_start3A_1883 = arith.constant 0 : i32
        %dma_start3A_1884 = tpu.memref_slice %arg16[%dma_start3A_1882, %dma_start3A_1883] : memref<32x128xf32, #tpu.memory_space<vmem>> -> memref<8x128xf32, #tpu.memory_space<vmem>>
        %dma_start3A_1885 = arith.constant 24 : i32
        %dma_start3A_1886 = tpu.memref_slice %arg2[%dma_start3A_1885, %multiple_of3A_1846] : memref<32x1000000xf32, #tpu.memory_space<hbm>> -> memref<8x128xf32, #tpu.memory_space<hbm>>
        tpu.enqueue_dma source(%dma_start3A_1886 : memref<8x128xf32, #tpu.memory_space<hbm>>) target(%dma_start3A_1884 : memref<8x128xf32, #tpu.memory_space<vmem>>) target_semaphore(%arg24 : memref<!tpu.dma_semaphore, #tpu.memory_space<semaphore_mem>>)
      } else {
      }
      %dma_wait3A_1507 = arith.constant 0 : i32
      %dma_wait3A_1508 = arith.constant 0 : i32
      %dma_wait3A_1509 = tpu.memref_slice %arg17[%dma_wait3A_1507, %dma_wait3A_1508] : memref<32x128xf32, #tpu.memory_space<vmem>> -> memref<8x128xf32, #tpu.memory_space<vmem>>
      %dma_wait3A_1510 = arith.constant 0 : i32
      %dma_wait3A_1511 = arith.constant 0 : i32
      %dma_wait3A_1512 = tpu.memref_slice %arg2[%dma_wait3A_1510, %dma_wait3A_1511] : memref<32x1000000xf32, #tpu.memory_space<hbm>> -> memref<8x128xf32, #tpu.memory_space<hbm>>
      %dma_wait3A_1513 = arith.constant 0 : i32
      %dma_wait3A_1514 = arith.constant 0 : i32
      %dma_wait3A_1515 = tpu.memref_slice %arg17[%dma_wait3A_1513, %dma_wait3A_1514] : memref<32x128xf32, #tpu.memory_space<vmem>> -> memref<8x128xf32, #tpu.memory_space<vmem>>
      %dma_wait3A_1516 = arith.constant 0 : i32
      %dma_wait3A_1517 = arith.constant 0 : i32
      %dma_wait3A_1518 = tpu.memref_slice %arg2[%dma_wait3A_1516, %dma_wait3A_1517] : memref<32x1000000xf32, #tpu.memory_space<hbm>> -> memref<8x128xf32, #tpu.memory_space<hbm>>
      tpu.wait_dma2 semaphore(%arg24 : memref<!tpu.dma_semaphore, #tpu.memory_space<semaphore_mem>>) src(%dma_wait3A_1518 : memref<8x128xf32, #tpu.memory_space<hbm>>) dst(%dma_wait3A_1515 : memref<8x128xf32, #tpu.memory_space<vmem>>)
      %dma_wait3A_1519 = arith.constant 8 : i32
      %dma_wait3A_1520 = arith.constant 0 : i32
      %dma_wait3A_1521 = tpu.memref_slice %arg17[%dma_wait3A_1519, %dma_wait3A_1520] : memref<32x128xf32, #tpu.memory_space<vmem>> -> memref<8x128xf32, #tpu.memory_space<vmem>>
      %dma_wait3A_1522 = arith.constant 8 : i32
      %dma_wait3A_1523 = arith.constant 0 : i32
      %dma_wait3A_1524 = tpu.memref_slice %arg2[%dma_wait3A_1522, %dma_wait3A_1523] : memref<32x1000000xf32, #tpu.memory_space<hbm>> -> memref<8x128xf32, #tpu.memory_space<hbm>>
      %dma_wait3A_1525 = arith.constant 8 : i32
      %dma_wait3A_1526 = arith.constant 0 : i32
      %dma_wait3A_1527 = tpu.memref_slice %arg17[%dma_wait3A_1525, %dma_wait3A_1526] : memref<32x128xf32, #tpu.memory_space<vmem>> -> memref<8x128xf32, #tpu.memory_space<vmem>>
      %dma_wait3A_1528 = arith.constant 8 : i32
      %dma_wait3A_1529 = arith.constant 0 : i32
      %dma_wait3A_1530 = tpu.memref_slice %arg2[%dma_wait3A_1528, %dma_wait3A_1529] : memref<32x1000000xf32, #tpu.memory_space<hbm>> -> memref<8x128xf32, #tpu.memory_space<hbm>>
      tpu.wait_dma2 semaphore(%arg24 : memref<!tpu.dma_semaphore, #tpu.memory_space<semaphore_mem>>) src(%dma_wait3A_1530 : memref<8x128xf32, #tpu.memory_space<hbm>>) dst(%dma_wait3A_1527 : memref<8x128xf32, #tpu.memory_space<vmem>>)
      %dma_wait3A_1531 = arith.constant 16 : i32
      %dma_wait3A_1532 = arith.constant 0 : i32
      %dma_wait3A_1533 = tpu.memref_slice %arg17[%dma_wait3A_1531, %dma_wait3A_1532] : memref<32x128xf32, #tpu.memory_space<vmem>> -> memref<8x128xf32, #tpu.memory_space<vmem>>
      %dma_wait3A_1534 = arith.constant 16 : i32
      %dma_wait3A_1535 = arith.constant 0 : i32
      %dma_wait3A_1536 = tpu.memref_slice %arg2[%dma_wait3A_1534, %dma_wait3A_1535] : memref<32x1000000xf32, #tpu.memory_space<hbm>> -> memref<8x128xf32, #tpu.memory_space<hbm>>
      %dma_wait3A_1537 = arith.constant 16 : i32
      %dma_wait3A_1538 = arith.constant 0 : i32
      %dma_wait3A_1539 = tpu.memref_slice %arg17[%dma_wait3A_1537, %dma_wait3A_1538] : memref<32x128xf32, #tpu.memory_space<vmem>> -> memref<8x128xf32, #tpu.memory_space<vmem>>
      %dma_wait3A_1540 = arith.constant 16 : i32
      %dma_wait3A_1541 = arith.constant 0 : i32
      %dma_wait3A_1542 = tpu.memref_slice %arg2[%dma_wait3A_1540, %dma_wait3A_1541] : memref<32x1000000xf32, #tpu.memory_space<hbm>> -> memref<8x128xf32, #tpu.memory_space<hbm>>
      tpu.wait_dma2 semaphore(%arg24 : memref<!tpu.dma_semaphore, #tpu.memory_space<semaphore_mem>>) src(%dma_wait3A_1542 : memref<8x128xf32, #tpu.memory_space<hbm>>) dst(%dma_wait3A_1539 : memref<8x128xf32, #tpu.memory_space<vmem>>)
      %dma_wait3A_1543 = arith.constant 24 : i32
      %dma_wait3A_1544 = arith.constant 0 : i32
      %dma_wait3A_1545 = tpu.memref_slice %arg17[%dma_wait3A_1543, %dma_wait3A_1544] : memref<32x128xf32, #tpu.memory_space<vmem>> -> memref<8x128xf32, #tpu.memory_space<vmem>>
      %dma_wait3A_1546 = arith.constant 24 : i32
      %dma_wait3A_1547 = arith.constant 0 : i32
      %dma_wait3A_1548 = tpu.memref_slice %arg2[%dma_wait3A_1546, %dma_wait3A_1547] : memref<32x1000000xf32, #tpu.memory_space<hbm>> -> memref<8x128xf32, #tpu.memory_space<hbm>>
      %dma_wait3A_1549 = arith.constant 24 : i32
      %dma_wait3A_1550 = arith.constant 0 : i32
      %dma_wait3A_1551 = tpu.memref_slice %arg17[%dma_wait3A_1549, %dma_wait3A_1550] : memref<32x128xf32, #tpu.memory_space<vmem>> -> memref<8x128xf32, #tpu.memory_space<vmem>>
      %dma_wait3A_1552 = arith.constant 24 : i32
      %dma_wait3A_1553 = arith.constant 0 : i32
      %dma_wait3A_1554 = tpu.memref_slice %arg2[%dma_wait3A_1552, %dma_wait3A_1553] : memref<32x1000000xf32, #tpu.memory_space<hbm>> -> memref<8x128xf32, #tpu.memory_space<hbm>>
      tpu.wait_dma2 semaphore(%arg24 : memref<!tpu.dma_semaphore, #tpu.memory_space<semaphore_mem>>) src(%dma_wait3A_1554 : memref<8x128xf32, #tpu.memory_space<hbm>>) dst(%dma_wait3A_1551 : memref<8x128xf32, #tpu.memory_space<vmem>>)
      %slice3A_1555 = vector.extract_strided_slice %get3A_768 {offsets = [11], sizes = [1], strides = [1]} : vector<16xi32> to vector<1xi32>
      %squeeze3A_1556 = vector.extract %slice3A_1555[0] : i32 from vector<1xi32>
      %add3A_1557 = arith.constant 11 : i32
      %add3A_1558 = arith.addi %mul3A_766, %add3A_1557 : i32
      %and3A_1559 = arith.constant 127 : i32
      %and3A_1560 = arith.andi %squeeze3A_1556, %and3A_1559 : i32
      %broadcast_in_dim3A_1561 = vector.broadcast %and3A_1560 : i32 to vector<16xi32>
      %gather3A_1562 = tpu.vector_load_idx %arg17[%iota3A, %broadcast_in_dim3A_1561] : memref<32x128xf32, #tpu.memory_space<vmem>>[vector<16xi32>, vector<16xi32>], vector<16xf32>,
      %gather3A_1563 = tpu.vector_load_idx %arg17[%add3A_7, %broadcast_in_dim3A_1561] : memref<32x128xf32, #tpu.memory_space<vmem>>[vector<16xi32>, vector<16xi32>], vector<16xf32>,
      %broadcast_in_dim3A_1564 = vector.broadcast %add3A_1558 : i32 to vector<16xi32>
      tpu.vector_store_idx %arg22[%iota3A, %broadcast_in_dim3A_1564], %gather3A_1562 : memref<32x512xf32, #tpu.memory_space<vmem>>[vector<16xi32>, vector<16xi32>], vector<16xf32>,
      tpu.vector_store_idx %arg22[%add3A_7, %broadcast_in_dim3A_1564], %gather3A_1563 : memref<32x512xf32, #tpu.memory_space<vmem>>[vector<16xi32>, vector<16xi32>], vector<16xf32>,
      %add3A_1565 = arith.constant 1 : i32
      %add3A_1566 = arith.addi %add3A_764, %add3A_1565 : i32
      %lt3A_1567 = arith.constant 32 : i32
      %lt3A_1568 = arith.cmpi slt, %add3A_1566, %lt3A_1567 : i32
      %slice3A_1569 = vector.extract_strided_slice %get3A_775 {offsets = [11], sizes = [1], strides = [1]} : vector<16xi32> to vector<1xi32>
      %squeeze3A_1570 = vector.extract %slice3A_1569[0] : i32 from vector<1xi32>
      %convert_element_type3A_1571 = arith.extui %lt3A_1568 : i1 to i32
      %cond3A_1572 = arith.constant 0 : i32
      %cond3A_1573 = arith.cmpi ne, %convert_element_type3A_1571, %cond3A_1572 : i32
      scf.if %cond3A_1573 {
        %shift_right_arithmetic3A_1842 = arith.constant 7 : i32
        %shift_right_arithmetic3A_1843 = arith.shrsi %squeeze3A_1570, %shift_right_arithmetic3A_1842 : i32
        %shift_left3A_1844 = arith.constant 7 : i32
        %shift_left3A_1845 = arith.shli %shift_right_arithmetic3A_1843, %shift_left3A_1844 : i32
        %multiple_of3A_1846 = tpu.assume_multiple %shift_left3A_1845, 128 : i32
        %dma_start3A_1847 = arith.constant 0 : i32
        %dma_start3A_1848 = arith.constant 0 : i32
        %dma_start3A_1849 = tpu.memref_slice %arg17[%dma_start3A_1847, %dma_start3A_1848] : memref<32x128xf32, #tpu.memory_space<vmem>> -> memref<8x128xf32, #tpu.memory_space<vmem>>
        %dma_start3A_1850 = arith.constant 0 : i32
        %dma_start3A_1851 = tpu.memref_slice %arg2[%dma_start3A_1850, %multiple_of3A_1846] : memref<32x1000000xf32, #tpu.memory_space<hbm>> -> memref<8x128xf32, #tpu.memory_space<hbm>>
        %dma_start3A_1852 = arith.constant 0 : i32
        %dma_start3A_1853 = arith.constant 0 : i32
        %dma_start3A_1854 = tpu.memref_slice %arg17[%dma_start3A_1852, %dma_start3A_1853] : memref<32x128xf32, #tpu.memory_space<vmem>> -> memref<8x128xf32, #tpu.memory_space<vmem>>
        %dma_start3A_1855 = arith.constant 0 : i32
        %dma_start3A_1856 = tpu.memref_slice %arg2[%dma_start3A_1855, %multiple_of3A_1846] : memref<32x1000000xf32, #tpu.memory_space<hbm>> -> memref<8x128xf32, #tpu.memory_space<hbm>>
        tpu.enqueue_dma source(%dma_start3A_1856 : memref<8x128xf32, #tpu.memory_space<hbm>>) target(%dma_start3A_1854 : memref<8x128xf32, #tpu.memory_space<vmem>>) target_semaphore(%arg24 : memref<!tpu.dma_semaphore, #tpu.memory_space<semaphore_mem>>)
        %dma_start3A_1857 = arith.constant 8 : i32
        %dma_start3A_1858 = arith.constant 0 : i32
        %dma_start3A_1859 = tpu.memref_slice %arg17[%dma_start3A_1857, %dma_start3A_1858] : memref<32x128xf32, #tpu.memory_space<vmem>> -> memref<8x128xf32, #tpu.memory_space<vmem>>
        %dma_start3A_1860 = arith.constant 8 : i32
        %dma_start3A_1861 = tpu.memref_slice %arg2[%dma_start3A_1860, %multiple_of3A_1846] : memref<32x1000000xf32, #tpu.memory_space<hbm>> -> memref<8x128xf32, #tpu.memory_space<hbm>>
        %dma_start3A_1862 = arith.constant 8 : i32
        %dma_start3A_1863 = arith.constant 0 : i32
        %dma_start3A_1864 = tpu.memref_slice %arg17[%dma_start3A_1862, %dma_start3A_1863] : memref<32x128xf32, #tpu.memory_space<vmem>> -> memref<8x128xf32, #tpu.memory_space<vmem>>
        %dma_start3A_1865 = arith.constant 8 : i32
        %dma_start3A_1866 = tpu.memref_slice %arg2[%dma_start3A_1865, %multiple_of3A_1846] : memref<32x1000000xf32, #tpu.memory_space<hbm>> -> memref<8x128xf32, #tpu.memory_space<hbm>>
        tpu.enqueue_dma source(%dma_start3A_1866 : memref<8x128xf32, #tpu.memory_space<hbm>>) target(%dma_start3A_1864 : memref<8x128xf32, #tpu.memory_space<vmem>>) target_semaphore(%arg24 : memref<!tpu.dma_semaphore, #tpu.memory_space<semaphore_mem>>)
        %dma_start3A_1867 = arith.constant 16 : i32
        %dma_start3A_1868 = arith.constant 0 : i32
        %dma_start3A_1869 = tpu.memref_slice %arg17[%dma_start3A_1867, %dma_start3A_1868] : memref<32x128xf32, #tpu.memory_space<vmem>> -> memref<8x128xf32, #tpu.memory_space<vmem>>
        %dma_start3A_1870 = arith.constant 16 : i32
        %dma_start3A_1871 = tpu.memref_slice %arg2[%dma_start3A_1870, %multiple_of3A_1846] : memref<32x1000000xf32, #tpu.memory_space<hbm>> -> memref<8x128xf32, #tpu.memory_space<hbm>>
        %dma_start3A_1872 = arith.constant 16 : i32
        %dma_start3A_1873 = arith.constant 0 : i32
        %dma_start3A_1874 = tpu.memref_slice %arg17[%dma_start3A_1872, %dma_start3A_1873] : memref<32x128xf32, #tpu.memory_space<vmem>> -> memref<8x128xf32, #tpu.memory_space<vmem>>
        %dma_start3A_1875 = arith.constant 16 : i32
        %dma_start3A_1876 = tpu.memref_slice %arg2[%dma_start3A_1875, %multiple_of3A_1846] : memref<32x1000000xf32, #tpu.memory_space<hbm>> -> memref<8x128xf32, #tpu.memory_space<hbm>>
        tpu.enqueue_dma source(%dma_start3A_1876 : memref<8x128xf32, #tpu.memory_space<hbm>>) target(%dma_start3A_1874 : memref<8x128xf32, #tpu.memory_space<vmem>>) target_semaphore(%arg24 : memref<!tpu.dma_semaphore, #tpu.memory_space<semaphore_mem>>)
        %dma_start3A_1877 = arith.constant 24 : i32
        %dma_start3A_1878 = arith.constant 0 : i32
        %dma_start3A_1879 = tpu.memref_slice %arg17[%dma_start3A_1877, %dma_start3A_1878] : memref<32x128xf32, #tpu.memory_space<vmem>> -> memref<8x128xf32, #tpu.memory_space<vmem>>
        %dma_start3A_1880 = arith.constant 24 : i32
        %dma_start3A_1881 = tpu.memref_slice %arg2[%dma_start3A_1880, %multiple_of3A_1846] : memref<32x1000000xf32, #tpu.memory_space<hbm>> -> memref<8x128xf32, #tpu.memory_space<hbm>>
        %dma_start3A_1882 = arith.constant 24 : i32
        %dma_start3A_1883 = arith.constant 0 : i32
        %dma_start3A_1884 = tpu.memref_slice %arg17[%dma_start3A_1882, %dma_start3A_1883] : memref<32x128xf32, #tpu.memory_space<vmem>> -> memref<8x128xf32, #tpu.memory_space<vmem>>
        %dma_start3A_1885 = arith.constant 24 : i32
        %dma_start3A_1886 = tpu.memref_slice %arg2[%dma_start3A_1885, %multiple_of3A_1846] : memref<32x1000000xf32, #tpu.memory_space<hbm>> -> memref<8x128xf32, #tpu.memory_space<hbm>>
        tpu.enqueue_dma source(%dma_start3A_1886 : memref<8x128xf32, #tpu.memory_space<hbm>>) target(%dma_start3A_1884 : memref<8x128xf32, #tpu.memory_space<vmem>>) target_semaphore(%arg24 : memref<!tpu.dma_semaphore, #tpu.memory_space<semaphore_mem>>)
      } else {
      }
      %dma_wait3A_1574 = arith.constant 0 : i32
      %dma_wait3A_1575 = arith.constant 0 : i32
      %dma_wait3A_1576 = tpu.memref_slice %arg18[%dma_wait3A_1574, %dma_wait3A_1575] : memref<32x128xf32, #tpu.memory_space<vmem>> -> memref<8x128xf32, #tpu.memory_space<vmem>>
      %dma_wait3A_1577 = arith.constant 0 : i32
      %dma_wait3A_1578 = arith.constant 0 : i32
      %dma_wait3A_1579 = tpu.memref_slice %arg2[%dma_wait3A_1577, %dma_wait3A_1578] : memref<32x1000000xf32, #tpu.memory_space<hbm>> -> memref<8x128xf32, #tpu.memory_space<hbm>>
      %dma_wait3A_1580 = arith.constant 0 : i32
      %dma_wait3A_1581 = arith.constant 0 : i32
      %dma_wait3A_1582 = tpu.memref_slice %arg18[%dma_wait3A_1580, %dma_wait3A_1581] : memref<32x128xf32, #tpu.memory_space<vmem>> -> memref<8x128xf32, #tpu.memory_space<vmem>>
      %dma_wait3A_1583 = arith.constant 0 : i32
      %dma_wait3A_1584 = arith.constant 0 : i32
      %dma_wait3A_1585 = tpu.memref_slice %arg2[%dma_wait3A_1583, %dma_wait3A_1584] : memref<32x1000000xf32, #tpu.memory_space<hbm>> -> memref<8x128xf32, #tpu.memory_space<hbm>>
      tpu.wait_dma2 semaphore(%arg24 : memref<!tpu.dma_semaphore, #tpu.memory_space<semaphore_mem>>) src(%dma_wait3A_1585 : memref<8x128xf32, #tpu.memory_space<hbm>>) dst(%dma_wait3A_1582 : memref<8x128xf32, #tpu.memory_space<vmem>>)
      %dma_wait3A_1586 = arith.constant 8 : i32
      %dma_wait3A_1587 = arith.constant 0 : i32
      %dma_wait3A_1588 = tpu.memref_slice %arg18[%dma_wait3A_1586, %dma_wait3A_1587] : memref<32x128xf32, #tpu.memory_space<vmem>> -> memref<8x128xf32, #tpu.memory_space<vmem>>
      %dma_wait3A_1589 = arith.constant 8 : i32
      %dma_wait3A_1590 = arith.constant 0 : i32
      %dma_wait3A_1591 = tpu.memref_slice %arg2[%dma_wait3A_1589, %dma_wait3A_1590] : memref<32x1000000xf32, #tpu.memory_space<hbm>> -> memref<8x128xf32, #tpu.memory_space<hbm>>
      %dma_wait3A_1592 = arith.constant 8 : i32
      %dma_wait3A_1593 = arith.constant 0 : i32
      %dma_wait3A_1594 = tpu.memref_slice %arg18[%dma_wait3A_1592, %dma_wait3A_1593] : memref<32x128xf32, #tpu.memory_space<vmem>> -> memref<8x128xf32, #tpu.memory_space<vmem>>
      %dma_wait3A_1595 = arith.constant 8 : i32
      %dma_wait3A_1596 = arith.constant 0 : i32
      %dma_wait3A_1597 = tpu.memref_slice %arg2[%dma_wait3A_1595, %dma_wait3A_1596] : memref<32x1000000xf32, #tpu.memory_space<hbm>> -> memref<8x128xf32, #tpu.memory_space<hbm>>
      tpu.wait_dma2 semaphore(%arg24 : memref<!tpu.dma_semaphore, #tpu.memory_space<semaphore_mem>>) src(%dma_wait3A_1597 : memref<8x128xf32, #tpu.memory_space<hbm>>) dst(%dma_wait3A_1594 : memref<8x128xf32, #tpu.memory_space<vmem>>)
      %dma_wait3A_1598 = arith.constant 16 : i32
      %dma_wait3A_1599 = arith.constant 0 : i32
      %dma_wait3A_1600 = tpu.memref_slice %arg18[%dma_wait3A_1598, %dma_wait3A_1599] : memref<32x128xf32, #tpu.memory_space<vmem>> -> memref<8x128xf32, #tpu.memory_space<vmem>>
      %dma_wait3A_1601 = arith.constant 16 : i32
      %dma_wait3A_1602 = arith.constant 0 : i32
      %dma_wait3A_1603 = tpu.memref_slice %arg2[%dma_wait3A_1601, %dma_wait3A_1602] : memref<32x1000000xf32, #tpu.memory_space<hbm>> -> memref<8x128xf32, #tpu.memory_space<hbm>>
      %dma_wait3A_1604 = arith.constant 16 : i32
      %dma_wait3A_1605 = arith.constant 0 : i32
      %dma_wait3A_1606 = tpu.memref_slice %arg18[%dma_wait3A_1604, %dma_wait3A_1605] : memref<32x128xf32, #tpu.memory_space<vmem>> -> memref<8x128xf32, #tpu.memory_space<vmem>>
      %dma_wait3A_1607 = arith.constant 16 : i32
      %dma_wait3A_1608 = arith.constant 0 : i32
      %dma_wait3A_1609 = tpu.memref_slice %arg2[%dma_wait3A_1607, %dma_wait3A_1608] : memref<32x1000000xf32, #tpu.memory_space<hbm>> -> memref<8x128xf32, #tpu.memory_space<hbm>>
      tpu.wait_dma2 semaphore(%arg24 : memref<!tpu.dma_semaphore, #tpu.memory_space<semaphore_mem>>) src(%dma_wait3A_1609 : memref<8x128xf32, #tpu.memory_space<hbm>>) dst(%dma_wait3A_1606 : memref<8x128xf32, #tpu.memory_space<vmem>>)
      %dma_wait3A_1610 = arith.constant 24 : i32
      %dma_wait3A_1611 = arith.constant 0 : i32
      %dma_wait3A_1612 = tpu.memref_slice %arg18[%dma_wait3A_1610, %dma_wait3A_1611] : memref<32x128xf32, #tpu.memory_space<vmem>> -> memref<8x128xf32, #tpu.memory_space<vmem>>
      %dma_wait3A_1613 = arith.constant 24 : i32
      %dma_wait3A_1614 = arith.constant 0 : i32
      %dma_wait3A_1615 = tpu.memref_slice %arg2[%dma_wait3A_1613, %dma_wait3A_1614] : memref<32x1000000xf32, #tpu.memory_space<hbm>> -> memref<8x128xf32, #tpu.memory_space<hbm>>
      %dma_wait3A_1616 = arith.constant 24 : i32
      %dma_wait3A_1617 = arith.constant 0 : i32
      %dma_wait3A_1618 = tpu.memref_slice %arg18[%dma_wait3A_1616, %dma_wait3A_1617] : memref<32x128xf32, #tpu.memory_space<vmem>> -> memref<8x128xf32, #tpu.memory_space<vmem>>
      %dma_wait3A_1619 = arith.constant 24 : i32
      %dma_wait3A_1620 = arith.constant 0 : i32
      %dma_wait3A_1621 = tpu.memref_slice %arg2[%dma_wait3A_1619, %dma_wait3A_1620] : memref<32x1000000xf32, #tpu.memory_space<hbm>> -> memref<8x128xf32, #tpu.memory_space<hbm>>
      tpu.wait_dma2 semaphore(%arg24 : memref<!tpu.dma_semaphore, #tpu.memory_space<semaphore_mem>>) src(%dma_wait3A_1621 : memref<8x128xf32, #tpu.memory_space<hbm>>) dst(%dma_wait3A_1618 : memref<8x128xf32, #tpu.memory_space<vmem>>)
      %slice3A_1622 = vector.extract_strided_slice %get3A_768 {offsets = [12], sizes = [1], strides = [1]} : vector<16xi32> to vector<1xi32>
      %squeeze3A_1623 = vector.extract %slice3A_1622[0] : i32 from vector<1xi32>
      %add3A_1624 = arith.constant 12 : i32
      %add3A_1625 = arith.addi %mul3A_766, %add3A_1624 : i32
      %and3A_1626 = arith.constant 127 : i32
      %and3A_1627 = arith.andi %squeeze3A_1623, %and3A_1626 : i32
      %broadcast_in_dim3A_1628 = vector.broadcast %and3A_1627 : i32 to vector<16xi32>
      %gather3A_1629 = tpu.vector_load_idx %arg18[%iota3A, %broadcast_in_dim3A_1628] : memref<32x128xf32, #tpu.memory_space<vmem>>[vector<16xi32>, vector<16xi32>], vector<16xf32>,
      %gather3A_1630 = tpu.vector_load_idx %arg18[%add3A_7, %broadcast_in_dim3A_1628] : memref<32x128xf32, #tpu.memory_space<vmem>>[vector<16xi32>, vector<16xi32>], vector<16xf32>,
      %broadcast_in_dim3A_1631 = vector.broadcast %add3A_1625 : i32 to vector<16xi32>
      tpu.vector_store_idx %arg22[%iota3A, %broadcast_in_dim3A_1631], %gather3A_1629 : memref<32x512xf32, #tpu.memory_space<vmem>>[vector<16xi32>, vector<16xi32>], vector<16xf32>,
      tpu.vector_store_idx %arg22[%add3A_7, %broadcast_in_dim3A_1631], %gather3A_1630 : memref<32x512xf32, #tpu.memory_space<vmem>>[vector<16xi32>, vector<16xi32>], vector<16xf32>,
      %add3A_1632 = arith.constant 1 : i32
      %add3A_1633 = arith.addi %add3A_764, %add3A_1632 : i32
      %lt3A_1634 = arith.constant 32 : i32
      %lt3A_1635 = arith.cmpi slt, %add3A_1633, %lt3A_1634 : i32
      %slice3A_1636 = vector.extract_strided_slice %get3A_775 {offsets = [12], sizes = [1], strides = [1]} : vector<16xi32> to vector<1xi32>
      %squeeze3A_1637 = vector.extract %slice3A_1636[0] : i32 from vector<1xi32>
      %convert_element_type3A_1638 = arith.extui %lt3A_1635 : i1 to i32
      %cond3A_1639 = arith.constant 0 : i32
      %cond3A_1640 = arith.cmpi ne, %convert_element_type3A_1638, %cond3A_1639 : i32
      scf.if %cond3A_1640 {
        %shift_right_arithmetic3A_1842 = arith.constant 7 : i32
        %shift_right_arithmetic3A_1843 = arith.shrsi %squeeze3A_1637, %shift_right_arithmetic3A_1842 : i32
        %shift_left3A_1844 = arith.constant 7 : i32
        %shift_left3A_1845 = arith.shli %shift_right_arithmetic3A_1843, %shift_left3A_1844 : i32
        %multiple_of3A_1846 = tpu.assume_multiple %shift_left3A_1845, 128 : i32
        %dma_start3A_1847 = arith.constant 0 : i32
        %dma_start3A_1848 = arith.constant 0 : i32
        %dma_start3A_1849 = tpu.memref_slice %arg18[%dma_start3A_1847, %dma_start3A_1848] : memref<32x128xf32, #tpu.memory_space<vmem>> -> memref<8x128xf32, #tpu.memory_space<vmem>>
        %dma_start3A_1850 = arith.constant 0 : i32
        %dma_start3A_1851 = tpu.memref_slice %arg2[%dma_start3A_1850, %multiple_of3A_1846] : memref<32x1000000xf32, #tpu.memory_space<hbm>> -> memref<8x128xf32, #tpu.memory_space<hbm>>
        %dma_start3A_1852 = arith.constant 0 : i32
        %dma_start3A_1853 = arith.constant 0 : i32
        %dma_start3A_1854 = tpu.memref_slice %arg18[%dma_start3A_1852, %dma_start3A_1853] : memref<32x128xf32, #tpu.memory_space<vmem>> -> memref<8x128xf32, #tpu.memory_space<vmem>>
        %dma_start3A_1855 = arith.constant 0 : i32
        %dma_start3A_1856 = tpu.memref_slice %arg2[%dma_start3A_1855, %multiple_of3A_1846] : memref<32x1000000xf32, #tpu.memory_space<hbm>> -> memref<8x128xf32, #tpu.memory_space<hbm>>
        tpu.enqueue_dma source(%dma_start3A_1856 : memref<8x128xf32, #tpu.memory_space<hbm>>) target(%dma_start3A_1854 : memref<8x128xf32, #tpu.memory_space<vmem>>) target_semaphore(%arg24 : memref<!tpu.dma_semaphore, #tpu.memory_space<semaphore_mem>>)
        %dma_start3A_1857 = arith.constant 8 : i32
        %dma_start3A_1858 = arith.constant 0 : i32
        %dma_start3A_1859 = tpu.memref_slice %arg18[%dma_start3A_1857, %dma_start3A_1858] : memref<32x128xf32, #tpu.memory_space<vmem>> -> memref<8x128xf32, #tpu.memory_space<vmem>>
        %dma_start3A_1860 = arith.constant 8 : i32
        %dma_start3A_1861 = tpu.memref_slice %arg2[%dma_start3A_1860, %multiple_of3A_1846] : memref<32x1000000xf32, #tpu.memory_space<hbm>> -> memref<8x128xf32, #tpu.memory_space<hbm>>
        %dma_start3A_1862 = arith.constant 8 : i32
        %dma_start3A_1863 = arith.constant 0 : i32
        %dma_start3A_1864 = tpu.memref_slice %arg18[%dma_start3A_1862, %dma_start3A_1863] : memref<32x128xf32, #tpu.memory_space<vmem>> -> memref<8x128xf32, #tpu.memory_space<vmem>>
        %dma_start3A_1865 = arith.constant 8 : i32
        %dma_start3A_1866 = tpu.memref_slice %arg2[%dma_start3A_1865, %multiple_of3A_1846] : memref<32x1000000xf32, #tpu.memory_space<hbm>> -> memref<8x128xf32, #tpu.memory_space<hbm>>
        tpu.enqueue_dma source(%dma_start3A_1866 : memref<8x128xf32, #tpu.memory_space<hbm>>) target(%dma_start3A_1864 : memref<8x128xf32, #tpu.memory_space<vmem>>) target_semaphore(%arg24 : memref<!tpu.dma_semaphore, #tpu.memory_space<semaphore_mem>>)
        %dma_start3A_1867 = arith.constant 16 : i32
        %dma_start3A_1868 = arith.constant 0 : i32
        %dma_start3A_1869 = tpu.memref_slice %arg18[%dma_start3A_1867, %dma_start3A_1868] : memref<32x128xf32, #tpu.memory_space<vmem>> -> memref<8x128xf32, #tpu.memory_space<vmem>>
        %dma_start3A_1870 = arith.constant 16 : i32
        %dma_start3A_1871 = tpu.memref_slice %arg2[%dma_start3A_1870, %multiple_of3A_1846] : memref<32x1000000xf32, #tpu.memory_space<hbm>> -> memref<8x128xf32, #tpu.memory_space<hbm>>
        %dma_start3A_1872 = arith.constant 16 : i32
        %dma_start3A_1873 = arith.constant 0 : i32
        %dma_start3A_1874 = tpu.memref_slice %arg18[%dma_start3A_1872, %dma_start3A_1873] : memref<32x128xf32, #tpu.memory_space<vmem>> -> memref<8x128xf32, #tpu.memory_space<vmem>>
        %dma_start3A_1875 = arith.constant 16 : i32
        %dma_start3A_1876 = tpu.memref_slice %arg2[%dma_start3A_1875, %multiple_of3A_1846] : memref<32x1000000xf32, #tpu.memory_space<hbm>> -> memref<8x128xf32, #tpu.memory_space<hbm>>
        tpu.enqueue_dma source(%dma_start3A_1876 : memref<8x128xf32, #tpu.memory_space<hbm>>) target(%dma_start3A_1874 : memref<8x128xf32, #tpu.memory_space<vmem>>) target_semaphore(%arg24 : memref<!tpu.dma_semaphore, #tpu.memory_space<semaphore_mem>>)
        %dma_start3A_1877 = arith.constant 24 : i32
        %dma_start3A_1878 = arith.constant 0 : i32
        %dma_start3A_1879 = tpu.memref_slice %arg18[%dma_start3A_1877, %dma_start3A_1878] : memref<32x128xf32, #tpu.memory_space<vmem>> -> memref<8x128xf32, #tpu.memory_space<vmem>>
        %dma_start3A_1880 = arith.constant 24 : i32
        %dma_start3A_1881 = tpu.memref_slice %arg2[%dma_start3A_1880, %multiple_of3A_1846] : memref<32x1000000xf32, #tpu.memory_space<hbm>> -> memref<8x128xf32, #tpu.memory_space<hbm>>
        %dma_start3A_1882 = arith.constant 24 : i32
        %dma_start3A_1883 = arith.constant 0 : i32
        %dma_start3A_1884 = tpu.memref_slice %arg18[%dma_start3A_1882, %dma_start3A_1883] : memref<32x128xf32, #tpu.memory_space<vmem>> -> memref<8x128xf32, #tpu.memory_space<vmem>>
        %dma_start3A_1885 = arith.constant 24 : i32
        %dma_start3A_1886 = tpu.memref_slice %arg2[%dma_start3A_1885, %multiple_of3A_1846] : memref<32x1000000xf32, #tpu.memory_space<hbm>> -> memref<8x128xf32, #tpu.memory_space<hbm>>
        tpu.enqueue_dma source(%dma_start3A_1886 : memref<8x128xf32, #tpu.memory_space<hbm>>) target(%dma_start3A_1884 : memref<8x128xf32, #tpu.memory_space<vmem>>) target_semaphore(%arg24 : memref<!tpu.dma_semaphore, #tpu.memory_space<semaphore_mem>>)
      } else {
      }
      %dma_wait3A_1641 = arith.constant 0 : i32
      %dma_wait3A_1642 = arith.constant 0 : i32
      %dma_wait3A_1643 = tpu.memref_slice %arg19[%dma_wait3A_1641, %dma_wait3A_1642] : memref<32x128xf32, #tpu.memory_space<vmem>> -> memref<8x128xf32, #tpu.memory_space<vmem>>
      %dma_wait3A_1644 = arith.constant 0 : i32
      %dma_wait3A_1645 = arith.constant 0 : i32
      %dma_wait3A_1646 = tpu.memref_slice %arg2[%dma_wait3A_1644, %dma_wait3A_1645] : memref<32x1000000xf32, #tpu.memory_space<hbm>> -> memref<8x128xf32, #tpu.memory_space<hbm>>
      %dma_wait3A_1647 = arith.constant 0 : i32
      %dma_wait3A_1648 = arith.constant 0 : i32
      %dma_wait3A_1649 = tpu.memref_slice %arg19[%dma_wait3A_1647, %dma_wait3A_1648] : memref<32x128xf32, #tpu.memory_space<vmem>> -> memref<8x128xf32, #tpu.memory_space<vmem>>
      %dma_wait3A_1650 = arith.constant 0 : i32
      %dma_wait3A_1651 = arith.constant 0 : i32
      %dma_wait3A_1652 = tpu.memref_slice %arg2[%dma_wait3A_1650, %dma_wait3A_1651] : memref<32x1000000xf32, #tpu.memory_space<hbm>> -> memref<8x128xf32, #tpu.memory_space<hbm>>
      tpu.wait_dma2 semaphore(%arg24 : memref<!tpu.dma_semaphore, #tpu.memory_space<semaphore_mem>>) src(%dma_wait3A_1652 : memref<8x128xf32, #tpu.memory_space<hbm>>) dst(%dma_wait3A_1649 : memref<8x128xf32, #tpu.memory_space<vmem>>)
      %dma_wait3A_1653 = arith.constant 8 : i32
      %dma_wait3A_1654 = arith.constant 0 : i32
      %dma_wait3A_1655 = tpu.memref_slice %arg19[%dma_wait3A_1653, %dma_wait3A_1654] : memref<32x128xf32, #tpu.memory_space<vmem>> -> memref<8x128xf32, #tpu.memory_space<vmem>>
      %dma_wait3A_1656 = arith.constant 8 : i32
      %dma_wait3A_1657 = arith.constant 0 : i32
      %dma_wait3A_1658 = tpu.memref_slice %arg2[%dma_wait3A_1656, %dma_wait3A_1657] : memref<32x1000000xf32, #tpu.memory_space<hbm>> -> memref<8x128xf32, #tpu.memory_space<hbm>>
      %dma_wait3A_1659 = arith.constant 8 : i32
      %dma_wait3A_1660 = arith.constant 0 : i32
      %dma_wait3A_1661 = tpu.memref_slice %arg19[%dma_wait3A_1659, %dma_wait3A_1660] : memref<32x128xf32, #tpu.memory_space<vmem>> -> memref<8x128xf32, #tpu.memory_space<vmem>>
      %dma_wait3A_1662 = arith.constant 8 : i32
      %dma_wait3A_1663 = arith.constant 0 : i32
      %dma_wait3A_1664 = tpu.memref_slice %arg2[%dma_wait3A_1662, %dma_wait3A_1663] : memref<32x1000000xf32, #tpu.memory_space<hbm>> -> memref<8x128xf32, #tpu.memory_space<hbm>>
      tpu.wait_dma2 semaphore(%arg24 : memref<!tpu.dma_semaphore, #tpu.memory_space<semaphore_mem>>) src(%dma_wait3A_1664 : memref<8x128xf32, #tpu.memory_space<hbm>>) dst(%dma_wait3A_1661 : memref<8x128xf32, #tpu.memory_space<vmem>>)
      %dma_wait3A_1665 = arith.constant 16 : i32
      %dma_wait3A_1666 = arith.constant 0 : i32
      %dma_wait3A_1667 = tpu.memref_slice %arg19[%dma_wait3A_1665, %dma_wait3A_1666] : memref<32x128xf32, #tpu.memory_space<vmem>> -> memref<8x128xf32, #tpu.memory_space<vmem>>
      %dma_wait3A_1668 = arith.constant 16 : i32
      %dma_wait3A_1669 = arith.constant 0 : i32
      %dma_wait3A_1670 = tpu.memref_slice %arg2[%dma_wait3A_1668, %dma_wait3A_1669] : memref<32x1000000xf32, #tpu.memory_space<hbm>> -> memref<8x128xf32, #tpu.memory_space<hbm>>
      %dma_wait3A_1671 = arith.constant 16 : i32
      %dma_wait3A_1672 = arith.constant 0 : i32
      %dma_wait3A_1673 = tpu.memref_slice %arg19[%dma_wait3A_1671, %dma_wait3A_1672] : memref<32x128xf32, #tpu.memory_space<vmem>> -> memref<8x128xf32, #tpu.memory_space<vmem>>
      %dma_wait3A_1674 = arith.constant 16 : i32
      %dma_wait3A_1675 = arith.constant 0 : i32
      %dma_wait3A_1676 = tpu.memref_slice %arg2[%dma_wait3A_1674, %dma_wait3A_1675] : memref<32x1000000xf32, #tpu.memory_space<hbm>> -> memref<8x128xf32, #tpu.memory_space<hbm>>
      tpu.wait_dma2 semaphore(%arg24 : memref<!tpu.dma_semaphore, #tpu.memory_space<semaphore_mem>>) src(%dma_wait3A_1676 : memref<8x128xf32, #tpu.memory_space<hbm>>) dst(%dma_wait3A_1673 : memref<8x128xf32, #tpu.memory_space<vmem>>)
      %dma_wait3A_1677 = arith.constant 24 : i32
      %dma_wait3A_1678 = arith.constant 0 : i32
      %dma_wait3A_1679 = tpu.memref_slice %arg19[%dma_wait3A_1677, %dma_wait3A_1678] : memref<32x128xf32, #tpu.memory_space<vmem>> -> memref<8x128xf32, #tpu.memory_space<vmem>>
      %dma_wait3A_1680 = arith.constant 24 : i32
      %dma_wait3A_1681 = arith.constant 0 : i32
      %dma_wait3A_1682 = tpu.memref_slice %arg2[%dma_wait3A_1680, %dma_wait3A_1681] : memref<32x1000000xf32, #tpu.memory_space<hbm>> -> memref<8x128xf32, #tpu.memory_space<hbm>>
      %dma_wait3A_1683 = arith.constant 24 : i32
      %dma_wait3A_1684 = arith.constant 0 : i32
      %dma_wait3A_1685 = tpu.memref_slice %arg19[%dma_wait3A_1683, %dma_wait3A_1684] : memref<32x128xf32, #tpu.memory_space<vmem>> -> memref<8x128xf32, #tpu.memory_space<vmem>>
      %dma_wait3A_1686 = arith.constant 24 : i32
      %dma_wait3A_1687 = arith.constant 0 : i32
      %dma_wait3A_1688 = tpu.memref_slice %arg2[%dma_wait3A_1686, %dma_wait3A_1687] : memref<32x1000000xf32, #tpu.memory_space<hbm>> -> memref<8x128xf32, #tpu.memory_space<hbm>>
      tpu.wait_dma2 semaphore(%arg24 : memref<!tpu.dma_semaphore, #tpu.memory_space<semaphore_mem>>) src(%dma_wait3A_1688 : memref<8x128xf32, #tpu.memory_space<hbm>>) dst(%dma_wait3A_1685 : memref<8x128xf32, #tpu.memory_space<vmem>>)
      %slice3A_1689 = vector.extract_strided_slice %get3A_768 {offsets = [13], sizes = [1], strides = [1]} : vector<16xi32> to vector<1xi32>
      %squeeze3A_1690 = vector.extract %slice3A_1689[0] : i32 from vector<1xi32>
      %add3A_1691 = arith.constant 13 : i32
      %add3A_1692 = arith.addi %mul3A_766, %add3A_1691 : i32
      %and3A_1693 = arith.constant 127 : i32
      %and3A_1694 = arith.andi %squeeze3A_1690, %and3A_1693 : i32
      %broadcast_in_dim3A_1695 = vector.broadcast %and3A_1694 : i32 to vector<16xi32>
      %gather3A_1696 = tpu.vector_load_idx %arg19[%iota3A, %broadcast_in_dim3A_1695] : memref<32x128xf32, #tpu.memory_space<vmem>>[vector<16xi32>, vector<16xi32>], vector<16xf32>,
      %gather3A_1697 = tpu.vector_load_idx %arg19[%add3A_7, %broadcast_in_dim3A_1695] : memref<32x128xf32, #tpu.memory_space<vmem>>[vector<16xi32>, vector<16xi32>], vector<16xf32>,
      %broadcast_in_dim3A_1698 = vector.broadcast %add3A_1692 : i32 to vector<16xi32>
      tpu.vector_store_idx %arg22[%iota3A, %broadcast_in_dim3A_1698], %gather3A_1696 : memref<32x512xf32, #tpu.memory_space<vmem>>[vector<16xi32>, vector<16xi32>], vector<16xf32>,
      tpu.vector_store_idx %arg22[%add3A_7, %broadcast_in_dim3A_1698], %gather3A_1697 : memref<32x512xf32, #tpu.memory_space<vmem>>[vector<16xi32>, vector<16xi32>], vector<16xf32>,
      %add3A_1699 = arith.constant 1 : i32
      %add3A_1700 = arith.addi %add3A_764, %add3A_1699 : i32
      %lt3A_1701 = arith.constant 32 : i32
      %lt3A_1702 = arith.cmpi slt, %add3A_1700, %lt3A_1701 : i32
      %slice3A_1703 = vector.extract_strided_slice %get3A_775 {offsets = [13], sizes = [1], strides = [1]} : vector<16xi32> to vector<1xi32>
      %squeeze3A_1704 = vector.extract %slice3A_1703[0] : i32 from vector<1xi32>
      %convert_element_type3A_1705 = arith.extui %lt3A_1702 : i1 to i32
      %cond3A_1706 = arith.constant 0 : i32
      %cond3A_1707 = arith.cmpi ne, %convert_element_type3A_1705, %cond3A_1706 : i32
      scf.if %cond3A_1707 {
        %shift_right_arithmetic3A_1842 = arith.constant 7 : i32
        %shift_right_arithmetic3A_1843 = arith.shrsi %squeeze3A_1704, %shift_right_arithmetic3A_1842 : i32
        %shift_left3A_1844 = arith.constant 7 : i32
        %shift_left3A_1845 = arith.shli %shift_right_arithmetic3A_1843, %shift_left3A_1844 : i32
        %multiple_of3A_1846 = tpu.assume_multiple %shift_left3A_1845, 128 : i32
        %dma_start3A_1847 = arith.constant 0 : i32
        %dma_start3A_1848 = arith.constant 0 : i32
        %dma_start3A_1849 = tpu.memref_slice %arg19[%dma_start3A_1847, %dma_start3A_1848] : memref<32x128xf32, #tpu.memory_space<vmem>> -> memref<8x128xf32, #tpu.memory_space<vmem>>
        %dma_start3A_1850 = arith.constant 0 : i32
        %dma_start3A_1851 = tpu.memref_slice %arg2[%dma_start3A_1850, %multiple_of3A_1846] : memref<32x1000000xf32, #tpu.memory_space<hbm>> -> memref<8x128xf32, #tpu.memory_space<hbm>>
        %dma_start3A_1852 = arith.constant 0 : i32
        %dma_start3A_1853 = arith.constant 0 : i32
        %dma_start3A_1854 = tpu.memref_slice %arg19[%dma_start3A_1852, %dma_start3A_1853] : memref<32x128xf32, #tpu.memory_space<vmem>> -> memref<8x128xf32, #tpu.memory_space<vmem>>
        %dma_start3A_1855 = arith.constant 0 : i32
        %dma_start3A_1856 = tpu.memref_slice %arg2[%dma_start3A_1855, %multiple_of3A_1846] : memref<32x1000000xf32, #tpu.memory_space<hbm>> -> memref<8x128xf32, #tpu.memory_space<hbm>>
        tpu.enqueue_dma source(%dma_start3A_1856 : memref<8x128xf32, #tpu.memory_space<hbm>>) target(%dma_start3A_1854 : memref<8x128xf32, #tpu.memory_space<vmem>>) target_semaphore(%arg24 : memref<!tpu.dma_semaphore, #tpu.memory_space<semaphore_mem>>)
        %dma_start3A_1857 = arith.constant 8 : i32
        %dma_start3A_1858 = arith.constant 0 : i32
        %dma_start3A_1859 = tpu.memref_slice %arg19[%dma_start3A_1857, %dma_start3A_1858] : memref<32x128xf32, #tpu.memory_space<vmem>> -> memref<8x128xf32, #tpu.memory_space<vmem>>
        %dma_start3A_1860 = arith.constant 8 : i32
        %dma_start3A_1861 = tpu.memref_slice %arg2[%dma_start3A_1860, %multiple_of3A_1846] : memref<32x1000000xf32, #tpu.memory_space<hbm>> -> memref<8x128xf32, #tpu.memory_space<hbm>>
        %dma_start3A_1862 = arith.constant 8 : i32
        %dma_start3A_1863 = arith.constant 0 : i32
        %dma_start3A_1864 = tpu.memref_slice %arg19[%dma_start3A_1862, %dma_start3A_1863] : memref<32x128xf32, #tpu.memory_space<vmem>> -> memref<8x128xf32, #tpu.memory_space<vmem>>
        %dma_start3A_1865 = arith.constant 8 : i32
        %dma_start3A_1866 = tpu.memref_slice %arg2[%dma_start3A_1865, %multiple_of3A_1846] : memref<32x1000000xf32, #tpu.memory_space<hbm>> -> memref<8x128xf32, #tpu.memory_space<hbm>>
        tpu.enqueue_dma source(%dma_start3A_1866 : memref<8x128xf32, #tpu.memory_space<hbm>>) target(%dma_start3A_1864 : memref<8x128xf32, #tpu.memory_space<vmem>>) target_semaphore(%arg24 : memref<!tpu.dma_semaphore, #tpu.memory_space<semaphore_mem>>)
        %dma_start3A_1867 = arith.constant 16 : i32
        %dma_start3A_1868 = arith.constant 0 : i32
        %dma_start3A_1869 = tpu.memref_slice %arg19[%dma_start3A_1867, %dma_start3A_1868] : memref<32x128xf32, #tpu.memory_space<vmem>> -> memref<8x128xf32, #tpu.memory_space<vmem>>
        %dma_start3A_1870 = arith.constant 16 : i32
        %dma_start3A_1871 = tpu.memref_slice %arg2[%dma_start3A_1870, %multiple_of3A_1846] : memref<32x1000000xf32, #tpu.memory_space<hbm>> -> memref<8x128xf32, #tpu.memory_space<hbm>>
        %dma_start3A_1872 = arith.constant 16 : i32
        %dma_start3A_1873 = arith.constant 0 : i32
        %dma_start3A_1874 = tpu.memref_slice %arg19[%dma_start3A_1872, %dma_start3A_1873] : memref<32x128xf32, #tpu.memory_space<vmem>> -> memref<8x128xf32, #tpu.memory_space<vmem>>
        %dma_start3A_1875 = arith.constant 16 : i32
        %dma_start3A_1876 = tpu.memref_slice %arg2[%dma_start3A_1875, %multiple_of3A_1846] : memref<32x1000000xf32, #tpu.memory_space<hbm>> -> memref<8x128xf32, #tpu.memory_space<hbm>>
        tpu.enqueue_dma source(%dma_start3A_1876 : memref<8x128xf32, #tpu.memory_space<hbm>>) target(%dma_start3A_1874 : memref<8x128xf32, #tpu.memory_space<vmem>>) target_semaphore(%arg24 : memref<!tpu.dma_semaphore, #tpu.memory_space<semaphore_mem>>)
        %dma_start3A_1877 = arith.constant 24 : i32
        %dma_start3A_1878 = arith.constant 0 : i32
        %dma_start3A_1879 = tpu.memref_slice %arg19[%dma_start3A_1877, %dma_start3A_1878] : memref<32x128xf32, #tpu.memory_space<vmem>> -> memref<8x128xf32, #tpu.memory_space<vmem>>
        %dma_start3A_1880 = arith.constant 24 : i32
        %dma_start3A_1881 = tpu.memref_slice %arg2[%dma_start3A_1880, %multiple_of3A_1846] : memref<32x1000000xf32, #tpu.memory_space<hbm>> -> memref<8x128xf32, #tpu.memory_space<hbm>>
        %dma_start3A_1882 = arith.constant 24 : i32
        %dma_start3A_1883 = arith.constant 0 : i32
        %dma_start3A_1884 = tpu.memref_slice %arg19[%dma_start3A_1882, %dma_start3A_1883] : memref<32x128xf32, #tpu.memory_space<vmem>> -> memref<8x128xf32, #tpu.memory_space<vmem>>
        %dma_start3A_1885 = arith.constant 24 : i32
        %dma_start3A_1886 = tpu.memref_slice %arg2[%dma_start3A_1885, %multiple_of3A_1846] : memref<32x1000000xf32, #tpu.memory_space<hbm>> -> memref<8x128xf32, #tpu.memory_space<hbm>>
        tpu.enqueue_dma source(%dma_start3A_1886 : memref<8x128xf32, #tpu.memory_space<hbm>>) target(%dma_start3A_1884 : memref<8x128xf32, #tpu.memory_space<vmem>>) target_semaphore(%arg24 : memref<!tpu.dma_semaphore, #tpu.memory_space<semaphore_mem>>)
      } else {
      }
      %dma_wait3A_1708 = arith.constant 0 : i32
      %dma_wait3A_1709 = arith.constant 0 : i32
      %dma_wait3A_1710 = tpu.memref_slice %arg20[%dma_wait3A_1708, %dma_wait3A_1709] : memref<32x128xf32, #tpu.memory_space<vmem>> -> memref<8x128xf32, #tpu.memory_space<vmem>>
      %dma_wait3A_1711 = arith.constant 0 : i32
      %dma_wait3A_1712 = arith.constant 0 : i32
      %dma_wait3A_1713 = tpu.memref_slice %arg2[%dma_wait3A_1711, %dma_wait3A_1712] : memref<32x1000000xf32, #tpu.memory_space<hbm>> -> memref<8x128xf32, #tpu.memory_space<hbm>>
      %dma_wait3A_1714 = arith.constant 0 : i32
      %dma_wait3A_1715 = arith.constant 0 : i32
      %dma_wait3A_1716 = tpu.memref_slice %arg20[%dma_wait3A_1714, %dma_wait3A_1715] : memref<32x128xf32, #tpu.memory_space<vmem>> -> memref<8x128xf32, #tpu.memory_space<vmem>>
      %dma_wait3A_1717 = arith.constant 0 : i32
      %dma_wait3A_1718 = arith.constant 0 : i32
      %dma_wait3A_1719 = tpu.memref_slice %arg2[%dma_wait3A_1717, %dma_wait3A_1718] : memref<32x1000000xf32, #tpu.memory_space<hbm>> -> memref<8x128xf32, #tpu.memory_space<hbm>>
      tpu.wait_dma2 semaphore(%arg24 : memref<!tpu.dma_semaphore, #tpu.memory_space<semaphore_mem>>) src(%dma_wait3A_1719 : memref<8x128xf32, #tpu.memory_space<hbm>>) dst(%dma_wait3A_1716 : memref<8x128xf32, #tpu.memory_space<vmem>>)
      %dma_wait3A_1720 = arith.constant 8 : i32
      %dma_wait3A_1721 = arith.constant 0 : i32
      %dma_wait3A_1722 = tpu.memref_slice %arg20[%dma_wait3A_1720, %dma_wait3A_1721] : memref<32x128xf32, #tpu.memory_space<vmem>> -> memref<8x128xf32, #tpu.memory_space<vmem>>
      %dma_wait3A_1723 = arith.constant 8 : i32
      %dma_wait3A_1724 = arith.constant 0 : i32
      %dma_wait3A_1725 = tpu.memref_slice %arg2[%dma_wait3A_1723, %dma_wait3A_1724] : memref<32x1000000xf32, #tpu.memory_space<hbm>> -> memref<8x128xf32, #tpu.memory_space<hbm>>
      %dma_wait3A_1726 = arith.constant 8 : i32
      %dma_wait3A_1727 = arith.constant 0 : i32
      %dma_wait3A_1728 = tpu.memref_slice %arg20[%dma_wait3A_1726, %dma_wait3A_1727] : memref<32x128xf32, #tpu.memory_space<vmem>> -> memref<8x128xf32, #tpu.memory_space<vmem>>
      %dma_wait3A_1729 = arith.constant 8 : i32
      %dma_wait3A_1730 = arith.constant 0 : i32
      %dma_wait3A_1731 = tpu.memref_slice %arg2[%dma_wait3A_1729, %dma_wait3A_1730] : memref<32x1000000xf32, #tpu.memory_space<hbm>> -> memref<8x128xf32, #tpu.memory_space<hbm>>
      tpu.wait_dma2 semaphore(%arg24 : memref<!tpu.dma_semaphore, #tpu.memory_space<semaphore_mem>>) src(%dma_wait3A_1731 : memref<8x128xf32, #tpu.memory_space<hbm>>) dst(%dma_wait3A_1728 : memref<8x128xf32, #tpu.memory_space<vmem>>)
      %dma_wait3A_1732 = arith.constant 16 : i32
      %dma_wait3A_1733 = arith.constant 0 : i32
      %dma_wait3A_1734 = tpu.memref_slice %arg20[%dma_wait3A_1732, %dma_wait3A_1733] : memref<32x128xf32, #tpu.memory_space<vmem>> -> memref<8x128xf32, #tpu.memory_space<vmem>>
      %dma_wait3A_1735 = arith.constant 16 : i32
      %dma_wait3A_1736 = arith.constant 0 : i32
      %dma_wait3A_1737 = tpu.memref_slice %arg2[%dma_wait3A_1735, %dma_wait3A_1736] : memref<32x1000000xf32, #tpu.memory_space<hbm>> -> memref<8x128xf32, #tpu.memory_space<hbm>>
      %dma_wait3A_1738 = arith.constant 16 : i32
      %dma_wait3A_1739 = arith.constant 0 : i32
      %dma_wait3A_1740 = tpu.memref_slice %arg20[%dma_wait3A_1738, %dma_wait3A_1739] : memref<32x128xf32, #tpu.memory_space<vmem>> -> memref<8x128xf32, #tpu.memory_space<vmem>>
      %dma_wait3A_1741 = arith.constant 16 : i32
      %dma_wait3A_1742 = arith.constant 0 : i32
      %dma_wait3A_1743 = tpu.memref_slice %arg2[%dma_wait3A_1741, %dma_wait3A_1742] : memref<32x1000000xf32, #tpu.memory_space<hbm>> -> memref<8x128xf32, #tpu.memory_space<hbm>>
      tpu.wait_dma2 semaphore(%arg24 : memref<!tpu.dma_semaphore, #tpu.memory_space<semaphore_mem>>) src(%dma_wait3A_1743 : memref<8x128xf32, #tpu.memory_space<hbm>>) dst(%dma_wait3A_1740 : memref<8x128xf32, #tpu.memory_space<vmem>>)
      %dma_wait3A_1744 = arith.constant 24 : i32
      %dma_wait3A_1745 = arith.constant 0 : i32
      %dma_wait3A_1746 = tpu.memref_slice %arg20[%dma_wait3A_1744, %dma_wait3A_1745] : memref<32x128xf32, #tpu.memory_space<vmem>> -> memref<8x128xf32, #tpu.memory_space<vmem>>
      %dma_wait3A_1747 = arith.constant 24 : i32
      %dma_wait3A_1748 = arith.constant 0 : i32
      %dma_wait3A_1749 = tpu.memref_slice %arg2[%dma_wait3A_1747, %dma_wait3A_1748] : memref<32x1000000xf32, #tpu.memory_space<hbm>> -> memref<8x128xf32, #tpu.memory_space<hbm>>
      %dma_wait3A_1750 = arith.constant 24 : i32
      %dma_wait3A_1751 = arith.constant 0 : i32
      %dma_wait3A_1752 = tpu.memref_slice %arg20[%dma_wait3A_1750, %dma_wait3A_1751] : memref<32x128xf32, #tpu.memory_space<vmem>> -> memref<8x128xf32, #tpu.memory_space<vmem>>
      %dma_wait3A_1753 = arith.constant 24 : i32
      %dma_wait3A_1754 = arith.constant 0 : i32
      %dma_wait3A_1755 = tpu.memref_slice %arg2[%dma_wait3A_1753, %dma_wait3A_1754] : memref<32x1000000xf32, #tpu.memory_space<hbm>> -> memref<8x128xf32, #tpu.memory_space<hbm>>
      tpu.wait_dma2 semaphore(%arg24 : memref<!tpu.dma_semaphore, #tpu.memory_space<semaphore_mem>>) src(%dma_wait3A_1755 : memref<8x128xf32, #tpu.memory_space<hbm>>) dst(%dma_wait3A_1752 : memref<8x128xf32, #tpu.memory_space<vmem>>)
      %slice3A_1756 = vector.extract_strided_slice %get3A_768 {offsets = [14], sizes = [1], strides = [1]} : vector<16xi32> to vector<1xi32>
      %squeeze3A_1757 = vector.extract %slice3A_1756[0] : i32 from vector<1xi32>
      %add3A_1758 = arith.constant 14 : i32
      %add3A_1759 = arith.addi %mul3A_766, %add3A_1758 : i32
      %and3A_1760 = arith.constant 127 : i32
      %and3A_1761 = arith.andi %squeeze3A_1757, %and3A_1760 : i32
      %broadcast_in_dim3A_1762 = vector.broadcast %and3A_1761 : i32 to vector<16xi32>
      %gather3A_1763 = tpu.vector_load_idx %arg20[%iota3A, %broadcast_in_dim3A_1762] : memref<32x128xf32, #tpu.memory_space<vmem>>[vector<16xi32>, vector<16xi32>], vector<16xf32>,
      %gather3A_1764 = tpu.vector_load_idx %arg20[%add3A_7, %broadcast_in_dim3A_1762] : memref<32x128xf32, #tpu.memory_space<vmem>>[vector<16xi32>, vector<16xi32>], vector<16xf32>,
      %broadcast_in_dim3A_1765 = vector.broadcast %add3A_1759 : i32 to vector<16xi32>
      tpu.vector_store_idx %arg22[%iota3A, %broadcast_in_dim3A_1765], %gather3A_1763 : memref<32x512xf32, #tpu.memory_space<vmem>>[vector<16xi32>, vector<16xi32>], vector<16xf32>,
      tpu.vector_store_idx %arg22[%add3A_7, %broadcast_in_dim3A_1765], %gather3A_1764 : memref<32x512xf32, #tpu.memory_space<vmem>>[vector<16xi32>, vector<16xi32>], vector<16xf32>,
      %add3A_1766 = arith.constant 1 : i32
      %add3A_1767 = arith.addi %add3A_764, %add3A_1766 : i32
      %lt3A_1768 = arith.constant 32 : i32
      %lt3A_1769 = arith.cmpi slt, %add3A_1767, %lt3A_1768 : i32
      %slice3A_1770 = vector.extract_strided_slice %get3A_775 {offsets = [14], sizes = [1], strides = [1]} : vector<16xi32> to vector<1xi32>
      %squeeze3A_1771 = vector.extract %slice3A_1770[0] : i32 from vector<1xi32>
      %convert_element_type3A_1772 = arith.extui %lt3A_1769 : i1 to i32
      %cond3A_1773 = arith.constant 0 : i32
      %cond3A_1774 = arith.cmpi ne, %convert_element_type3A_1772, %cond3A_1773 : i32
      scf.if %cond3A_1774 {
        %shift_right_arithmetic3A_1842 = arith.constant 7 : i32
        %shift_right_arithmetic3A_1843 = arith.shrsi %squeeze3A_1771, %shift_right_arithmetic3A_1842 : i32
        %shift_left3A_1844 = arith.constant 7 : i32
        %shift_left3A_1845 = arith.shli %shift_right_arithmetic3A_1843, %shift_left3A_1844 : i32
        %multiple_of3A_1846 = tpu.assume_multiple %shift_left3A_1845, 128 : i32
        %dma_start3A_1847 = arith.constant 0 : i32
        %dma_start3A_1848 = arith.constant 0 : i32
        %dma_start3A_1849 = tpu.memref_slice %arg20[%dma_start3A_1847, %dma_start3A_1848] : memref<32x128xf32, #tpu.memory_space<vmem>> -> memref<8x128xf32, #tpu.memory_space<vmem>>
        %dma_start3A_1850 = arith.constant 0 : i32
        %dma_start3A_1851 = tpu.memref_slice %arg2[%dma_start3A_1850, %multiple_of3A_1846] : memref<32x1000000xf32, #tpu.memory_space<hbm>> -> memref<8x128xf32, #tpu.memory_space<hbm>>
        %dma_start3A_1852 = arith.constant 0 : i32
        %dma_start3A_1853 = arith.constant 0 : i32
        %dma_start3A_1854 = tpu.memref_slice %arg20[%dma_start3A_1852, %dma_start3A_1853] : memref<32x128xf32, #tpu.memory_space<vmem>> -> memref<8x128xf32, #tpu.memory_space<vmem>>
        %dma_start3A_1855 = arith.constant 0 : i32
        %dma_start3A_1856 = tpu.memref_slice %arg2[%dma_start3A_1855, %multiple_of3A_1846] : memref<32x1000000xf32, #tpu.memory_space<hbm>> -> memref<8x128xf32, #tpu.memory_space<hbm>>
        tpu.enqueue_dma source(%dma_start3A_1856 : memref<8x128xf32, #tpu.memory_space<hbm>>) target(%dma_start3A_1854 : memref<8x128xf32, #tpu.memory_space<vmem>>) target_semaphore(%arg24 : memref<!tpu.dma_semaphore, #tpu.memory_space<semaphore_mem>>)
        %dma_start3A_1857 = arith.constant 8 : i32
        %dma_start3A_1858 = arith.constant 0 : i32
        %dma_start3A_1859 = tpu.memref_slice %arg20[%dma_start3A_1857, %dma_start3A_1858] : memref<32x128xf32, #tpu.memory_space<vmem>> -> memref<8x128xf32, #tpu.memory_space<vmem>>
        %dma_start3A_1860 = arith.constant 8 : i32
        %dma_start3A_1861 = tpu.memref_slice %arg2[%dma_start3A_1860, %multiple_of3A_1846] : memref<32x1000000xf32, #tpu.memory_space<hbm>> -> memref<8x128xf32, #tpu.memory_space<hbm>>
        %dma_start3A_1862 = arith.constant 8 : i32
        %dma_start3A_1863 = arith.constant 0 : i32
        %dma_start3A_1864 = tpu.memref_slice %arg20[%dma_start3A_1862, %dma_start3A_1863] : memref<32x128xf32, #tpu.memory_space<vmem>> -> memref<8x128xf32, #tpu.memory_space<vmem>>
        %dma_start3A_1865 = arith.constant 8 : i32
        %dma_start3A_1866 = tpu.memref_slice %arg2[%dma_start3A_1865, %multiple_of3A_1846] : memref<32x1000000xf32, #tpu.memory_space<hbm>> -> memref<8x128xf32, #tpu.memory_space<hbm>>
        tpu.enqueue_dma source(%dma_start3A_1866 : memref<8x128xf32, #tpu.memory_space<hbm>>) target(%dma_start3A_1864 : memref<8x128xf32, #tpu.memory_space<vmem>>) target_semaphore(%arg24 : memref<!tpu.dma_semaphore, #tpu.memory_space<semaphore_mem>>)
        %dma_start3A_1867 = arith.constant 16 : i32
        %dma_start3A_1868 = arith.constant 0 : i32
        %dma_start3A_1869 = tpu.memref_slice %arg20[%dma_start3A_1867, %dma_start3A_1868] : memref<32x128xf32, #tpu.memory_space<vmem>> -> memref<8x128xf32, #tpu.memory_space<vmem>>
        %dma_start3A_1870 = arith.constant 16 : i32
        %dma_start3A_1871 = tpu.memref_slice %arg2[%dma_start3A_1870, %multiple_of3A_1846] : memref<32x1000000xf32, #tpu.memory_space<hbm>> -> memref<8x128xf32, #tpu.memory_space<hbm>>
        %dma_start3A_1872 = arith.constant 16 : i32
        %dma_start3A_1873 = arith.constant 0 : i32
        %dma_start3A_1874 = tpu.memref_slice %arg20[%dma_start3A_1872, %dma_start3A_1873] : memref<32x128xf32, #tpu.memory_space<vmem>> -> memref<8x128xf32, #tpu.memory_space<vmem>>
        %dma_start3A_1875 = arith.constant 16 : i32
        %dma_start3A_1876 = tpu.memref_slice %arg2[%dma_start3A_1875, %multiple_of3A_1846] : memref<32x1000000xf32, #tpu.memory_space<hbm>> -> memref<8x128xf32, #tpu.memory_space<hbm>>
        tpu.enqueue_dma source(%dma_start3A_1876 : memref<8x128xf32, #tpu.memory_space<hbm>>) target(%dma_start3A_1874 : memref<8x128xf32, #tpu.memory_space<vmem>>) target_semaphore(%arg24 : memref<!tpu.dma_semaphore, #tpu.memory_space<semaphore_mem>>)
        %dma_start3A_1877 = arith.constant 24 : i32
        %dma_start3A_1878 = arith.constant 0 : i32
        %dma_start3A_1879 = tpu.memref_slice %arg20[%dma_start3A_1877, %dma_start3A_1878] : memref<32x128xf32, #tpu.memory_space<vmem>> -> memref<8x128xf32, #tpu.memory_space<vmem>>
        %dma_start3A_1880 = arith.constant 24 : i32
        %dma_start3A_1881 = tpu.memref_slice %arg2[%dma_start3A_1880, %multiple_of3A_1846] : memref<32x1000000xf32, #tpu.memory_space<hbm>> -> memref<8x128xf32, #tpu.memory_space<hbm>>
        %dma_start3A_1882 = arith.constant 24 : i32
        %dma_start3A_1883 = arith.constant 0 : i32
        %dma_start3A_1884 = tpu.memref_slice %arg20[%dma_start3A_1882, %dma_start3A_1883] : memref<32x128xf32, #tpu.memory_space<vmem>> -> memref<8x128xf32, #tpu.memory_space<vmem>>
        %dma_start3A_1885 = arith.constant 24 : i32
        %dma_start3A_1886 = tpu.memref_slice %arg2[%dma_start3A_1885, %multiple_of3A_1846] : memref<32x1000000xf32, #tpu.memory_space<hbm>> -> memref<8x128xf32, #tpu.memory_space<hbm>>
        tpu.enqueue_dma source(%dma_start3A_1886 : memref<8x128xf32, #tpu.memory_space<hbm>>) target(%dma_start3A_1884 : memref<8x128xf32, #tpu.memory_space<vmem>>) target_semaphore(%arg24 : memref<!tpu.dma_semaphore, #tpu.memory_space<semaphore_mem>>)
      } else {
      }
      %dma_wait3A_1775 = arith.constant 0 : i32
      %dma_wait3A_1776 = arith.constant 0 : i32
      %dma_wait3A_1777 = tpu.memref_slice %arg21[%dma_wait3A_1775, %dma_wait3A_1776] : memref<32x128xf32, #tpu.memory_space<vmem>> -> memref<8x128xf32, #tpu.memory_space<vmem>>
      %dma_wait3A_1778 = arith.constant 0 : i32
      %dma_wait3A_1779 = arith.constant 0 : i32
      %dma_wait3A_1780 = tpu.memref_slice %arg2[%dma_wait3A_1778, %dma_wait3A_1779] : memref<32x1000000xf32, #tpu.memory_space<hbm>> -> memref<8x128xf32, #tpu.memory_space<hbm>>
      %dma_wait3A_1781 = arith.constant 0 : i32
      %dma_wait3A_1782 = arith.constant 0 : i32
      %dma_wait3A_1783 = tpu.memref_slice %arg21[%dma_wait3A_1781, %dma_wait3A_1782] : memref<32x128xf32, #tpu.memory_space<vmem>> -> memref<8x128xf32, #tpu.memory_space<vmem>>
      %dma_wait3A_1784 = arith.constant 0 : i32
      %dma_wait3A_1785 = arith.constant 0 : i32
      %dma_wait3A_1786 = tpu.memref_slice %arg2[%dma_wait3A_1784, %dma_wait3A_1785] : memref<32x1000000xf32, #tpu.memory_space<hbm>> -> memref<8x128xf32, #tpu.memory_space<hbm>>
      tpu.wait_dma2 semaphore(%arg24 : memref<!tpu.dma_semaphore, #tpu.memory_space<semaphore_mem>>) src(%dma_wait3A_1786 : memref<8x128xf32, #tpu.memory_space<hbm>>) dst(%dma_wait3A_1783 : memref<8x128xf32, #tpu.memory_space<vmem>>)
      %dma_wait3A_1787 = arith.constant 8 : i32
      %dma_wait3A_1788 = arith.constant 0 : i32
      %dma_wait3A_1789 = tpu.memref_slice %arg21[%dma_wait3A_1787, %dma_wait3A_1788] : memref<32x128xf32, #tpu.memory_space<vmem>> -> memref<8x128xf32, #tpu.memory_space<vmem>>
      %dma_wait3A_1790 = arith.constant 8 : i32
      %dma_wait3A_1791 = arith.constant 0 : i32
      %dma_wait3A_1792 = tpu.memref_slice %arg2[%dma_wait3A_1790, %dma_wait3A_1791] : memref<32x1000000xf32, #tpu.memory_space<hbm>> -> memref<8x128xf32, #tpu.memory_space<hbm>>
      %dma_wait3A_1793 = arith.constant 8 : i32
      %dma_wait3A_1794 = arith.constant 0 : i32
      %dma_wait3A_1795 = tpu.memref_slice %arg21[%dma_wait3A_1793, %dma_wait3A_1794] : memref<32x128xf32, #tpu.memory_space<vmem>> -> memref<8x128xf32, #tpu.memory_space<vmem>>
      %dma_wait3A_1796 = arith.constant 8 : i32
      %dma_wait3A_1797 = arith.constant 0 : i32
      %dma_wait3A_1798 = tpu.memref_slice %arg2[%dma_wait3A_1796, %dma_wait3A_1797] : memref<32x1000000xf32, #tpu.memory_space<hbm>> -> memref<8x128xf32, #tpu.memory_space<hbm>>
      tpu.wait_dma2 semaphore(%arg24 : memref<!tpu.dma_semaphore, #tpu.memory_space<semaphore_mem>>) src(%dma_wait3A_1798 : memref<8x128xf32, #tpu.memory_space<hbm>>) dst(%dma_wait3A_1795 : memref<8x128xf32, #tpu.memory_space<vmem>>)
      %dma_wait3A_1799 = arith.constant 16 : i32
      %dma_wait3A_1800 = arith.constant 0 : i32
      %dma_wait3A_1801 = tpu.memref_slice %arg21[%dma_wait3A_1799, %dma_wait3A_1800] : memref<32x128xf32, #tpu.memory_space<vmem>> -> memref<8x128xf32, #tpu.memory_space<vmem>>
      %dma_wait3A_1802 = arith.constant 16 : i32
      %dma_wait3A_1803 = arith.constant 0 : i32
      %dma_wait3A_1804 = tpu.memref_slice %arg2[%dma_wait3A_1802, %dma_wait3A_1803] : memref<32x1000000xf32, #tpu.memory_space<hbm>> -> memref<8x128xf32, #tpu.memory_space<hbm>>
      %dma_wait3A_1805 = arith.constant 16 : i32
      %dma_wait3A_1806 = arith.constant 0 : i32
      %dma_wait3A_1807 = tpu.memref_slice %arg21[%dma_wait3A_1805, %dma_wait3A_1806] : memref<32x128xf32, #tpu.memory_space<vmem>> -> memref<8x128xf32, #tpu.memory_space<vmem>>
      %dma_wait3A_1808 = arith.constant 16 : i32
      %dma_wait3A_1809 = arith.constant 0 : i32
      %dma_wait3A_1810 = tpu.memref_slice %arg2[%dma_wait3A_1808, %dma_wait3A_1809] : memref<32x1000000xf32, #tpu.memory_space<hbm>> -> memref<8x128xf32, #tpu.memory_space<hbm>>
      tpu.wait_dma2 semaphore(%arg24 : memref<!tpu.dma_semaphore, #tpu.memory_space<semaphore_mem>>) src(%dma_wait3A_1810 : memref<8x128xf32, #tpu.memory_space<hbm>>) dst(%dma_wait3A_1807 : memref<8x128xf32, #tpu.memory_space<vmem>>)
      %dma_wait3A_1811 = arith.constant 24 : i32
      %dma_wait3A_1812 = arith.constant 0 : i32
      %dma_wait3A_1813 = tpu.memref_slice %arg21[%dma_wait3A_1811, %dma_wait3A_1812] : memref<32x128xf32, #tpu.memory_space<vmem>> -> memref<8x128xf32, #tpu.memory_space<vmem>>
      %dma_wait3A_1814 = arith.constant 24 : i32
      %dma_wait3A_1815 = arith.constant 0 : i32
      %dma_wait3A_1816 = tpu.memref_slice %arg2[%dma_wait3A_1814, %dma_wait3A_1815] : memref<32x1000000xf32, #tpu.memory_space<hbm>> -> memref<8x128xf32, #tpu.memory_space<hbm>>
      %dma_wait3A_1817 = arith.constant 24 : i32
      %dma_wait3A_1818 = arith.constant 0 : i32
      %dma_wait3A_1819 = tpu.memref_slice %arg21[%dma_wait3A_1817, %dma_wait3A_1818] : memref<32x128xf32, #tpu.memory_space<vmem>> -> memref<8x128xf32, #tpu.memory_space<vmem>>
      %dma_wait3A_1820 = arith.constant 24 : i32
      %dma_wait3A_1821 = arith.constant 0 : i32
      %dma_wait3A_1822 = tpu.memref_slice %arg2[%dma_wait3A_1820, %dma_wait3A_1821] : memref<32x1000000xf32, #tpu.memory_space<hbm>> -> memref<8x128xf32, #tpu.memory_space<hbm>>
      tpu.wait_dma2 semaphore(%arg24 : memref<!tpu.dma_semaphore, #tpu.memory_space<semaphore_mem>>) src(%dma_wait3A_1822 : memref<8x128xf32, #tpu.memory_space<hbm>>) dst(%dma_wait3A_1819 : memref<8x128xf32, #tpu.memory_space<vmem>>)
      %slice3A_1823 = vector.extract_strided_slice %get3A_768 {offsets = [15], sizes = [1], strides = [1]} : vector<16xi32> to vector<1xi32>
      %squeeze3A_1824 = vector.extract %slice3A_1823[0] : i32 from vector<1xi32>
      %add3A_1825 = arith.constant 15 : i32
      %add3A_1826 = arith.addi %mul3A_766, %add3A_1825 : i32
      %and3A_1827 = arith.constant 127 : i32
      %and3A_1828 = arith.andi %squeeze3A_1824, %and3A_1827 : i32
      %broadcast_in_dim3A_1829 = vector.broadcast %and3A_1828 : i32 to vector<16xi32>
      %gather3A_1830 = tpu.vector_load_idx %arg21[%iota3A, %broadcast_in_dim3A_1829] : memref<32x128xf32, #tpu.memory_space<vmem>>[vector<16xi32>, vector<16xi32>], vector<16xf32>,
      %gather3A_1831 = tpu.vector_load_idx %arg21[%add3A_7, %broadcast_in_dim3A_1829] : memref<32x128xf32, #tpu.memory_space<vmem>>[vector<16xi32>, vector<16xi32>], vector<16xf32>,
      %broadcast_in_dim3A_1832 = vector.broadcast %add3A_1826 : i32 to vector<16xi32>
      tpu.vector_store_idx %arg22[%iota3A, %broadcast_in_dim3A_1832], %gather3A_1830 : memref<32x512xf32, #tpu.memory_space<vmem>>[vector<16xi32>, vector<16xi32>], vector<16xf32>,
      tpu.vector_store_idx %arg22[%add3A_7, %broadcast_in_dim3A_1832], %gather3A_1831 : memref<32x512xf32, #tpu.memory_space<vmem>>[vector<16xi32>, vector<16xi32>], vector<16xf32>,
      %add3A_1833 = arith.constant 1 : i32
      %add3A_1834 = arith.addi %add3A_764, %add3A_1833 : i32
      %lt3A_1835 = arith.constant 32 : i32
      %lt3A_1836 = arith.cmpi slt, %add3A_1834, %lt3A_1835 : i32
      %slice3A_1837 = vector.extract_strided_slice %get3A_775 {offsets = [15], sizes = [1], strides = [1]} : vector<16xi32> to vector<1xi32>
      %squeeze3A_1838 = vector.extract %slice3A_1837[0] : i32 from vector<1xi32>
      %convert_element_type3A_1839 = arith.extui %lt3A_1836 : i1 to i32
      %cond3A_1840 = arith.constant 0 : i32
      %cond3A_1841 = arith.cmpi ne, %convert_element_type3A_1839, %cond3A_1840 : i32
      scf.if %cond3A_1841 {
        %shift_right_arithmetic3A_1842 = arith.constant 7 : i32
        %shift_right_arithmetic3A_1843 = arith.shrsi %squeeze3A_1838, %shift_right_arithmetic3A_1842 : i32
        %shift_left3A_1844 = arith.constant 7 : i32
        %shift_left3A_1845 = arith.shli %shift_right_arithmetic3A_1843, %shift_left3A_1844 : i32
        %multiple_of3A_1846 = tpu.assume_multiple %shift_left3A_1845, 128 : i32
        %dma_start3A_1847 = arith.constant 0 : i32
        %dma_start3A_1848 = arith.constant 0 : i32
        %dma_start3A_1849 = tpu.memref_slice %arg21[%dma_start3A_1847, %dma_start3A_1848] : memref<32x128xf32, #tpu.memory_space<vmem>> -> memref<8x128xf32, #tpu.memory_space<vmem>>
        %dma_start3A_1850 = arith.constant 0 : i32
        %dma_start3A_1851 = tpu.memref_slice %arg2[%dma_start3A_1850, %multiple_of3A_1846] : memref<32x1000000xf32, #tpu.memory_space<hbm>> -> memref<8x128xf32, #tpu.memory_space<hbm>>
        %dma_start3A_1852 = arith.constant 0 : i32
        %dma_start3A_1853 = arith.constant 0 : i32
        %dma_start3A_1854 = tpu.memref_slice %arg21[%dma_start3A_1852, %dma_start3A_1853] : memref<32x128xf32, #tpu.memory_space<vmem>> -> memref<8x128xf32, #tpu.memory_space<vmem>>
        %dma_start3A_1855 = arith.constant 0 : i32
        %dma_start3A_1856 = tpu.memref_slice %arg2[%dma_start3A_1855, %multiple_of3A_1846] : memref<32x1000000xf32, #tpu.memory_space<hbm>> -> memref<8x128xf32, #tpu.memory_space<hbm>>
        tpu.enqueue_dma source(%dma_start3A_1856 : memref<8x128xf32, #tpu.memory_space<hbm>>) target(%dma_start3A_1854 : memref<8x128xf32, #tpu.memory_space<vmem>>) target_semaphore(%arg24 : memref<!tpu.dma_semaphore, #tpu.memory_space<semaphore_mem>>)
        %dma_start3A_1857 = arith.constant 8 : i32
        %dma_start3A_1858 = arith.constant 0 : i32
        %dma_start3A_1859 = tpu.memref_slice %arg21[%dma_start3A_1857, %dma_start3A_1858] : memref<32x128xf32, #tpu.memory_space<vmem>> -> memref<8x128xf32, #tpu.memory_space<vmem>>
        %dma_start3A_1860 = arith.constant 8 : i32
        %dma_start3A_1861 = tpu.memref_slice %arg2[%dma_start3A_1860, %multiple_of3A_1846] : memref<32x1000000xf32, #tpu.memory_space<hbm>> -> memref<8x128xf32, #tpu.memory_space<hbm>>
        %dma_start3A_1862 = arith.constant 8 : i32
        %dma_start3A_1863 = arith.constant 0 : i32
        %dma_start3A_1864 = tpu.memref_slice %arg21[%dma_start3A_1862, %dma_start3A_1863] : memref<32x128xf32, #tpu.memory_space<vmem>> -> memref<8x128xf32, #tpu.memory_space<vmem>>
        %dma_start3A_1865 = arith.constant 8 : i32
        %dma_start3A_1866 = tpu.memref_slice %arg2[%dma_start3A_1865, %multiple_of3A_1846] : memref<32x1000000xf32, #tpu.memory_space<hbm>> -> memref<8x128xf32, #tpu.memory_space<hbm>>
        tpu.enqueue_dma source(%dma_start3A_1866 : memref<8x128xf32, #tpu.memory_space<hbm>>) target(%dma_start3A_1864 : memref<8x128xf32, #tpu.memory_space<vmem>>) target_semaphore(%arg24 : memref<!tpu.dma_semaphore, #tpu.memory_space<semaphore_mem>>)
        %dma_start3A_1867 = arith.constant 16 : i32
        %dma_start3A_1868 = arith.constant 0 : i32
        %dma_start3A_1869 = tpu.memref_slice %arg21[%dma_start3A_1867, %dma_start3A_1868] : memref<32x128xf32, #tpu.memory_space<vmem>> -> memref<8x128xf32, #tpu.memory_space<vmem>>
        %dma_start3A_1870 = arith.constant 16 : i32
        %dma_start3A_1871 = tpu.memref_slice %arg2[%dma_start3A_1870, %multiple_of3A_1846] : memref<32x1000000xf32, #tpu.memory_space<hbm>> -> memref<8x128xf32, #tpu.memory_space<hbm>>
        %dma_start3A_1872 = arith.constant 16 : i32
        %dma_start3A_1873 = arith.constant 0 : i32
        %dma_start3A_1874 = tpu.memref_slice %arg21[%dma_start3A_1872, %dma_start3A_1873] : memref<32x128xf32, #tpu.memory_space<vmem>> -> memref<8x128xf32, #tpu.memory_space<vmem>>
        %dma_start3A_1875 = arith.constant 16 : i32
        %dma_start3A_1876 = tpu.memref_slice %arg2[%dma_start3A_1875, %multiple_of3A_1846] : memref<32x1000000xf32, #tpu.memory_space<hbm>> -> memref<8x128xf32, #tpu.memory_space<hbm>>
        tpu.enqueue_dma source(%dma_start3A_1876 : memref<8x128xf32, #tpu.memory_space<hbm>>) target(%dma_start3A_1874 : memref<8x128xf32, #tpu.memory_space<vmem>>) target_semaphore(%arg24 : memref<!tpu.dma_semaphore, #tpu.memory_space<semaphore_mem>>)
        %dma_start3A_1877 = arith.constant 24 : i32
        %dma_start3A_1878 = arith.constant 0 : i32
        %dma_start3A_1879 = tpu.memref_slice %arg21[%dma_start3A_1877, %dma_start3A_1878] : memref<32x128xf32, #tpu.memory_space<vmem>> -> memref<8x128xf32, #tpu.memory_space<vmem>>
        %dma_start3A_1880 = arith.constant 24 : i32
        %dma_start3A_1881 = tpu.memref_slice %arg2[%dma_start3A_1880, %multiple_of3A_1846] : memref<32x1000000xf32, #tpu.memory_space<hbm>> -> memref<8x128xf32, #tpu.memory_space<hbm>>
        %dma_start3A_1882 = arith.constant 24 : i32
        %dma_start3A_1883 = arith.constant 0 : i32
        %dma_start3A_1884 = tpu.memref_slice %arg21[%dma_start3A_1882, %dma_start3A_1883] : memref<32x128xf32, #tpu.memory_space<vmem>> -> memref<8x128xf32, #tpu.memory_space<vmem>>
        %dma_start3A_1885 = arith.constant 24 : i32
        %dma_start3A_1886 = tpu.memref_slice %arg2[%dma_start3A_1885, %multiple_of3A_1846] : memref<32x1000000xf32, #tpu.memory_space<hbm>> -> memref<8x128xf32, #tpu.memory_space<hbm>>
        tpu.enqueue_dma source(%dma_start3A_1886 : memref<8x128xf32, #tpu.memory_space<hbm>>) target(%dma_start3A_1884 : memref<8x128xf32, #tpu.memory_space<vmem>>) target_semaphore(%arg24 : memref<!tpu.dma_semaphore, #tpu.memory_space<semaphore_mem>>)
      } else {
      }
    }
    %scan3A_759 = arith.constant 32 : i32
    "tpu.region"() ({
      %run_scoped3A = tpu.sem_alloc : memref<!tpu.dma_semaphore, #tpu.memory_space<semaphore_mem>>
      %dma_start3A_760 = arith.constant 0 : i32
      %dma_start3A_761 = tpu.memref_slice %arg4[%dma_start3A_760, %mul3A_2] : memref<32x16384xf32, #tpu.memory_space<hbm>> -> memref<32x512xf32, #tpu.memory_space<hbm>>
      %dma_start3A_762 = arith.constant 0 : i32
      %dma_start3A_763 = tpu.memref_slice %arg4[%dma_start3A_762, %mul3A_2] : memref<32x16384xf32, #tpu.memory_space<hbm>> -> memref<32x512xf32, #tpu.memory_space<hbm>>
      tpu.enqueue_dma source(%arg22 : memref<32x512xf32, #tpu.memory_space<vmem>>) target(%dma_start3A_763 : memref<32x512xf32, #tpu.memory_space<hbm>>) target_semaphore(%run_scoped3A : memref<!tpu.dma_semaphore, #tpu.memory_space<semaphore_mem>>)
      %dma_wait3A_764 = arith.constant 0 : i32
      %dma_wait3A_765 = tpu.memref_slice %arg4[%dma_wait3A_764, %mul3A_2] : memref<32x16384xf32, #tpu.memory_space<hbm>> -> memref<32x512xf32, #tpu.memory_space<hbm>>
      %dma_wait3A_766 = arith.constant 0 : i32
      %dma_wait3A_767 = tpu.memref_slice %arg4[%dma_wait3A_766, %mul3A_2] : memref<32x16384xf32, #tpu.memory_space<hbm>> -> memref<32x512xf32, #tpu.memory_space<hbm>>
      tpu.wait_dma2 semaphore(%run_scoped3A : memref<!tpu.dma_semaphore, #tpu.memory_space<semaphore_mem>>) src(%arg22 : memref<32x512xf32, #tpu.memory_space<vmem>>) dst(%dma_wait3A_767 : memref<32x512xf32, #tpu.memory_space<hbm>>)
      tpu.yield
    }) : () -> ()
    return
  }
}

</mosaic_0001>

<sc_bundles>
// kernel: kernel.3.cloned.1.call-start
scs
__scs_entry_jumppad:
0x0: {  	(pc) =	sbr.rel $0x88, $3  }
0x1: {  	(tag) =	ssettag $0x0;
	lr =	simm.s32 $0x1  }
0x2: {  	[smem:$0x3F9F] =	sst lr;
	_ =	strace $0xD0000000  }
0x3: {  	_ = 	snop  }
0x4: {  	_ = 	snop  }
0x5: {  	_ = 	snop  }
0x6: {  	_ = 	snop  }
0x7: {  	_ = 	snop  }
__scs_overlays_trampoline_lowered:
0x8: {  	[smem:$0x3FAE] =	sst s0  }
0x9: {  	[smem:$0x3FAF] =	sst s1  }
0xa: {  	[smem:$0x3FB0] =	sst s2  }
0xb: {  	[smem:$0x3FB1] =	sst s3  }
0xc: {  	[smem:$0x3FB2] =	sst s4  }
0xd: {  	[smem:$0x3FB3] =	sst s5  }
0xe: {  	[smem:$0x3FB4] =	sst s6  }
0xf: {  	[smem:$0x3FB5] =	sst s7  }
0x10: {  	[smem:$0x3FB6] =	sst s8  }
0x11: {  	[smem:$0x3FB7] =	sst s9;
	s0 =	simm.s32 @!p0 $0x0  }
0x12: {  	s1 =	sld [smem:$0x3F9D];
	s0 =	simm.s32 @p0 $0x1  }
0x13: {  	[smem:$0x3FB8] =	sst s0;
	s0 =	simm.s32 @!p1 $0x0  }
0x14: {  	s2 =	sld [smem:$0x3F9C];
	s0 =	simm.s32 @p1 $0x1  }
0x15: {  	[smem:$0x3FB9] =	sst s0;
	s0 =	simm.s32 @!p2 $0x0  }
0x16: {  	s3 =	sld [smem:$0x3FDB];
	s0 =	simm.s32 @p2 $0x1  }
0x17: {  	s4 =	simm.s32 $0x1BF5;
	[smem:$0x3FBB] =	sst s0  }
0x18: {  	s0 =	sld [smem:$0x3F9E];
	_ =	swait.ge [sflag:s4], $0x0  }
0x19: {  	s7 =	sld [smem:$0x3F9F]  }
0x1a: {  	s8 =	sadd.s32 $0xFFFFE003, lr  }
0x1b: {  	s9 =	sadd.s32 $0xFFFFFEF7, lr;
	s5 =	simm.s32 $0xFFFFFFFF;
	p2 =	slt.u32 s8, $0xFFFFF086  }
0x1c: {  	p1 =	slt.u32 s9, $0xF7A;
	s5 =	simm.s32 @!p2 $0x0  }
0x1d: {  	s5 =	simm.s32 @p1 $0x1;
	p0 =	seq.s32 s7, s2  }
0x1e: {  	s7 =	smul.u32 @!p0 $0xF7A, s2;
	p2 =	seq.s32 @!p0 s5, $0x0  }
0x1f: {  	s9 =	smul.u32 $0xF7A, s1;
	s8 =	simm.s32 @!p0 $0x1BF5;
	p2 =	por !p2, p0  }
0x20: {  	[sflag:s8] =	ssyncset.s32 @!p0 $0xFFFFF086;
	s6 =	sadd.s32 @!p0 s3, s7;
	s7 =	simm.s32 @!p0 $0x108  }
0x21: {  	s3 =	sadd.s32 s3, s9;
	s6 =	sadd.s32 @!p0 $0x88, s6;
	s7 =	simm.s32 @p2 $0x1082  }
0x22: {  	[simem:s7], [sflag:s8] =	dma.local @!p0 [hbm:s6], $0xF7A  }
0x23: {  	s9 =	sor.u32 $0xD0000000, s2;
	s6 =	simm.s32 $0x108;
	_ =	swait.ge @!p0 [sflag:s8], $0x0  }
0x24: {  	s3 =	sadd.s32 $0x88, s3;
	s6 =	simm.s32 @!p1 $0x1082;
	[sflag:s4] =	ssyncset.s32 $0xFFFFF086  }
0x25: {  	[simem:s6], [sflag:s4] =	dma.local [hbm:s3], $0xF7A  }
0x26: {  	[smem:$0x3F9F] =	sst s1;
	(tag) =	ssettag s2;
	_ =	strace s9  }
0x27: {  	s1 =	sld [smem:$0x3FAF]  }
0x28: {  	s2 =	sld [smem:$0x3FB0]  }
0x29: {  	s4 =	sld [smem:$0x3FB2]  }
0x2a: {  	p0 =	seq.s32 s5, $0x0;
	s5 =	sld [smem:$0x3FB3]  }
0x2b: {  	s6 =	sld [smem:$0x3FB4]  }
0x2c: {  	s7 =	sld [smem:$0x3FB5]  }
0x2d: {  	s3 =	simm.s32 $0x108;
	s8 =	sld [smem:$0x3FB6]  }
0x2e: {  	s3 =	simm.s32 @!p0 $0x1082;
	s9 =	sld [smem:$0x3FB7]  }
0x2f: {  	lr =	sadd.s32 s0, s3;
	s0 =	sld [smem:$0x3FAE]  }
0x30: {  	s3 =	sld [smem:$0x3FB1]  }
0x31: {  	[smem:$0x3FBA] =	sst s10  }
0x32: {  	s10 =	sld [smem:$0x3FB8];
	_ =	sdelay $0x3  }
0x33: {  	p0 =	seq.s32 s10, $0x1;
	s10 =	sld [smem:$0x3FBA];
	_ =	sdelay $0x3  }
0x34: {  	[smem:$0x3FBA] =	sst s10  }
0x35: {  	s10 =	sld [smem:$0x3FB9];
	_ =	sdelay $0x3  }
0x36: {  	p1 =	seq.s32 s10, $0x1;
	s10 =	sld [smem:$0x3FBA];
	_ =	sdelay $0x3  }
0x37: {  	[smem:$0x3FBA] =	sst s10  }
0x38: {  	s10 =	sld [smem:$0x3FBB]  }
0x39: {  	_ = 	snop;
	(pc) =	sbr.ind lr, $3  }
0x3a: {  	_ = 	snop  }
0x3b: {  	_ = 	snop  }
0x3c: {  	p2 =	seq.s32 s10, $0x1;
	s10 =	sld [smem:$0x3FBA]  }
0x3d: {  	_ =	shalt  }
0x3e: {  	_ =	shalt  }
0x3f: {  	_ =	shalt  }
0x40: {  	_ =	shalt  }
0x41: {  	_ =	shalt  }
0x42: {  	_ =	shalt  }
0x43: {  	_ =	shalt  }
0x44: {  	_ =	shalt  }
0x45: {  	_ =	shalt  }
0x46: {  	_ =	shalt  }
0x47: {  	_ =	shalt  }
0x48: {  	_ =	shalt  }
0x49: {  	_ =	shalt  }
0x4a: {  	_ =	shalt  }
0x4b: {  	_ =	shalt  }
0x4c: {  	_ =	shalt  }
0x4d: {  	_ =	shalt  }
0x4e: {  	_ =	shalt  }
0x4f: {  	_ =	shalt  }
0x50: {  	_ =	shalt  }
0x51: {  	_ =	shalt  }
0x52: {  	_ =	shalt  }
0x53: {  	_ =	shalt  }
0x54: {  	_ =	shalt  }
0x55: {  	_ =	shalt  }
0x56: {  	_ =	shalt  }
0x57: {  	_ =	shalt  }
0x58: {  	_ =	shalt  }
0x59: {  	_ =	shalt  }
0x5a: {  	_ =	shalt  }
0x5b: {  	_ =	shalt  }
0x5c: {  	_ =	shalt  }
0x5d: {  	_ =	shalt  }
0x5e: {  	_ =	shalt  }
0x5f: {  	_ =	shalt  }
0x60: {  	_ =	shalt  }
0x61: {  	_ =	shalt  }
0x62: {  	_ =	shalt  }
0x63: {  	_ =	shalt  }
0x64: {  	_ =	shalt  }
0x65: {  	_ =	shalt  }
0x66: {  	_ =	shalt  }
0x67: {  	_ =	shalt  }
0x68: {  	_ =	shalt  }
0x69: {  	_ =	shalt  }
0x6a: {  	_ =	shalt  }
0x6b: {  	_ =	shalt  }
0x6c: {  	_ =	shalt  }
0x6d: {  	_ =	shalt  }
0x6e: {  	_ =	shalt  }
0x6f: {  	_ =	shalt  }
0x70: {  	_ =	shalt  }
0x71: {  	_ =	shalt  }
0x72: {  	_ =	shalt  }
0x73: {  	_ =	shalt  }
0x74: {  	_ =	shalt  }
0x75: {  	_ =	shalt  }
0x76: {  	_ =	shalt  }
0x77: {  	_ =	shalt  }
0x78: {  	_ =	shalt  }
0x79: {  	_ =	shalt  }
0x7a: {  	_ =	shalt  }
0x7b: {  	_ =	shalt  }
0x7c: {  	_ =	shalt  }
0x7d: {  	_ =	shalt  }
0x7e: {  	_ =	shalt  }
0x7f: {  	_ =	shalt  }
0x80: {  	_ =	shalt  }
0x81: {  	_ =	shalt  }
0x82: {  	_ =	shalt  }
0x83: {  	_ =	shalt  }
0x84: {  	_ =	shalt  }
0x85: {  	_ =	shalt  }
0x86: {  	_ =	shalt  }
0x87: {  	_ =	shalt  }
.Lfunc_end0:
.L_simem_size_0:
called_computation_lowered:
.L_overlay_start_0:
0x88: {  	s2 =	sld [smem:$0x3FD9]  }
0x89: {  	s3 =	sld [smem:$0x3FFE];
	_ =	sdelay $0x1  }
0x8a: {  	s1 =	srdreg.scid  }
0x8b: {  	s0 =	sand.u32 $0x1, s1  }
0x8c: {  	s18 =	sshll.u32 s0, $0xA;
	s2 =	sadd.s32 s3, s2  }
0x8d: {  	s2 =	sadd.s32 s2, s18  }
0x8e: {  	[smem:$0x3FC6] =	sst s2  }
0x8f: {  	_ = 	snop  }
0x90: {  	s2 =	sld [smem:$0x3FC9]  }
0x91: {  	s19 =	sld [smem:$0x3FC8]  }
0x92: {  	s4 =	sld [smem:$0x3FD0];
	(tm) =	ssettm $0x1  }
0x93: {  	s5 =	sld [smem:$0x3FFB];
	_ =	sdelay $0x3  }
0x94: {  	_ =	strace s5  }
0x95: {  	s5 =	sld [smem:$0x3FFC];
	_ =	sdelay $0x3  }
0x96: {  	_ =	strace s5  }
0x97: {  	s5 =	sld [smem:$0x3FFD];
	_ =	sdelay $0x3  }
0x98: {  	_ =	strace s5  }
0x99: {  	_ =	strace $0x8FFFFFFF  }
0x9a: {  	s20 =	sld [smem:$0x3FDB];
	_ =	sdelay $0x1  }
0x9b: {  	s6 =	simm.s32 $_scs_section_size  }
0x9c: {  	s7 =	simm.s32 $_size__tile_overlayer_lowered;
	s8 =	simm.s32 $_tile_overlayer_lowered  }
0x9d: {  	s23 =	simm.s32 $0x1BFF;
	s22 =	sshll.u32 s8, $0x1;
	s5 =	sadd.s32 s6, s20  }
0x9e: {  	s9 =	simm.s32 $0x0;
	s21 =	sshll.u32 s7, $0x1;
	s7 =	sadd.s32 s22, s5  }
0x9f: {  	[timem:s9], [sflag:s23] =	dma.local [hbm:s7], s21  }
0xa0: {  	_ =	swait.ge [sflag:s23], s21  }
0xa1: {  	s6 =	ssub.s32 $0x0, s21;
	[sflag:s23] =	ssyncset.done $0x0  }
0xa2: {  	[sflag:s23] =	ssyncadd.s32 s6;
	_ =	sdelay $0x1  }
0xa3: {  	s24 =	simm.s32 $0x1B8B  }
0xa4: {  	_ =	swait.ge [sflag:s24], $0x1  }
0xa5: {  	[sflag:s24] =	ssyncset.done $0x0  }
0xa6: {  	s25 =	simm.s32 $0x1B8E;
	[sflag:s24] =	ssyncadd.s32 $0xFFFFFFFF  }
0xa7: {  	s26 =	simm.s32 $execute0_lowered;
	[smem:$0x3FD2] =	sst s25  }
0xa8: {  	s6 =	sshll.u32 s26, $0x1;
	_ =	strace $0x80000046;
	[dreg:$0x1] =	wrdreg $0xFFFFFFFF  }
0xa9: {  	s28 =	simm.s32 $_size_execute0_lowered;
	s5 =	sadd.s32 s5, s6;
	[dreg:$0x0] =	wrdreg $0x0  }
0xaa: {  	s6 =	sshll.u32 s28, $0x1;
	[dreg:$0x2] =	wrdreg s5  }
0xab: {  	[dreg:$0x3] =	wrdreg s6  }
0xac: {  	[dreg:$0x4] =	wrdreg $0xC0  }
0xad: {  	_ =	task [dreg:s9], $0x5FFFF  }
0xae: {  	[dreg:$0x1] =	wrdreg $0xFFFFFFFF  }
0xaf: {  	[dreg:$0x0] =	wrdreg $0x60  }
0xb0: {  	[dreg:$0x2] =	wrdreg s19  }
0xb1: {  	[dreg:$0x3] =	wrdreg s2  }
0xb2: {  	[dreg:$0x4] =	wrdreg s4  }
0xb3: {  	[dreg:$0x5] =	wrdreg $0x9  }
0xb4: {  	_ =	task.clear_ibuf [dreg:s9], $0x6FFFF;
	_ =	strace $0x90000046  }
0xb5: {  	s29 =	simm.s32 $0x9;
	_ =	strace $0x80000048  }
0xb6: {  	_ =	swait.ge [sflag:s29], $0x1  }
0xb7: {  	[sflag:s29] =	ssyncadd.s32 $0xFFFFFFFF  }
0xb8: {  	_ =	strace $0x90000048  }
0xb9: {  	_ =	sfence  }
0xba: {  	s30 =	sld [smem:$0x0];
	_ =	sdelay $0x2  }
0xbb: {  	s31 =	sshll.u32 s1, $0xD;
	s1 =	sshrl.u32 s1, $0x2  }
0xbc: {  	s3 =	sand.u32 $0x4000, s31;
	s1 =	sadd.s32 s1, s30  }
0xbd: {  	s0 =	sor.u32 s3, s0;
	s1 =	sshll.u32 s1, $0x11  }
0xbe: {  	s0 =	sor.u32 s1, s0  }
0xbf: {  	s0 =	sadd.s32 $0x8F2B, s0  }
0xc0: {  	[sflag:s0] =	ssyncadd.remote.s32 $0x1  }
0xc1: {  	_ =	sfence.sel $0xFFFF  }
0xc2: {  	[dreg:$0x0] =	wrdreg $0xFFFFFFFF;
	(pc) =	sbr.abs _section_cstart, $3  }
0xc3: {  	[dreg:$0x1] =	wrdreg $0xFFFFFFFF  }
0xc4: {  	_ =	task.clear_ibuf [dreg:s9], $0x2FFFF;
	_ =	strace $0x9FFFFFFF  }
0xc5: {  	(tm) =	ssettm $0x7FFFFFFF  }
tec
execute0_lowered:
.L_overlay_start_1:
0x0: {  	(tag) =	ssettag $0x1  }
0x1: {  	v0 =	vlaneseq.u32;
	v1 =	vimm.s32 $0x1380  }
0x2: {  	vm0 =	vcmask $0x300;
	v2 =	vimm.s32 $0x3380;
	vm1 =	vcmask $0x704  }
0x3: {  	s2 =	rddreg [dreg:$0x0];
	vm15 =	vcmask $0xB08;
	v1 =	vsel vm0, $0x0, v1;
	v2 =	vsel vm0, $0x2000, v2  }
0x4: {  	s0 =	rddreg [dreg:$0x1];
	vm4 =	vcmask $0xF0C;
	v1 =	vsel vm1, $0x80, v1;
	v2 =	vsel vm1, $0x2080, v2  }
0x5: {  	s1 =	srdreg.scid;
	s5 =	rddreg [dreg:$0x2];
	vm5 =	vcmask $0x1310;
	v1 =	vsel vm15, $0x100, v1;
	v2 =	vsel vm15, $0x2100, v2  }
0x6: {  	s3 =	stileid.u32;
	s11 =	simm.s32 $0x1200;
	s15 =	simm.s32 $0x2200;
	vm6 =	vcmask $0x1714;
	v1 =	vsel vm4, $0x180, v1;
	v2 =	vsel vm4, $0x2180, v2  }
0x7: {  	s19 =	simm.s32 $0x3200;
	s23 =	simm.s32 $0x4200;
	s28 =	simm.s32 $0x5200;
	vm7 =	vcmask $0x1B18;
	v1 =	vsel vm5, $0x200, v1;
	v2 =	vsel vm5, $0x2200, v2  }
0x8: {  	s10 =	simm.s32 $0x7200;
	s16 =	simm.s32 $0x8200;
	s21 =	simm.s32 $0x9200;
	vm8 =	vcmask $0x1F1C;
	v1 =	vsel vm6, $0x280, v1;
	v2 =	vsel vm6, $0x2280, v2  }
0x9: {  	vm9 =	vcmask $0x2320;
	s13 =	simm.s32 $0xC200;
	s20 =	simm.s32 $0xD200;
	s29 =	simm.s32 $0xE200;
	v1 =	vsel vm7, $0x300, v1;
	v2 =	vsel vm7, $0x2300, v2  }
0xa: {  	vm10 =	vcmask $0x2724;
	s9 =	simm.s32 $0xF200;
	s18 =	simm.s32 $0x2;
	s22 =	simm.s32 $0x10200;
	v1 =	vsel vm8, $0x380, v1;
	v2 =	vsel vm8, $0x2380, v2  }
0xb: {  	vm11 =	vcmask $0x2B28;
	s30 =	simm.s32 $0x3;
	s31 =	simm.s32 $0x0;
	s1 =	sand.u32 $0x1, s1;
	v1 =	vsel vm9, $0x1000, v1;
	v2 =	vsel vm9, $0x3000, v2  }
0xc: {  	vm12 =	vcmask $0x2F2C;
	s4 =	sshll.u32 s3, $0xA;
	s3 =	simm.s32 $0x0;
	s6 =	sshll.u32 s1, $0x9;
	v1 =	vsel vm10, $0x1080, v1;
	v2 =	vsel vm10, $0x3080, v2  }
0xd: {  	vm13 =	vcmask $0x3330;
	s1 =	ssub.s32 $0x2, s1;
	[smem:$0x7FF] =	sst s3;
	s6 =	sor.u32 s6, s4;
	v1 =	vsel vm11, $0x1100, v1;
	v2 =	vsel vm11, $0x3100, v2  }
0xe: {  	vm14 =	vcmask $0x3734;
	s26 =	sshrl.u32 s1, $0x1;
	_ =	strace $0x80000047;
	s7 =	sshrl.u32 s6, $0x3;
	v1 =	vsel vm12, $0x1180, v1;
	v2 =	vsel vm12, $0x3180, v2  }
0xf: {  	v0 =	vmul.u32 $0x80, v0;
	s1 =	ssub.s32 s1, s26;
	s5 =	sadd.s32 s5, s6;
	s26 =	simm.s32 $0xA200;
	v1 =	vsel vm13, $0x1200, v1;
	v2 =	vsel vm13, $0x3200, v2  }
0x10: {  	vm15 =	vcmask $0x3B38;
	s0 =	sadd.s32 s0, s7;
	s6 =	smax.u32 s1, $0x1;
	s7 =	simm.s32 $0x200;
	v3 =	vsel vm14, $0x1280, v1;
	v4 =	vsel vm14, $0x3280, v2  }
0x11: {  	s1 =	simm.s32 $0xB200;
	[dreg:$0x4] =	wrdreg s0;
	s0 =	simm.s32 $0x6200;
	v1 =	vor.u32 $0x800, v0;
	v2 =	vsel vm15, $0x1300, v3;
	v3 =	vsel vm15, $0x3300, v4  }
.LBB2_1:
0x12: {  	s4 =	rddreg [dreg:$0x4];
	s8 =	simm.s32 $0x1  }
0x13: {  	[tilespmem:s3], [sflag:$0x1] =	stream.linear.gather [hbm4b:s4+s3], $0x200, $0x38;
	[tilespmem:$0x14200] =	vst v63  }
0x14: {  	_ =	swait.ge [sflag:s8], $0x200  }
0x15: {  	[sflag:s8] =	ssyncset.done $0x0  }
0x16: {  	[sflag:s8] =	ssyncadd.s32 $0xFFFFFE00  }
0x17: {  	v4 =	vld [tilespmem:$0x0];
	_ =	sdelay $0x4  }
0x18: {  	(v2sf) =	vpush v4, $0x0;
	_ =	sdelay $0x7  }
0x19: {  	(v2sf) =	vpush v4, $0x1;
	_ =	sdelay $0x6  }
0x1a: {  	s12 =	spop (v2sf)  }
0x1b: {  	s12 =	sand.u32 $0xFFFFF80, s12  }
0x1c: {  	(v2sf) =	vpush v4, $0x2;
	s12 =	sadd.s32 s2, s12  }
0x1d: {  	[tilespmem:s7], [sflag:$0x2] =	stream.linear.gather [hbm4b:s12+s3], $0x400, $0x38;
	[tilespmem:$0x14200] =	vst v63  }
0x1e: {  	s25 =	simm.s32 $0x600;
	s14 =	sadd.s32 $0xF4280, s12  }
0x1f: {  	[tilespmem:s25], [sflag:$0x2] =	stream.linear.gather [hbm4b:s14+s3], $0x400, $0x38;
	[tilespmem:$0x14200] =	vst v63  }
0x20: {  	s17 =	simm.s32 $0xA00;
	s4 =	sadd.s32 $0x1E8500, s12  }
0x21: {  	[tilespmem:s17], [sflag:$0x2] =	stream.linear.gather [hbm4b:s4+s3], $0x400, $0x38;
	[tilespmem:$0x14200] =	vst v63  }
0x22: {  	s24 =	simm.s32 $0xE00;
	s12 =	sadd.s32 $0x2DC780, s12;
	s25 =	spop (v2sf)  }
0x23: {  	[tilespmem:s24], [sflag:$0x2] =	stream.linear.gather [hbm4b:s12+s3], $0x400, $0x38;
	[tilespmem:$0x14200] =	vst v63  }
0x24: {  	s12 =	sand.u32 $0xFFFFF80, s25  }
0x25: {  	(v2sf) =	vpush v4, $0x3;
	s12 =	sadd.s32 s2, s12  }
0x26: {  	[tilespmem:s11], [sflag:$0x2] =	stream.linear.gather [hbm4b:s12+s3], $0x400, $0x38;
	[tilespmem:$0x14200] =	vst v63  }
0x27: {  	s17 =	simm.s32 $0x1600;
	s4 =	sadd.s32 $0xF4280, s12  }
0x28: {  	[tilespmem:s17], [sflag:$0x2] =	stream.linear.gather [hbm4b:s4+s3], $0x400, $0x38;
	[tilespmem:$0x14200] =	vst v63  }
0x29: {  	s25 =	simm.s32 $0x1A00;
	s24 =	sadd.s32 $0x1E8500, s12  }
0x2a: {  	[tilespmem:s25], [sflag:$0x2] =	stream.linear.gather [hbm4b:s24+s3], $0x400, $0x38;
	[tilespmem:$0x14200] =	vst v63  }
0x2b: {  	s14 =	simm.s32 $0x1E00;
	s12 =	sadd.s32 $0x2DC780, s12;
	s17 =	spop (v2sf)  }
0x2c: {  	[tilespmem:s14], [sflag:$0x2] =	stream.linear.gather [hbm4b:s12+s3], $0x400, $0x38;
	[tilespmem:$0x14200] =	vst v63  }
0x2d: {  	s12 =	sand.u32 $0xFFFFF80, s17  }
0x2e: {  	(v2sf) =	vpush v4, $0x4;
	s12 =	sadd.s32 s2, s12  }
0x2f: {  	[tilespmem:s15], [sflag:$0x2] =	stream.linear.gather [hbm4b:s12+s3], $0x400, $0x38;
	[tilespmem:$0x14200] =	vst v63  }
0x30: {  	s25 =	simm.s32 $0x2600;
	s24 =	sadd.s32 $0xF4280, s12  }
0x31: {  	[tilespmem:s25], [sflag:$0x2] =	stream.linear.gather [hbm4b:s24+s3], $0x400, $0x38;
	[tilespmem:$0x14200] =	vst v63  }
0x32: {  	s17 =	simm.s32 $0x2A00;
	s4 =	sadd.s32 $0x1E8500, s12  }
0x33: {  	[tilespmem:s17], [sflag:$0x2] =	stream.linear.gather [hbm4b:s4+s3], $0x400, $0x38;
	[tilespmem:$0x14200] =	vst v63  }
0x34: {  	s12 =	sadd.s32 $0x2DC780, s12;
	s24 =	simm.s32 $0x2E00;
	s25 =	spop (v2sf)  }
0x35: {  	[tilespmem:s24], [sflag:$0x2] =	stream.linear.gather [hbm4b:s12+s3], $0x400, $0x38;
	[tilespmem:$0x14200] =	vst v63  }
0x36: {  	s12 =	sand.u32 $0xFFFFF80, s25  }
0x37: {  	(v2sf) =	vpush v4, $0x5;
	s12 =	sadd.s32 s2, s12  }
0x38: {  	[tilespmem:s19], [sflag:$0x2] =	stream.linear.gather [hbm4b:s12+s3], $0x400, $0x38;
	[tilespmem:$0x14200] =	vst v63  }
0x39: {  	s17 =	simm.s32 $0x3600;
	s4 =	sadd.s32 $0xF4280, s12  }
0x3a: {  	[tilespmem:s17], [sflag:$0x2] =	stream.linear.gather [hbm4b:s4+s3], $0x400, $0x38;
	[tilespmem:$0x14200] =	vst v63  }
0x3b: {  	s25 =	simm.s32 $0x3A00;
	s24 =	sadd.s32 $0x1E8500, s12  }
0x3c: {  	[tilespmem:s25], [sflag:$0x2] =	stream.linear.gather [hbm4b:s24+s3], $0x400, $0x38;
	[tilespmem:$0x14200] =	vst v63  }
0x3d: {  	s14 =	simm.s32 $0x3E00;
	s12 =	sadd.s32 $0x2DC780, s12;
	s17 =	spop (v2sf)  }
0x3e: {  	[tilespmem:s14], [sflag:$0x2] =	stream.linear.gather [hbm4b:s12+s3], $0x400, $0x38;
	[tilespmem:$0x14200] =	vst v63  }
0x3f: {  	s12 =	sand.u32 $0xFFFFF80, s17  }
0x40: {  	(v2sf) =	vpush v4, $0x6;
	s12 =	sadd.s32 s2, s12  }
0x41: {  	[tilespmem:s23], [sflag:$0x2] =	stream.linear.gather [hbm4b:s12+s3], $0x400, $0x38;
	[tilespmem:$0x14200] =	vst v63  }
0x42: {  	s25 =	simm.s32 $0x4600;
	s24 =	sadd.s32 $0xF4280, s12  }
0x43: {  	[tilespmem:s25], [sflag:$0x2] =	stream.linear.gather [hbm4b:s24+s3], $0x400, $0x38;
	[tilespmem:$0x14200] =	vst v63  }
0x44: {  	s17 =	simm.s32 $0x4A00;
	s4 =	sadd.s32 $0x1E8500, s12  }
0x45: {  	[tilespmem:s17], [sflag:$0x2] =	stream.linear.gather [hbm4b:s4+s3], $0x400, $0x38;
	[tilespmem:$0x14200] =	vst v63  }
0x46: {  	s12 =	sadd.s32 $0x2DC780, s12;
	s24 =	simm.s32 $0x4E00;
	s25 =	spop (v2sf)  }
0x47: {  	[tilespmem:s24], [sflag:$0x2] =	stream.linear.gather [hbm4b:s12+s3], $0x400, $0x38;
	[tilespmem:$0x14200] =	vst v63  }
0x48: {  	s12 =	sand.u32 $0xFFFFF80, s25  }
0x49: {  	(v2sf) =	vpush v4, $0x7;
	s12 =	sadd.s32 s2, s12  }
0x4a: {  	[tilespmem:s28], [sflag:$0x2] =	stream.linear.gather [hbm4b:s12+s3], $0x400, $0x38;
	[tilespmem:$0x14200] =	vst v63  }
0x4b: {  	s17 =	simm.s32 $0x5600;
	s4 =	sadd.s32 $0xF4280, s12  }
0x4c: {  	[tilespmem:s17], [sflag:$0x2] =	stream.linear.gather [hbm4b:s4+s3], $0x400, $0x38;
	[tilespmem:$0x14200] =	vst v63  }
0x4d: {  	s25 =	simm.s32 $0x5A00;
	s24 =	sadd.s32 $0x1E8500, s12  }
0x4e: {  	[tilespmem:s25], [sflag:$0x2] =	stream.linear.gather [hbm4b:s24+s3], $0x400, $0x38;
	[tilespmem:$0x14200] =	vst v63  }
0x4f: {  	s14 =	simm.s32 $0x5E00;
	s12 =	sadd.s32 $0x2DC780, s12;
	s17 =	spop (v2sf)  }
0x50: {  	[tilespmem:s14], [sflag:$0x2] =	stream.linear.gather [hbm4b:s12+s3], $0x400, $0x38;
	[tilespmem:$0x14200] =	vst v63  }
0x51: {  	s12 =	sand.u32 $0xFFFFF80, s17  }
0x52: {  	(v2sf) =	vpush v4, $0x8;
	s12 =	sadd.s32 s2, s12  }
0x53: {  	[tilespmem:s0], [sflag:$0x2] =	stream.linear.gather [hbm4b:s12+s3], $0x400, $0x38;
	[tilespmem:$0x14200] =	vst v63  }
0x54: {  	s25 =	simm.s32 $0x6600;
	s24 =	sadd.s32 $0xF4280, s12  }
0x55: {  	[tilespmem:s25], [sflag:$0x2] =	stream.linear.gather [hbm4b:s24+s3], $0x400, $0x38;
	[tilespmem:$0x14200] =	vst v63  }
0x56: {  	s17 =	simm.s32 $0x6A00;
	s4 =	sadd.s32 $0x1E8500, s12  }
0x57: {  	[tilespmem:s17], [sflag:$0x2] =	stream.linear.gather [hbm4b:s4+s3], $0x400, $0x38;
	[tilespmem:$0x14200] =	vst v63  }
0x58: {  	s12 =	sadd.s32 $0x2DC780, s12;
	s24 =	simm.s32 $0x6E00;
	s25 =	spop (v2sf)  }
0x59: {  	[tilespmem:s24], [sflag:$0x2] =	stream.linear.gather [hbm4b:s12+s3], $0x400, $0x38;
	[tilespmem:$0x14200] =	vst v63  }
0x5a: {  	s12 =	sand.u32 $0xFFFFF80, s25  }
0x5b: {  	(v2sf) =	vpush v4, $0x9;
	s12 =	sadd.s32 s2, s12  }
0x5c: {  	[tilespmem:s10], [sflag:$0x2] =	stream.linear.gather [hbm4b:s12+s3], $0x400, $0x38;
	[tilespmem:$0x14200] =	vst v63  }
0x5d: {  	s17 =	simm.s32 $0x7600;
	s4 =	sadd.s32 $0xF4280, s12  }
0x5e: {  	[tilespmem:s17], [sflag:$0x2] =	stream.linear.gather [hbm4b:s4+s3], $0x400, $0x38;
	[tilespmem:$0x14200] =	vst v63  }
0x5f: {  	s25 =	simm.s32 $0x7A00;
	s24 =	sadd.s32 $0x1E8500, s12  }
0x60: {  	[tilespmem:s25], [sflag:$0x2] =	stream.linear.gather [hbm4b:s24+s3], $0x400, $0x38;
	[tilespmem:$0x14200] =	vst v63  }
0x61: {  	s14 =	simm.s32 $0x7E00;
	s12 =	sadd.s32 $0x2DC780, s12;
	s17 =	spop (v2sf)  }
0x62: {  	[tilespmem:s14], [sflag:$0x2] =	stream.linear.gather [hbm4b:s12+s3], $0x400, $0x38;
	[tilespmem:$0x14200] =	vst v63  }
0x63: {  	s12 =	sand.u32 $0xFFFFF80, s17  }
0x64: {  	(v2sf) =	vpush v4, $0xA;
	s12 =	sadd.s32 s2, s12  }
0x65: {  	[tilespmem:s16], [sflag:$0x2] =	stream.linear.gather [hbm4b:s12+s3], $0x400, $0x38;
	[tilespmem:$0x14200] =	vst v63  }
0x66: {  	s25 =	simm.s32 $0x8600;
	s24 =	sadd.s32 $0xF4280, s12  }
0x67: {  	[tilespmem:s25], [sflag:$0x2] =	stream.linear.gather [hbm4b:s24+s3], $0x400, $0x38;
	[tilespmem:$0x14200] =	vst v63  }
0x68: {  	s17 =	simm.s32 $0x8A00;
	s4 =	sadd.s32 $0x1E8500, s12  }
0x69: {  	[tilespmem:s17], [sflag:$0x2] =	stream.linear.gather [hbm4b:s4+s3], $0x400, $0x38;
	[tilespmem:$0x14200] =	vst v63  }
0x6a: {  	s12 =	sadd.s32 $0x2DC780, s12;
	s24 =	simm.s32 $0x8E00;
	s25 =	spop (v2sf)  }
0x6b: {  	[tilespmem:s24], [sflag:$0x2] =	stream.linear.gather [hbm4b:s12+s3], $0x400, $0x38;
	[tilespmem:$0x14200] =	vst v63  }
0x6c: {  	s12 =	sand.u32 $0xFFFFF80, s25  }
0x6d: {  	(v2sf) =	vpush v4, $0xB;
	s12 =	sadd.s32 s2, s12  }
0x6e: {  	[tilespmem:s21], [sflag:$0x2] =	stream.linear.gather [hbm4b:s12+s3], $0x400, $0x38;
	[tilespmem:$0x14200] =	vst v63  }
0x6f: {  	s17 =	simm.s32 $0x9600;
	s4 =	sadd.s32 $0xF4280, s12  }
0x70: {  	[tilespmem:s17], [sflag:$0x2] =	stream.linear.gather [hbm4b:s4+s3], $0x400, $0x38;
	[tilespmem:$0x14200] =	vst v63  }
0x71: {  	s25 =	simm.s32 $0x9A00;
	s24 =	sadd.s32 $0x1E8500, s12  }
0x72: {  	[tilespmem:s25], [sflag:$0x2] =	stream.linear.gather [hbm4b:s24+s3], $0x400, $0x38;
	[tilespmem:$0x14200] =	vst v63  }
0x73: {  	s14 =	simm.s32 $0x9E00;
	s12 =	sadd.s32 $0x2DC780, s12;
	s17 =	spop (v2sf)  }
0x74: {  	[tilespmem:s14], [sflag:$0x2] =	stream.linear.gather [hbm4b:s12+s3], $0x400, $0x38;
	[tilespmem:$0x14200] =	vst v63  }
0x75: {  	s12 =	sand.u32 $0xFFFFF80, s17  }
0x76: {  	(v2sf) =	vpush v4, $0xC;
	s12 =	sadd.s32 s2, s12  }
0x77: {  	[tilespmem:s26], [sflag:$0x2] =	stream.linear.gather [hbm4b:s12+s3], $0x400, $0x38;
	[tilespmem:$0x14200] =	vst v63  }
0x78: {  	s25 =	simm.s32 $0xA600;
	s24 =	sadd.s32 $0xF4280, s12  }
0x79: {  	[tilespmem:s25], [sflag:$0x2] =	stream.linear.gather [hbm4b:s24+s3], $0x400, $0x38;
	[tilespmem:$0x14200] =	vst v63  }
0x7a: {  	s17 =	simm.s32 $0xAA00;
	s4 =	sadd.s32 $0x1E8500, s12  }
0x7b: {  	[tilespmem:s17], [sflag:$0x2] =	stream.linear.gather [hbm4b:s4+s3], $0x400, $0x38;
	[tilespmem:$0x14200] =	vst v63  }
0x7c: {  	s12 =	sadd.s32 $0x2DC780, s12;
	s24 =	simm.s32 $0xAE00;
	s25 =	spop (v2sf)  }
0x7d: {  	[tilespmem:s24], [sflag:$0x2] =	stream.linear.gather [hbm4b:s12+s3], $0x400, $0x38;
	[tilespmem:$0x14200] =	vst v63  }
0x7e: {  	s12 =	sand.u32 $0xFFFFF80, s25  }
0x7f: {  	(v2sf) =	vpush v4, $0xD;
	s12 =	sadd.s32 s2, s12  }
0x80: {  	[tilespmem:s1], [sflag:$0x2] =	stream.linear.gather [hbm4b:s12+s3], $0x400, $0x38;
	[tilespmem:$0x14200] =	vst v63  }
0x81: {  	s17 =	simm.s32 $0xB600;
	s4 =	sadd.s32 $0xF4280, s12  }
0x82: {  	[tilespmem:s17], [sflag:$0x2] =	stream.linear.gather [hbm4b:s4+s3], $0x400, $0x38;
	[tilespmem:$0x14200] =	vst v63  }
0x83: {  	s25 =	simm.s32 $0xBA00;
	s24 =	sadd.s32 $0x1E8500, s12  }
0x84: {  	[tilespmem:s25], [sflag:$0x2] =	stream.linear.gather [hbm4b:s24+s3], $0x400, $0x38;
	[tilespmem:$0x14200] =	vst v63  }
0x85: {  	s14 =	simm.s32 $0xBE00;
	s12 =	sadd.s32 $0x2DC780, s12;
	s17 =	spop (v2sf)  }
0x86: {  	(v2sf) =	vpush v4, $0xE;
	[tilespmem:s14], [sflag:$0x2] =	stream.linear.gather [hbm4b:s12+s3], $0x400, $0x38;
	[tilespmem:$0x14200] =	vst v63  }
0x87: {  	s12 =	sand.u32 $0xFFFFF80, s17  }
0x88: {  	s12 =	sadd.s32 s2, s12  }
0x89: {  	[tilespmem:s13], [sflag:$0x2] =	stream.linear.gather [hbm4b:s12+s3], $0x400, $0x38;
	[tilespmem:$0x14200] =	vst v63  }
0x8a: {  	s25 =	simm.s32 $0xC600;
	s24 =	sadd.s32 $0xF4280, s12  }
0x8b: {  	[tilespmem:s25], [sflag:$0x2] =	stream.linear.gather [hbm4b:s24+s3], $0x400, $0x38;
	[tilespmem:$0x14200] =	vst v63  }
0x8c: {  	s17 =	simm.s32 $0xCA00;
	s4 =	sadd.s32 $0x1E8500, s12  }
0x8d: {  	[tilespmem:s17], [sflag:$0x2] =	stream.linear.gather [hbm4b:s4+s3], $0x400, $0x38;
	[tilespmem:$0x14200] =	vst v63  }
0x8e: {  	s12 =	sadd.s32 $0x2DC780, s12;
	s24 =	simm.s32 $0xCE00;
	s25 =	spop (v2sf)  }
0x8f: {  	[tilespmem:s24], [sflag:$0x2] =	stream.linear.gather [hbm4b:s12+s3], $0x400, $0x38;
	[tilespmem:$0x14200] =	vst v63  }
0x90: {  	(v2sf) =	vpush v4, $0xF;
	s12 =	sand.u32 $0xFFFFF80, s25  }
0x91: {  	s12 =	sadd.s32 s2, s12  }
0x92: {  	[tilespmem:s20], [sflag:$0x2] =	stream.linear.gather [hbm4b:s12+s3], $0x400, $0x38;
	[tilespmem:$0x14200] =	vst v63  }
0x93: {  	s17 =	simm.s32 $0xD600;
	s25 =	simm.s32 $0xDA00;
	s4 =	sadd.s32 $0xF4280, s12  }
0x94: {  	[tilespmem:s17], [sflag:$0x2] =	stream.linear.gather [hbm4b:s4+s3], $0x400, $0x38;
	[tilespmem:$0x14200] =	vst v63  }
0x95: {  	s24 =	sadd.s32 $0x1E8500, s12;
	s12 =	sadd.s32 $0x2DC780, s12;
	s17 =	spop (v2sf)  }
0x96: {  	[tilespmem:s25], [sflag:$0x2] =	stream.linear.gather [hbm4b:s24+s3], $0x400, $0x38;
	[tilespmem:$0x14200] =	vst v63  }
0x97: {  	s24 =	simm.s32 $0xDE00;
	s25 =	sand.u32 $0xFFFFF80, s17  }
0x98: {  	[tilespmem:s24], [sflag:$0x2] =	stream.linear.gather [hbm4b:s12+s3], $0x400, $0x38;
	[tilespmem:$0x14200] =	vst v63  }
0x99: {  	s12 =	sadd.s32 s2, s25  }
0x9a: {  	[tilespmem:s29], [sflag:$0x2] =	stream.linear.gather [hbm4b:s12+s3], $0x400, $0x38;
	[tilespmem:$0x14200] =	vst v63  }
0x9b: {  	s17 =	simm.s32 $0xE600;
	s4 =	sadd.s32 $0xF4280, s12  }
0x9c: {  	[tilespmem:s17], [sflag:$0x2] =	stream.linear.gather [hbm4b:s4+s3], $0x400, $0x38;
	[tilespmem:$0x14200] =	vst v63  }
0x9d: {  	s25 =	simm.s32 $0xEA00;
	s24 =	sadd.s32 $0x1E8500, s12  }
0x9e: {  	[tilespmem:s25], [sflag:$0x2] =	stream.linear.gather [hbm4b:s24+s3], $0x400, $0x38;
	[tilespmem:$0x14200] =	vst v63  }
0x9f: {  	s14 =	simm.s32 $0xEE00;
	s12 =	sadd.s32 $0x2DC780, s12;
	s17 =	spop (v2sf)  }
0xa0: {  	[tilespmem:s14], [sflag:$0x2] =	stream.linear.gather [hbm4b:s12+s3], $0x400, $0x38;
	[tilespmem:$0x14200] =	vst v63  }
0xa1: {  	s12 =	sand.u32 $0xFFFFF80, s17  }
0xa2: {  	s12 =	sadd.s32 s2, s12  }
0xa3: {  	[tilespmem:s9], [sflag:$0x2] =	stream.linear.gather [hbm4b:s12+s3], $0x400, $0x38;
	[tilespmem:$0x14200] =	vst v63  }
0xa4: {  	s25 =	simm.s32 $0xF600;
	s24 =	sadd.s32 $0xF4280, s12  }
0xa5: {  	[tilespmem:s25], [sflag:$0x2] =	stream.linear.gather [hbm4b:s24+s3], $0x400, $0x38;
	[tilespmem:$0x14200] =	vst v63  }
0xa6: {  	s17 =	sadd.s32 $0x1E8500, s12;
	s24 =	simm.s32 $0xFA00  }
0xa7: {  	[tilespmem:s24], [sflag:$0x2] =	stream.linear.gather [hbm4b:s17+s3], $0x400, $0x38;
	[tilespmem:$0x14200] =	vst v63  }
0xa8: {  	s12 =	sadd.s32 $0x2DC780, s12;
	s25 =	simm.s32 $0xFE00  }
0xa9: {  	[tilespmem:s25], [sflag:$0x2] =	stream.linear.gather [hbm4b:s12+s3], $0x400, $0x38;
	[tilespmem:$0x14200] =	vst v63  }
0xaa: {  	s14 =	simm.s32 $0x0;
	s12 =	simm.s32 $0xF  }
.LBB2_2:
0xab: {  	s17 =	smin.u32 s8, $0x1F  }
0xac: {  	v4 =	vld [tilespmem:s14+$0x0];
	s17 =	sshll.u32 s17, $0x4  }
0xad: {  	v5 =	vld [tilespmem:s17+$0x0];
	_ =	swait.ge [sflag:s18], $0x400  }
0xae: {  	[sflag:s18] =	ssyncset.done $0x0  }
0xaf: {  	[sflag:s18] =	ssyncadd.s32 $0xFFFFFC00  }
0xb0: {  	_ =	swait.ge [sflag:s18], $0x400  }
0xb1: {  	[sflag:s18] =	ssyncset.done $0x0  }
0xb2: {  	[sflag:s18] =	ssyncadd.s32 $0xFFFFFC00  }
0xb3: {  	_ =	swait.ge [sflag:s18], $0x400  }
0xb4: {  	[sflag:s18] =	ssyncset.done $0x0  }
0xb5: {  	[sflag:s18] =	ssyncadd.s32 $0xFFFFFC00  }
0xb6: {  	_ =	swait.ge [sflag:s18], $0x400  }
0xb7: {  	(v2sf) =	vpush v4, $0x0;
	_ =	sdelay $0x9  }
0xb8: {  	p0 =	seq.s32 s12, $0x1FF  }
0xb9: {  	(v2sf) =	vpush @!p0 v5, $0x0;
	_ =	sdelay $0x3  }
0xba: {  	s4 =	spop (v2sf)  }
0xbb: {  	s17 =	sand.u32 $0x7F, s4  }
0xbc: {  	s24 =	sadd.s32 $0xFFFFFFF1, s12;
	v6 =	vor.u32 s17, v0  }
0xbd: {  	v8 =	vmov s24;
	v7 =	vor.u32 s17, v1  }
0xbe: {  	v9 =	vshll.u32 v8, $0x3  }
0xbf: {  	v8 =	vand.u32 $0x70, v8;
	v9 =	vand.u32 $0xC00, v9;
	[sflag:s18] =	ssyncset.done $0x0  }
0xc0: {  	v8 =	vor.u32 v8, v9;
	[sflag:s18] =	ssyncadd.s32 $0xFFFFFC00  }
0xc1: {  	v9 =	vor.u32 v2, v8;
	v6 =	vld.idx.msk [tilespmem:v6+s7+$0x0], $0xffff  }
0xc2: {  	v8 =	vor.u32 v3, v8;
	v7 =	vld.idx.msk [tilespmem:v7+s7+$0x0], $0xffff;
	_ =	sdelay $0x2  }
0xc3: {  	s17 =	spop @!p0 (v2sf)  }
0xc4: {  	s17 =	sand.u32 @!p0 $0xFFFFF80, s17;
	[tilespmem:v9+s22+$0x0] =	vst.idx.msk $0xffff, v6  }
0xc5: {  	s25 =	simm.s32 @!p0 $0x200;
	s24 =	sadd.s32 @!p0 s2, s17;
	s17 =	simm.s32 @!p0 $0x0;
	[tilespmem:v8+s22+$0x0] =	vst.idx.msk $0xffff, v7  }
0xc6: {  	[tilespmem:s25], [sflag:$0x2] =	stream.linear.gather @!p0 [hbm4b:s24+s17], $0x400, $0x38;
	[tilespmem:$0x14200] =	vst v63  }
0xc7: {  	s4 =	simm.s32 @!p0 $0x600;
	s25 =	sadd.s32 @!p0 $0xF4280, s24  }
0xc8: {  	[tilespmem:s4], [sflag:$0x2] =	stream.linear.gather @!p0 [hbm4b:s25+s17], $0x400, $0x38;
	[tilespmem:$0x14200] =	vst v63  }
0xc9: {  	s4 =	sadd.s32 @!p0 $0x1E8500, s24;
	s25 =	simm.s32 @!p0 $0xA00  }
0xca: {  	[tilespmem:s25], [sflag:$0x2] =	stream.linear.gather @!p0 [hbm4b:s4+s17], $0x400, $0x38;
	[tilespmem:$0x14200] =	vst v63  }
0xcb: {  	s4 =	sadd.s32 @!p0 $0x2DC780, s24;
	s24 =	simm.s32 @!p0 $0xE00  }
0xcc: {  	[tilespmem:s24], [sflag:$0x2] =	stream.linear.gather @!p0 [hbm4b:s4+s17], $0x400, $0x38;
	[tilespmem:$0x14200] =	vst v63  }
0xcd: {  	_ =	swait.ge [sflag:s18], $0x400  }
0xce: {  	[sflag:s18] =	ssyncset.done $0x0  }
0xcf: {  	[sflag:s18] =	ssyncadd.s32 $0xFFFFFC00  }
0xd0: {  	_ =	swait.ge [sflag:s18], $0x400  }
0xd1: {  	[sflag:s18] =	ssyncset.done $0x0  }
0xd2: {  	[sflag:s18] =	ssyncadd.s32 $0xFFFFFC00  }
0xd3: {  	_ =	swait.ge [sflag:s18], $0x400  }
0xd4: {  	[sflag:s18] =	ssyncset.done $0x0  }
0xd5: {  	[sflag:s18] =	ssyncadd.s32 $0xFFFFFC00  }
0xd6: {  	_ =	swait.ge [sflag:s18], $0x400  }
0xd7: {  	(v2sf) =	vpush v4, $0x1;
	_ =	sdelay $0xa  }
0xd8: {  	(v2sf) =	vpush @!p0 v5, $0x1;
	_ =	sdelay $0x3  }
0xd9: {  	s24 =	spop (v2sf)  }
0xda: {  	s4 =	sand.u32 $0x7F, s24  }
0xdb: {  	s25 =	sadd.s32 $0xFFFFFFF2, s12;
	v58 =	vor.u32 s4, v0  }
0xdc: {  	v60 =	vmov s25;
	v59 =	vor.u32 s4, v1  }
0xdd: {  	v61 =	vshll.u32 v60, $0x3  }
0xde: {  	v8 =	vand.u32 $0x71, v60;
	v9 =	vand.u32 $0xC00, v61;
	[sflag:s18] =	ssyncset.done $0x0  }
0xdf: {  	v8 =	vor.u32 v8, v9;
	[sflag:s18] =	ssyncadd.s32 $0xFFFFFC00  }
0xe0: {  	v9 =	vor.u32 v2, v8;
	v6 =	vld.idx.msk [tilespmem:v58+s11+$0x0], $0xffff  }
0xe1: {  	v8 =	vor.u32 v3, v8;
	v7 =	vld.idx.msk [tilespmem:v59+s11+$0x0], $0xffff;
	_ =	sdelay $0x2  }
0xe2: {  	s4 =	spop @!p0 (v2sf)  }
0xe3: {  	s4 =	sand.u32 @!p0 $0xFFFFF80, s4;
	[tilespmem:v9+s22+$0x0] =	vst.idx.msk $0xffff, v6  }
0xe4: {  	s24 =	simm.s32 @!p0 $0x1200;
	s4 =	sadd.s32 @!p0 s2, s4;
	[tilespmem:v8+s22+$0x0] =	vst.idx.msk $0xffff, v7  }
0xe5: {  	[tilespmem:s24], [sflag:$0x2] =	stream.linear.gather @!p0 [hbm4b:s4+s17], $0x400, $0x38;
	[tilespmem:$0x14200] =	vst v63  }
0xe6: {  	s25 =	simm.s32 @!p0 $0x1600;
	s24 =	sadd.s32 @!p0 $0xF4280, s4  }
0xe7: {  	[tilespmem:s25], [sflag:$0x2] =	stream.linear.gather @!p0 [hbm4b:s24+s17], $0x400, $0x38;
	[tilespmem:$0x14200] =	vst v63  }
0xe8: {  	s24 =	sadd.s32 @!p0 $0x1E8500, s4;
	s25 =	simm.s32 @!p0 $0x1A00  }
0xe9: {  	[tilespmem:s25], [sflag:$0x2] =	stream.linear.gather @!p0 [hbm4b:s24+s17], $0x400, $0x38;
	[tilespmem:$0x14200] =	vst v63  }
0xea: {  	s4 =	sadd.s32 @!p0 $0x2DC780, s4;
	s24 =	simm.s32 @!p0 $0x1E00  }
0xeb: {  	[tilespmem:s24], [sflag:$0x2] =	stream.linear.gather @!p0 [hbm4b:s4+s17], $0x400, $0x38;
	[tilespmem:$0x14200] =	vst v63  }
0xec: {  	_ =	swait.ge [sflag:s18], $0x400  }
0xed: {  	[sflag:s18] =	ssyncset.done $0x0  }
0xee: {  	[sflag:s18] =	ssyncadd.s32 $0xFFFFFC00  }
0xef: {  	_ =	swait.ge [sflag:s18], $0x400  }
0xf0: {  	[sflag:s18] =	ssyncset.done $0x0  }
0xf1: {  	[sflag:s18] =	ssyncadd.s32 $0xFFFFFC00  }
0xf2: {  	_ =	swait.ge [sflag:s18], $0x400  }
0xf3: {  	[sflag:s18] =	ssyncset.done $0x0  }
0xf4: {  	[sflag:s18] =	ssyncadd.s32 $0xFFFFFC00  }
0xf5: {  	_ =	swait.ge [sflag:s18], $0x400  }
0xf6: {  	(v2sf) =	vpush v4, $0x2;
	_ =	sdelay $0xa  }
0xf7: {  	(v2sf) =	vpush @!p0 v5, $0x2;
	_ =	sdelay $0x3  }
0xf8: {  	s24 =	spop (v2sf)  }
0xf9: {  	s4 =	sand.u32 $0x7F, s24  }
0xfa: {  	s25 =	sadd.s32 $0xFFFFFFF3, s12;
	v62 =	vor.u32 s4, v0  }
0xfb: {  	v12 =	vmov s25;
	v63 =	vor.u32 s4, v1  }
0xfc: {  	v13 =	vshll.u32 v12, $0x3  }
0xfd: {  	v8 =	vand.u32 $0x72, v12;
	v9 =	vand.u32 $0xC00, v13;
	[sflag:s18] =	ssyncset.done $0x0  }
0xfe: {  	v8 =	vor.u32 v8, v9;
	[sflag:s18] =	ssyncadd.s32 $0xFFFFFC00  }
0xff: {  	v9 =	vor.u32 v2, v8;
	v6 =	vld.idx.msk [tilespmem:v62+s15+$0x0], $0xffff  }
0x100: {  	v8 =	vor.u32 v3, v8;
	v7 =	vld.idx.msk [tilespmem:v63+s15+$0x0], $0xffff;
	_ =	sdelay $0x2  }
0x101: {  	s4 =	spop @!p0 (v2sf)  }
0x102: {  	s4 =	sand.u32 @!p0 $0xFFFFF80, s4;
	[tilespmem:v9+s22+$0x0] =	vst.idx.msk $0xffff, v6  }
0x103: {  	s24 =	simm.s32 @!p0 $0x2200;
	s4 =	sadd.s32 @!p0 s2, s4;
	[tilespmem:v8+s22+$0x0] =	vst.idx.msk $0xffff, v7  }
0x104: {  	[tilespmem:s24], [sflag:$0x2] =	stream.linear.gather @!p0 [hbm4b:s4+s17], $0x400, $0x38;
	[tilespmem:$0x14200] =	vst v63  }
0x105: {  	s25 =	simm.s32 @!p0 $0x2600;
	s24 =	sadd.s32 @!p0 $0xF4280, s4  }
0x106: {  	[tilespmem:s25], [sflag:$0x2] =	stream.linear.gather @!p0 [hbm4b:s24+s17], $0x400, $0x38;
	[tilespmem:$0x14200] =	vst v63  }
0x107: {  	s24 =	sadd.s32 @!p0 $0x1E8500, s4;
	s25 =	simm.s32 @!p0 $0x2A00  }
0x108: {  	[tilespmem:s25], [sflag:$0x2] =	stream.linear.gather @!p0 [hbm4b:s24+s17], $0x400, $0x38;
	[tilespmem:$0x14200] =	vst v63  }
0x109: {  	s4 =	sadd.s32 @!p0 $0x2DC780, s4;
	s24 =	simm.s32 @!p0 $0x2E00  }
0x10a: {  	[tilespmem:s24], [sflag:$0x2] =	stream.linear.gather @!p0 [hbm4b:s4+s17], $0x400, $0x38;
	[tilespmem:$0x14200] =	vst v63  }
0x10b: {  	_ =	swait.ge [sflag:s18], $0x400  }
0x10c: {  	[sflag:s18] =	ssyncset.done $0x0  }
0x10d: {  	[sflag:s18] =	ssyncadd.s32 $0xFFFFFC00  }
0x10e: {  	_ =	swait.ge [sflag:s18], $0x400  }
0x10f: {  	[sflag:s18] =	ssyncset.done $0x0  }
0x110: {  	[sflag:s18] =	ssyncadd.s32 $0xFFFFFC00  }
0x111: {  	_ =	swait.ge [sflag:s18], $0x400  }
0x112: {  	[sflag:s18] =	ssyncset.done $0x0  }
0x113: {  	[sflag:s18] =	ssyncadd.s32 $0xFFFFFC00  }
0x114: {  	_ =	swait.ge [sflag:s18], $0x400  }
0x115: {  	(v2sf) =	vpush v4, $0x3;
	_ =	sdelay $0xa  }
0x116: {  	(v2sf) =	vpush @!p0 v5, $0x3;
	_ =	sdelay $0x3  }
0x117: {  	s24 =	spop (v2sf)  }
0x118: {  	s4 =	sand.u32 $0x7F, s24  }
0x119: {  	s25 =	sadd.s32 $0xFFFFFFF4, s12;
	v14 =	vor.u32 s4, v0  }
0x11a: {  	v16 =	vmov s25;
	v15 =	vor.u32 s4, v1  }
0x11b: {  	v17 =	vshll.u32 v16, $0x3  }
0x11c: {  	v8 =	vand.u32 $0x73, v16;
	v9 =	vand.u32 $0xC00, v17;
	[sflag:s18] =	ssyncset.done $0x0  }
0x11d: {  	v8 =	vor.u32 v8, v9;
	[sflag:s18] =	ssyncadd.s32 $0xFFFFFC00  }
0x11e: {  	v9 =	vor.u32 v2, v8;
	v6 =	vld.idx.msk [tilespmem:v14+s19+$0x0], $0xffff  }
0x11f: {  	v8 =	vor.u32 v3, v8;
	v7 =	vld.idx.msk [tilespmem:v15+s19+$0x0], $0xffff;
	_ =	sdelay $0x2  }
0x120: {  	s4 =	spop @!p0 (v2sf)  }
0x121: {  	s4 =	sand.u32 @!p0 $0xFFFFF80, s4;
	[tilespmem:v9+s22+$0x0] =	vst.idx.msk $0xffff, v6  }
0x122: {  	s24 =	simm.s32 @!p0 $0x3200;
	s4 =	sadd.s32 @!p0 s2, s4;
	[tilespmem:v8+s22+$0x0] =	vst.idx.msk $0xffff, v7  }
0x123: {  	[tilespmem:s24], [sflag:$0x2] =	stream.linear.gather @!p0 [hbm4b:s4+s17], $0x400, $0x38;
	[tilespmem:$0x14200] =	vst v63  }
0x124: {  	s25 =	simm.s32 @!p0 $0x3600;
	s24 =	sadd.s32 @!p0 $0xF4280, s4  }
0x125: {  	[tilespmem:s25], [sflag:$0x2] =	stream.linear.gather @!p0 [hbm4b:s24+s17], $0x400, $0x38;
	[tilespmem:$0x14200] =	vst v63  }
0x126: {  	s24 =	sadd.s32 @!p0 $0x1E8500, s4;
	s25 =	simm.s32 @!p0 $0x3A00  }
0x127: {  	[tilespmem:s25], [sflag:$0x2] =	stream.linear.gather @!p0 [hbm4b:s24+s17], $0x400, $0x38;
	[tilespmem:$0x14200] =	vst v63  }
0x128: {  	s4 =	sadd.s32 @!p0 $0x2DC780, s4;
	s24 =	simm.s32 @!p0 $0x3E00  }
0x129: {  	[tilespmem:s24], [sflag:$0x2] =	stream.linear.gather @!p0 [hbm4b:s4+s17], $0x400, $0x38;
	[tilespmem:$0x14200] =	vst v63  }
0x12a: {  	_ =	swait.ge [sflag:s18], $0x400  }
0x12b: {  	[sflag:s18] =	ssyncset.done $0x0  }
0x12c: {  	[sflag:s18] =	ssyncadd.s32 $0xFFFFFC00  }
0x12d: {  	_ =	swait.ge [sflag:s18], $0x400  }
0x12e: {  	[sflag:s18] =	ssyncset.done $0x0  }
0x12f: {  	[sflag:s18] =	ssyncadd.s32 $0xFFFFFC00  }
0x130: {  	_ =	swait.ge [sflag:s18], $0x400  }
0x131: {  	[sflag:s18] =	ssyncset.done $0x0  }
0x132: {  	[sflag:s18] =	ssyncadd.s32 $0xFFFFFC00  }
0x133: {  	_ =	swait.ge [sflag:s18], $0x400  }
0x134: {  	(v2sf) =	vpush v4, $0x4;
	_ =	sdelay $0xa  }
0x135: {  	(v2sf) =	vpush @!p0 v5, $0x4;
	_ =	sdelay $0x3  }
0x136: {  	s24 =	spop (v2sf)  }
0x137: {  	s4 =	sand.u32 $0x7F, s24  }
0x138: {  	s25 =	sadd.s32 $0xFFFFFFF5, s12;
	v18 =	vor.u32 s4, v0  }
0x139: {  	v20 =	vmov s25;
	v19 =	vor.u32 s4, v1  }
0x13a: {  	v21 =	vshll.u32 v20, $0x3  }
0x13b: {  	v8 =	vand.u32 $0x74, v20;
	v9 =	vand.u32 $0xC00, v21;
	[sflag:s18] =	ssyncset.done $0x0  }
0x13c: {  	v8 =	vor.u32 v8, v9;
	[sflag:s18] =	ssyncadd.s32 $0xFFFFFC00  }
0x13d: {  	v9 =	vor.u32 v2, v8;
	v6 =	vld.idx.msk [tilespmem:v18+s23+$0x0], $0xffff  }
0x13e: {  	v8 =	vor.u32 v3, v8;
	v7 =	vld.idx.msk [tilespmem:v19+s23+$0x0], $0xffff;
	_ =	sdelay $0x2  }
0x13f: {  	s4 =	spop @!p0 (v2sf)  }
0x140: {  	s4 =	sand.u32 @!p0 $0xFFFFF80, s4;
	[tilespmem:v9+s22+$0x0] =	vst.idx.msk $0xffff, v6  }
0x141: {  	s24 =	simm.s32 @!p0 $0x4200;
	s4 =	sadd.s32 @!p0 s2, s4;
	[tilespmem:v8+s22+$0x0] =	vst.idx.msk $0xffff, v7  }
0x142: {  	[tilespmem:s24], [sflag:$0x2] =	stream.linear.gather @!p0 [hbm4b:s4+s17], $0x400, $0x38;
	[tilespmem:$0x14200] =	vst v63  }
0x143: {  	s25 =	simm.s32 @!p0 $0x4600;
	s24 =	sadd.s32 @!p0 $0xF4280, s4  }
0x144: {  	[tilespmem:s25], [sflag:$0x2] =	stream.linear.gather @!p0 [hbm4b:s24+s17], $0x400, $0x38;
	[tilespmem:$0x14200] =	vst v63  }
0x145: {  	s24 =	sadd.s32 @!p0 $0x1E8500, s4;
	s25 =	simm.s32 @!p0 $0x4A00  }
0x146: {  	[tilespmem:s25], [sflag:$0x2] =	stream.linear.gather @!p0 [hbm4b:s24+s17], $0x400, $0x38;
	[tilespmem:$0x14200] =	vst v63  }
0x147: {  	s4 =	sadd.s32 @!p0 $0x2DC780, s4;
	s24 =	simm.s32 @!p0 $0x4E00  }
0x148: {  	[tilespmem:s24], [sflag:$0x2] =	stream.linear.gather @!p0 [hbm4b:s4+s17], $0x400, $0x38;
	[tilespmem:$0x14200] =	vst v63  }
0x149: {  	_ =	swait.ge [sflag:s18], $0x400  }
0x14a: {  	[sflag:s18] =	ssyncset.done $0x0  }
0x14b: {  	[sflag:s18] =	ssyncadd.s32 $0xFFFFFC00  }
0x14c: {  	_ =	swait.ge [sflag:s18], $0x400  }
0x14d: {  	[sflag:s18] =	ssyncset.done $0x0  }
0x14e: {  	[sflag:s18] =	ssyncadd.s32 $0xFFFFFC00  }
0x14f: {  	_ =	swait.ge [sflag:s18], $0x400  }
0x150: {  	[sflag:s18] =	ssyncset.done $0x0  }
0x151: {  	[sflag:s18] =	ssyncadd.s32 $0xFFFFFC00  }
0x152: {  	_ =	swait.ge [sflag:s18], $0x400  }
0x153: {  	(v2sf) =	vpush v4, $0x5;
	_ =	sdelay $0xa  }
0x154: {  	(v2sf) =	vpush @!p0 v5, $0x5;
	_ =	sdelay $0x3  }
0x155: {  	s24 =	spop (v2sf)  }
0x156: {  	s4 =	sand.u32 $0x7F, s24  }
0x157: {  	s25 =	sadd.s32 $0xFFFFFFF6, s12;
	v22 =	vor.u32 s4, v0  }
0x158: {  	v24 =	vmov s25;
	v23 =	vor.u32 s4, v1  }
0x159: {  	v25 =	vshll.u32 v24, $0x3  }
0x15a: {  	v8 =	vand.u32 $0x75, v24;
	v9 =	vand.u32 $0xC00, v25;
	[sflag:s18] =	ssyncset.done $0x0  }
0x15b: {  	v8 =	vor.u32 v8, v9;
	[sflag:s18] =	ssyncadd.s32 $0xFFFFFC00  }
0x15c: {  	v9 =	vor.u32 v2, v8;
	v6 =	vld.idx.msk [tilespmem:v22+s28+$0x0], $0xffff  }
0x15d: {  	v8 =	vor.u32 v3, v8;
	v7 =	vld.idx.msk [tilespmem:v23+s28+$0x0], $0xffff;
	_ =	sdelay $0x2  }
0x15e: {  	s4 =	spop @!p0 (v2sf)  }
0x15f: {  	s4 =	sand.u32 @!p0 $0xFFFFF80, s4;
	[tilespmem:v9+s22+$0x0] =	vst.idx.msk $0xffff, v6  }
0x160: {  	s24 =	simm.s32 @!p0 $0x5200;
	s4 =	sadd.s32 @!p0 s2, s4;
	[tilespmem:v8+s22+$0x0] =	vst.idx.msk $0xffff, v7  }
0x161: {  	[tilespmem:s24], [sflag:$0x2] =	stream.linear.gather @!p0 [hbm4b:s4+s17], $0x400, $0x38;
	[tilespmem:$0x14200] =	vst v63  }
0x162: {  	s25 =	simm.s32 @!p0 $0x5600;
	s24 =	sadd.s32 @!p0 $0xF4280, s4  }
0x163: {  	[tilespmem:s25], [sflag:$0x2] =	stream.linear.gather @!p0 [hbm4b:s24+s17], $0x400, $0x38;
	[tilespmem:$0x14200] =	vst v63  }
0x164: {  	s24 =	sadd.s32 @!p0 $0x1E8500, s4;
	s25 =	simm.s32 @!p0 $0x5A00  }
0x165: {  	[tilespmem:s25], [sflag:$0x2] =	stream.linear.gather @!p0 [hbm4b:s24+s17], $0x400, $0x38;
	[tilespmem:$0x14200] =	vst v63  }
0x166: {  	s4 =	sadd.s32 @!p0 $0x2DC780, s4;
	s24 =	simm.s32 @!p0 $0x5E00  }
0x167: {  	[tilespmem:s24], [sflag:$0x2] =	stream.linear.gather @!p0 [hbm4b:s4+s17], $0x400, $0x38;
	[tilespmem:$0x14200] =	vst v63  }
0x168: {  	_ =	swait.ge [sflag:s18], $0x400  }
0x169: {  	[sflag:s18] =	ssyncset.done $0x0  }
0x16a: {  	[sflag:s18] =	ssyncadd.s32 $0xFFFFFC00  }
0x16b: {  	_ =	swait.ge [sflag:s18], $0x400  }
0x16c: {  	[sflag:s18] =	ssyncset.done $0x0  }
0x16d: {  	[sflag:s18] =	ssyncadd.s32 $0xFFFFFC00  }
0x16e: {  	_ =	swait.ge [sflag:s18], $0x400  }
0x16f: {  	[sflag:s18] =	ssyncset.done $0x0  }
0x170: {  	[sflag:s18] =	ssyncadd.s32 $0xFFFFFC00  }
0x171: {  	_ =	swait.ge [sflag:s18], $0x400  }
0x172: {  	(v2sf) =	vpush v4, $0x6;
	_ =	sdelay $0xa  }
0x173: {  	(v2sf) =	vpush @!p0 v5, $0x6;
	_ =	sdelay $0x3  }
0x174: {  	s24 =	spop (v2sf)  }
0x175: {  	s4 =	sand.u32 $0x7F, s24  }
0x176: {  	s25 =	sadd.s32 $0xFFFFFFF7, s12;
	v26 =	vor.u32 s4, v0  }
0x177: {  	v28 =	vmov s25;
	v27 =	vor.u32 s4, v1  }
0x178: {  	v29 =	vshll.u32 v28, $0x3  }
0x179: {  	v8 =	vand.u32 $0x76, v28;
	v9 =	vand.u32 $0xC00, v29;
	[sflag:s18] =	ssyncset.done $0x0  }
0x17a: {  	v8 =	vor.u32 v8, v9;
	[sflag:s18] =	ssyncadd.s32 $0xFFFFFC00  }
0x17b: {  	v9 =	vor.u32 v2, v8;
	v6 =	vld.idx.msk [tilespmem:v26+s0+$0x0], $0xffff  }
0x17c: {  	v8 =	vor.u32 v3, v8;
	v7 =	vld.idx.msk [tilespmem:v27+s0+$0x0], $0xffff;
	_ =	sdelay $0x2  }
0x17d: {  	s4 =	spop @!p0 (v2sf)  }
0x17e: {  	s4 =	sand.u32 @!p0 $0xFFFFF80, s4;
	[tilespmem:v9+s22+$0x0] =	vst.idx.msk $0xffff, v6  }
0x17f: {  	s24 =	simm.s32 @!p0 $0x6200;
	s4 =	sadd.s32 @!p0 s2, s4;
	[tilespmem:v8+s22+$0x0] =	vst.idx.msk $0xffff, v7  }
0x180: {  	[tilespmem:s24], [sflag:$0x2] =	stream.linear.gather @!p0 [hbm4b:s4+s17], $0x400, $0x38;
	[tilespmem:$0x14200] =	vst v63  }
0x181: {  	s25 =	simm.s32 @!p0 $0x6600;
	s24 =	sadd.s32 @!p0 $0xF4280, s4  }
0x182: {  	[tilespmem:s25], [sflag:$0x2] =	stream.linear.gather @!p0 [hbm4b:s24+s17], $0x400, $0x38;
	[tilespmem:$0x14200] =	vst v63  }
0x183: {  	s24 =	sadd.s32 @!p0 $0x1E8500, s4;
	s25 =	simm.s32 @!p0 $0x6A00  }
0x184: {  	[tilespmem:s25], [sflag:$0x2] =	stream.linear.gather @!p0 [hbm4b:s24+s17], $0x400, $0x38;
	[tilespmem:$0x14200] =	vst v63  }
0x185: {  	s4 =	sadd.s32 @!p0 $0x2DC780, s4;
	s24 =	simm.s32 @!p0 $0x6E00  }
0x186: {  	[tilespmem:s24], [sflag:$0x2] =	stream.linear.gather @!p0 [hbm4b:s4+s17], $0x400, $0x38;
	[tilespmem:$0x14200] =	vst v63  }
0x187: {  	_ =	swait.ge [sflag:s18], $0x400  }
0x188: {  	[sflag:s18] =	ssyncset.done $0x0  }
0x189: {  	[sflag:s18] =	ssyncadd.s32 $0xFFFFFC00  }
0x18a: {  	_ =	swait.ge [sflag:s18], $0x400  }
0x18b: {  	[sflag:s18] =	ssyncset.done $0x0  }
0x18c: {  	[sflag:s18] =	ssyncadd.s32 $0xFFFFFC00  }
0x18d: {  	_ =	swait.ge [sflag:s18], $0x400  }
0x18e: {  	[sflag:s18] =	ssyncset.done $0x0  }
0x18f: {  	[sflag:s18] =	ssyncadd.s32 $0xFFFFFC00  }
0x190: {  	_ =	swait.ge [sflag:s18], $0x400  }
0x191: {  	(v2sf) =	vpush v4, $0x7;
	_ =	sdelay $0xa  }
0x192: {  	(v2sf) =	vpush @!p0 v5, $0x7;
	_ =	sdelay $0x3  }
0x193: {  	s24 =	spop (v2sf)  }
0x194: {  	s4 =	sand.u32 $0x7F, s24  }
0x195: {  	s25 =	sadd.s32 $0xFFFFFFF8, s12;
	v30 =	vor.u32 s4, v0  }
0x196: {  	v32 =	vmov s25;
	v31 =	vor.u32 s4, v1  }
0x197: {  	v33 =	vshll.u32 v32, $0x3  }
0x198: {  	v8 =	vand.u32 $0x77, v32;
	v9 =	vand.u32 $0xC00, v33;
	[sflag:s18] =	ssyncset.done $0x0  }
0x199: {  	v8 =	vor.u32 v8, v9;
	[sflag:s18] =	ssyncadd.s32 $0xFFFFFC00  }
0x19a: {  	v9 =	vor.u32 v2, v8;
	v6 =	vld.idx.msk [tilespmem:v30+s10+$0x0], $0xffff  }
0x19b: {  	v8 =	vor.u32 v3, v8;
	v7 =	vld.idx.msk [tilespmem:v31+s10+$0x0], $0xffff;
	_ =	sdelay $0x2  }
0x19c: {  	s4 =	spop @!p0 (v2sf)  }
0x19d: {  	s4 =	sand.u32 @!p0 $0xFFFFF80, s4;
	[tilespmem:v9+s22+$0x0] =	vst.idx.msk $0xffff, v6  }
0x19e: {  	s24 =	simm.s32 @!p0 $0x7200;
	s4 =	sadd.s32 @!p0 s2, s4;
	[tilespmem:v8+s22+$0x0] =	vst.idx.msk $0xffff, v7  }
0x19f: {  	[tilespmem:s24], [sflag:$0x2] =	stream.linear.gather @!p0 [hbm4b:s4+s17], $0x400, $0x38;
	[tilespmem:$0x14200] =	vst v63  }
0x1a0: {  	s25 =	simm.s32 @!p0 $0x7600;
	s24 =	sadd.s32 @!p0 $0xF4280, s4  }
0x1a1: {  	[tilespmem:s25], [sflag:$0x2] =	stream.linear.gather @!p0 [hbm4b:s24+s17], $0x400, $0x38;
	[tilespmem:$0x14200] =	vst v63  }
0x1a2: {  	s24 =	sadd.s32 @!p0 $0x1E8500, s4;
	s25 =	simm.s32 @!p0 $0x7A00  }
0x1a3: {  	[tilespmem:s25], [sflag:$0x2] =	stream.linear.gather @!p0 [hbm4b:s24+s17], $0x400, $0x38;
	[tilespmem:$0x14200] =	vst v63  }
0x1a4: {  	s4 =	sadd.s32 @!p0 $0x2DC780, s4;
	s24 =	simm.s32 @!p0 $0x7E00  }
0x1a5: {  	[tilespmem:s24], [sflag:$0x2] =	stream.linear.gather @!p0 [hbm4b:s4+s17], $0x400, $0x38;
	[tilespmem:$0x14200] =	vst v63  }
0x1a6: {  	_ =	swait.ge [sflag:s18], $0x400  }
0x1a7: {  	[sflag:s18] =	ssyncset.done $0x0  }
0x1a8: {  	[sflag:s18] =	ssyncadd.s32 $0xFFFFFC00  }
0x1a9: {  	_ =	swait.ge [sflag:s18], $0x400  }
0x1aa: {  	[sflag:s18] =	ssyncset.done $0x0  }
0x1ab: {  	[sflag:s18] =	ssyncadd.s32 $0xFFFFFC00  }
0x1ac: {  	_ =	swait.ge [sflag:s18], $0x400  }
0x1ad: {  	[sflag:s18] =	ssyncset.done $0x0  }
0x1ae: {  	[sflag:s18] =	ssyncadd.s32 $0xFFFFFC00  }
0x1af: {  	_ =	swait.ge [sflag:s18], $0x400  }
0x1b0: {  	(v2sf) =	vpush v4, $0x8;
	_ =	sdelay $0xa  }
0x1b1: {  	(v2sf) =	vpush @!p0 v5, $0x8;
	_ =	sdelay $0x3  }
0x1b2: {  	s24 =	spop (v2sf)  }
0x1b3: {  	s4 =	sand.u32 $0x7F, s24  }
0x1b4: {  	s25 =	sadd.s32 $0xFFFFFFF9, s12;
	v34 =	vor.u32 s4, v0  }
0x1b5: {  	v36 =	vmov s25;
	v35 =	vor.u32 s4, v1  }
0x1b6: {  	v37 =	vshll.u32 v36, $0x3  }
0x1b7: {  	v8 =	vand.u32 $0x78, v36;
	v9 =	vand.u32 $0xC00, v37;
	[sflag:s18] =	ssyncset.done $0x0  }
0x1b8: {  	v8 =	vor.u32 v8, v9;
	[sflag:s18] =	ssyncadd.s32 $0xFFFFFC00  }
0x1b9: {  	v9 =	vor.u32 v2, v8;
	v6 =	vld.idx.msk [tilespmem:v34+s16+$0x0], $0xffff  }
0x1ba: {  	v8 =	vor.u32 v3, v8;
	v7 =	vld.idx.msk [tilespmem:v35+s16+$0x0], $0xffff;
	_ =	sdelay $0x2  }
0x1bb: {  	s4 =	spop @!p0 (v2sf)  }
0x1bc: {  	s4 =	sand.u32 @!p0 $0xFFFFF80, s4;
	[tilespmem:v9+s22+$0x0] =	vst.idx.msk $0xffff, v6  }
0x1bd: {  	s24 =	simm.s32 @!p0 $0x8200;
	s4 =	sadd.s32 @!p0 s2, s4;
	[tilespmem:v8+s22+$0x0] =	vst.idx.msk $0xffff, v7  }
0x1be: {  	[tilespmem:s24], [sflag:$0x2] =	stream.linear.gather @!p0 [hbm4b:s4+s17], $0x400, $0x38;
	[tilespmem:$0x14200] =	vst v63  }
0x1bf: {  	s25 =	simm.s32 @!p0 $0x8600;
	s24 =	sadd.s32 @!p0 $0xF4280, s4  }
0x1c0: {  	[tilespmem:s25], [sflag:$0x2] =	stream.linear.gather @!p0 [hbm4b:s24+s17], $0x400, $0x38;
	[tilespmem:$0x14200] =	vst v63  }
0x1c1: {  	s24 =	sadd.s32 @!p0 $0x1E8500, s4;
	s25 =	simm.s32 @!p0 $0x8A00  }
0x1c2: {  	[tilespmem:s25], [sflag:$0x2] =	stream.linear.gather @!p0 [hbm4b:s24+s17], $0x400, $0x38;
	[tilespmem:$0x14200] =	vst v63  }
0x1c3: {  	s4 =	sadd.s32 @!p0 $0x2DC780, s4;
	s24 =	simm.s32 @!p0 $0x8E00  }
0x1c4: {  	[tilespmem:s24], [sflag:$0x2] =	stream.linear.gather @!p0 [hbm4b:s4+s17], $0x400, $0x38;
	[tilespmem:$0x14200] =	vst v63  }
0x1c5: {  	_ =	swait.ge [sflag:s18], $0x400  }
0x1c6: {  	[sflag:s18] =	ssyncset.done $0x0  }
0x1c7: {  	[sflag:s18] =	ssyncadd.s32 $0xFFFFFC00  }
0x1c8: {  	_ =	swait.ge [sflag:s18], $0x400  }
0x1c9: {  	[sflag:s18] =	ssyncset.done $0x0  }
0x1ca: {  	[sflag:s18] =	ssyncadd.s32 $0xFFFFFC00  }
0x1cb: {  	_ =	swait.ge [sflag:s18], $0x400  }
0x1cc: {  	[sflag:s18] =	ssyncset.done $0x0  }
0x1cd: {  	[sflag:s18] =	ssyncadd.s32 $0xFFFFFC00  }
0x1ce: {  	_ =	swait.ge [sflag:s18], $0x400  }
0x1cf: {  	(v2sf) =	vpush v4, $0x9;
	_ =	sdelay $0xa  }
0x1d0: {  	(v2sf) =	vpush @!p0 v5, $0x9;
	_ =	sdelay $0x3  }
0x1d1: {  	s24 =	spop (v2sf)  }
0x1d2: {  	s4 =	sand.u32 $0x7F, s24  }
0x1d3: {  	s25 =	sadd.s32 $0xFFFFFFFA, s12;
	v38 =	vor.u32 s4, v0  }
0x1d4: {  	v40 =	vmov s25;
	v39 =	vor.u32 s4, v1  }
0x1d5: {  	v41 =	vshll.u32 v40, $0x3  }
0x1d6: {  	v8 =	vand.u32 $0x79, v40;
	v9 =	vand.u32 $0xC00, v41;
	[sflag:s18] =	ssyncset.done $0x0  }
0x1d7: {  	v8 =	vor.u32 v8, v9;
	[sflag:s18] =	ssyncadd.s32 $0xFFFFFC00  }
0x1d8: {  	v9 =	vor.u32 v2, v8;
	v6 =	vld.idx.msk [tilespmem:v38+s21+$0x0], $0xffff  }
0x1d9: {  	v8 =	vor.u32 v3, v8;
	v7 =	vld.idx.msk [tilespmem:v39+s21+$0x0], $0xffff;
	_ =	sdelay $0x2  }
0x1da: {  	s4 =	spop @!p0 (v2sf)  }
0x1db: {  	s4 =	sand.u32 @!p0 $0xFFFFF80, s4;
	[tilespmem:v9+s22+$0x0] =	vst.idx.msk $0xffff, v6  }
0x1dc: {  	s24 =	simm.s32 @!p0 $0x9200;
	s4 =	sadd.s32 @!p0 s2, s4;
	[tilespmem:v8+s22+$0x0] =	vst.idx.msk $0xffff, v7  }
0x1dd: {  	[tilespmem:s24], [sflag:$0x2] =	stream.linear.gather @!p0 [hbm4b:s4+s17], $0x400, $0x38;
	[tilespmem:$0x14200] =	vst v63  }
0x1de: {  	s25 =	simm.s32 @!p0 $0x9600;
	s24 =	sadd.s32 @!p0 $0xF4280, s4  }
0x1df: {  	[tilespmem:s25], [sflag:$0x2] =	stream.linear.gather @!p0 [hbm4b:s24+s17], $0x400, $0x38;
	[tilespmem:$0x14200] =	vst v63  }
0x1e0: {  	s24 =	sadd.s32 @!p0 $0x1E8500, s4;
	s25 =	simm.s32 @!p0 $0x9A00  }
0x1e1: {  	[tilespmem:s25], [sflag:$0x2] =	stream.linear.gather @!p0 [hbm4b:s24+s17], $0x400, $0x38;
	[tilespmem:$0x14200] =	vst v63  }
0x1e2: {  	s4 =	sadd.s32 @!p0 $0x2DC780, s4;
	s24 =	simm.s32 @!p0 $0x9E00  }
0x1e3: {  	[tilespmem:s24], [sflag:$0x2] =	stream.linear.gather @!p0 [hbm4b:s4+s17], $0x400, $0x38;
	[tilespmem:$0x14200] =	vst v63  }
0x1e4: {  	_ =	swait.ge [sflag:s18], $0x400  }
0x1e5: {  	[sflag:s18] =	ssyncset.done $0x0  }
0x1e6: {  	[sflag:s18] =	ssyncadd.s32 $0xFFFFFC00  }
0x1e7: {  	_ =	swait.ge [sflag:s18], $0x400  }
0x1e8: {  	[sflag:s18] =	ssyncset.done $0x0  }
0x1e9: {  	[sflag:s18] =	ssyncadd.s32 $0xFFFFFC00  }
0x1ea: {  	_ =	swait.ge [sflag:s18], $0x400  }
0x1eb: {  	[sflag:s18] =	ssyncset.done $0x0  }
0x1ec: {  	[sflag:s18] =	ssyncadd.s32 $0xFFFFFC00  }
0x1ed: {  	_ =	swait.ge [sflag:s18], $0x400  }
0x1ee: {  	(v2sf) =	vpush v4, $0xA;
	_ =	sdelay $0xa  }
0x1ef: {  	(v2sf) =	vpush @!p0 v5, $0xA;
	_ =	sdelay $0x3  }
0x1f0: {  	s24 =	spop (v2sf)  }
0x1f1: {  	s4 =	sand.u32 $0x7F, s24  }
0x1f2: {  	s25 =	sadd.s32 $0xFFFFFFFB, s12;
	v42 =	vor.u32 s4, v0  }
0x1f3: {  	v44 =	vmov s25;
	v43 =	vor.u32 s4, v1  }
0x1f4: {  	v45 =	vshll.u32 v44, $0x3  }
0x1f5: {  	v8 =	vand.u32 $0x7A, v44;
	v9 =	vand.u32 $0xC00, v45;
	[sflag:s18] =	ssyncset.done $0x0  }
0x1f6: {  	v8 =	vor.u32 v8, v9;
	[sflag:s18] =	ssyncadd.s32 $0xFFFFFC00  }
0x1f7: {  	v9 =	vor.u32 v2, v8;
	v6 =	vld.idx.msk [tilespmem:v42+s26+$0x0], $0xffff  }
0x1f8: {  	v8 =	vor.u32 v3, v8;
	v7 =	vld.idx.msk [tilespmem:v43+s26+$0x0], $0xffff;
	_ =	sdelay $0x2  }
0x1f9: {  	s4 =	spop @!p0 (v2sf)  }
0x1fa: {  	s4 =	sand.u32 @!p0 $0xFFFFF80, s4;
	[tilespmem:v9+s22+$0x0] =	vst.idx.msk $0xffff, v6  }
0x1fb: {  	s24 =	simm.s32 @!p0 $0xA200;
	s4 =	sadd.s32 @!p0 s2, s4;
	[tilespmem:v8+s22+$0x0] =	vst.idx.msk $0xffff, v7  }
0x1fc: {  	[tilespmem:s24], [sflag:$0x2] =	stream.linear.gather @!p0 [hbm4b:s4+s17], $0x400, $0x38;
	[tilespmem:$0x14200] =	vst v63  }
0x1fd: {  	s25 =	simm.s32 @!p0 $0xA600;
	s24 =	sadd.s32 @!p0 $0xF4280, s4  }
0x1fe: {  	[tilespmem:s25], [sflag:$0x2] =	stream.linear.gather @!p0 [hbm4b:s24+s17], $0x400, $0x38;
	[tilespmem:$0x14200] =	vst v63  }
0x1ff: {  	s24 =	sadd.s32 @!p0 $0x1E8500, s4;
	s25 =	simm.s32 @!p0 $0xAA00  }
0x200: {  	[tilespmem:s25], [sflag:$0x2] =	stream.linear.gather @!p0 [hbm4b:s24+s17], $0x400, $0x38;
	[tilespmem:$0x14200] =	vst v63  }
0x201: {  	s4 =	sadd.s32 @!p0 $0x2DC780, s4;
	s24 =	simm.s32 @!p0 $0xAE00  }
0x202: {  	[tilespmem:s24], [sflag:$0x2] =	stream.linear.gather @!p0 [hbm4b:s4+s17], $0x400, $0x38;
	[tilespmem:$0x14200] =	vst v63  }
0x203: {  	_ =	swait.ge [sflag:s18], $0x400  }
0x204: {  	[sflag:s18] =	ssyncset.done $0x0  }
0x205: {  	[sflag:s18] =	ssyncadd.s32 $0xFFFFFC00  }
0x206: {  	_ =	swait.ge [sflag:s18], $0x400  }
0x207: {  	[sflag:s18] =	ssyncset.done $0x0  }
0x208: {  	[sflag:s18] =	ssyncadd.s32 $0xFFFFFC00  }
0x209: {  	_ =	swait.ge [sflag:s18], $0x400  }
0x20a: {  	[sflag:s18] =	ssyncset.done $0x0  }
0x20b: {  	[sflag:s18] =	ssyncadd.s32 $0xFFFFFC00  }
0x20c: {  	_ =	swait.ge [sflag:s18], $0x400  }
0x20d: {  	(v2sf) =	vpush v4, $0xB;
	_ =	sdelay $0xa  }
0x20e: {  	(v2sf) =	vpush @!p0 v5, $0xB;
	_ =	sdelay $0x3  }
0x20f: {  	s24 =	spop (v2sf)  }
0x210: {  	s4 =	sand.u32 $0x7F, s24  }
0x211: {  	s25 =	sadd.s32 $0xFFFFFFFC, s12;
	v46 =	vor.u32 s4, v0  }
0x212: {  	v48 =	vmov s25;
	v47 =	vor.u32 s4, v1  }
0x213: {  	v49 =	vshll.u32 v48, $0x3  }
0x214: {  	v8 =	vand.u32 $0x7B, v48;
	v9 =	vand.u32 $0xC00, v49;
	[sflag:s18] =	ssyncset.done $0x0  }
0x215: {  	v8 =	vor.u32 v8, v9;
	[sflag:s18] =	ssyncadd.s32 $0xFFFFFC00  }
0x216: {  	v9 =	vor.u32 v2, v8;
	v6 =	vld.idx.msk [tilespmem:v46+s1+$0x0], $0xffff  }
0x217: {  	v8 =	vor.u32 v3, v8;
	v7 =	vld.idx.msk [tilespmem:v47+s1+$0x0], $0xffff;
	_ =	sdelay $0x2  }
0x218: {  	s4 =	spop @!p0 (v2sf)  }
0x219: {  	s4 =	sand.u32 @!p0 $0xFFFFF80, s4;
	[tilespmem:v9+s22+$0x0] =	vst.idx.msk $0xffff, v6  }
0x21a: {  	s24 =	simm.s32 @!p0 $0xB200;
	s4 =	sadd.s32 @!p0 s2, s4;
	[tilespmem:v8+s22+$0x0] =	vst.idx.msk $0xffff, v7  }
0x21b: {  	[tilespmem:s24], [sflag:$0x2] =	stream.linear.gather @!p0 [hbm4b:s4+s17], $0x400, $0x38;
	[tilespmem:$0x14200] =	vst v63  }
0x21c: {  	s25 =	simm.s32 @!p0 $0xB600;
	s24 =	sadd.s32 @!p0 $0xF4280, s4  }
0x21d: {  	[tilespmem:s25], [sflag:$0x2] =	stream.linear.gather @!p0 [hbm4b:s24+s17], $0x400, $0x38;
	[tilespmem:$0x14200] =	vst v63  }
0x21e: {  	s24 =	sadd.s32 @!p0 $0x1E8500, s4;
	s25 =	simm.s32 @!p0 $0xBA00  }
0x21f: {  	[tilespmem:s25], [sflag:$0x2] =	stream.linear.gather @!p0 [hbm4b:s24+s17], $0x400, $0x38;
	[tilespmem:$0x14200] =	vst v63  }
0x220: {  	s4 =	sadd.s32 @!p0 $0x2DC780, s4;
	s24 =	simm.s32 @!p0 $0xBE00  }
0x221: {  	[tilespmem:s24], [sflag:$0x2] =	stream.linear.gather @!p0 [hbm4b:s4+s17], $0x400, $0x38;
	[tilespmem:$0x14200] =	vst v63  }
0x222: {  	_ =	swait.ge [sflag:s18], $0x400  }
0x223: {  	[sflag:s18] =	ssyncset.done $0x0  }
0x224: {  	[sflag:s18] =	ssyncadd.s32 $0xFFFFFC00  }
0x225: {  	_ =	swait.ge [sflag:s18], $0x400  }
0x226: {  	[sflag:s18] =	ssyncset.done $0x0  }
0x227: {  	[sflag:s18] =	ssyncadd.s32 $0xFFFFFC00  }
0x228: {  	_ =	swait.ge [sflag:s18], $0x400  }
0x229: {  	[sflag:s18] =	ssyncset.done $0x0  }
0x22a: {  	[sflag:s18] =	ssyncadd.s32 $0xFFFFFC00  }
0x22b: {  	_ =	swait.ge [sflag:s18], $0x400  }
0x22c: {  	(v2sf) =	vpush v4, $0xC;
	_ =	sdelay $0xa  }
0x22d: {  	(v2sf) =	vpush @!p0 v5, $0xC;
	_ =	sdelay $0x3  }
0x22e: {  	s24 =	spop (v2sf)  }
0x22f: {  	s4 =	sand.u32 $0x7F, s24  }
0x230: {  	s25 =	sadd.s32 $0xFFFFFFFD, s12;
	v50 =	vor.u32 s4, v0  }
0x231: {  	v52 =	vmov s25;
	v51 =	vor.u32 s4, v1  }
0x232: {  	v53 =	vshll.u32 v52, $0x3  }
0x233: {  	v8 =	vand.u32 $0x7C, v52;
	v9 =	vand.u32 $0xC00, v53;
	[sflag:s18] =	ssyncset.done $0x0  }
0x234: {  	v8 =	vor.u32 v8, v9;
	[sflag:s18] =	ssyncadd.s32 $0xFFFFFC00  }
0x235: {  	v9 =	vor.u32 v2, v8;
	v6 =	vld.idx.msk [tilespmem:v50+s13+$0x0], $0xffff  }
0x236: {  	v8 =	vor.u32 v3, v8;
	v7 =	vld.idx.msk [tilespmem:v51+s13+$0x0], $0xffff;
	_ =	sdelay $0x2  }
0x237: {  	s4 =	spop @!p0 (v2sf)  }
0x238: {  	s4 =	sand.u32 @!p0 $0xFFFFF80, s4;
	[tilespmem:v9+s22+$0x0] =	vst.idx.msk $0xffff, v6  }
0x239: {  	s24 =	simm.s32 @!p0 $0xC200;
	s4 =	sadd.s32 @!p0 s2, s4;
	[tilespmem:v8+s22+$0x0] =	vst.idx.msk $0xffff, v7  }
0x23a: {  	[tilespmem:s24], [sflag:$0x2] =	stream.linear.gather @!p0 [hbm4b:s4+s17], $0x400, $0x38;
	[tilespmem:$0x14200] =	vst v63  }
0x23b: {  	s25 =	simm.s32 @!p0 $0xC600;
	s24 =	sadd.s32 @!p0 $0xF4280, s4  }
0x23c: {  	[tilespmem:s25], [sflag:$0x2] =	stream.linear.gather @!p0 [hbm4b:s24+s17], $0x400, $0x38;
	[tilespmem:$0x14200] =	vst v63  }
0x23d: {  	s24 =	sadd.s32 @!p0 $0x1E8500, s4;
	s25 =	simm.s32 @!p0 $0xCA00  }
0x23e: {  	[tilespmem:s25], [sflag:$0x2] =	stream.linear.gather @!p0 [hbm4b:s24+s17], $0x400, $0x38;
	[tilespmem:$0x14200] =	vst v63  }
0x23f: {  	s4 =	sadd.s32 @!p0 $0x2DC780, s4;
	s24 =	simm.s32 @!p0 $0xCE00  }
0x240: {  	[tilespmem:s24], [sflag:$0x2] =	stream.linear.gather @!p0 [hbm4b:s4+s17], $0x400, $0x38;
	[tilespmem:$0x14200] =	vst v63  }
0x241: {  	_ =	swait.ge [sflag:s18], $0x400  }
0x242: {  	[sflag:s18] =	ssyncset.done $0x0  }
0x243: {  	[sflag:s18] =	ssyncadd.s32 $0xFFFFFC00  }
0x244: {  	_ =	swait.ge [sflag:s18], $0x400  }
0x245: {  	[sflag:s18] =	ssyncset.done $0x0  }
0x246: {  	[sflag:s18] =	ssyncadd.s32 $0xFFFFFC00  }
0x247: {  	_ =	swait.ge [sflag:s18], $0x400  }
0x248: {  	[sflag:s18] =	ssyncset.done $0x0  }
0x249: {  	[sflag:s18] =	ssyncadd.s32 $0xFFFFFC00  }
0x24a: {  	_ =	swait.ge [sflag:s18], $0x400  }
0x24b: {  	(v2sf) =	vpush v4, $0xD;
	_ =	sdelay $0xa  }
0x24c: {  	(v2sf) =	vpush @!p0 v5, $0xD;
	_ =	sdelay $0x3  }
0x24d: {  	s24 =	spop (v2sf)  }
0x24e: {  	s4 =	sand.u32 $0x7F, s24  }
0x24f: {  	s25 =	sadd.s32 $0xFFFFFFFE, s12;
	v54 =	vor.u32 s4, v0  }
0x250: {  	v56 =	vmov s25;
	v55 =	vor.u32 s4, v1  }
0x251: {  	v57 =	vshll.u32 v56, $0x3  }
0x252: {  	v8 =	vand.u32 $0x7D, v56;
	v9 =	vand.u32 $0xC00, v57;
	[sflag:s18] =	ssyncset.done $0x0  }
0x253: {  	v8 =	vor.u32 v8, v9;
	[sflag:s18] =	ssyncadd.s32 $0xFFFFFC00  }
0x254: {  	v9 =	vor.u32 v2, v8;
	v6 =	vld.idx.msk [tilespmem:v54+s20+$0x0], $0xffff  }
0x255: {  	v8 =	vor.u32 v3, v8;
	v7 =	vld.idx.msk [tilespmem:v55+s20+$0x0], $0xffff;
	_ =	sdelay $0x2  }
0x256: {  	s4 =	spop @!p0 (v2sf)  }
0x257: {  	s4 =	sand.u32 @!p0 $0xFFFFF80, s4;
	[tilespmem:v9+s22+$0x0] =	vst.idx.msk $0xffff, v6  }
0x258: {  	s24 =	simm.s32 @!p0 $0xD200;
	s4 =	sadd.s32 @!p0 s2, s4;
	[tilespmem:v8+s22+$0x0] =	vst.idx.msk $0xffff, v7  }
0x259: {  	[tilespmem:s24], [sflag:$0x2] =	stream.linear.gather @!p0 [hbm4b:s4+s17], $0x400, $0x38;
	[tilespmem:$0x14200] =	vst v63  }
0x25a: {  	s25 =	simm.s32 @!p0 $0xD600;
	s24 =	sadd.s32 @!p0 $0xF4280, s4  }
0x25b: {  	[tilespmem:s25], [sflag:$0x2] =	stream.linear.gather @!p0 [hbm4b:s24+s17], $0x400, $0x38;
	[tilespmem:$0x14200] =	vst v63  }
0x25c: {  	s24 =	sadd.s32 @!p0 $0x1E8500, s4;
	s25 =	simm.s32 @!p0 $0xDA00  }
0x25d: {  	[tilespmem:s25], [sflag:$0x2] =	stream.linear.gather @!p0 [hbm4b:s24+s17], $0x400, $0x38;
	[tilespmem:$0x14200] =	vst v63  }
0x25e: {  	s4 =	sadd.s32 @!p0 $0x2DC780, s4;
	s24 =	simm.s32 @!p0 $0xDE00  }
0x25f: {  	[tilespmem:s24], [sflag:$0x2] =	stream.linear.gather @!p0 [hbm4b:s4+s17], $0x400, $0x38;
	[tilespmem:$0x14200] =	vst v63  }
0x260: {  	_ =	swait.ge [sflag:s18], $0x400  }
0x261: {  	[sflag:s18] =	ssyncset.done $0x0  }
0x262: {  	[sflag:s18] =	ssyncadd.s32 $0xFFFFFC00  }
0x263: {  	_ =	swait.ge [sflag:s18], $0x400  }
0x264: {  	[sflag:s18] =	ssyncset.done $0x0  }
0x265: {  	[sflag:s18] =	ssyncadd.s32 $0xFFFFFC00  }
0x266: {  	_ =	swait.ge [sflag:s18], $0x400  }
0x267: {  	[sflag:s18] =	ssyncset.done $0x0  }
0x268: {  	[sflag:s18] =	ssyncadd.s32 $0xFFFFFC00  }
0x269: {  	_ =	swait.ge [sflag:s18], $0x400  }
0x26a: {  	(v2sf) =	vpush v4, $0xE;
	_ =	sdelay $0xa  }
0x26b: {  	(v2sf) =	vpush @!p0 v5, $0xE;
	_ =	sdelay $0x3  }
0x26c: {  	s24 =	spop (v2sf)  }
0x26d: {  	s4 =	sand.u32 $0x7F, s24  }
0x26e: {  	s25 =	sadd.s32 $0xFFFFFFFF, s12;
	v58 =	vor.u32 s4, v0  }
0x26f: {  	v60 =	vmov s25;
	v59 =	vor.u32 s4, v1  }
0x270: {  	v61 =	vshll.u32 v60, $0x3  }
0x271: {  	v8 =	vand.u32 $0x7E, v60;
	v9 =	vand.u32 $0xC00, v61;
	[sflag:s18] =	ssyncset.done $0x0  }
0x272: {  	v8 =	vor.u32 v8, v9;
	[sflag:s18] =	ssyncadd.s32 $0xFFFFFC00  }
0x273: {  	v9 =	vor.u32 v2, v8;
	v6 =	vld.idx.msk [tilespmem:v58+s29+$0x0], $0xffff  }
0x274: {  	v8 =	vor.u32 v3, v8;
	v7 =	vld.idx.msk [tilespmem:v59+s29+$0x0], $0xffff;
	_ =	sdelay $0x2  }
0x275: {  	s4 =	spop @!p0 (v2sf)  }
0x276: {  	s4 =	sand.u32 @!p0 $0xFFFFF80, s4;
	[tilespmem:v9+s22+$0x0] =	vst.idx.msk $0xffff, v6  }
0x277: {  	s24 =	simm.s32 @!p0 $0xE200;
	s4 =	sadd.s32 @!p0 s2, s4;
	[tilespmem:v8+s22+$0x0] =	vst.idx.msk $0xffff, v7  }
0x278: {  	[tilespmem:s24], [sflag:$0x2] =	stream.linear.gather @!p0 [hbm4b:s4+s17], $0x400, $0x38;
	[tilespmem:$0x14200] =	vst v63  }
0x279: {  	s25 =	simm.s32 @!p0 $0xE600;
	s24 =	sadd.s32 @!p0 $0xF4280, s4  }
0x27a: {  	[tilespmem:s25], [sflag:$0x2] =	stream.linear.gather @!p0 [hbm4b:s24+s17], $0x400, $0x38;
	[tilespmem:$0x14200] =	vst v63  }
0x27b: {  	s24 =	sadd.s32 @!p0 $0x1E8500, s4;
	s25 =	simm.s32 @!p0 $0xEA00  }
0x27c: {  	[tilespmem:s25], [sflag:$0x2] =	stream.linear.gather @!p0 [hbm4b:s24+s17], $0x400, $0x38;
	[tilespmem:$0x14200] =	vst v63  }
0x27d: {  	s4 =	sadd.s32 @!p0 $0x2DC780, s4;
	s24 =	simm.s32 @!p0 $0xEE00  }
0x27e: {  	[tilespmem:s24], [sflag:$0x2] =	stream.linear.gather @!p0 [hbm4b:s4+s17], $0x400, $0x38;
	[tilespmem:$0x14200] =	vst v63  }
0x27f: {  	_ =	swait.ge [sflag:s18], $0x400  }
0x280: {  	[sflag:s18] =	ssyncset.done $0x0  }
0x281: {  	[sflag:s18] =	ssyncadd.s32 $0xFFFFFC00  }
0x282: {  	_ =	swait.ge [sflag:s18], $0x400  }
0x283: {  	[sflag:s18] =	ssyncset.done $0x0  }
0x284: {  	[sflag:s18] =	ssyncadd.s32 $0xFFFFFC00  }
0x285: {  	_ =	swait.ge [sflag:s18], $0x400  }
0x286: {  	[sflag:s18] =	ssyncset.done $0x0  }
0x287: {  	[sflag:s18] =	ssyncadd.s32 $0xFFFFFC00  }
0x288: {  	_ =	swait.ge [sflag:s18], $0x400  }
0x289: {  	(v2sf) =	vpush v4, $0xF;
	_ =	sdelay $0xa  }
0x28a: {  	(v2sf) =	vpush @!p0 v5, $0xF;
	_ =	sdelay $0x3  }
0x28b: {  	s25 =	spop (v2sf)  }
0x28c: {  	s4 =	sand.u32 $0x7F, s25  }
0x28d: {  	v4 =	vor.u32 s4, v0  }
0x28e: {  	v62 =	vmov s12;
	v5 =	vor.u32 s4, v1  }
0x28f: {  	v63 =	vshll.u32 v62, $0x3  }
0x290: {  	v6 =	vand.u32 $0x7F, v62;
	v7 =	vand.u32 $0xC00, v63;
	[sflag:s18] =	ssyncset.done $0x0  }
0x291: {  	v6 =	vor.u32 v6, v7;
	[sflag:s18] =	ssyncadd.s32 $0xFFFFFC00  }
0x292: {  	v7 =	vor.u32 v2, v6;
	v4 =	vld.idx.msk [tilespmem:v4+s9+$0x0], $0xffff  }
0x293: {  	v6 =	vor.u32 v3, v6;
	v5 =	vld.idx.msk [tilespmem:v5+s9+$0x0], $0xffff;
	_ =	sdelay $0x2  }
0x294: {  	s4 =	spop @!p0 (v2sf)  }
0x295: {  	s12 =	sadd.s32 @!p0 $0x10, s12;
	s4 =	sand.u32 @!p0 $0xFFFFF80, s4;
	[tilespmem:v7+s22+$0x0] =	vst.idx.msk $0xffff, v4  }
0x296: {  	p1 =	sne.s32 @!p0 s12, $0x20F;
	s24 =	simm.s32 @!p0 $0xF200;
	s4 =	sadd.s32 @!p0 s2, s4;
	[tilespmem:v6+s22+$0x0] =	vst.idx.msk $0xffff, v5  }
0x297: {  	[tilespmem:s24], [sflag:$0x2] =	stream.linear.gather @!p0 [hbm4b:s4+s17], $0x400, $0x38;
	[tilespmem:$0x14200] =	vst v63  }
0x298: {  	p1 =	por p0, !p1;
	s25 =	simm.s32 @!p0 $0xF600;
	s24 =	sadd.s32 @!p0 $0xF4280, s4  }
0x299: {  	[tilespmem:s25], [sflag:$0x2] =	stream.linear.gather @!p0 [hbm4b:s24+s17], $0x400, $0x38;
	[tilespmem:$0x14200] =	vst v63  }
.Ltmp0:
0x29a: {  	_ = 	snop;
	(pc) =	sbr.rel @!p1 .LBB2_2-.Ltmp0, $4  }
0x29b: {  	s8 =	sadd.s32 @!p0 $0x1, s8;
	s24 =	sadd.s32 @!p0 $0x1E8500, s4;
	s25 =	simm.s32 @!p0 $0xFA00  }
0x29c: {  	[tilespmem:s25], [sflag:$0x2] =	stream.linear.gather @!p0 [hbm4b:s24+s17], $0x400, $0x38;
	[tilespmem:$0x14200] =	vst v63  }
0x29d: {  	s14 =	sadd.s32 @!p0 $0x10, s14;
	s4 =	sadd.s32 @!p0 $0x2DC780, s4;
	s24 =	simm.s32 @!p0 $0xFE00  }
0x29e: {  	[tilespmem:s24], [sflag:$0x2] =	stream.linear.gather @!p0 [hbm4b:s4+s17], $0x400, $0x38;
	[tilespmem:$0x14200] =	vst v63  }
0x29f: {  	s31 =	sadd.s32 $0x1, s31  }
0x2a0: {  	p0 =	sne.s32 s31, s6  }
.Ltmp1:
0x2a1: {  	s4 =	simm.s32 $0x1000;
	s8 =	simm.s32 $0x20000;
	(pc) =	sbr.rel @p0 .LBB2_1-.Ltmp1, $4  }
0x2a2: {  	[hbm4b:s5+s4] =	stream.strided.scatter [tilespmem:s22], [sflag:$0x3], $0x4000, s8, s4, $0x38;
	[tilespmem:$0x14200] =	vst v63  }
0x2a3: {  	_ =	swait.ge [sflag:s30], $0x4000  }
0x2a4: {  	[sflag:s30] =	ssyncset.done $0x0  }
0x2a5: {  	[sflag:s30] =	ssyncadd.s32 $0xFFFFC000  }
0x2a6: {  	_ =	sfence.sel $0x180000  }
0x2a7: {  	[bflag:$0x0] =	sbarrier.arrive $0xFFFF  }
0x2a8: {  	_ =	strace $0x90000047  }
0x2a9: {  	s0 =	stileid.u32;
	[bflag:$0x2] =	sbarrier.arrive $0xFFFF  }
0x2aa: {  	p0 =	sne.s32 s0, $0x0;
	s0 =	rddreg [dreg:$0x3]  }
0x2ab: {  	s0 =	sadd.s32 @!p0 $0x100000, s0  }
0x2ac: {  	[sflag:s0] =	ssyncadd.tile.s32 @!p0 $0x1;
	_ =	shalt  }
.Lfunc_end2:
_tile_overlayer_lowered:
.L_overlay_start_2:
0x2ad: {  	(tag) =	ssettag $0x2  }
0x2ae: {  	s0 =	rddreg [dreg:$0x0];
	s2 =	stileid.u32  }
0x2af: {  	s1 =	rddreg [dreg:$0x1];
	p0 =	sne.s32 s2, $0x0  }
0x2b0: {  	s3 =	rddreg [dreg:$0x2];
	[bflag:$0x3] =	sbarrier.arrive $0xFFFF;
	s2 =	simm.s32 @!p0 $0x1C03  }
0x2b1: {  	[timem:s3], [sflag:s2] =	dma.local @!p0 [hbm:s0], s1  }
0x2b2: {  	s0 =	simm.s32 @!p0 $0x3  }
0x2b3: {  	_ =	swait.ge @!p0 [sflag:s0], s1  }
0x2b4: {  	s1 =	ssub.s32 @!p0 $0x0, s1;
	[sflag:s0] =	ssyncset.done @!p0 $0x0  }
0x2b5: {  	[sflag:s0] =	ssyncadd.s32 @!p0 s1  }
0x2b6: {  	[bflag:$0x3] =	sbarrier.arrive $0xFFFF  }
0x2b7: {  	_ =	shalt  }

</sc_bundles>
